<compile_context>
chip_gen: v7x
topology: tpu7x:2x2x1
jax: 0.10.2.dev20260603
libtpu: 0.0.44.dev20260713+nightly
codegen_flags: <defaults>
</compile_context>

<pallas_src>
import functools

import jax
import jax.numpy as jnp
from jax import lax
from jax.experimental import pallas as pl
from jax.experimental.pallas import tpu as pltpu
from jax.experimental.pallas import tpu_sc as plsc

NU = 25000
NI = 25000
NN = NU + NI
E = 800000
D = 64
HD = 32
B = 4096

NC = 2
NS = 16
L = 16

EPT = E // NS
SCHUNK = 1024
NFULL = EPT // SCHUNK
TAIL = EPT - NFULL * SCHUNK

ACC_R = 50048
TRASH = NN
DRAIN = ACC_R // NS
HISTN = 25088
HSLC = HISTN // NS

_MESH = plsc.VectorSubcoreMesh(core_axis_name="c", subcore_axis_name="s")


def _vec_zero(ref, nvec):
    zero = jnp.zeros((L,), jnp.float32)
    if ref.shape == (nvec * L,):
        def body(i, c):
            ref[pl.ds(pl.multiple_of(i * L, L), L)] = zero
            return c
        lax.fori_loop(0, nvec, body, 0)
    else:
        rows, cols = ref.shape
        per = cols // L
        def body(i, c):
            for q in range(per):
                ref[i, pl.ds(q * L, L)] = zero
            return c
        lax.fori_loop(0, rows, body, 0)


def _deg_body(src_hbm, deg_hbm, ebuf, hist, rbuf, tbuf, shared, sem):
    c = lax.axis_index("c")
    s = lax.axis_index("s")
    base_node = c * NU

    _vec_zero(hist, HISTN // L)

    ones = jnp.full((L,), 1.0, jnp.float32)
    iota = lax.broadcasted_iota(jnp.int32, (L,), 0)
    tile_e = s * EPT

    def chunk(g, carry):
        ebase = tile_e + g * SCHUNK

        @pl.when(g < NFULL)
        def _():
            pltpu.sync_copy(src_hbm.at[pl.ds(ebase, SCHUNK)], ebuf)

        @pl.when(g == NFULL)
        def _():
            pltpu.sync_copy(src_hbm.at[pl.ds(ebase, TAIL)], ebuf.at[pl.ds(0, TAIL)])

        def inner(j, cc):
            v = ebuf[pl.ds(pl.multiple_of(j * L, L), L)]
            local = v - base_node
            lane = g * SCHUNK + j * L + iota
            valid = (local >= 0) & (local < NU) & (lane < EPT)
            idx = jnp.clip(local, 0, NU)
            plsc.addupdate_scatter(hist, [idx], ones, mask=valid)
            return cc
        lax.fori_loop(0, SCHUNK // L, inner, 0)
        return carry

    lax.fori_loop(0, NFULL + 1, chunk, 0)

    pltpu.sync_copy(hist, shared.at[pl.ds(s * HISTN, HISTN)])
    plsc.subcore_barrier()

    off = s * HSLC
    _vec_zero(rbuf, HSLC // L)

    def red(t, carry):
        pltpu.sync_copy(shared.at[pl.ds(t * HISTN + off, HSLC)], tbuf)

        def add16(j, cc):
            k = pl.ds(pl.multiple_of(j * L, L), L)
            rbuf[k] = rbuf[k] + tbuf[k]
            return cc
        lax.fori_loop(0, HSLC // L, add16, 0)
        return carry

    lax.fori_loop(0, NS, red, 0)

    gbase = base_node + off

    @pl.when(s < NS - 1)
    def _():
        pltpu.sync_copy(rbuf, deg_hbm.at[pl.ds(gbase, HSLC)])

    @pl.when(s == NS - 1)
    def _():
        last = NU - (NS - 1) * HSLC
        pltpu.sync_copy(rbuf.at[pl.ds(0, last)], deg_hbm.at[pl.ds(gbase, last)])


def _k_deg(src):
    f = pl.kernel(
        _deg_body,
        out_type=jax.ShapeDtypeStruct((NN,), jnp.float32),
        mesh=_MESH,
        compiler_params=pltpu.CompilerParams(needs_layout_passes=False, use_tc_tiling_on_sc=False),
        scratch_types=[
            pltpu.VMEM((SCHUNK,), jnp.int32),
            pltpu.VMEM((HISTN,), jnp.float32),
            pltpu.VMEM((HSLC,), jnp.float32),
            pltpu.VMEM((HSLC,), jnp.float32),
            pltpu.VMEM_SHARED((NS * HISTN,), jnp.float32),
            pltpu.SemaphoreType.DMA,
        ],
    )
    return f(src)


def _scale_body(deg_ref, ego_ref, g_ref, dinv_ref):
    d = deg_ref[...]
    dv = jnp.where(d > 0.0, lax.rsqrt(d), 0.0)
    e = ego_ref[...]
    g_ref[0] = dv * e[:, :HD]
    g_ref[1] = dv * e[:, HD:]
    dinv_ref[...] = dv


def _k_scale(deg2d, ego):
    rows = 1000
    grid = (NN // rows,)
    return pl.pallas_call(
        _scale_body,
        grid=grid,
        in_specs=[
            pl.BlockSpec((rows, 1), lambda i: (i, 0)),
            pl.BlockSpec((rows, D), lambda i: (i, 0)),
        ],
        out_specs=[
            pl.BlockSpec((NC, rows, HD), lambda i: (0, i, 0)),
            pl.BlockSpec((rows, 1), lambda i: (i, 0)),
        ],
        out_shape=[
            jax.ShapeDtypeStruct((NC, NN, HD), jnp.float32),
            jax.ShapeDtypeStruct((NN, 1), jnp.float32),
        ],
    )(deg2d, ego)


def _spmm_body(src_hbm, dst_hbm, g_hbm, a_hbm,
               sbuf, dbuf, sidx, didx, rows, zbuf, acc, sem):
    c = lax.axis_index("c")
    s = lax.axis_index("s")

    _vec_zero(zbuf, (DRAIN // 8) * HD // L)
    for q in range(8):
        pltpu.sync_copy(zbuf, acc.at[pl.ds(s * DRAIN + q * (DRAIN // 8), DRAIN // 8), :])
    plsc.subcore_barrier()

    goff = c * NN
    tile_e = s * EPT
    trash = jnp.full((L,), TRASH, jnp.int32)
    zero_i = jnp.zeros((L,), jnp.int32)

    def chunk(g, carry):
        ebase = tile_e + g * SCHUNK

        @pl.when(g < NFULL)
        def _():
            pltpu.sync_copy(src_hbm.at[pl.ds(ebase, SCHUNK)], sbuf)
            pltpu.sync_copy(dst_hbm.at[pl.ds(ebase, SCHUNK)], dbuf)

        @pl.when(g == NFULL)
        def _():
            for j in range(TAIL // L, SCHUNK // L):
                sbuf[pl.ds(j * L, L)] = trash
                dbuf[pl.ds(j * L, L)] = zero_i
            pltpu.sync_copy(src_hbm.at[pl.ds(ebase, TAIL)], sbuf.at[pl.ds(0, TAIL)])
            pltpu.sync_copy(dst_hbm.at[pl.ds(ebase, TAIL)], dbuf.at[pl.ds(0, TAIL)])

        def mv(r, cc):
            for q in range(8):
                k = pl.ds(pl.multiple_of(r * 128 + q * L, L), L)
                sidx[r, pl.ds(q * L, L)] = sbuf[k]
                didx[r, pl.ds(q * L, L)] = dbuf[k] + goff
            return cc
        lax.fori_loop(0, 8, mv, 0)

        for j in range(8):
            pltpu.async_copy(g_hbm.at[didx.at[j]], rows, sem).wait()
            pltpu.sync_copy(rows, acc.at[sidx.at[j]], add=True)
        return carry

    lax.fori_loop(0, NFULL + 1, chunk, 0)
    plsc.subcore_barrier()

    rbase = s * DRAIN

    @pl.when(s < NS - 1)
    def _():
        pltpu.sync_copy(acc.at[pl.ds(rbase, DRAIN), :],
                        a_hbm.at[pl.ds(c * NN + rbase, DRAIN), :])

    @pl.when(s == NS - 1)
    def _():
        last = NN - (NS - 1) * DRAIN
        pltpu.sync_copy(acc.at[pl.ds(rbase, last), :],
                        a_hbm.at[pl.ds(c * NN + rbase, last), :])


def _k_spmm(src, dst, g_flat):
    f = pl.kernel(
        _spmm_body,
        out_type=jax.ShapeDtypeStruct((NC * NN, HD), jnp.float32),
        mesh=_MESH,
        compiler_params=pltpu.CompilerParams(needs_layout_passes=False, use_tc_tiling_on_sc=False),
        scratch_types=[
            pltpu.VMEM((SCHUNK,), jnp.int32),
            pltpu.VMEM((SCHUNK,), jnp.int32),
            pltpu.VMEM((8, 128), jnp.int32),
            pltpu.VMEM((8, 128), jnp.int32),
            pltpu.VMEM((128, HD), jnp.float32),
            pltpu.VMEM((DRAIN // 8, HD), jnp.float32),
            pltpu.VMEM_SHARED((ACC_R, HD), jnp.float32),
            pltpu.SemaphoreType.DMA,
        ],
    )
    return f(src, dst, g_flat)


def _gscale_body(a_ref, dinv_ref, g_ref):
    dv = dinv_ref[...]
    g_ref[...] = a_ref[...] * (dv * dv)


def _k_gscale(a_flat, dinv_cat):
    rows = 1000
    grid = (NC * NN // rows,)
    return pl.pallas_call(
        _gscale_body,
        grid=grid,
        in_specs=[
            pl.BlockSpec((rows, HD), lambda i: (i, 0)),
            pl.BlockSpec((rows, 1), lambda i: (i, 0)),
        ],
        out_specs=pl.BlockSpec((rows, HD), lambda i: (i, 0)),
        out_shape=jax.ShapeDtypeStruct((NC * NN, HD), jnp.float32),
    )(a_flat, dinv_cat)


def _pick_body(uid_hbm, iid_hbm, uemb_hbm, iemb_hbm, a0_hbm, a1_hbm, dinv_hbm,
               uraw_hbm, iraw_hbm,
               idb, idbo, erows, a0h0, a0h1, a1h0, a1h1, dvb, obuf, sem):
    c = lax.axis_index("c")
    s = lax.axis_index("s")
    wid = c * NS + s
    nrow = B // (NC * NS)
    rbase = wid * nrow
    third = jnp.float32(1.0 / 3.0)

    for phase in range(2):
        id_hbm = uid_hbm if phase == 0 else iid_hbm
        emb_hbm = uemb_hbm if phase == 0 else iemb_hbm
        out_hbm = uraw_hbm if phase == 0 else iraw_hbm
        node_off = 0 if phase == 0 else NU

        pltpu.sync_copy(id_hbm.at[pl.ds(rbase, nrow)], idb)
        pltpu.async_copy(emb_hbm.at[idb], erows, sem).wait()

        def shift(off_const, dst_ref):
            off = jnp.full((L,), off_const, jnp.int32)
            def body(j, cc):
                k = pl.ds(pl.multiple_of(j * L, L), L)
                dst_ref[k] = idb[k] + off
                return cc
            lax.fori_loop(0, nrow // L, body, 0)

        shift(node_off, idbo)
        pltpu.async_copy(a0_hbm.at[idbo], a0h0, sem).wait()
        pltpu.async_copy(a1_hbm.at[idbo], a1h0, sem).wait()
        pltpu.async_copy(dinv_hbm.at[idbo], dvb, sem).wait()
        shift(node_off + NN, idbo)
        pltpu.async_copy(a0_hbm.at[idbo], a0h1, sem).wait()
        pltpu.async_copy(a1_hbm.at[idbo], a1h1, sem).wait()

        def row(r, cc):
            dvr = plsc.load_gather(dvb, [jnp.full((L,), r, jnp.int32)])
            for q in range(4):
                a0t = a0h0 if q < 2 else a0h1
                a1t = a1h0 if q < 2 else a1h1
                kk = pl.ds((q % 2) * L, L)
                u = (erows[r, pl.ds(q * L, L)]
                     + dvr * (a0t[r, kk] + a1t[r, kk])) * third
                obuf[r, pl.ds(q * L, L)] = u
            return cc
        lax.fori_loop(0, nrow, row, 0)

        pltpu.sync_copy(obuf, out_hbm.at[pl.ds(rbase, nrow)])


def _k_pick(uid, iid, uemb, iemb, a0_flat, a1_flat, dinv1d):
    nrow = B // (NC * NS)
    f = pl.kernel(
        _pick_body,
        out_type=[
            jax.ShapeDtypeStruct((B, D), jnp.float32),
            jax.ShapeDtypeStruct((B, D), jnp.float32),
        ],
        mesh=_MESH,
        compiler_params=pltpu.CompilerParams(needs_layout_passes=False, use_tc_tiling_on_sc=False),
        scratch_types=[
            pltpu.VMEM((nrow,), jnp.int32),
            pltpu.VMEM((nrow,), jnp.int32),
            pltpu.VMEM((nrow, D), jnp.float32),
            pltpu.VMEM((nrow, HD), jnp.float32),
            pltpu.VMEM((nrow, HD), jnp.float32),
            pltpu.VMEM((nrow, HD), jnp.float32),
            pltpu.VMEM((nrow, HD), jnp.float32),
            pltpu.VMEM((nrow,), jnp.float32),
            pltpu.VMEM((nrow, D), jnp.float32),
            pltpu.SemaphoreType.DMA,
        ],
    )
    return f(uid, iid, uemb, iemb, a0_flat, a1_flat, dinv1d)


def _norm_body(u_ref, i_ref, un_ref, in_ref):
    for src, dstref in ((u_ref, un_ref), (i_ref, in_ref)):
        x = src[...]
        n = jnp.sqrt(jnp.sum(x * x, axis=1, keepdims=True))
        dstref[...] = x / jnp.maximum(n, 1e-12)


def _k_norm(u_raw, i_raw):
    rows = 512
    grid = (B // rows,)
    spec = pl.BlockSpec((rows, D), lambda i: (i, 0))
    return pl.pallas_call(
        _norm_body,
        grid=grid,
        in_specs=[spec, spec],
        out_specs=[spec, spec],
        out_shape=[
            jax.ShapeDtypeStruct((B, D), jnp.float32),
            jax.ShapeDtypeStruct((B, D), jnp.float32),
        ],
    )(u_raw, i_raw)


def kernel(user_id, item_id, edge_index, user_emb, item_emb):
    src = edge_index[0].astype(jnp.int32)
    dst = edge_index[1].astype(jnp.int32)
    user_id = user_id.astype(jnp.int32)
    item_id = item_id.astype(jnp.int32)
    ego = jnp.concatenate([user_emb, item_emb], axis=0)

    deg = _k_deg(src)
    g0_2, dinv2d = _k_scale(deg.reshape(NN, 1), ego)
    g0 = g0_2.reshape(NC * NN, HD)
    a0 = _k_spmm(src, dst, g0)
    dinv_cat = jnp.concatenate([dinv2d, dinv2d], axis=0)
    g1 = _k_gscale(a0, dinv_cat)
    a1 = _k_spmm(src, dst, g1)
    u_raw, i_raw = _k_pick(user_id, item_id, user_emb, item_emb, a0, a1,
                           dinv2d.reshape(NN))
    return _k_norm(u_raw, i_raw)

# --- scband reference (transcript-rebuilt; emitter-appended) ---
"""Pipeline reference for scband-direct-au-52458730553642 (READ-ONLY COPY).

The authoritative reference and input builder live on the scoring server;
editing this copy changes nothing except your own understanding.
"""

import jax, jax.numpy as jnp
import numpy as np

N_USERS = 25000
N_ITEMS = 25000
N_EDGES = 800000
EMB = 64
BATCH = 4096
N_LAYERS = 2


def setup_inputs(seed: int = 0) -> dict:
    key = jax.random.key(seed)
    k1, k2, k3, k4, k5 = jax.random.split(key, 5)
    user_id = jax.random.randint(k1, (BATCH,), 0, N_USERS)
    item_id = jax.random.randint(k2, (BATCH,), 0, N_ITEMS)
    edge_index = jax.random.randint(k3, (2, N_EDGES), 0, N_USERS + N_ITEMS)
    user_emb = jax.random.normal(k4, (N_USERS, EMB), dtype=jnp.float32) * 0.1
    item_emb = jax.random.normal(k5, (N_ITEMS, EMB), dtype=jnp.float32) * 0.1
    return {"user_id": user_id, "item_id": item_id, "edge_index": edge_index,
            "user_emb": user_emb, "item_emb": item_emb}


def reference(user_id, item_id, edge_index, user_emb, item_emb):
    n_nodes = N_USERS + N_ITEMS
    # LGCNEncoder.get_ego_embeddings
    ego = jnp.concatenate([user_emb, item_emb], axis=0)
    src = edge_index[0]
    dst = edge_index[1]
    # get_norm_adj_mat: D^{-1/2} A D^{-1/2}, D = rowsum of (symmetric) adjacency
    deg = jnp.bincount(src, length=n_nodes).astype(jnp.float32)
    d_inv_sqrt = jnp.where(deg > 0, 1.0 / jnp.sqrt(deg), 0.0)
    w = d_inv_sqrt[src] * d_inv_sqrt[dst]
    # LightGCN propagation: torch.sparse.mm(norm_adj, x) repeated n_layers times
    embs = [ego]
    x = ego
    for _ in range(N_LAYERS):
        x = jax.ops.segment_sum(w[:, None] * x[dst], src, num_segments=n_nodes)
        embs.append(x)
    final = jnp.mean(jnp.stack(embs, axis=1), axis=1)
    u_all = final[:N_USERS]
    i_all = final[N_USERS:]
    # forward: gather ids then F.normalize(dim=-1)
    u_e = u_all[user_id]
    i_e = i_all[item_id]
    u_n = u_e / jnp.clip(jnp.linalg.norm(u_e, axis=-1, keepdims=True), 1e-12)
    i_n = i_e / jnp.clip(jnp.linalg.norm(i_e, axis=-1, keepdims=True), 1e-12)
    return (u_n, i_n)

if __name__ == "__main__":
    import jax
    _d = setup_inputs()
    print(jax.jit(kernel)(*tuple(_d.values())))

</pallas_src>

<mosaic_0001>
#map = affine_map<(d0, d1) -> (0)>
module attributes {stable_mosaic.version = 14 : i64} {
  func.func @_deg_body(%arg0: i32, %arg1: i32, %arg2: memref<800000xi32, #tpu.memory_space<hbm>>, %arg3: memref<50000xf32, #tpu.memory_space<hbm>>, %arg4: memref<1024xi32, #tpu.memory_space<vmem>>, %arg5: memref<25088xf32, #tpu.memory_space<vmem>>, %arg6: memref<1568xf32, #tpu.memory_space<vmem>>, %arg7: memref<1568xf32, #tpu.memory_space<vmem>>, %arg8: memref<401408xf32, #tpu.memory_space<vmem_shared>>, %arg9: memref<!tpu.dma_semaphore, #tpu.memory_space<semaphore_mem>>) attributes {dimension_semantics = [#tpu.dimension_semantics<core_parallel>, #tpu.dimension_semantics<subcore_parallel>], iteration_bounds = array<i64: 2, 16>, scalar_prefetch = 0 : i64, scratch_operands = 6 : i64, tpu.core_type = #tpu.core_type<sc_vector_subcore>, window_params = [{transform_indices = #map}, {transform_indices = #map}]} {
    %mul3A = arith.constant 25000 : i32
    %mul3A_0 = arith.muli %arg0, %mul3A : i32
    %broadcast_in_dim3A = arith.constant 0.000000e+00 : f32
    %broadcast_in_dim3A_1 = vector.broadcast %broadcast_in_dim3A : f32 to vector<16xf32>
    %scan3A = arith.constant 0 : i32
    %scan3A_2 = arith.constant 0 : i32
    %scan3A_3 = arith.constant 1568 : i32
    %scan3A_4 = arith.addi %scan3A_2, %scan3A_3 : i32
    %scan3A_5 = arith.constant 1 : i32
    scf.for %scan3A_41 = %scan3A_2 to %scan3A_4 step %scan3A_5  : i32 {
      %mul3A_42 = arith.constant 16 : i32
      %mul3A_43 = arith.muli %scan3A_41, %mul3A_42 : i32
      %multiple_of3A = tpu.assume_multiple %mul3A_43, 16 : i32
      %swap3A = arith.index_cast %multiple_of3A : i32 to index
      %swap3A_44 = tpu.vector_load %arg5[%swap3A] {strides = array<i32>} : memref<25088xf32, #tpu.memory_space<vmem>>, vector<16xf32>,
      tpu.vector_store %arg5[%swap3A], %broadcast_in_dim3A_1 {strides = array<i32>} : memref<25088xf32, #tpu.memory_space<vmem>>, vector<16xf32>,
    }
    %scan3A_6 = arith.constant 1568 : i32
    %broadcast_in_dim3A_7 = arith.constant 1.000000e+00 : f32
    %broadcast_in_dim3A_8 = vector.broadcast %broadcast_in_dim3A_7 : f32 to vector<16xf32>
    %iota3A = tpu.iota {dimensions = array<i32: 0>} : vector<16xi32>
    %mul3A_9 = arith.constant 50000 : i32
    %mul3A_10 = arith.muli %arg1, %mul3A_9 : i32
    %scan3A_11 = arith.constant 0 : i32
    %scan3A_12 = arith.constant 0 : i32
    %scan3A_13 = arith.constant 49 : i32
    %scan3A_14 = arith.addi %scan3A_12, %scan3A_13 : i32
    %scan3A_15 = arith.constant 1 : i32
    scf.for %scan3A_41 = %scan3A_12 to %scan3A_14 step %scan3A_15  : i32 {
      %mul3A_42 = arith.constant 1024 : i32
      %mul3A_43 = arith.muli %scan3A_41, %mul3A_42 : i32
      %add3A_44 = arith.addi %mul3A_10, %mul3A_43 : i32
      %lt3A_45 = arith.constant 48 : i32
      %lt3A_46 = arith.cmpi slt, %scan3A_41, %lt3A_45 : i32
      %convert_element_type3A_47 = arith.extui %lt3A_46 : i1 to i32
      %cond3A_48 = arith.constant 0 : i32
      %cond3A_49 = arith.cmpi ne, %convert_element_type3A_47, %cond3A_48 : i32
      scf.if %cond3A_49 {
        "tpu.region"() ({
          %run_scoped3A = tpu.sem_alloc : memref<!tpu.dma_semaphore, #tpu.memory_space<semaphore_mem>>
          %dma_start3A = tpu.memref_slice %arg2[%add3A_44] : memref<800000xi32, #tpu.memory_space<hbm>> -> memref<1024xi32, #tpu.memory_space<hbm>>
          %dma_start3A_61 = tpu.memref_slice %arg2[%add3A_44] : memref<800000xi32, #tpu.memory_space<hbm>> -> memref<1024xi32, #tpu.memory_space<hbm>>
          tpu.enqueue_dma source(%dma_start3A_61 : memref<1024xi32, #tpu.memory_space<hbm>>) target(%arg4 : memref<1024xi32, #tpu.memory_space<vmem>>) target_semaphore(%run_scoped3A : memref<!tpu.dma_semaphore, #tpu.memory_space<semaphore_mem>>)
          %dma_wait3A = tpu.memref_slice %arg2[%add3A_44] : memref<800000xi32, #tpu.memory_space<hbm>> -> memref<1024xi32, #tpu.memory_space<hbm>>
          %dma_wait3A_62 = tpu.memref_slice %arg2[%add3A_44] : memref<800000xi32, #tpu.memory_space<hbm>> -> memref<1024xi32, #tpu.memory_space<hbm>>
          tpu.wait_dma2 semaphore(%run_scoped3A : memref<!tpu.dma_semaphore, #tpu.memory_space<semaphore_mem>>) src(%dma_wait3A_62 : memref<1024xi32, #tpu.memory_space<hbm>>) dst(%arg4 : memref<1024xi32, #tpu.memory_space<vmem>>)
          tpu.yield
        }) : () -> ()
      } else {
      }
      %eq3A_50 = arith.constant 48 : i32
      %eq3A_51 = arith.cmpi eq, %scan3A_41, %eq3A_50 : i32
      %convert_element_type3A_52 = arith.extui %eq3A_51 : i1 to i32
      %cond3A_53 = arith.constant 0 : i32
      %cond3A_54 = arith.cmpi ne, %convert_element_type3A_52, %cond3A_53 : i32
      scf.if %cond3A_54 {
        "tpu.region"() ({
          %run_scoped3A = tpu.sem_alloc : memref<!tpu.dma_semaphore, #tpu.memory_space<semaphore_mem>>
          %dma_start3A = arith.constant 0 : i32
          %dma_start3A_61 = tpu.memref_slice %arg4[%dma_start3A] : memref<1024xi32, #tpu.memory_space<vmem>> -> memref<848xi32, #tpu.memory_space<vmem>>
          %dma_start3A_62 = tpu.memref_slice %arg2[%add3A_44] : memref<800000xi32, #tpu.memory_space<hbm>> -> memref<848xi32, #tpu.memory_space<hbm>>
          %dma_start3A_63 = arith.constant 0 : i32
          %dma_start3A_64 = tpu.memref_slice %arg4[%dma_start3A_63] : memref<1024xi32, #tpu.memory_space<vmem>> -> memref<848xi32, #tpu.memory_space<vmem>>
          %dma_start3A_65 = tpu.memref_slice %arg2[%add3A_44] : memref<800000xi32, #tpu.memory_space<hbm>> -> memref<848xi32, #tpu.memory_space<hbm>>
          tpu.enqueue_dma source(%dma_start3A_65 : memref<848xi32, #tpu.memory_space<hbm>>) target(%dma_start3A_64 : memref<848xi32, #tpu.memory_space<vmem>>) target_semaphore(%run_scoped3A : memref<!tpu.dma_semaphore, #tpu.memory_space<semaphore_mem>>)
          %dma_wait3A = arith.constant 0 : i32
          %dma_wait3A_66 = tpu.memref_slice %arg4[%dma_wait3A] : memref<1024xi32, #tpu.memory_space<vmem>> -> memref<848xi32, #tpu.memory_space<vmem>>
          %dma_wait3A_67 = tpu.memref_slice %arg2[%add3A_44] : memref<800000xi32, #tpu.memory_space<hbm>> -> memref<848xi32, #tpu.memory_space<hbm>>
          %dma_wait3A_68 = arith.constant 0 : i32
          %dma_wait3A_69 = tpu.memref_slice %arg4[%dma_wait3A_68] : memref<1024xi32, #tpu.memory_space<vmem>> -> memref<848xi32, #tpu.memory_space<vmem>>
          %dma_wait3A_70 = tpu.memref_slice %arg2[%add3A_44] : memref<800000xi32, #tpu.memory_space<hbm>> -> memref<848xi32, #tpu.memory_space<hbm>>
          tpu.wait_dma2 semaphore(%run_scoped3A : memref<!tpu.dma_semaphore, #tpu.memory_space<semaphore_mem>>) src(%dma_wait3A_70 : memref<848xi32, #tpu.memory_space<hbm>>) dst(%dma_wait3A_69 : memref<848xi32, #tpu.memory_space<vmem>>)
          tpu.yield
        }) : () -> ()
      } else {
      }
      %scan3A_55 = arith.constant 0 : i32
      %scan3A_56 = arith.constant 0 : i32
      %scan3A_57 = arith.constant 64 : i32
      %scan3A_58 = arith.addi %scan3A_56, %scan3A_57 : i32
      %scan3A_59 = arith.constant 1 : i32
      scf.for %scan3A_61 = %scan3A_56 to %scan3A_58 step %scan3A_59  : i32 {
        %mul3A_62 = arith.constant 16 : i32
        %mul3A_63 = arith.muli %scan3A_61, %mul3A_62 : i32
        %multiple_of3A = tpu.assume_multiple %mul3A_63, 16 : i32
        %get3A = arith.index_cast %multiple_of3A : i32 to index
        %get3A_64 = tpu.vector_load %arg4[%get3A] {strides = array<i32>} : memref<1024xi32, #tpu.memory_space<vmem>>, vector<16xi32>,
        %sub3A = vector.broadcast %mul3A_0 : i32 to vector<16xi32>
        %sub3A_65 = arith.subi %get3A_64, %sub3A : vector<16xi32>
        %mul3A_66 = arith.constant 1024 : i32
        %mul3A_67 = arith.muli %scan3A_41, %mul3A_66 : i32
        %mul3A_68 = arith.constant 16 : i32
        %mul3A_69 = arith.muli %scan3A_61, %mul3A_68 : i32
        %add3A_70 = arith.addi %mul3A_67, %mul3A_69 : i32
        %add3A_71 = vector.broadcast %add3A_70 : i32 to vector<16xi32>
        %add3A_72 = arith.addi %add3A_71, %iota3A : vector<16xi32>
        %ge3A = arith.constant 0 : i32
        %ge3A_73 = vector.broadcast %ge3A : i32 to vector<16xi32>
        %ge3A_74 = arith.cmpi sge, %sub3A_65, %ge3A_73 : vector<16xi32>
        %lt3A_75 = arith.constant 25000 : i32
        %lt3A_76 = vector.broadcast %lt3A_75 : i32 to vector<16xi32>
        %lt3A_77 = arith.cmpi slt, %sub3A_65, %lt3A_76 : vector<16xi32>
        %and3A = arith.andi %ge3A_74, %lt3A_77 : vector<16xi1>
        %lt3A_78 = arith.constant 50000 : i32
        %lt3A_79 = vector.broadcast %lt3A_78 : i32 to vector<16xi32>
        %lt3A_80 = arith.cmpi slt, %add3A_72, %lt3A_79 : vector<16xi32>
        %and3A_81 = arith.andi %and3A, %lt3A_80 : vector<16xi1>
        %jit3A = arith.constant 0 : i32
        %jit3A_82 = arith.constant 25000 : i32
        %max3A = vector.broadcast %jit3A : i32 to vector<16xi32>
        %max3A_83 = arith.maxsi %max3A, %sub3A_65 : vector<16xi32>
        %min3A = vector.broadcast %jit3A_82 : i32 to vector<16xi32>
        %min3A_84 = arith.minsi %min3A, %max3A_83 : vector<16xi32>
        tpu.vector_store_idx %arg5[%min3A_84], %broadcast_in_dim3A_8 masked %and3A_81 {add = true} : memref<25088xf32, #tpu.memory_space<vmem>>[vector<16xi32>], vector<16xf32>, vector<16xi1>
      }
      %scan3A_60 = arith.constant 64 : i32
    }
    %scan3A_16 = arith.constant 49 : i32
    %mul3A_17 = arith.constant 25088 : i32
    %mul3A_18 = arith.muli %arg1, %mul3A_17 : i32
    "tpu.region"() ({
      %run_scoped3A = tpu.sem_alloc : memref<!tpu.dma_semaphore, #tpu.memory_space<semaphore_mem>>
      %dma_start3A = tpu.memref_slice %arg8[%mul3A_18] : memref<401408xf32, #tpu.memory_space<vmem_shared>> -> memref<25088xf32, #tpu.memory_space<vmem_shared>>
      %dma_start3A_41 = tpu.memref_slice %arg8[%mul3A_18] : memref<401408xf32, #tpu.memory_space<vmem_shared>> -> memref<25088xf32, #tpu.memory_space<vmem_shared>>
      tpu.enqueue_dma source(%arg5 : memref<25088xf32, #tpu.memory_space<vmem>>) target(%dma_start3A_41 : memref<25088xf32, #tpu.memory_space<vmem_shared>>) target_semaphore(%run_scoped3A : memref<!tpu.dma_semaphore, #tpu.memory_space<semaphore_mem>>)
      %dma_wait3A = tpu.memref_slice %arg8[%mul3A_18] : memref<401408xf32, #tpu.memory_space<vmem_shared>> -> memref<25088xf32, #tpu.memory_space<vmem_shared>>
      %dma_wait3A_42 = tpu.memref_slice %arg8[%mul3A_18] : memref<401408xf32, #tpu.memory_space<vmem_shared>> -> memref<25088xf32, #tpu.memory_space<vmem_shared>>
      tpu.wait_dma2 semaphore(%run_scoped3A : memref<!tpu.dma_semaphore, #tpu.memory_space<semaphore_mem>>) src(%arg5 : memref<25088xf32, #tpu.memory_space<vmem>>) dst(%dma_wait3A_42 : memref<25088xf32, #tpu.memory_space<vmem_shared>>)
      tpu.yield
    }) : () -> ()
    %barrier3A = arith.constant 0 : index
    tpu.barrier barrier_id(%barrier3A)
    %mul3A_19 = arith.constant 1568 : i32
    %mul3A_20 = arith.muli %arg1, %mul3A_19 : i32
    %broadcast_in_dim3A_21 = arith.constant 0.000000e+00 : f32
    %broadcast_in_dim3A_22 = vector.broadcast %broadcast_in_dim3A_21 : f32 to vector<16xf32>
    %scan3A_23 = arith.constant 0 : i32
    %scan3A_24 = arith.constant 0 : i32
    %scan3A_25 = arith.constant 98 : i32
    %scan3A_26 = arith.addi %scan3A_24, %scan3A_25 : i32
    %scan3A_27 = arith.constant 1 : i32
    scf.for %scan3A_41 = %scan3A_24 to %scan3A_26 step %scan3A_27  : i32 {
      %mul3A_42 = arith.constant 16 : i32
      %mul3A_43 = arith.muli %scan3A_41, %mul3A_42 : i32
      %multiple_of3A = tpu.assume_multiple %mul3A_43, 16 : i32
      %swap3A = arith.index_cast %multiple_of3A : i32 to index
      %swap3A_44 = tpu.vector_load %arg6[%swap3A] {strides = array<i32>} : memref<1568xf32, #tpu.memory_space<vmem>>, vector<16xf32>,
      tpu.vector_store %arg6[%swap3A], %broadcast_in_dim3A_22 {strides = array<i32>} : memref<1568xf32, #tpu.memory_space<vmem>>, vector<16xf32>,
    }
    %scan3A_28 = arith.constant 98 : i32
    %scan3A_29 = arith.constant 0 : i32
    %scan3A_30 = arith.constant 0 : i32
    %scan3A_31 = arith.constant 16 : i32
    %scan3A_32 = arith.addi %scan3A_30, %scan3A_31 : i32
    %scan3A_33 = arith.constant 1 : i32
    scf.for %scan3A_41 = %scan3A_30 to %scan3A_32 step %scan3A_33  : i32 {
      %mul3A_42 = arith.constant 25088 : i32
      %mul3A_43 = arith.muli %scan3A_41, %mul3A_42 : i32
      %add3A_44 = arith.addi %mul3A_43, %mul3A_20 : i32
      "tpu.region"() ({
        %run_scoped3A = tpu.sem_alloc : memref<!tpu.dma_semaphore, #tpu.memory_space<semaphore_mem>>
        %dma_start3A = tpu.memref_slice %arg8[%add3A_44] : memref<401408xf32, #tpu.memory_space<vmem_shared>> -> memref<1568xf32, #tpu.memory_space<vmem_shared>>
        %dma_start3A_51 = tpu.memref_slice %arg8[%add3A_44] : memref<401408xf32, #tpu.memory_space<vmem_shared>> -> memref<1568xf32, #tpu.memory_space<vmem_shared>>
        tpu.enqueue_dma source(%dma_start3A_51 : memref<1568xf32, #tpu.memory_space<vmem_shared>>) target(%arg7 : memref<1568xf32, #tpu.memory_space<vmem>>) target_semaphore(%run_scoped3A : memref<!tpu.dma_semaphore, #tpu.memory_space<semaphore_mem>>)
        %dma_wait3A = tpu.memref_slice %arg8[%add3A_44] : memref<401408xf32, #tpu.memory_space<vmem_shared>> -> memref<1568xf32, #tpu.memory_space<vmem_shared>>
        %dma_wait3A_52 = tpu.memref_slice %arg8[%add3A_44] : memref<401408xf32, #tpu.memory_space<vmem_shared>> -> memref<1568xf32, #tpu.memory_space<vmem_shared>>
        tpu.wait_dma2 semaphore(%run_scoped3A : memref<!tpu.dma_semaphore, #tpu.memory_space<semaphore_mem>>) src(%dma_wait3A_52 : memref<1568xf32, #tpu.memory_space<vmem_shared>>) dst(%arg7 : memref<1568xf32, #tpu.memory_space<vmem>>)
        tpu.yield
      }) : () -> ()
      %scan3A_45 = arith.constant 0 : i32
      %scan3A_46 = arith.constant 0 : i32
      %scan3A_47 = arith.constant 98 : i32
      %scan3A_48 = arith.addi %scan3A_46, %scan3A_47 : i32
      %scan3A_49 = arith.constant 1 : i32
      scf.for %scan3A_51 = %scan3A_46 to %scan3A_48 step %scan3A_49  : i32 {
        %mul3A_52 = arith.constant 16 : i32
        %mul3A_53 = arith.muli %scan3A_51, %mul3A_52 : i32
        %multiple_of3A = tpu.assume_multiple %mul3A_53, 16 : i32
        %get3A = arith.index_cast %multiple_of3A : i32 to index
        %get3A_54 = tpu.vector_load %arg6[%get3A] {strides = array<i32>} : memref<1568xf32, #tpu.memory_space<vmem>>, vector<16xf32>,
        %get3A_55 = arith.index_cast %multiple_of3A : i32 to index
        %get3A_56 = tpu.vector_load %arg7[%get3A_55] {strides = array<i32>} : memref<1568xf32, #tpu.memory_space<vmem>>, vector<16xf32>,
        %add3A_57 = arith.addf %get3A_54, %get3A_56 : vector<16xf32>
        %swap3A = arith.index_cast %multiple_of3A : i32 to index
        %swap3A_58 = tpu.vector_load %arg6[%swap3A] {strides = array<i32>} : memref<1568xf32, #tpu.memory_space<vmem>>, vector<16xf32>,
        tpu.vector_store %arg6[%swap3A], %add3A_57 {strides = array<i32>} : memref<1568xf32, #tpu.memory_space<vmem>>, vector<16xf32>,
      }
      %scan3A_50 = arith.constant 98 : i32
    }
    %scan3A_34 = arith.constant 16 : i32
    %add3A = arith.addi %mul3A_0, %mul3A_20 : i32
    %lt3A = arith.constant 15 : i32
    %lt3A_35 = arith.cmpi slt, %arg1, %lt3A : i32
    %convert_element_type3A = arith.extui %lt3A_35 : i1 to i32
    %cond3A = arith.constant 0 : i32
    %cond3A_36 = arith.cmpi ne, %convert_element_type3A, %cond3A : i32
    scf.if %cond3A_36 {
      "tpu.region"() ({
        %run_scoped3A = tpu.sem_alloc : memref<!tpu.dma_semaphore, #tpu.memory_space<semaphore_mem>>
        %dma_start3A = tpu.memref_slice %arg3[%add3A] : memref<50000xf32, #tpu.memory_space<hbm>> -> memref<1568xf32, #tpu.memory_space<hbm>>
        %dma_start3A_41 = tpu.memref_slice %arg3[%add3A] : memref<50000xf32, #tpu.memory_space<hbm>> -> memref<1568xf32, #tpu.memory_space<hbm>>
        tpu.enqueue_dma source(%arg6 : memref<1568xf32, #tpu.memory_space<vmem>>) target(%dma_start3A_41 : memref<1568xf32, #tpu.memory_space<hbm>>) target_semaphore(%run_scoped3A : memref<!tpu.dma_semaphore, #tpu.memory_space<semaphore_mem>>)
        %dma_wait3A = tpu.memref_slice %arg3[%add3A] : memref<50000xf32, #tpu.memory_space<hbm>> -> memref<1568xf32, #tpu.memory_space<hbm>>
        %dma_wait3A_42 = tpu.memref_slice %arg3[%add3A] : memref<50000xf32, #tpu.memory_space<hbm>> -> memref<1568xf32, #tpu.memory_space<hbm>>
        tpu.wait_dma2 semaphore(%run_scoped3A : memref<!tpu.dma_semaphore, #tpu.memory_space<semaphore_mem>>) src(%arg6 : memref<1568xf32, #tpu.memory_space<vmem>>) dst(%dma_wait3A_42 : memref<1568xf32, #tpu.memory_space<hbm>>)
        tpu.yield
      }) : () -> ()
    } else {
    }
    %eq3A = arith.constant 15 : i32
    %eq3A_37 = arith.cmpi eq, %arg1, %eq3A : i32
    %convert_element_type3A_38 = arith.extui %eq3A_37 : i1 to i32
    %cond3A_39 = arith.constant 0 : i32
    %cond3A_40 = arith.cmpi ne, %convert_element_type3A_38, %cond3A_39 : i32
    scf.if %cond3A_40 {
      "tpu.region"() ({
        %run_scoped3A = tpu.sem_alloc : memref<!tpu.dma_semaphore, #tpu.memory_space<semaphore_mem>>
        %dma_start3A = arith.constant 0 : i32
        %dma_start3A_41 = tpu.memref_slice %arg6[%dma_start3A] : memref<1568xf32, #tpu.memory_space<vmem>> -> memref<1480xf32, #tpu.memory_space<vmem>>
        %dma_start3A_42 = tpu.memref_slice %arg3[%add3A] : memref<50000xf32, #tpu.memory_space<hbm>> -> memref<1480xf32, #tpu.memory_space<hbm>>
        %dma_start3A_43 = tpu.memref_slice %arg3[%add3A] : memref<50000xf32, #tpu.memory_space<hbm>> -> memref<1480xf32, #tpu.memory_space<hbm>>
        %dma_start3A_44 = arith.constant 0 : i32
        %dma_start3A_45 = tpu.memref_slice %arg6[%dma_start3A_44] : memref<1568xf32, #tpu.memory_space<vmem>> -> memref<1480xf32, #tpu.memory_space<vmem>>
        tpu.enqueue_dma source(%dma_start3A_45 : memref<1480xf32, #tpu.memory_space<vmem>>) target(%dma_start3A_43 : memref<1480xf32, #tpu.memory_space<hbm>>) target_semaphore(%run_scoped3A : memref<!tpu.dma_semaphore, #tpu.memory_space<semaphore_mem>>)
        %dma_wait3A = arith.constant 0 : i32
        %dma_wait3A_46 = tpu.memref_slice %arg6[%dma_wait3A] : memref<1568xf32, #tpu.memory_space<vmem>> -> memref<1480xf32, #tpu.memory_space<vmem>>
        %dma_wait3A_47 = tpu.memref_slice %arg3[%add3A] : memref<50000xf32, #tpu.memory_space<hbm>> -> memref<1480xf32, #tpu.memory_space<hbm>>
        %dma_wait3A_48 = tpu.memref_slice %arg3[%add3A] : memref<50000xf32, #tpu.memory_space<hbm>> -> memref<1480xf32, #tpu.memory_space<hbm>>
        %dma_wait3A_49 = arith.constant 0 : i32
        %dma_wait3A_50 = tpu.memref_slice %arg6[%dma_wait3A_49] : memref<1568xf32, #tpu.memory_space<vmem>> -> memref<1480xf32, #tpu.memory_space<vmem>>
        tpu.wait_dma2 semaphore(%run_scoped3A : memref<!tpu.dma_semaphore, #tpu.memory_space<semaphore_mem>>) src(%dma_wait3A_50 : memref<1480xf32, #tpu.memory_space<vmem>>) dst(%dma_wait3A_48 : memref<1480xf32, #tpu.memory_space<hbm>>)
        tpu.yield
      }) : () -> ()
    } else {
    }
    return
  }
}

#map = affine_map<(d0, d1) -> (0)>
#map1 = affine_map<(d0, d1) -> (0, 0)>
module attributes {stable_mosaic.version = 14 : i64} {
  func.func @_spmm_body(%arg0: i32, %arg1: i32, %arg2: memref<800000xi32, #tpu.memory_space<hbm>>, %arg3: memref<800000xi32, #tpu.memory_space<hbm>>, %arg4: memref<100000x32xf32, #tpu.memory_space<hbm>>, %arg5: memref<100000x32xf32, #tpu.memory_space<hbm>>, %arg6: memref<1024xi32, #tpu.memory_space<vmem>>, %arg7: memref<1024xi32, #tpu.memory_space<vmem>>, %arg8: memref<8x128xi32, #tpu.memory_space<vmem>>, %arg9: memref<8x128xi32, #tpu.memory_space<vmem>>, %arg10: memref<128x32xf32, #tpu.memory_space<vmem>>, %arg11: memref<391x32xf32, #tpu.memory_space<vmem>>, %arg12: memref<50048x32xf32, #tpu.memory_space<vmem_shared>>, %arg13: memref<!tpu.dma_semaphore, #tpu.memory_space<semaphore_mem>>) attributes {dimension_semantics = [#tpu.dimension_semantics<core_parallel>, #tpu.dimension_semantics<subcore_parallel>], iteration_bounds = array<i64: 2, 16>, scalar_prefetch = 0 : i64, scratch_operands = 8 : i64, tpu.core_type = #tpu.core_type<sc_vector_subcore>, window_params = [{transform_indices = #map}, {transform_indices = #map}, {transform_indices = #map1}, {transform_indices = #map1}]} {
    %broadcast_in_dim3A = arith.constant 0.000000e+00 : f32
    %broadcast_in_dim3A_0 = vector.broadcast %broadcast_in_dim3A : f32 to vector<16xf32>
    %scan3A = arith.constant 0 : i32
    %scan3A_1 = arith.constant 0 : i32
    %scan3A_2 = arith.constant 391 : i32
    %scan3A_3 = arith.addi %scan3A_1, %scan3A_2 : i32
    %scan3A_4 = arith.constant 1 : i32
    scf.for %scan3A_59 = %scan3A_1 to %scan3A_3 step %scan3A_4  : i32 {
      %swap3A = arith.index_cast %scan3A_59 : i32 to index
      %swap3A_60 = arith.constant 0 : index
      %swap3A_61 = tpu.vector_load %arg11[%swap3A, %swap3A_60] {strides = array<i32>} : memref<391x32xf32, #tpu.memory_space<vmem>>, vector<16xf32>,
      tpu.vector_store %arg11[%swap3A, %swap3A_60], %broadcast_in_dim3A_0 {strides = array<i32>} : memref<391x32xf32, #tpu.memory_space<vmem>>, vector<16xf32>,
      %swap3A_62 = arith.index_cast %scan3A_59 : i32 to index
      %swap3A_63 = arith.constant 16 : index
      %swap3A_64 = tpu.vector_load %arg11[%swap3A_62, %swap3A_63] {strides = array<i32>} : memref<391x32xf32, #tpu.memory_space<vmem>>, vector<16xf32>,
      tpu.vector_store %arg11[%swap3A_62, %swap3A_63], %broadcast_in_dim3A_0 {strides = array<i32>} : memref<391x32xf32, #tpu.memory_space<vmem>>, vector<16xf32>,
    }
    %scan3A_5 = arith.constant 391 : i32
    %mul3A = arith.constant 3128 : i32
    %mul3A_6 = arith.muli %arg1, %mul3A : i32
    %add3A = arith.constant 0 : i32
    %add3A_7 = arith.addi %mul3A_6, %add3A : i32
    "tpu.region"() ({
      %run_scoped3A = tpu.sem_alloc : memref<!tpu.dma_semaphore, #tpu.memory_space<semaphore_mem>>
      %dma_start3A = arith.constant 0 : i32
      %dma_start3A_59 = tpu.memref_slice %arg12[%add3A_7, %dma_start3A] : memref<50048x32xf32, #tpu.memory_space<vmem_shared>> -> memref<391x32xf32, #tpu.memory_space<vmem_shared>>
      %dma_start3A_60 = arith.constant 0 : i32
      %dma_start3A_61 = tpu.memref_slice %arg12[%add3A_7, %dma_start3A_60] : memref<50048x32xf32, #tpu.memory_space<vmem_shared>> -> memref<391x32xf32, #tpu.memory_space<vmem_shared>>
      tpu.enqueue_dma source(%arg11 : memref<391x32xf32, #tpu.memory_space<vmem>>) target(%dma_start3A_61 : memref<391x32xf32, #tpu.memory_space<vmem_shared>>) target_semaphore(%run_scoped3A : memref<!tpu.dma_semaphore, #tpu.memory_space<semaphore_mem>>)
      %dma_wait3A = arith.constant 0 : i32
      %dma_wait3A_62 = tpu.memref_slice %arg12[%add3A_7, %dma_wait3A] : memref<50048x32xf32, #tpu.memory_space<vmem_shared>> -> memref<391x32xf32, #tpu.memory_space<vmem_shared>>
      %dma_wait3A_63 = arith.constant 0 : i32
      %dma_wait3A_64 = tpu.memref_slice %arg12[%add3A_7, %dma_wait3A_63] : memref<50048x32xf32, #tpu.memory_space<vmem_shared>> -> memref<391x32xf32, #tpu.memory_space<vmem_shared>>
      tpu.wait_dma2 semaphore(%run_scoped3A : memref<!tpu.dma_semaphore, #tpu.memory_space<semaphore_mem>>) src(%arg11 : memref<391x32xf32, #tpu.memory_space<vmem>>) dst(%dma_wait3A_64 : memref<391x32xf32, #tpu.memory_space<vmem_shared>>)
      tpu.yield
    }) : () -> ()
    %mul3A_8 = arith.constant 3128 : i32
    %mul3A_9 = arith.muli %arg1, %mul3A_8 : i32
    %add3A_10 = arith.constant 391 : i32
    %add3A_11 = arith.addi %mul3A_9, %add3A_10 : i32
    "tpu.region"() ({
      %run_scoped3A = tpu.sem_alloc : memref<!tpu.dma_semaphore, #tpu.memory_space<semaphore_mem>>
      %dma_start3A = arith.constant 0 : i32
      %dma_start3A_59 = tpu.memref_slice %arg12[%add3A_11, %dma_start3A] : memref<50048x32xf32, #tpu.memory_space<vmem_shared>> -> memref<391x32xf32, #tpu.memory_space<vmem_shared>>
      %dma_start3A_60 = arith.constant 0 : i32
      %dma_start3A_61 = tpu.memref_slice %arg12[%add3A_11, %dma_start3A_60] : memref<50048x32xf32, #tpu.memory_space<vmem_shared>> -> memref<391x32xf32, #tpu.memory_space<vmem_shared>>
      tpu.enqueue_dma source(%arg11 : memref<391x32xf32, #tpu.memory_space<vmem>>) target(%dma_start3A_61 : memref<391x32xf32, #tpu.memory_space<vmem_shared>>) target_semaphore(%run_scoped3A : memref<!tpu.dma_semaphore, #tpu.memory_space<semaphore_mem>>)
      %dma_wait3A = arith.constant 0 : i32
      %dma_wait3A_62 = tpu.memref_slice %arg12[%add3A_11, %dma_wait3A] : memref<50048x32xf32, #tpu.memory_space<vmem_shared>> -> memref<391x32xf32, #tpu.memory_space<vmem_shared>>
      %dma_wait3A_63 = arith.constant 0 : i32
      %dma_wait3A_64 = tpu.memref_slice %arg12[%add3A_11, %dma_wait3A_63] : memref<50048x32xf32, #tpu.memory_space<vmem_shared>> -> memref<391x32xf32, #tpu.memory_space<vmem_shared>>
      tpu.wait_dma2 semaphore(%run_scoped3A : memref<!tpu.dma_semaphore, #tpu.memory_space<semaphore_mem>>) src(%arg11 : memref<391x32xf32, #tpu.memory_space<vmem>>) dst(%dma_wait3A_64 : memref<391x32xf32, #tpu.memory_space<vmem_shared>>)
      tpu.yield
    }) : () -> ()
    %mul3A_12 = arith.constant 3128 : i32
    %mul3A_13 = arith.muli %arg1, %mul3A_12 : i32
    %add3A_14 = arith.constant 782 : i32
    %add3A_15 = arith.addi %mul3A_13, %add3A_14 : i32
    "tpu.region"() ({
      %run_scoped3A = tpu.sem_alloc : memref<!tpu.dma_semaphore, #tpu.memory_space<semaphore_mem>>
      %dma_start3A = arith.constant 0 : i32
      %dma_start3A_59 = tpu.memref_slice %arg12[%add3A_15, %dma_start3A] : memref<50048x32xf32, #tpu.memory_space<vmem_shared>> -> memref<391x32xf32, #tpu.memory_space<vmem_shared>>
      %dma_start3A_60 = arith.constant 0 : i32
      %dma_start3A_61 = tpu.memref_slice %arg12[%add3A_15, %dma_start3A_60] : memref<50048x32xf32, #tpu.memory_space<vmem_shared>> -> memref<391x32xf32, #tpu.memory_space<vmem_shared>>
      tpu.enqueue_dma source(%arg11 : memref<391x32xf32, #tpu.memory_space<vmem>>) target(%dma_start3A_61 : memref<391x32xf32, #tpu.memory_space<vmem_shared>>) target_semaphore(%run_scoped3A : memref<!tpu.dma_semaphore, #tpu.memory_space<semaphore_mem>>)
      %dma_wait3A = arith.constant 0 : i32
      %dma_wait3A_62 = tpu.memref_slice %arg12[%add3A_15, %dma_wait3A] : memref<50048x32xf32, #tpu.memory_space<vmem_shared>> -> memref<391x32xf32, #tpu.memory_space<vmem_shared>>
      %dma_wait3A_63 = arith.constant 0 : i32
      %dma_wait3A_64 = tpu.memref_slice %arg12[%add3A_15, %dma_wait3A_63] : memref<50048x32xf32, #tpu.memory_space<vmem_shared>> -> memref<391x32xf32, #tpu.memory_space<vmem_shared>>
      tpu.wait_dma2 semaphore(%run_scoped3A : memref<!tpu.dma_semaphore, #tpu.memory_space<semaphore_mem>>) src(%arg11 : memref<391x32xf32, #tpu.memory_space<vmem>>) dst(%dma_wait3A_64 : memref<391x32xf32, #tpu.memory_space<vmem_shared>>)
      tpu.yield
    }) : () -> ()
    %mul3A_16 = arith.constant 3128 : i32
    %mul3A_17 = arith.muli %arg1, %mul3A_16 : i32
    %add3A_18 = arith.constant 1173 : i32
    %add3A_19 = arith.addi %mul3A_17, %add3A_18 : i32
    "tpu.region"() ({
      %run_scoped3A = tpu.sem_alloc : memref<!tpu.dma_semaphore, #tpu.memory_space<semaphore_mem>>
      %dma_start3A = arith.constant 0 : i32
      %dma_start3A_59 = tpu.memref_slice %arg12[%add3A_19, %dma_start3A] : memref<50048x32xf32, #tpu.memory_space<vmem_shared>> -> memref<391x32xf32, #tpu.memory_space<vmem_shared>>
      %dma_start3A_60 = arith.constant 0 : i32
      %dma_start3A_61 = tpu.memref_slice %arg12[%add3A_19, %dma_start3A_60] : memref<50048x32xf32, #tpu.memory_space<vmem_shared>> -> memref<391x32xf32, #tpu.memory_space<vmem_shared>>
      tpu.enqueue_dma source(%arg11 : memref<391x32xf32, #tpu.memory_space<vmem>>) target(%dma_start3A_61 : memref<391x32xf32, #tpu.memory_space<vmem_shared>>) target_semaphore(%run_scoped3A : memref<!tpu.dma_semaphore, #tpu.memory_space<semaphore_mem>>)
      %dma_wait3A = arith.constant 0 : i32
      %dma_wait3A_62 = tpu.memref_slice %arg12[%add3A_19, %dma_wait3A] : memref<50048x32xf32, #tpu.memory_space<vmem_shared>> -> memref<391x32xf32, #tpu.memory_space<vmem_shared>>
      %dma_wait3A_63 = arith.constant 0 : i32
      %dma_wait3A_64 = tpu.memref_slice %arg12[%add3A_19, %dma_wait3A_63] : memref<50048x32xf32, #tpu.memory_space<vmem_shared>> -> memref<391x32xf32, #tpu.memory_space<vmem_shared>>
      tpu.wait_dma2 semaphore(%run_scoped3A : memref<!tpu.dma_semaphore, #tpu.memory_space<semaphore_mem>>) src(%arg11 : memref<391x32xf32, #tpu.memory_space<vmem>>) dst(%dma_wait3A_64 : memref<391x32xf32, #tpu.memory_space<vmem_shared>>)
      tpu.yield
    }) : () -> ()
    %mul3A_20 = arith.constant 3128 : i32
    %mul3A_21 = arith.muli %arg1, %mul3A_20 : i32
    %add3A_22 = arith.constant 1564 : i32
    %add3A_23 = arith.addi %mul3A_21, %add3A_22 : i32
    "tpu.region"() ({
      %run_scoped3A = tpu.sem_alloc : memref<!tpu.dma_semaphore, #tpu.memory_space<semaphore_mem>>
      %dma_start3A = arith.constant 0 : i32
      %dma_start3A_59 = tpu.memref_slice %arg12[%add3A_23, %dma_start3A] : memref<50048x32xf32, #tpu.memory_space<vmem_shared>> -> memref<391x32xf32, #tpu.memory_space<vmem_shared>>
      %dma_start3A_60 = arith.constant 0 : i32
      %dma_start3A_61 = tpu.memref_slice %arg12[%add3A_23, %dma_start3A_60] : memref<50048x32xf32, #tpu.memory_space<vmem_shared>> -> memref<391x32xf32, #tpu.memory_space<vmem_shared>>
      tpu.enqueue_dma source(%arg11 : memref<391x32xf32, #tpu.memory_space<vmem>>) target(%dma_start3A_61 : memref<391x32xf32, #tpu.memory_space<vmem_shared>>) target_semaphore(%run_scoped3A : memref<!tpu.dma_semaphore, #tpu.memory_space<semaphore_mem>>)
      %dma_wait3A = arith.constant 0 : i32
      %dma_wait3A_62 = tpu.memref_slice %arg12[%add3A_23, %dma_wait3A] : memref<50048x32xf32, #tpu.memory_space<vmem_shared>> -> memref<391x32xf32, #tpu.memory_space<vmem_shared>>
      %dma_wait3A_63 = arith.constant 0 : i32
      %dma_wait3A_64 = tpu.memref_slice %arg12[%add3A_23, %dma_wait3A_63] : memref<50048x32xf32, #tpu.memory_space<vmem_shared>> -> memref<391x32xf32, #tpu.memory_space<vmem_shared>>
      tpu.wait_dma2 semaphore(%run_scoped3A : memref<!tpu.dma_semaphore, #tpu.memory_space<semaphore_mem>>) src(%arg11 : memref<391x32xf32, #tpu.memory_space<vmem>>) dst(%dma_wait3A_64 : memref<391x32xf32, #tpu.memory_space<vmem_shared>>)
      tpu.yield
    }) : () -> ()
    %mul3A_24 = arith.constant 3128 : i32
    %mul3A_25 = arith.muli %arg1, %mul3A_24 : i32
    %add3A_26 = arith.constant 1955 : i32
    %add3A_27 = arith.addi %mul3A_25, %add3A_26 : i32
    "tpu.region"() ({
      %run_scoped3A = tpu.sem_alloc : memref<!tpu.dma_semaphore, #tpu.memory_space<semaphore_mem>>
      %dma_start3A = arith.constant 0 : i32
      %dma_start3A_59 = tpu.memref_slice %arg12[%add3A_27, %dma_start3A] : memref<50048x32xf32, #tpu.memory_space<vmem_shared>> -> memref<391x32xf32, #tpu.memory_space<vmem_shared>>
      %dma_start3A_60 = arith.constant 0 : i32
      %dma_start3A_61 = tpu.memref_slice %arg12[%add3A_27, %dma_start3A_60] : memref<50048x32xf32, #tpu.memory_space<vmem_shared>> -> memref<391x32xf32, #tpu.memory_space<vmem_shared>>
      tpu.enqueue_dma source(%arg11 : memref<391x32xf32, #tpu.memory_space<vmem>>) target(%dma_start3A_61 : memref<391x32xf32, #tpu.memory_space<vmem_shared>>) target_semaphore(%run_scoped3A : memref<!tpu.dma_semaphore, #tpu.memory_space<semaphore_mem>>)
      %dma_wait3A = arith.constant 0 : i32
      %dma_wait3A_62 = tpu.memref_slice %arg12[%add3A_27, %dma_wait3A] : memref<50048x32xf32, #tpu.memory_space<vmem_shared>> -> memref<391x32xf32, #tpu.memory_space<vmem_shared>>
      %dma_wait3A_63 = arith.constant 0 : i32
      %dma_wait3A_64 = tpu.memref_slice %arg12[%add3A_27, %dma_wait3A_63] : memref<50048x32xf32, #tpu.memory_space<vmem_shared>> -> memref<391x32xf32, #tpu.memory_space<vmem_shared>>
      tpu.wait_dma2 semaphore(%run_scoped3A : memref<!tpu.dma_semaphore, #tpu.memory_space<semaphore_mem>>) src(%arg11 : memref<391x32xf32, #tpu.memory_space<vmem>>) dst(%dma_wait3A_64 : memref<391x32xf32, #tpu.memory_space<vmem_shared>>)
      tpu.yield
    }) : () -> ()
    %mul3A_28 = arith.constant 3128 : i32
    %mul3A_29 = arith.muli %arg1, %mul3A_28 : i32
    %add3A_30 = arith.constant 2346 : i32
    %add3A_31 = arith.addi %mul3A_29, %add3A_30 : i32
    "tpu.region"() ({
      %run_scoped3A = tpu.sem_alloc : memref<!tpu.dma_semaphore, #tpu.memory_space<semaphore_mem>>
      %dma_start3A = arith.constant 0 : i32
      %dma_start3A_59 = tpu.memref_slice %arg12[%add3A_31, %dma_start3A] : memref<50048x32xf32, #tpu.memory_space<vmem_shared>> -> memref<391x32xf32, #tpu.memory_space<vmem_shared>>
      %dma_start3A_60 = arith.constant 0 : i32
      %dma_start3A_61 = tpu.memref_slice %arg12[%add3A_31, %dma_start3A_60] : memref<50048x32xf32, #tpu.memory_space<vmem_shared>> -> memref<391x32xf32, #tpu.memory_space<vmem_shared>>
      tpu.enqueue_dma source(%arg11 : memref<391x32xf32, #tpu.memory_space<vmem>>) target(%dma_start3A_61 : memref<391x32xf32, #tpu.memory_space<vmem_shared>>) target_semaphore(%run_scoped3A : memref<!tpu.dma_semaphore, #tpu.memory_space<semaphore_mem>>)
      %dma_wait3A = arith.constant 0 : i32
      %dma_wait3A_62 = tpu.memref_slice %arg12[%add3A_31, %dma_wait3A] : memref<50048x32xf32, #tpu.memory_space<vmem_shared>> -> memref<391x32xf32, #tpu.memory_space<vmem_shared>>
      %dma_wait3A_63 = arith.constant 0 : i32
      %dma_wait3A_64 = tpu.memref_slice %arg12[%add3A_31, %dma_wait3A_63] : memref<50048x32xf32, #tpu.memory_space<vmem_shared>> -> memref<391x32xf32, #tpu.memory_space<vmem_shared>>
      tpu.wait_dma2 semaphore(%run_scoped3A : memref<!tpu.dma_semaphore, #tpu.memory_space<semaphore_mem>>) src(%arg11 : memref<391x32xf32, #tpu.memory_space<vmem>>) dst(%dma_wait3A_64 : memref<391x32xf32, #tpu.memory_space<vmem_shared>>)
      tpu.yield
    }) : () -> ()
    %mul3A_32 = arith.constant 3128 : i32
    %mul3A_33 = arith.muli %arg1, %mul3A_32 : i32
    %add3A_34 = arith.constant 2737 : i32
    %add3A_35 = arith.addi %mul3A_33, %add3A_34 : i32
    "tpu.region"() ({
      %run_scoped3A = tpu.sem_alloc : memref<!tpu.dma_semaphore, #tpu.memory_space<semaphore_mem>>
      %dma_start3A = arith.constant 0 : i32
      %dma_start3A_59 = tpu.memref_slice %arg12[%add3A_35, %dma_start3A] : memref<50048x32xf32, #tpu.memory_space<vmem_shared>> -> memref<391x32xf32, #tpu.memory_space<vmem_shared>>
      %dma_start3A_60 = arith.constant 0 : i32
      %dma_start3A_61 = tpu.memref_slice %arg12[%add3A_35, %dma_start3A_60] : memref<50048x32xf32, #tpu.memory_space<vmem_shared>> -> memref<391x32xf32, #tpu.memory_space<vmem_shared>>
      tpu.enqueue_dma source(%arg11 : memref<391x32xf32, #tpu.memory_space<vmem>>) target(%dma_start3A_61 : memref<391x32xf32, #tpu.memory_space<vmem_shared>>) target_semaphore(%run_scoped3A : memref<!tpu.dma_semaphore, #tpu.memory_space<semaphore_mem>>)
      %dma_wait3A = arith.constant 0 : i32
      %dma_wait3A_62 = tpu.memref_slice %arg12[%add3A_35, %dma_wait3A] : memref<50048x32xf32, #tpu.memory_space<vmem_shared>> -> memref<391x32xf32, #tpu.memory_space<vmem_shared>>
      %dma_wait3A_63 = arith.constant 0 : i32
      %dma_wait3A_64 = tpu.memref_slice %arg12[%add3A_35, %dma_wait3A_63] : memref<50048x32xf32, #tpu.memory_space<vmem_shared>> -> memref<391x32xf32, #tpu.memory_space<vmem_shared>>
      tpu.wait_dma2 semaphore(%run_scoped3A : memref<!tpu.dma_semaphore, #tpu.memory_space<semaphore_mem>>) src(%arg11 : memref<391x32xf32, #tpu.memory_space<vmem>>) dst(%dma_wait3A_64 : memref<391x32xf32, #tpu.memory_space<vmem_shared>>)
      tpu.yield
    }) : () -> ()
    %barrier3A = arith.constant 0 : index
    tpu.barrier barrier_id(%barrier3A)
    %mul3A_36 = arith.constant 50000 : i32
    %mul3A_37 = arith.muli %arg0, %mul3A_36 : i32
    %mul3A_38 = arith.constant 50000 : i32
    %mul3A_39 = arith.muli %arg1, %mul3A_38 : i32
    %broadcast_in_dim3A_40 = arith.constant 50000 : i32
    %broadcast_in_dim3A_41 = vector.broadcast %broadcast_in_dim3A_40 : i32 to vector<16xi32>
    %broadcast_in_dim3A_42 = arith.constant 0 : i32
    %broadcast_in_dim3A_43 = vector.broadcast %broadcast_in_dim3A_42 : i32 to vector<16xi32>
    %scan3A_44 = arith.constant 0 : i32
    %scan3A_45 = arith.constant 0 : i32
    %scan3A_46 = arith.constant 49 : i32
    %scan3A_47 = arith.addi %scan3A_45, %scan3A_46 : i32
    %scan3A_48 = arith.constant 1 : i32
    scf.for %scan3A_59 = %scan3A_45 to %scan3A_47 step %scan3A_48  : i32 {
      %mul3A_60 = arith.constant 1024 : i32
      %mul3A_61 = arith.muli %scan3A_59, %mul3A_60 : i32
      %add3A_62 = arith.addi %mul3A_39, %mul3A_61 : i32
      %lt3A_63 = arith.constant 48 : i32
      %lt3A_64 = arith.cmpi slt, %scan3A_59, %lt3A_63 : i32
      %convert_element_type3A_65 = arith.extui %lt3A_64 : i1 to i32
      %cond3A_66 = arith.constant 0 : i32
      %cond3A_67 = arith.cmpi ne, %convert_element_type3A_65, %cond3A_66 : i32
      scf.if %cond3A_67 {
        "tpu.region"() ({
          %run_scoped3A_196 = tpu.sem_alloc : memref<!tpu.dma_semaphore, #tpu.memory_space<semaphore_mem>>
          %dma_start3A_197 = tpu.memref_slice %arg2[%add3A_62] : memref<800000xi32, #tpu.memory_space<hbm>> -> memref<1024xi32, #tpu.memory_space<hbm>>
          %dma_start3A_198 = tpu.memref_slice %arg2[%add3A_62] : memref<800000xi32, #tpu.memory_space<hbm>> -> memref<1024xi32, #tpu.memory_space<hbm>>
          tpu.enqueue_dma source(%dma_start3A_198 : memref<1024xi32, #tpu.memory_space<hbm>>) target(%arg6 : memref<1024xi32, #tpu.memory_space<vmem>>) target_semaphore(%run_scoped3A_196 : memref<!tpu.dma_semaphore, #tpu.memory_space<semaphore_mem>>)
          %dma_wait3A_199 = tpu.memref_slice %arg2[%add3A_62] : memref<800000xi32, #tpu.memory_space<hbm>> -> memref<1024xi32, #tpu.memory_space<hbm>>
          %dma_wait3A_200 = tpu.memref_slice %arg2[%add3A_62] : memref<800000xi32, #tpu.memory_space<hbm>> -> memref<1024xi32, #tpu.memory_space<hbm>>
          tpu.wait_dma2 semaphore(%run_scoped3A_196 : memref<!tpu.dma_semaphore, #tpu.memory_space<semaphore_mem>>) src(%dma_wait3A_200 : memref<1024xi32, #tpu.memory_space<hbm>>) dst(%arg6 : memref<1024xi32, #tpu.memory_space<vmem>>)
          tpu.yield
        }) : () -> ()
        "tpu.region"() ({
          %run_scoped3A_196 = tpu.sem_alloc : memref<!tpu.dma_semaphore, #tpu.memory_space<semaphore_mem>>
          %dma_start3A_197 = tpu.memref_slice %arg3[%add3A_62] : memref<800000xi32, #tpu.memory_space<hbm>> -> memref<1024xi32, #tpu.memory_space<hbm>>
          %dma_start3A_198 = tpu.memref_slice %arg3[%add3A_62] : memref<800000xi32, #tpu.memory_space<hbm>> -> memref<1024xi32, #tpu.memory_space<hbm>>
          tpu.enqueue_dma source(%dma_start3A_198 : memref<1024xi32, #tpu.memory_space<hbm>>) target(%arg7 : memref<1024xi32, #tpu.memory_space<vmem>>) target_semaphore(%run_scoped3A_196 : memref<!tpu.dma_semaphore, #tpu.memory_space<semaphore_mem>>)
          %dma_wait3A_199 = tpu.memref_slice %arg3[%add3A_62] : memref<800000xi32, #tpu.memory_space<hbm>> -> memref<1024xi32, #tpu.memory_space<hbm>>
          %dma_wait3A_200 = tpu.memref_slice %arg3[%add3A_62] : memref<800000xi32, #tpu.memory_space<hbm>> -> memref<1024xi32, #tpu.memory_space<hbm>>
          tpu.wait_dma2 semaphore(%run_scoped3A_196 : memref<!tpu.dma_semaphore, #tpu.memory_space<semaphore_mem>>) src(%dma_wait3A_200 : memref<1024xi32, #tpu.memory_space<hbm>>) dst(%arg7 : memref<1024xi32, #tpu.memory_space<vmem>>)
          tpu.yield
        }) : () -> ()
      } else {
      }
      %eq3A_68 = arith.constant 48 : i32
      %eq3A_69 = arith.cmpi eq, %scan3A_59, %eq3A_68 : i32
      %convert_element_type3A_70 = arith.extui %eq3A_69 : i1 to i32
      %cond3A_71 = arith.constant 0 : i32
      %cond3A_72 = arith.cmpi ne, %convert_element_type3A_70, %cond3A_71 : i32
      scf.if %cond3A_72 {
        %swap3A = arith.constant 848 : index
        %swap3A_196 = tpu.vector_load %arg6[%swap3A] {strides = array<i32>} : memref<1024xi32, #tpu.memory_space<vmem>>, vector<16xi32>,
        tpu.vector_store %arg6[%swap3A], %broadcast_in_dim3A_41 {strides = array<i32>} : memref<1024xi32, #tpu.memory_space<vmem>>, vector<16xi32>,
        %swap3A_197 = arith.constant 848 : index
        %swap3A_198 = tpu.vector_load %arg7[%swap3A_197] {strides = array<i32>} : memref<1024xi32, #tpu.memory_space<vmem>>, vector<16xi32>,
        tpu.vector_store %arg7[%swap3A_197], %broadcast_in_dim3A_43 {strides = array<i32>} : memref<1024xi32, #tpu.memory_space<vmem>>, vector<16xi32>,
        %swap3A_199 = arith.constant 864 : index
        %swap3A_200 = tpu.vector_load %arg6[%swap3A_199] {strides = array<i32>} : memref<1024xi32, #tpu.memory_space<vmem>>, vector<16xi32>,
        tpu.vector_store %arg6[%swap3A_199], %broadcast_in_dim3A_41 {strides = array<i32>} : memref<1024xi32, #tpu.memory_space<vmem>>, vector<16xi32>,
        %swap3A_201 = arith.constant 864 : index
        %swap3A_202 = tpu.vector_load %arg7[%swap3A_201] {strides = array<i32>} : memref<1024xi32, #tpu.memory_space<vmem>>, vector<16xi32>,
        tpu.vector_store %arg7[%swap3A_201], %broadcast_in_dim3A_43 {strides = array<i32>} : memref<1024xi32, #tpu.memory_space<vmem>>, vector<16xi32>,
        %swap3A_203 = arith.constant 880 : index
        %swap3A_204 = tpu.vector_load %arg6[%swap3A_203] {strides = array<i32>} : memref<1024xi32, #tpu.memory_space<vmem>>, vector<16xi32>,
        tpu.vector_store %arg6[%swap3A_203], %broadcast_in_dim3A_41 {strides = array<i32>} : memref<1024xi32, #tpu.memory_space<vmem>>, vector<16xi32>,
        %swap3A_205 = arith.constant 880 : index
        %swap3A_206 = tpu.vector_load %arg7[%swap3A_205] {strides = array<i32>} : memref<1024xi32, #tpu.memory_space<vmem>>, vector<16xi32>,
        tpu.vector_store %arg7[%swap3A_205], %broadcast_in_dim3A_43 {strides = array<i32>} : memref<1024xi32, #tpu.memory_space<vmem>>, vector<16xi32>,
        %swap3A_207 = arith.constant 896 : index
        %swap3A_208 = tpu.vector_load %arg6[%swap3A_207] {strides = array<i32>} : memref<1024xi32, #tpu.memory_space<vmem>>, vector<16xi32>,
        tpu.vector_store %arg6[%swap3A_207], %broadcast_in_dim3A_41 {strides = array<i32>} : memref<1024xi32, #tpu.memory_space<vmem>>, vector<16xi32>,
        %swap3A_209 = arith.constant 896 : index
        %swap3A_210 = tpu.vector_load %arg7[%swap3A_209] {strides = array<i32>} : memref<1024xi32, #tpu.memory_space<vmem>>, vector<16xi32>,
        tpu.vector_store %arg7[%swap3A_209], %broadcast_in_dim3A_43 {strides = array<i32>} : memref<1024xi32, #tpu.memory_space<vmem>>, vector<16xi32>,
        %swap3A_211 = arith.constant 912 : index
        %swap3A_212 = tpu.vector_load %arg6[%swap3A_211] {strides = array<i32>} : memref<1024xi32, #tpu.memory_space<vmem>>, vector<16xi32>,
        tpu.vector_store %arg6[%swap3A_211], %broadcast_in_dim3A_41 {strides = array<i32>} : memref<1024xi32, #tpu.memory_space<vmem>>, vector<16xi32>,
        %swap3A_213 = arith.constant 912 : index
        %swap3A_214 = tpu.vector_load %arg7[%swap3A_213] {strides = array<i32>} : memref<1024xi32, #tpu.memory_space<vmem>>, vector<16xi32>,
        tpu.vector_store %arg7[%swap3A_213], %broadcast_in_dim3A_43 {strides = array<i32>} : memref<1024xi32, #tpu.memory_space<vmem>>, vector<16xi32>,
        %swap3A_215 = arith.constant 928 : index
        %swap3A_216 = tpu.vector_load %arg6[%swap3A_215] {strides = array<i32>} : memref<1024xi32, #tpu.memory_space<vmem>>, vector<16xi32>,
        tpu.vector_store %arg6[%swap3A_215], %broadcast_in_dim3A_41 {strides = array<i32>} : memref<1024xi32, #tpu.memory_space<vmem>>, vector<16xi32>,
        %swap3A_217 = arith.constant 928 : index
        %swap3A_218 = tpu.vector_load %arg7[%swap3A_217] {strides = array<i32>} : memref<1024xi32, #tpu.memory_space<vmem>>, vector<16xi32>,
        tpu.vector_store %arg7[%swap3A_217], %broadcast_in_dim3A_43 {strides = array<i32>} : memref<1024xi32, #tpu.memory_space<vmem>>, vector<16xi32>,
        %swap3A_219 = arith.constant 944 : index
        %swap3A_220 = tpu.vector_load %arg6[%swap3A_219] {strides = array<i32>} : memref<1024xi32, #tpu.memory_space<vmem>>, vector<16xi32>,
        tpu.vector_store %arg6[%swap3A_219], %broadcast_in_dim3A_41 {strides = array<i32>} : memref<1024xi32, #tpu.memory_space<vmem>>, vector<16xi32>,
        %swap3A_221 = arith.constant 944 : index
        %swap3A_222 = tpu.vector_load %arg7[%swap3A_221] {strides = array<i32>} : memref<1024xi32, #tpu.memory_space<vmem>>, vector<16xi32>,
        tpu.vector_store %arg7[%swap3A_221], %broadcast_in_dim3A_43 {strides = array<i32>} : memref<1024xi32, #tpu.memory_space<vmem>>, vector<16xi32>,
        %swap3A_223 = arith.constant 960 : index
        %swap3A_224 = tpu.vector_load %arg6[%swap3A_223] {strides = array<i32>} : memref<1024xi32, #tpu.memory_space<vmem>>, vector<16xi32>,
        tpu.vector_store %arg6[%swap3A_223], %broadcast_in_dim3A_41 {strides = array<i32>} : memref<1024xi32, #tpu.memory_space<vmem>>, vector<16xi32>,
        %swap3A_225 = arith.constant 960 : index
        %swap3A_226 = tpu.vector_load %arg7[%swap3A_225] {strides = array<i32>} : memref<1024xi32, #tpu.memory_space<vmem>>, vector<16xi32>,
        tpu.vector_store %arg7[%swap3A_225], %broadcast_in_dim3A_43 {strides = array<i32>} : memref<1024xi32, #tpu.memory_space<vmem>>, vector<16xi32>,
        %swap3A_227 = arith.constant 976 : index
        %swap3A_228 = tpu.vector_load %arg6[%swap3A_227] {strides = array<i32>} : memref<1024xi32, #tpu.memory_space<vmem>>, vector<16xi32>,
        tpu.vector_store %arg6[%swap3A_227], %broadcast_in_dim3A_41 {strides = array<i32>} : memref<1024xi32, #tpu.memory_space<vmem>>, vector<16xi32>,
        %swap3A_229 = arith.constant 976 : index
        %swap3A_230 = tpu.vector_load %arg7[%swap3A_229] {strides = array<i32>} : memref<1024xi32, #tpu.memory_space<vmem>>, vector<16xi32>,
        tpu.vector_store %arg7[%swap3A_229], %broadcast_in_dim3A_43 {strides = array<i32>} : memref<1024xi32, #tpu.memory_space<vmem>>, vector<16xi32>,
        %swap3A_231 = arith.constant 992 : index
        %swap3A_232 = tpu.vector_load %arg6[%swap3A_231] {strides = array<i32>} : memref<1024xi32, #tpu.memory_space<vmem>>, vector<16xi32>,
        tpu.vector_store %arg6[%swap3A_231], %broadcast_in_dim3A_41 {strides = array<i32>} : memref<1024xi32, #tpu.memory_space<vmem>>, vector<16xi32>,
        %swap3A_233 = arith.constant 992 : index
        %swap3A_234 = tpu.vector_load %arg7[%swap3A_233] {strides = array<i32>} : memref<1024xi32, #tpu.memory_space<vmem>>, vector<16xi32>,
        tpu.vector_store %arg7[%swap3A_233], %broadcast_in_dim3A_43 {strides = array<i32>} : memref<1024xi32, #tpu.memory_space<vmem>>, vector<16xi32>,
        %swap3A_235 = arith.constant 1008 : index
        %swap3A_236 = tpu.vector_load %arg6[%swap3A_235] {strides = array<i32>} : memref<1024xi32, #tpu.memory_space<vmem>>, vector<16xi32>,
        tpu.vector_store %arg6[%swap3A_235], %broadcast_in_dim3A_41 {strides = array<i32>} : memref<1024xi32, #tpu.memory_space<vmem>>, vector<16xi32>,
        %swap3A_237 = arith.constant 1008 : index
        %swap3A_238 = tpu.vector_load %arg7[%swap3A_237] {strides = array<i32>} : memref<1024xi32, #tpu.memory_space<vmem>>, vector<16xi32>,
        tpu.vector_store %arg7[%swap3A_237], %broadcast_in_dim3A_43 {strides = array<i32>} : memref<1024xi32, #tpu.memory_space<vmem>>, vector<16xi32>,
        "tpu.region"() ({
          %run_scoped3A_239 = tpu.sem_alloc : memref<!tpu.dma_semaphore, #tpu.memory_space<semaphore_mem>>
          %dma_start3A_240 = arith.constant 0 : i32
          %dma_start3A_241 = tpu.memref_slice %arg6[%dma_start3A_240] : memref<1024xi32, #tpu.memory_space<vmem>> -> memref<848xi32, #tpu.memory_space<vmem>>
          %dma_start3A_242 = tpu.memref_slice %arg2[%add3A_62] : memref<800000xi32, #tpu.memory_space<hbm>> -> memref<848xi32, #tpu.memory_space<hbm>>
          %dma_start3A_243 = arith.constant 0 : i32
          %dma_start3A_244 = tpu.memref_slice %arg6[%dma_start3A_243] : memref<1024xi32, #tpu.memory_space<vmem>> -> memref<848xi32, #tpu.memory_space<vmem>>
          %dma_start3A_245 = tpu.memref_slice %arg2[%add3A_62] : memref<800000xi32, #tpu.memory_space<hbm>> -> memref<848xi32, #tpu.memory_space<hbm>>
          tpu.enqueue_dma source(%dma_start3A_245 : memref<848xi32, #tpu.memory_space<hbm>>) target(%dma_start3A_244 : memref<848xi32, #tpu.memory_space<vmem>>) target_semaphore(%run_scoped3A_239 : memref<!tpu.dma_semaphore, #tpu.memory_space<semaphore_mem>>)
          %dma_wait3A_246 = arith.constant 0 : i32
          %dma_wait3A_247 = tpu.memref_slice %arg6[%dma_wait3A_246] : memref<1024xi32, #tpu.memory_space<vmem>> -> memref<848xi32, #tpu.memory_space<vmem>>
          %dma_wait3A_248 = tpu.memref_slice %arg2[%add3A_62] : memref<800000xi32, #tpu.memory_space<hbm>> -> memref<848xi32, #tpu.memory_space<hbm>>
          %dma_wait3A_249 = arith.constant 0 : i32
          %dma_wait3A_250 = tpu.memref_slice %arg6[%dma_wait3A_249] : memref<1024xi32, #tpu.memory_space<vmem>> -> memref<848xi32, #tpu.memory_space<vmem>>
          %dma_wait3A_251 = tpu.memref_slice %arg2[%add3A_62] : memref<800000xi32, #tpu.memory_space<hbm>> -> memref<848xi32, #tpu.memory_space<hbm>>
          tpu.wait_dma2 semaphore(%run_scoped3A_239 : memref<!tpu.dma_semaphore, #tpu.memory_space<semaphore_mem>>) src(%dma_wait3A_251 : memref<848xi32, #tpu.memory_space<hbm>>) dst(%dma_wait3A_250 : memref<848xi32, #tpu.memory_space<vmem>>)
          tpu.yield
        }) : () -> ()
        "tpu.region"() ({
          %run_scoped3A_239 = tpu.sem_alloc : memref<!tpu.dma_semaphore, #tpu.memory_space<semaphore_mem>>
          %dma_start3A_240 = arith.constant 0 : i32
          %dma_start3A_241 = tpu.memref_slice %arg7[%dma_start3A_240] : memref<1024xi32, #tpu.memory_space<vmem>> -> memref<848xi32, #tpu.memory_space<vmem>>
          %dma_start3A_242 = tpu.memref_slice %arg3[%add3A_62] : memref<800000xi32, #tpu.memory_space<hbm>> -> memref<848xi32, #tpu.memory_space<hbm>>
          %dma_start3A_243 = arith.constant 0 : i32
          %dma_start3A_244 = tpu.memref_slice %arg7[%dma_start3A_243] : memref<1024xi32, #tpu.memory_space<vmem>> -> memref<848xi32, #tpu.memory_space<vmem>>
          %dma_start3A_245 = tpu.memref_slice %arg3[%add3A_62] : memref<800000xi32, #tpu.memory_space<hbm>> -> memref<848xi32, #tpu.memory_space<hbm>>
          tpu.enqueue_dma source(%dma_start3A_245 : memref<848xi32, #tpu.memory_space<hbm>>) target(%dma_start3A_244 : memref<848xi32, #tpu.memory_space<vmem>>) target_semaphore(%run_scoped3A_239 : memref<!tpu.dma_semaphore, #tpu.memory_space<semaphore_mem>>)
          %dma_wait3A_246 = arith.constant 0 : i32
          %dma_wait3A_247 = tpu.memref_slice %arg7[%dma_wait3A_246] : memref<1024xi32, #tpu.memory_space<vmem>> -> memref<848xi32, #tpu.memory_space<vmem>>
          %dma_wait3A_248 = tpu.memref_slice %arg3[%add3A_62] : memref<800000xi32, #tpu.memory_space<hbm>> -> memref<848xi32, #tpu.memory_space<hbm>>
          %dma_wait3A_249 = arith.constant 0 : i32
          %dma_wait3A_250 = tpu.memref_slice %arg7[%dma_wait3A_249] : memref<1024xi32, #tpu.memory_space<vmem>> -> memref<848xi32, #tpu.memory_space<vmem>>
          %dma_wait3A_251 = tpu.memref_slice %arg3[%add3A_62] : memref<800000xi32, #tpu.memory_space<hbm>> -> memref<848xi32, #tpu.memory_space<hbm>>
          tpu.wait_dma2 semaphore(%run_scoped3A_239 : memref<!tpu.dma_semaphore, #tpu.memory_space<semaphore_mem>>) src(%dma_wait3A_251 : memref<848xi32, #tpu.memory_space<hbm>>) dst(%dma_wait3A_250 : memref<848xi32, #tpu.memory_space<vmem>>)
          tpu.yield
        }) : () -> ()
      } else {
      }
      %scan3A_73 = arith.constant 0 : i32
      %scan3A_74 = arith.constant 0 : i32
      %scan3A_75 = arith.constant 8 : i32
      %scan3A_76 = arith.addi %scan3A_74, %scan3A_75 : i32
      %scan3A_77 = arith.constant 1 : i32
      scf.for %scan3A_196 = %scan3A_74 to %scan3A_76 step %scan3A_77  : i32 {
        %mul3A_197 = arith.constant 128 : i32
        %mul3A_198 = arith.muli %scan3A_196, %mul3A_197 : i32
        %add3A_199 = arith.constant 0 : i32
        %add3A_200 = arith.addi %mul3A_198, %add3A_199 : i32
        %multiple_of3A = tpu.assume_multiple %add3A_200, 16 : i32
        %get3A = arith.index_cast %multiple_of3A : i32 to index
        %get3A_201 = tpu.vector_load %arg6[%get3A] {strides = array<i32>} : memref<1024xi32, #tpu.memory_space<vmem>>, vector<16xi32>,
        %swap3A = arith.index_cast %scan3A_196 : i32 to index
        %swap3A_202 = arith.constant 0 : index
        %swap3A_203 = tpu.vector_load %arg8[%swap3A, %swap3A_202] {strides = array<i32>} : memref<8x128xi32, #tpu.memory_space<vmem>>, vector<16xi32>,
        tpu.vector_store %arg8[%swap3A, %swap3A_202], %get3A_201 {strides = array<i32>} : memref<8x128xi32, #tpu.memory_space<vmem>>, vector<16xi32>,
        %get3A_204 = arith.index_cast %multiple_of3A : i32 to index
        %get3A_205 = tpu.vector_load %arg7[%get3A_204] {strides = array<i32>} : memref<1024xi32, #tpu.memory_space<vmem>>, vector<16xi32>,
        %add3A_206 = vector.broadcast %mul3A_37 : i32 to vector<16xi32>
        %add3A_207 = arith.addi %get3A_205, %add3A_206 : vector<16xi32>
        %swap3A_208 = arith.index_cast %scan3A_196 : i32 to index
        %swap3A_209 = arith.constant 0 : index
        %swap3A_210 = tpu.vector_load %arg9[%swap3A_208, %swap3A_209] {strides = array<i32>} : memref<8x128xi32, #tpu.memory_space<vmem>>, vector<16xi32>,
        tpu.vector_store %arg9[%swap3A_208, %swap3A_209], %add3A_207 {strides = array<i32>} : memref<8x128xi32, #tpu.memory_space<vmem>>, vector<16xi32>,
        %mul3A_211 = arith.constant 128 : i32
        %mul3A_212 = arith.muli %scan3A_196, %mul3A_211 : i32
        %add3A_213 = arith.constant 16 : i32
        %add3A_214 = arith.addi %mul3A_212, %add3A_213 : i32
        %multiple_of3A_215 = tpu.assume_multiple %add3A_214, 16 : i32
        %get3A_216 = arith.index_cast %multiple_of3A_215 : i32 to index
        %get3A_217 = tpu.vector_load %arg6[%get3A_216] {strides = array<i32>} : memref<1024xi32, #tpu.memory_space<vmem>>, vector<16xi32>,
        %swap3A_218 = arith.index_cast %scan3A_196 : i32 to index
        %swap3A_219 = arith.constant 16 : index
        %swap3A_220 = tpu.vector_load %arg8[%swap3A_218, %swap3A_219] {strides = array<i32>} : memref<8x128xi32, #tpu.memory_space<vmem>>, vector<16xi32>,
        tpu.vector_store %arg8[%swap3A_218, %swap3A_219], %get3A_217 {strides = array<i32>} : memref<8x128xi32, #tpu.memory_space<vmem>>, vector<16xi32>,
        %get3A_221 = arith.index_cast %multiple_of3A_215 : i32 to index
        %get3A_222 = tpu.vector_load %arg7[%get3A_221] {strides = array<i32>} : memref<1024xi32, #tpu.memory_space<vmem>>, vector<16xi32>,
        %add3A_223 = vector.broadcast %mul3A_37 : i32 to vector<16xi32>
        %add3A_224 = arith.addi %get3A_222, %add3A_223 : vector<16xi32>
        %swap3A_225 = arith.index_cast %scan3A_196 : i32 to index
        %swap3A_226 = arith.constant 16 : index
        %swap3A_227 = tpu.vector_load %arg9[%swap3A_225, %swap3A_226] {strides = array<i32>} : memref<8x128xi32, #tpu.memory_space<vmem>>, vector<16xi32>,
        tpu.vector_store %arg9[%swap3A_225, %swap3A_226], %add3A_224 {strides = array<i32>} : memref<8x128xi32, #tpu.memory_space<vmem>>, vector<16xi32>,
        %mul3A_228 = arith.constant 128 : i32
        %mul3A_229 = arith.muli %scan3A_196, %mul3A_228 : i32
        %add3A_230 = arith.constant 32 : i32
        %add3A_231 = arith.addi %mul3A_229, %add3A_230 : i32
        %multiple_of3A_232 = tpu.assume_multiple %add3A_231, 16 : i32
        %get3A_233 = arith.index_cast %multiple_of3A_232 : i32 to index
        %get3A_234 = tpu.vector_load %arg6[%get3A_233] {strides = array<i32>} : memref<1024xi32, #tpu.memory_space<vmem>>, vector<16xi32>,
        %swap3A_235 = arith.index_cast %scan3A_196 : i32 to index
        %swap3A_236 = arith.constant 32 : index
        %swap3A_237 = tpu.vector_load %arg8[%swap3A_235, %swap3A_236] {strides = array<i32>} : memref<8x128xi32, #tpu.memory_space<vmem>>, vector<16xi32>,
        tpu.vector_store %arg8[%swap3A_235, %swap3A_236], %get3A_234 {strides = array<i32>} : memref<8x128xi32, #tpu.memory_space<vmem>>, vector<16xi32>,
        %get3A_238 = arith.index_cast %multiple_of3A_232 : i32 to index
        %get3A_239 = tpu.vector_load %arg7[%get3A_238] {strides = array<i32>} : memref<1024xi32, #tpu.memory_space<vmem>>, vector<16xi32>,
        %add3A_240 = vector.broadcast %mul3A_37 : i32 to vector<16xi32>
        %add3A_241 = arith.addi %get3A_239, %add3A_240 : vector<16xi32>
        %swap3A_242 = arith.index_cast %scan3A_196 : i32 to index
        %swap3A_243 = arith.constant 32 : index
        %swap3A_244 = tpu.vector_load %arg9[%swap3A_242, %swap3A_243] {strides = array<i32>} : memref<8x128xi32, #tpu.memory_space<vmem>>, vector<16xi32>,
        tpu.vector_store %arg9[%swap3A_242, %swap3A_243], %add3A_241 {strides = array<i32>} : memref<8x128xi32, #tpu.memory_space<vmem>>, vector<16xi32>,
        %mul3A_245 = arith.constant 128 : i32
        %mul3A_246 = arith.muli %scan3A_196, %mul3A_245 : i32
        %add3A_247 = arith.constant 48 : i32
        %add3A_248 = arith.addi %mul3A_246, %add3A_247 : i32
        %multiple_of3A_249 = tpu.assume_multiple %add3A_248, 16 : i32
        %get3A_250 = arith.index_cast %multiple_of3A_249 : i32 to index
        %get3A_251 = tpu.vector_load %arg6[%get3A_250] {strides = array<i32>} : memref<1024xi32, #tpu.memory_space<vmem>>, vector<16xi32>,
        %swap3A_252 = arith.index_cast %scan3A_196 : i32 to index
        %swap3A_253 = arith.constant 48 : index
        %swap3A_254 = tpu.vector_load %arg8[%swap3A_252, %swap3A_253] {strides = array<i32>} : memref<8x128xi32, #tpu.memory_space<vmem>>, vector<16xi32>,
        tpu.vector_store %arg8[%swap3A_252, %swap3A_253], %get3A_251 {strides = array<i32>} : memref<8x128xi32, #tpu.memory_space<vmem>>, vector<16xi32>,
        %get3A_255 = arith.index_cast %multiple_of3A_249 : i32 to index
        %get3A_256 = tpu.vector_load %arg7[%get3A_255] {strides = array<i32>} : memref<1024xi32, #tpu.memory_space<vmem>>, vector<16xi32>,
        %add3A_257 = vector.broadcast %mul3A_37 : i32 to vector<16xi32>
        %add3A_258 = arith.addi %get3A_256, %add3A_257 : vector<16xi32>
        %swap3A_259 = arith.index_cast %scan3A_196 : i32 to index
        %swap3A_260 = arith.constant 48 : index
        %swap3A_261 = tpu.vector_load %arg9[%swap3A_259, %swap3A_260] {strides = array<i32>} : memref<8x128xi32, #tpu.memory_space<vmem>>, vector<16xi32>,
        tpu.vector_store %arg9[%swap3A_259, %swap3A_260], %add3A_258 {strides = array<i32>} : memref<8x128xi32, #tpu.memory_space<vmem>>, vector<16xi32>,
        %mul3A_262 = arith.constant 128 : i32
        %mul3A_263 = arith.muli %scan3A_196, %mul3A_262 : i32
        %add3A_264 = arith.constant 64 : i32
        %add3A_265 = arith.addi %mul3A_263, %add3A_264 : i32
        %multiple_of3A_266 = tpu.assume_multiple %add3A_265, 16 : i32
        %get3A_267 = arith.index_cast %multiple_of3A_266 : i32 to index
        %get3A_268 = tpu.vector_load %arg6[%get3A_267] {strides = array<i32>} : memref<1024xi32, #tpu.memory_space<vmem>>, vector<16xi32>,
        %swap3A_269 = arith.index_cast %scan3A_196 : i32 to index
        %swap3A_270 = arith.constant 64 : index
        %swap3A_271 = tpu.vector_load %arg8[%swap3A_269, %swap3A_270] {strides = array<i32>} : memref<8x128xi32, #tpu.memory_space<vmem>>, vector<16xi32>,
        tpu.vector_store %arg8[%swap3A_269, %swap3A_270], %get3A_268 {strides = array<i32>} : memref<8x128xi32, #tpu.memory_space<vmem>>, vector<16xi32>,
        %get3A_272 = arith.index_cast %multiple_of3A_266 : i32 to index
        %get3A_273 = tpu.vector_load %arg7[%get3A_272] {strides = array<i32>} : memref<1024xi32, #tpu.memory_space<vmem>>, vector<16xi32>,
        %add3A_274 = vector.broadcast %mul3A_37 : i32 to vector<16xi32>
        %add3A_275 = arith.addi %get3A_273, %add3A_274 : vector<16xi32>
        %swap3A_276 = arith.index_cast %scan3A_196 : i32 to index
        %swap3A_277 = arith.constant 64 : index
        %swap3A_278 = tpu.vector_load %arg9[%swap3A_276, %swap3A_277] {strides = array<i32>} : memref<8x128xi32, #tpu.memory_space<vmem>>, vector<16xi32>,
        tpu.vector_store %arg9[%swap3A_276, %swap3A_277], %add3A_275 {strides = array<i32>} : memref<8x128xi32, #tpu.memory_space<vmem>>, vector<16xi32>,
        %mul3A_279 = arith.constant 128 : i32
        %mul3A_280 = arith.muli %scan3A_196, %mul3A_279 : i32
        %add3A_281 = arith.constant 80 : i32
        %add3A_282 = arith.addi %mul3A_280, %add3A_281 : i32
        %multiple_of3A_283 = tpu.assume_multiple %add3A_282, 16 : i32
        %get3A_284 = arith.index_cast %multiple_of3A_283 : i32 to index
        %get3A_285 = tpu.vector_load %arg6[%get3A_284] {strides = array<i32>} : memref<1024xi32, #tpu.memory_space<vmem>>, vector<16xi32>,
        %swap3A_286 = arith.index_cast %scan3A_196 : i32 to index
        %swap3A_287 = arith.constant 80 : index
        %swap3A_288 = tpu.vector_load %arg8[%swap3A_286, %swap3A_287] {strides = array<i32>} : memref<8x128xi32, #tpu.memory_space<vmem>>, vector<16xi32>,
        tpu.vector_store %arg8[%swap3A_286, %swap3A_287], %get3A_285 {strides = array<i32>} : memref<8x128xi32, #tpu.memory_space<vmem>>, vector<16xi32>,
        %get3A_289 = arith.index_cast %multiple_of3A_283 : i32 to index
        %get3A_290 = tpu.vector_load %arg7[%get3A_289] {strides = array<i32>} : memref<1024xi32, #tpu.memory_space<vmem>>, vector<16xi32>,
        %add3A_291 = vector.broadcast %mul3A_37 : i32 to vector<16xi32>
        %add3A_292 = arith.addi %get3A_290, %add3A_291 : vector<16xi32>
        %swap3A_293 = arith.index_cast %scan3A_196 : i32 to index
        %swap3A_294 = arith.constant 80 : index
        %swap3A_295 = tpu.vector_load %arg9[%swap3A_293, %swap3A_294] {strides = array<i32>} : memref<8x128xi32, #tpu.memory_space<vmem>>, vector<16xi32>,
        tpu.vector_store %arg9[%swap3A_293, %swap3A_294], %add3A_292 {strides = array<i32>} : memref<8x128xi32, #tpu.memory_space<vmem>>, vector<16xi32>,
        %mul3A_296 = arith.constant 128 : i32
        %mul3A_297 = arith.muli %scan3A_196, %mul3A_296 : i32
        %add3A_298 = arith.constant 96 : i32
        %add3A_299 = arith.addi %mul3A_297, %add3A_298 : i32
        %multiple_of3A_300 = tpu.assume_multiple %add3A_299, 16 : i32
        %get3A_301 = arith.index_cast %multiple_of3A_300 : i32 to index
        %get3A_302 = tpu.vector_load %arg6[%get3A_301] {strides = array<i32>} : memref<1024xi32, #tpu.memory_space<vmem>>, vector<16xi32>,
        %swap3A_303 = arith.index_cast %scan3A_196 : i32 to index
        %swap3A_304 = arith.constant 96 : index
        %swap3A_305 = tpu.vector_load %arg8[%swap3A_303, %swap3A_304] {strides = array<i32>} : memref<8x128xi32, #tpu.memory_space<vmem>>, vector<16xi32>,
        tpu.vector_store %arg8[%swap3A_303, %swap3A_304], %get3A_302 {strides = array<i32>} : memref<8x128xi32, #tpu.memory_space<vmem>>, vector<16xi32>,
        %get3A_306 = arith.index_cast %multiple_of3A_300 : i32 to index
        %get3A_307 = tpu.vector_load %arg7[%get3A_306] {strides = array<i32>} : memref<1024xi32, #tpu.memory_space<vmem>>, vector<16xi32>,
        %add3A_308 = vector.broadcast %mul3A_37 : i32 to vector<16xi32>
        %add3A_309 = arith.addi %get3A_307, %add3A_308 : vector<16xi32>
        %swap3A_310 = arith.index_cast %scan3A_196 : i32 to index
        %swap3A_311 = arith.constant 96 : index
        %swap3A_312 = tpu.vector_load %arg9[%swap3A_310, %swap3A_311] {strides = array<i32>} : memref<8x128xi32, #tpu.memory_space<vmem>>, vector<16xi32>,
        tpu.vector_store %arg9[%swap3A_310, %swap3A_311], %add3A_309 {strides = array<i32>} : memref<8x128xi32, #tpu.memory_space<vmem>>, vector<16xi32>,
        %mul3A_313 = arith.constant 128 : i32
        %mul3A_314 = arith.muli %scan3A_196, %mul3A_313 : i32
        %add3A_315 = arith.constant 112 : i32
        %add3A_316 = arith.addi %mul3A_314, %add3A_315 : i32
        %multiple_of3A_317 = tpu.assume_multiple %add3A_316, 16 : i32
        %get3A_318 = arith.index_cast %multiple_of3A_317 : i32 to index
        %get3A_319 = tpu.vector_load %arg6[%get3A_318] {strides = array<i32>} : memref<1024xi32, #tpu.memory_space<vmem>>, vector<16xi32>,
        %swap3A_320 = arith.index_cast %scan3A_196 : i32 to index
        %swap3A_321 = arith.constant 112 : index
        %swap3A_322 = tpu.vector_load %arg8[%swap3A_320, %swap3A_321] {strides = array<i32>} : memref<8x128xi32, #tpu.memory_space<vmem>>, vector<16xi32>,
        tpu.vector_store %arg8[%swap3A_320, %swap3A_321], %get3A_319 {strides = array<i32>} : memref<8x128xi32, #tpu.memory_space<vmem>>, vector<16xi32>,
        %get3A_323 = arith.index_cast %multiple_of3A_317 : i32 to index
        %get3A_324 = tpu.vector_load %arg7[%get3A_323] {strides = array<i32>} : memref<1024xi32, #tpu.memory_space<vmem>>, vector<16xi32>,
        %add3A_325 = vector.broadcast %mul3A_37 : i32 to vector<16xi32>
        %add3A_326 = arith.addi %get3A_324, %add3A_325 : vector<16xi32>
        %swap3A_327 = arith.index_cast %scan3A_196 : i32 to index
        %swap3A_328 = arith.constant 112 : index
        %swap3A_329 = tpu.vector_load %arg9[%swap3A_327, %swap3A_328] {strides = array<i32>} : memref<8x128xi32, #tpu.memory_space<vmem>>, vector<16xi32>,
        tpu.vector_store %arg9[%swap3A_327, %swap3A_328], %add3A_326 {strides = array<i32>} : memref<8x128xi32, #tpu.memory_space<vmem>>, vector<16xi32>,
      }
      %scan3A_78 = arith.constant 8 : i32
      %dma_start3A = arith.constant 0 : i32
      %dma_start3A_79 = arith.constant 0 : i32
      %dma_start3A_80 = tpu.memref_slice %arg9[%dma_start3A, %dma_start3A_79] : memref<8x128xi32, #tpu.memory_space<vmem>> -> memref<1x128xi32, #tpu.memory_space<vmem>>
      %dma_start3A_81 = tpu.memref_squeeze %dma_start3A_80 : memref<1x128xi32, #tpu.memory_space<vmem>> -> memref<128xi32, #tpu.memory_space<vmem>>
      %dma_start3A_82 = arith.constant 0 : i32
      %dma_start3A_83 = arith.constant 0 : i32
      %dma_start3A_84 = tpu.memref_slice %arg4[%dma_start3A_82, %dma_start3A_83] : memref<100000x32xf32, #tpu.memory_space<hbm>> -> memref<100000x32xf32, #tpu.memory_space<hbm>>
      tpu.enqueue_indirect_dma source(%dma_start3A_84 : memref<100000x32xf32, #tpu.memory_space<hbm>>) target(%arg10 : memref<128x32xf32, #tpu.memory_space<vmem>>) offsets(%dma_start3A_81 : memref<128xi32, #tpu.memory_space<vmem>>) semaphore(%arg13 : memref<!tpu.dma_semaphore, #tpu.memory_space<semaphore_mem>>)
      %dma_wait3A = arith.constant 0 : i32
      %dma_wait3A_85 = arith.constant 0 : i32
      %dma_wait3A_86 = tpu.memref_slice %arg9[%dma_wait3A, %dma_wait3A_85] : memref<8x128xi32, #tpu.memory_space<vmem>> -> memref<1x128xi32, #tpu.memory_space<vmem>>
      %dma_wait3A_87 = tpu.memref_squeeze %dma_wait3A_86 : memref<1x128xi32, #tpu.memory_space<vmem>> -> memref<128xi32, #tpu.memory_space<vmem>>
      %dma_wait3A_88 = arith.constant 0 : i32
      %dma_wait3A_89 = arith.constant 0 : i32
      %dma_wait3A_90 = tpu.memref_slice %arg4[%dma_wait3A_88, %dma_wait3A_89] : memref<100000x32xf32, #tpu.memory_space<hbm>> -> memref<100000x32xf32, #tpu.memory_space<hbm>>
      tpu.wait_indirect_dma semaphore(%arg13 : memref<!tpu.dma_semaphore, #tpu.memory_space<semaphore_mem>>) src(%dma_wait3A_90 : memref<100000x32xf32, #tpu.memory_space<hbm>>) dst(%arg10 : memref<128x32xf32, #tpu.memory_space<vmem>>)
      %run_scoped3A = arith.constant 0 : i32
      "tpu.region"() ({
        %run_scoped3A_196 = tpu.sem_alloc : memref<!tpu.dma_semaphore, #tpu.memory_space<semaphore_mem>>
        %dma_start3A_197 = arith.constant 0 : i32
        %dma_start3A_198 = tpu.memref_slice %arg8[%run_scoped3A, %dma_start3A_197] : memref<8x128xi32, #tpu.memory_space<vmem>> -> memref<1x128xi32, #tpu.memory_space<vmem>>
        %dma_start3A_199 = tpu.memref_squeeze %dma_start3A_198 : memref<1x128xi32, #tpu.memory_space<vmem>> -> memref<128xi32, #tpu.memory_space<vmem>>
        %dma_start3A_200 = arith.constant 0 : i32
        %dma_start3A_201 = arith.constant 0 : i32
        %dma_start3A_202 = tpu.memref_slice %arg12[%dma_start3A_200, %dma_start3A_201] : memref<50048x32xf32, #tpu.memory_space<vmem_shared>> -> memref<50048x32xf32, #tpu.memory_space<vmem_shared>>
        tpu.enqueue_indirect_dma source(%arg10 : memref<128x32xf32, #tpu.memory_space<vmem>>) target(%dma_start3A_202 : memref<50048x32xf32, #tpu.memory_space<vmem_shared>>) offsets(%dma_start3A_199 : memref<128xi32, #tpu.memory_space<vmem>>) semaphore(%run_scoped3A_196 : memref<!tpu.dma_semaphore, #tpu.memory_space<semaphore_mem>>) {add = true}
        %dma_wait3A_203 = arith.constant 0 : i32
        %dma_wait3A_204 = tpu.memref_slice %arg8[%run_scoped3A, %dma_wait3A_203] : memref<8x128xi32, #tpu.memory_space<vmem>> -> memref<1x128xi32, #tpu.memory_space<vmem>>
        %dma_wait3A_205 = tpu.memref_squeeze %dma_wait3A_204 : memref<1x128xi32, #tpu.memory_space<vmem>> -> memref<128xi32, #tpu.memory_space<vmem>>
        %dma_wait3A_206 = arith.constant 0 : i32
        %dma_wait3A_207 = arith.constant 0 : i32
        %dma_wait3A_208 = tpu.memref_slice %arg12[%dma_wait3A_206, %dma_wait3A_207] : memref<50048x32xf32, #tpu.memory_space<vmem_shared>> -> memref<50048x32xf32, #tpu.memory_space<vmem_shared>>
        tpu.wait_indirect_dma semaphore(%run_scoped3A_196 : memref<!tpu.dma_semaphore, #tpu.memory_space<semaphore_mem>>) src(%arg10 : memref<128x32xf32, #tpu.memory_space<vmem>>) dst(%dma_wait3A_208 : memref<50048x32xf32, #tpu.memory_space<vmem_shared>>)
        tpu.yield
      }) : () -> ()
      %dma_start3A_91 = arith.constant 1 : i32
      %dma_start3A_92 = arith.constant 0 : i32
      %dma_start3A_93 = tpu.memref_slice %arg9[%dma_start3A_91, %dma_start3A_92] : memref<8x128xi32, #tpu.memory_space<vmem>> -> memref<1x128xi32, #tpu.memory_space<vmem>>
      %dma_start3A_94 = tpu.memref_squeeze %dma_start3A_93 : memref<1x128xi32, #tpu.memory_space<vmem>> -> memref<128xi32, #tpu.memory_space<vmem>>
      %dma_start3A_95 = arith.constant 0 : i32
      %dma_start3A_96 = arith.constant 0 : i32
      %dma_start3A_97 = tpu.memref_slice %arg4[%dma_start3A_95, %dma_start3A_96] : memref<100000x32xf32, #tpu.memory_space<hbm>> -> memref<100000x32xf32, #tpu.memory_space<hbm>>
      tpu.enqueue_indirect_dma source(%dma_start3A_97 : memref<100000x32xf32, #tpu.memory_space<hbm>>) target(%arg10 : memref<128x32xf32, #tpu.memory_space<vmem>>) offsets(%dma_start3A_94 : memref<128xi32, #tpu.memory_space<vmem>>) semaphore(%arg13 : memref<!tpu.dma_semaphore, #tpu.memory_space<semaphore_mem>>)
      %dma_wait3A_98 = arith.constant 1 : i32
      %dma_wait3A_99 = arith.constant 0 : i32
      %dma_wait3A_100 = tpu.memref_slice %arg9[%dma_wait3A_98, %dma_wait3A_99] : memref<8x128xi32, #tpu.memory_space<vmem>> -> memref<1x128xi32, #tpu.memory_space<vmem>>
      %dma_wait3A_101 = tpu.memref_squeeze %dma_wait3A_100 : memref<1x128xi32, #tpu.memory_space<vmem>> -> memref<128xi32, #tpu.memory_space<vmem>>
      %dma_wait3A_102 = arith.constant 0 : i32
      %dma_wait3A_103 = arith.constant 0 : i32
      %dma_wait3A_104 = tpu.memref_slice %arg4[%dma_wait3A_102, %dma_wait3A_103] : memref<100000x32xf32, #tpu.memory_space<hbm>> -> memref<100000x32xf32, #tpu.memory_space<hbm>>
      tpu.wait_indirect_dma semaphore(%arg13 : memref<!tpu.dma_semaphore, #tpu.memory_space<semaphore_mem>>) src(%dma_wait3A_104 : memref<100000x32xf32, #tpu.memory_space<hbm>>) dst(%arg10 : memref<128x32xf32, #tpu.memory_space<vmem>>)
      %run_scoped3A_105 = arith.constant 1 : i32
      "tpu.region"() ({
        %run_scoped3A_196 = tpu.sem_alloc : memref<!tpu.dma_semaphore, #tpu.memory_space<semaphore_mem>>
        %dma_start3A_197 = arith.constant 0 : i32
        %dma_start3A_198 = tpu.memref_slice %arg8[%run_scoped3A_105, %dma_start3A_197] : memref<8x128xi32, #tpu.memory_space<vmem>> -> memref<1x128xi32, #tpu.memory_space<vmem>>
        %dma_start3A_199 = tpu.memref_squeeze %dma_start3A_198 : memref<1x128xi32, #tpu.memory_space<vmem>> -> memref<128xi32, #tpu.memory_space<vmem>>
        %dma_start3A_200 = arith.constant 0 : i32
        %dma_start3A_201 = arith.constant 0 : i32
        %dma_start3A_202 = tpu.memref_slice %arg12[%dma_start3A_200, %dma_start3A_201] : memref<50048x32xf32, #tpu.memory_space<vmem_shared>> -> memref<50048x32xf32, #tpu.memory_space<vmem_shared>>
        tpu.enqueue_indirect_dma source(%arg10 : memref<128x32xf32, #tpu.memory_space<vmem>>) target(%dma_start3A_202 : memref<50048x32xf32, #tpu.memory_space<vmem_shared>>) offsets(%dma_start3A_199 : memref<128xi32, #tpu.memory_space<vmem>>) semaphore(%run_scoped3A_196 : memref<!tpu.dma_semaphore, #tpu.memory_space<semaphore_mem>>) {add = true}
        %dma_wait3A_203 = arith.constant 0 : i32
        %dma_wait3A_204 = tpu.memref_slice %arg8[%run_scoped3A_105, %dma_wait3A_203] : memref<8x128xi32, #tpu.memory_space<vmem>> -> memref<1x128xi32, #tpu.memory_space<vmem>>
        %dma_wait3A_205 = tpu.memref_squeeze %dma_wait3A_204 : memref<1x128xi32, #tpu.memory_space<vmem>> -> memref<128xi32, #tpu.memory_space<vmem>>
        %dma_wait3A_206 = arith.constant 0 : i32
        %dma_wait3A_207 = arith.constant 0 : i32
        %dma_wait3A_208 = tpu.memref_slice %arg12[%dma_wait3A_206, %dma_wait3A_207] : memref<50048x32xf32, #tpu.memory_space<vmem_shared>> -> memref<50048x32xf32, #tpu.memory_space<vmem_shared>>
        tpu.wait_indirect_dma semaphore(%run_scoped3A_196 : memref<!tpu.dma_semaphore, #tpu.memory_space<semaphore_mem>>) src(%arg10 : memref<128x32xf32, #tpu.memory_space<vmem>>) dst(%dma_wait3A_208 : memref<50048x32xf32, #tpu.memory_space<vmem_shared>>)
        tpu.yield
      }) : () -> ()
      %dma_start3A_106 = arith.constant 2 : i32
      %dma_start3A_107 = arith.constant 0 : i32
      %dma_start3A_108 = tpu.memref_slice %arg9[%dma_start3A_106, %dma_start3A_107] : memref<8x128xi32, #tpu.memory_space<vmem>> -> memref<1x128xi32, #tpu.memory_space<vmem>>
      %dma_start3A_109 = tpu.memref_squeeze %dma_start3A_108 : memref<1x128xi32, #tpu.memory_space<vmem>> -> memref<128xi32, #tpu.memory_space<vmem>>
      %dma_start3A_110 = arith.constant 0 : i32
      %dma_start3A_111 = arith.constant 0 : i32
      %dma_start3A_112 = tpu.memref_slice %arg4[%dma_start3A_110, %dma_start3A_111] : memref<100000x32xf32, #tpu.memory_space<hbm>> -> memref<100000x32xf32, #tpu.memory_space<hbm>>
      tpu.enqueue_indirect_dma source(%dma_start3A_112 : memref<100000x32xf32, #tpu.memory_space<hbm>>) target(%arg10 : memref<128x32xf32, #tpu.memory_space<vmem>>) offsets(%dma_start3A_109 : memref<128xi32, #tpu.memory_space<vmem>>) semaphore(%arg13 : memref<!tpu.dma_semaphore, #tpu.memory_space<semaphore_mem>>)
      %dma_wait3A_113 = arith.constant 2 : i32
      %dma_wait3A_114 = arith.constant 0 : i32
      %dma_wait3A_115 = tpu.memref_slice %arg9[%dma_wait3A_113, %dma_wait3A_114] : memref<8x128xi32, #tpu.memory_space<vmem>> -> memref<1x128xi32, #tpu.memory_space<vmem>>
      %dma_wait3A_116 = tpu.memref_squeeze %dma_wait3A_115 : memref<1x128xi32, #tpu.memory_space<vmem>> -> memref<128xi32, #tpu.memory_space<vmem>>
      %dma_wait3A_117 = arith.constant 0 : i32
      %dma_wait3A_118 = arith.constant 0 : i32
      %dma_wait3A_119 = tpu.memref_slice %arg4[%dma_wait3A_117, %dma_wait3A_118] : memref<100000x32xf32, #tpu.memory_space<hbm>> -> memref<100000x32xf32, #tpu.memory_space<hbm>>
      tpu.wait_indirect_dma semaphore(%arg13 : memref<!tpu.dma_semaphore, #tpu.memory_space<semaphore_mem>>) src(%dma_wait3A_119 : memref<100000x32xf32, #tpu.memory_space<hbm>>) dst(%arg10 : memref<128x32xf32, #tpu.memory_space<vmem>>)
      %run_scoped3A_120 = arith.constant 2 : i32
      "tpu.region"() ({
        %run_scoped3A_196 = tpu.sem_alloc : memref<!tpu.dma_semaphore, #tpu.memory_space<semaphore_mem>>
        %dma_start3A_197 = arith.constant 0 : i32
        %dma_start3A_198 = tpu.memref_slice %arg8[%run_scoped3A_120, %dma_start3A_197] : memref<8x128xi32, #tpu.memory_space<vmem>> -> memref<1x128xi32, #tpu.memory_space<vmem>>
        %dma_start3A_199 = tpu.memref_squeeze %dma_start3A_198 : memref<1x128xi32, #tpu.memory_space<vmem>> -> memref<128xi32, #tpu.memory_space<vmem>>
        %dma_start3A_200 = arith.constant 0 : i32
        %dma_start3A_201 = arith.constant 0 : i32
        %dma_start3A_202 = tpu.memref_slice %arg12[%dma_start3A_200, %dma_start3A_201] : memref<50048x32xf32, #tpu.memory_space<vmem_shared>> -> memref<50048x32xf32, #tpu.memory_space<vmem_shared>>
        tpu.enqueue_indirect_dma source(%arg10 : memref<128x32xf32, #tpu.memory_space<vmem>>) target(%dma_start3A_202 : memref<50048x32xf32, #tpu.memory_space<vmem_shared>>) offsets(%dma_start3A_199 : memref<128xi32, #tpu.memory_space<vmem>>) semaphore(%run_scoped3A_196 : memref<!tpu.dma_semaphore, #tpu.memory_space<semaphore_mem>>) {add = true}
        %dma_wait3A_203 = arith.constant 0 : i32
        %dma_wait3A_204 = tpu.memref_slice %arg8[%run_scoped3A_120, %dma_wait3A_203] : memref<8x128xi32, #tpu.memory_space<vmem>> -> memref<1x128xi32, #tpu.memory_space<vmem>>
        %dma_wait3A_205 = tpu.memref_squeeze %dma_wait3A_204 : memref<1x128xi32, #tpu.memory_space<vmem>> -> memref<128xi32, #tpu.memory_space<vmem>>
        %dma_wait3A_206 = arith.constant 0 : i32
        %dma_wait3A_207 = arith.constant 0 : i32
        %dma_wait3A_208 = tpu.memref_slice %arg12[%dma_wait3A_206, %dma_wait3A_207] : memref<50048x32xf32, #tpu.memory_space<vmem_shared>> -> memref<50048x32xf32, #tpu.memory_space<vmem_shared>>
        tpu.wait_indirect_dma semaphore(%run_scoped3A_196 : memref<!tpu.dma_semaphore, #tpu.memory_space<semaphore_mem>>) src(%arg10 : memref<128x32xf32, #tpu.memory_space<vmem>>) dst(%dma_wait3A_208 : memref<50048x32xf32, #tpu.memory_space<vmem_shared>>)
        tpu.yield
      }) : () -> ()
      %dma_start3A_121 = arith.constant 3 : i32
      %dma_start3A_122 = arith.constant 0 : i32
      %dma_start3A_123 = tpu.memref_slice %arg9[%dma_start3A_121, %dma_start3A_122] : memref<8x128xi32, #tpu.memory_space<vmem>> -> memref<1x128xi32, #tpu.memory_space<vmem>>
      %dma_start3A_124 = tpu.memref_squeeze %dma_start3A_123 : memref<1x128xi32, #tpu.memory_space<vmem>> -> memref<128xi32, #tpu.memory_space<vmem>>
      %dma_start3A_125 = arith.constant 0 : i32
      %dma_start3A_126 = arith.constant 0 : i32
      %dma_start3A_127 = tpu.memref_slice %arg4[%dma_start3A_125, %dma_start3A_126] : memref<100000x32xf32, #tpu.memory_space<hbm>> -> memref<100000x32xf32, #tpu.memory_space<hbm>>
      tpu.enqueue_indirect_dma source(%dma_start3A_127 : memref<100000x32xf32, #tpu.memory_space<hbm>>) target(%arg10 : memref<128x32xf32, #tpu.memory_space<vmem>>) offsets(%dma_start3A_124 : memref<128xi32, #tpu.memory_space<vmem>>) semaphore(%arg13 : memref<!tpu.dma_semaphore, #tpu.memory_space<semaphore_mem>>)
      %dma_wait3A_128 = arith.constant 3 : i32
      %dma_wait3A_129 = arith.constant 0 : i32
      %dma_wait3A_130 = tpu.memref_slice %arg9[%dma_wait3A_128, %dma_wait3A_129] : memref<8x128xi32, #tpu.memory_space<vmem>> -> memref<1x128xi32, #tpu.memory_space<vmem>>
      %dma_wait3A_131 = tpu.memref_squeeze %dma_wait3A_130 : memref<1x128xi32, #tpu.memory_space<vmem>> -> memref<128xi32, #tpu.memory_space<vmem>>
      %dma_wait3A_132 = arith.constant 0 : i32
      %dma_wait3A_133 = arith.constant 0 : i32
      %dma_wait3A_134 = tpu.memref_slice %arg4[%dma_wait3A_132, %dma_wait3A_133] : memref<100000x32xf32, #tpu.memory_space<hbm>> -> memref<100000x32xf32, #tpu.memory_space<hbm>>
      tpu.wait_indirect_dma semaphore(%arg13 : memref<!tpu.dma_semaphore, #tpu.memory_space<semaphore_mem>>) src(%dma_wait3A_134 : memref<100000x32xf32, #tpu.memory_space<hbm>>) dst(%arg10 : memref<128x32xf32, #tpu.memory_space<vmem>>)
      %run_scoped3A_135 = arith.constant 3 : i32
      "tpu.region"() ({
        %run_scoped3A_196 = tpu.sem_alloc : memref<!tpu.dma_semaphore, #tpu.memory_space<semaphore_mem>>
        %dma_start3A_197 = arith.constant 0 : i32
        %dma_start3A_198 = tpu.memref_slice %arg8[%run_scoped3A_135, %dma_start3A_197] : memref<8x128xi32, #tpu.memory_space<vmem>> -> memref<1x128xi32, #tpu.memory_space<vmem>>
        %dma_start3A_199 = tpu.memref_squeeze %dma_start3A_198 : memref<1x128xi32, #tpu.memory_space<vmem>> -> memref<128xi32, #tpu.memory_space<vmem>>
        %dma_start3A_200 = arith.constant 0 : i32
        %dma_start3A_201 = arith.constant 0 : i32
        %dma_start3A_202 = tpu.memref_slice %arg12[%dma_start3A_200, %dma_start3A_201] : memref<50048x32xf32, #tpu.memory_space<vmem_shared>> -> memref<50048x32xf32, #tpu.memory_space<vmem_shared>>
        tpu.enqueue_indirect_dma source(%arg10 : memref<128x32xf32, #tpu.memory_space<vmem>>) target(%dma_start3A_202 : memref<50048x32xf32, #tpu.memory_space<vmem_shared>>) offsets(%dma_start3A_199 : memref<128xi32, #tpu.memory_space<vmem>>) semaphore(%run_scoped3A_196 : memref<!tpu.dma_semaphore, #tpu.memory_space<semaphore_mem>>) {add = true}
        %dma_wait3A_203 = arith.constant 0 : i32
        %dma_wait3A_204 = tpu.memref_slice %arg8[%run_scoped3A_135, %dma_wait3A_203] : memref<8x128xi32, #tpu.memory_space<vmem>> -> memref<1x128xi32, #tpu.memory_space<vmem>>
        %dma_wait3A_205 = tpu.memref_squeeze %dma_wait3A_204 : memref<1x128xi32, #tpu.memory_space<vmem>> -> memref<128xi32, #tpu.memory_space<vmem>>
        %dma_wait3A_206 = arith.constant 0 : i32
        %dma_wait3A_207 = arith.constant 0 : i32
        %dma_wait3A_208 = tpu.memref_slice %arg12[%dma_wait3A_206, %dma_wait3A_207] : memref<50048x32xf32, #tpu.memory_space<vmem_shared>> -> memref<50048x32xf32, #tpu.memory_space<vmem_shared>>
        tpu.wait_indirect_dma semaphore(%run_scoped3A_196 : memref<!tpu.dma_semaphore, #tpu.memory_space<semaphore_mem>>) src(%arg10 : memref<128x32xf32, #tpu.memory_space<vmem>>) dst(%dma_wait3A_208 : memref<50048x32xf32, #tpu.memory_space<vmem_shared>>)
        tpu.yield
      }) : () -> ()
      %dma_start3A_136 = arith.constant 4 : i32
      %dma_start3A_137 = arith.constant 0 : i32
      %dma_start3A_138 = tpu.memref_slice %arg9[%dma_start3A_136, %dma_start3A_137] : memref<8x128xi32, #tpu.memory_space<vmem>> -> memref<1x128xi32, #tpu.memory_space<vmem>>
      %dma_start3A_139 = tpu.memref_squeeze %dma_start3A_138 : memref<1x128xi32, #tpu.memory_space<vmem>> -> memref<128xi32, #tpu.memory_space<vmem>>
      %dma_start3A_140 = arith.constant 0 : i32
      %dma_start3A_141 = arith.constant 0 : i32
      %dma_start3A_142 = tpu.memref_slice %arg4[%dma_start3A_140, %dma_start3A_141] : memref<100000x32xf32, #tpu.memory_space<hbm>> -> memref<100000x32xf32, #tpu.memory_space<hbm>>
      tpu.enqueue_indirect_dma source(%dma_start3A_142 : memref<100000x32xf32, #tpu.memory_space<hbm>>) target(%arg10 : memref<128x32xf32, #tpu.memory_space<vmem>>) offsets(%dma_start3A_139 : memref<128xi32, #tpu.memory_space<vmem>>) semaphore(%arg13 : memref<!tpu.dma_semaphore, #tpu.memory_space<semaphore_mem>>)
      %dma_wait3A_143 = arith.constant 4 : i32
      %dma_wait3A_144 = arith.constant 0 : i32
      %dma_wait3A_145 = tpu.memref_slice %arg9[%dma_wait3A_143, %dma_wait3A_144] : memref<8x128xi32, #tpu.memory_space<vmem>> -> memref<1x128xi32, #tpu.memory_space<vmem>>
      %dma_wait3A_146 = tpu.memref_squeeze %dma_wait3A_145 : memref<1x128xi32, #tpu.memory_space<vmem>> -> memref<128xi32, #tpu.memory_space<vmem>>
      %dma_wait3A_147 = arith.constant 0 : i32
      %dma_wait3A_148 = arith.constant 0 : i32
      %dma_wait3A_149 = tpu.memref_slice %arg4[%dma_wait3A_147, %dma_wait3A_148] : memref<100000x32xf32, #tpu.memory_space<hbm>> -> memref<100000x32xf32, #tpu.memory_space<hbm>>
      tpu.wait_indirect_dma semaphore(%arg13 : memref<!tpu.dma_semaphore, #tpu.memory_space<semaphore_mem>>) src(%dma_wait3A_149 : memref<100000x32xf32, #tpu.memory_space<hbm>>) dst(%arg10 : memref<128x32xf32, #tpu.memory_space<vmem>>)
      %run_scoped3A_150 = arith.constant 4 : i32
      "tpu.region"() ({
        %run_scoped3A_196 = tpu.sem_alloc : memref<!tpu.dma_semaphore, #tpu.memory_space<semaphore_mem>>
        %dma_start3A_197 = arith.constant 0 : i32
        %dma_start3A_198 = tpu.memref_slice %arg8[%run_scoped3A_150, %dma_start3A_197] : memref<8x128xi32, #tpu.memory_space<vmem>> -> memref<1x128xi32, #tpu.memory_space<vmem>>
        %dma_start3A_199 = tpu.memref_squeeze %dma_start3A_198 : memref<1x128xi32, #tpu.memory_space<vmem>> -> memref<128xi32, #tpu.memory_space<vmem>>
        %dma_start3A_200 = arith.constant 0 : i32
        %dma_start3A_201 = arith.constant 0 : i32
        %dma_start3A_202 = tpu.memref_slice %arg12[%dma_start3A_200, %dma_start3A_201] : memref<50048x32xf32, #tpu.memory_space<vmem_shared>> -> memref<50048x32xf32, #tpu.memory_space<vmem_shared>>
        tpu.enqueue_indirect_dma source(%arg10 : memref<128x32xf32, #tpu.memory_space<vmem>>) target(%dma_start3A_202 : memref<50048x32xf32, #tpu.memory_space<vmem_shared>>) offsets(%dma_start3A_199 : memref<128xi32, #tpu.memory_space<vmem>>) semaphore(%run_scoped3A_196 : memref<!tpu.dma_semaphore, #tpu.memory_space<semaphore_mem>>) {add = true}
        %dma_wait3A_203 = arith.constant 0 : i32
        %dma_wait3A_204 = tpu.memref_slice %arg8[%run_scoped3A_150, %dma_wait3A_203] : memref<8x128xi32, #tpu.memory_space<vmem>> -> memref<1x128xi32, #tpu.memory_space<vmem>>
        %dma_wait3A_205 = tpu.memref_squeeze %dma_wait3A_204 : memref<1x128xi32, #tpu.memory_space<vmem>> -> memref<128xi32, #tpu.memory_space<vmem>>
        %dma_wait3A_206 = arith.constant 0 : i32
        %dma_wait3A_207 = arith.constant 0 : i32
        %dma_wait3A_208 = tpu.memref_slice %arg12[%dma_wait3A_206, %dma_wait3A_207] : memref<50048x32xf32, #tpu.memory_space<vmem_shared>> -> memref<50048x32xf32, #tpu.memory_space<vmem_shared>>
        tpu.wait_indirect_dma semaphore(%run_scoped3A_196 : memref<!tpu.dma_semaphore, #tpu.memory_space<semaphore_mem>>) src(%arg10 : memref<128x32xf32, #tpu.memory_space<vmem>>) dst(%dma_wait3A_208 : memref<50048x32xf32, #tpu.memory_space<vmem_shared>>)
        tpu.yield
      }) : () -> ()
      %dma_start3A_151 = arith.constant 5 : i32
      %dma_start3A_152 = arith.constant 0 : i32
      %dma_start3A_153 = tpu.memref_slice %arg9[%dma_start3A_151, %dma_start3A_152] : memref<8x128xi32, #tpu.memory_space<vmem>> -> memref<1x128xi32, #tpu.memory_space<vmem>>
      %dma_start3A_154 = tpu.memref_squeeze %dma_start3A_153 : memref<1x128xi32, #tpu.memory_space<vmem>> -> memref<128xi32, #tpu.memory_space<vmem>>
      %dma_start3A_155 = arith.constant 0 : i32
      %dma_start3A_156 = arith.constant 0 : i32
      %dma_start3A_157 = tpu.memref_slice %arg4[%dma_start3A_155, %dma_start3A_156] : memref<100000x32xf32, #tpu.memory_space<hbm>> -> memref<100000x32xf32, #tpu.memory_space<hbm>>
      tpu.enqueue_indirect_dma source(%dma_start3A_157 : memref<100000x32xf32, #tpu.memory_space<hbm>>) target(%arg10 : memref<128x32xf32, #tpu.memory_space<vmem>>) offsets(%dma_start3A_154 : memref<128xi32, #tpu.memory_space<vmem>>) semaphore(%arg13 : memref<!tpu.dma_semaphore, #tpu.memory_space<semaphore_mem>>)
      %dma_wait3A_158 = arith.constant 5 : i32
      %dma_wait3A_159 = arith.constant 0 : i32
      %dma_wait3A_160 = tpu.memref_slice %arg9[%dma_wait3A_158, %dma_wait3A_159] : memref<8x128xi32, #tpu.memory_space<vmem>> -> memref<1x128xi32, #tpu.memory_space<vmem>>
      %dma_wait3A_161 = tpu.memref_squeeze %dma_wait3A_160 : memref<1x128xi32, #tpu.memory_space<vmem>> -> memref<128xi32, #tpu.memory_space<vmem>>
      %dma_wait3A_162 = arith.constant 0 : i32
      %dma_wait3A_163 = arith.constant 0 : i32
      %dma_wait3A_164 = tpu.memref_slice %arg4[%dma_wait3A_162, %dma_wait3A_163] : memref<100000x32xf32, #tpu.memory_space<hbm>> -> memref<100000x32xf32, #tpu.memory_space<hbm>>
      tpu.wait_indirect_dma semaphore(%arg13 : memref<!tpu.dma_semaphore, #tpu.memory_space<semaphore_mem>>) src(%dma_wait3A_164 : memref<100000x32xf32, #tpu.memory_space<hbm>>) dst(%arg10 : memref<128x32xf32, #tpu.memory_space<vmem>>)
      %run_scoped3A_165 = arith.constant 5 : i32
      "tpu.region"() ({
        %run_scoped3A_196 = tpu.sem_alloc : memref<!tpu.dma_semaphore, #tpu.memory_space<semaphore_mem>>
        %dma_start3A_197 = arith.constant 0 : i32
        %dma_start3A_198 = tpu.memref_slice %arg8[%run_scoped3A_165, %dma_start3A_197] : memref<8x128xi32, #tpu.memory_space<vmem>> -> memref<1x128xi32, #tpu.memory_space<vmem>>
        %dma_start3A_199 = tpu.memref_squeeze %dma_start3A_198 : memref<1x128xi32, #tpu.memory_space<vmem>> -> memref<128xi32, #tpu.memory_space<vmem>>
        %dma_start3A_200 = arith.constant 0 : i32
        %dma_start3A_201 = arith.constant 0 : i32
        %dma_start3A_202 = tpu.memref_slice %arg12[%dma_start3A_200, %dma_start3A_201] : memref<50048x32xf32, #tpu.memory_space<vmem_shared>> -> memref<50048x32xf32, #tpu.memory_space<vmem_shared>>
        tpu.enqueue_indirect_dma source(%arg10 : memref<128x32xf32, #tpu.memory_space<vmem>>) target(%dma_start3A_202 : memref<50048x32xf32, #tpu.memory_space<vmem_shared>>) offsets(%dma_start3A_199 : memref<128xi32, #tpu.memory_space<vmem>>) semaphore(%run_scoped3A_196 : memref<!tpu.dma_semaphore, #tpu.memory_space<semaphore_mem>>) {add = true}
        %dma_wait3A_203 = arith.constant 0 : i32
        %dma_wait3A_204 = tpu.memref_slice %arg8[%run_scoped3A_165, %dma_wait3A_203] : memref<8x128xi32, #tpu.memory_space<vmem>> -> memref<1x128xi32, #tpu.memory_space<vmem>>
        %dma_wait3A_205 = tpu.memref_squeeze %dma_wait3A_204 : memref<1x128xi32, #tpu.memory_space<vmem>> -> memref<128xi32, #tpu.memory_space<vmem>>
        %dma_wait3A_206 = arith.constant 0 : i32
        %dma_wait3A_207 = arith.constant 0 : i32
        %dma_wait3A_208 = tpu.memref_slice %arg12[%dma_wait3A_206, %dma_wait3A_207] : memref<50048x32xf32, #tpu.memory_space<vmem_shared>> -> memref<50048x32xf32, #tpu.memory_space<vmem_shared>>
        tpu.wait_indirect_dma semaphore(%run_scoped3A_196 : memref<!tpu.dma_semaphore, #tpu.memory_space<semaphore_mem>>) src(%arg10 : memref<128x32xf32, #tpu.memory_space<vmem>>) dst(%dma_wait3A_208 : memref<50048x32xf32, #tpu.memory_space<vmem_shared>>)
        tpu.yield
      }) : () -> ()
      %dma_start3A_166 = arith.constant 6 : i32
      %dma_start3A_167 = arith.constant 0 : i32
      %dma_start3A_168 = tpu.memref_slice %arg9[%dma_start3A_166, %dma_start3A_167] : memref<8x128xi32, #tpu.memory_space<vmem>> -> memref<1x128xi32, #tpu.memory_space<vmem>>
      %dma_start3A_169 = tpu.memref_squeeze %dma_start3A_168 : memref<1x128xi32, #tpu.memory_space<vmem>> -> memref<128xi32, #tpu.memory_space<vmem>>
      %dma_start3A_170 = arith.constant 0 : i32
      %dma_start3A_171 = arith.constant 0 : i32
      %dma_start3A_172 = tpu.memref_slice %arg4[%dma_start3A_170, %dma_start3A_171] : memref<100000x32xf32, #tpu.memory_space<hbm>> -> memref<100000x32xf32, #tpu.memory_space<hbm>>
      tpu.enqueue_indirect_dma source(%dma_start3A_172 : memref<100000x32xf32, #tpu.memory_space<hbm>>) target(%arg10 : memref<128x32xf32, #tpu.memory_space<vmem>>) offsets(%dma_start3A_169 : memref<128xi32, #tpu.memory_space<vmem>>) semaphore(%arg13 : memref<!tpu.dma_semaphore, #tpu.memory_space<semaphore_mem>>)
      %dma_wait3A_173 = arith.constant 6 : i32
      %dma_wait3A_174 = arith.constant 0 : i32
      %dma_wait3A_175 = tpu.memref_slice %arg9[%dma_wait3A_173, %dma_wait3A_174] : memref<8x128xi32, #tpu.memory_space<vmem>> -> memref<1x128xi32, #tpu.memory_space<vmem>>
      %dma_wait3A_176 = tpu.memref_squeeze %dma_wait3A_175 : memref<1x128xi32, #tpu.memory_space<vmem>> -> memref<128xi32, #tpu.memory_space<vmem>>
      %dma_wait3A_177 = arith.constant 0 : i32
      %dma_wait3A_178 = arith.constant 0 : i32
      %dma_wait3A_179 = tpu.memref_slice %arg4[%dma_wait3A_177, %dma_wait3A_178] : memref<100000x32xf32, #tpu.memory_space<hbm>> -> memref<100000x32xf32, #tpu.memory_space<hbm>>
      tpu.wait_indirect_dma semaphore(%arg13 : memref<!tpu.dma_semaphore, #tpu.memory_space<semaphore_mem>>) src(%dma_wait3A_179 : memref<100000x32xf32, #tpu.memory_space<hbm>>) dst(%arg10 : memref<128x32xf32, #tpu.memory_space<vmem>>)
      %run_scoped3A_180 = arith.constant 6 : i32
      "tpu.region"() ({
        %run_scoped3A_196 = tpu.sem_alloc : memref<!tpu.dma_semaphore, #tpu.memory_space<semaphore_mem>>
        %dma_start3A_197 = arith.constant 0 : i32
        %dma_start3A_198 = tpu.memref_slice %arg8[%run_scoped3A_180, %dma_start3A_197] : memref<8x128xi32, #tpu.memory_space<vmem>> -> memref<1x128xi32, #tpu.memory_space<vmem>>
        %dma_start3A_199 = tpu.memref_squeeze %dma_start3A_198 : memref<1x128xi32, #tpu.memory_space<vmem>> -> memref<128xi32, #tpu.memory_space<vmem>>
        %dma_start3A_200 = arith.constant 0 : i32
        %dma_start3A_201 = arith.constant 0 : i32
        %dma_start3A_202 = tpu.memref_slice %arg12[%dma_start3A_200, %dma_start3A_201] : memref<50048x32xf32, #tpu.memory_space<vmem_shared>> -> memref<50048x32xf32, #tpu.memory_space<vmem_shared>>
        tpu.enqueue_indirect_dma source(%arg10 : memref<128x32xf32, #tpu.memory_space<vmem>>) target(%dma_start3A_202 : memref<50048x32xf32, #tpu.memory_space<vmem_shared>>) offsets(%dma_start3A_199 : memref<128xi32, #tpu.memory_space<vmem>>) semaphore(%run_scoped3A_196 : memref<!tpu.dma_semaphore, #tpu.memory_space<semaphore_mem>>) {add = true}
        %dma_wait3A_203 = arith.constant 0 : i32
        %dma_wait3A_204 = tpu.memref_slice %arg8[%run_scoped3A_180, %dma_wait3A_203] : memref<8x128xi32, #tpu.memory_space<vmem>> -> memref<1x128xi32, #tpu.memory_space<vmem>>
        %dma_wait3A_205 = tpu.memref_squeeze %dma_wait3A_204 : memref<1x128xi32, #tpu.memory_space<vmem>> -> memref<128xi32, #tpu.memory_space<vmem>>
        %dma_wait3A_206 = arith.constant 0 : i32
        %dma_wait3A_207 = arith.constant 0 : i32
        %dma_wait3A_208 = tpu.memref_slice %arg12[%dma_wait3A_206, %dma_wait3A_207] : memref<50048x32xf32, #tpu.memory_space<vmem_shared>> -> memref<50048x32xf32, #tpu.memory_space<vmem_shared>>
        tpu.wait_indirect_dma semaphore(%run_scoped3A_196 : memref<!tpu.dma_semaphore, #tpu.memory_space<semaphore_mem>>) src(%arg10 : memref<128x32xf32, #tpu.memory_space<vmem>>) dst(%dma_wait3A_208 : memref<50048x32xf32, #tpu.memory_space<vmem_shared>>)
        tpu.yield
      }) : () -> ()
      %dma_start3A_181 = arith.constant 7 : i32
      %dma_start3A_182 = arith.constant 0 : i32
      %dma_start3A_183 = tpu.memref_slice %arg9[%dma_start3A_181, %dma_start3A_182] : memref<8x128xi32, #tpu.memory_space<vmem>> -> memref<1x128xi32, #tpu.memory_space<vmem>>
      %dma_start3A_184 = tpu.memref_squeeze %dma_start3A_183 : memref<1x128xi32, #tpu.memory_space<vmem>> -> memref<128xi32, #tpu.memory_space<vmem>>
      %dma_start3A_185 = arith.constant 0 : i32
      %dma_start3A_186 = arith.constant 0 : i32
      %dma_start3A_187 = tpu.memref_slice %arg4[%dma_start3A_185, %dma_start3A_186] : memref<100000x32xf32, #tpu.memory_space<hbm>> -> memref<100000x32xf32, #tpu.memory_space<hbm>>
      tpu.enqueue_indirect_dma source(%dma_start3A_187 : memref<100000x32xf32, #tpu.memory_space<hbm>>) target(%arg10 : memref<128x32xf32, #tpu.memory_space<vmem>>) offsets(%dma_start3A_184 : memref<128xi32, #tpu.memory_space<vmem>>) semaphore(%arg13 : memref<!tpu.dma_semaphore, #tpu.memory_space<semaphore_mem>>)
      %dma_wait3A_188 = arith.constant 7 : i32
      %dma_wait3A_189 = arith.constant 0 : i32
      %dma_wait3A_190 = tpu.memref_slice %arg9[%dma_wait3A_188, %dma_wait3A_189] : memref<8x128xi32, #tpu.memory_space<vmem>> -> memref<1x128xi32, #tpu.memory_space<vmem>>
      %dma_wait3A_191 = tpu.memref_squeeze %dma_wait3A_190 : memref<1x128xi32, #tpu.memory_space<vmem>> -> memref<128xi32, #tpu.memory_space<vmem>>
      %dma_wait3A_192 = arith.constant 0 : i32
      %dma_wait3A_193 = arith.constant 0 : i32
      %dma_wait3A_194 = tpu.memref_slice %arg4[%dma_wait3A_192, %dma_wait3A_193] : memref<100000x32xf32, #tpu.memory_space<hbm>> -> memref<100000x32xf32, #tpu.memory_space<hbm>>
      tpu.wait_indirect_dma semaphore(%arg13 : memref<!tpu.dma_semaphore, #tpu.memory_space<semaphore_mem>>) src(%dma_wait3A_194 : memref<100000x32xf32, #tpu.memory_space<hbm>>) dst(%arg10 : memref<128x32xf32, #tpu.memory_space<vmem>>)
      %run_scoped3A_195 = arith.constant 7 : i32
      "tpu.region"() ({
        %run_scoped3A_196 = tpu.sem_alloc : memref<!tpu.dma_semaphore, #tpu.memory_space<semaphore_mem>>
        %dma_start3A_197 = arith.constant 0 : i32
        %dma_start3A_198 = tpu.memref_slice %arg8[%run_scoped3A_195, %dma_start3A_197] : memref<8x128xi32, #tpu.memory_space<vmem>> -> memref<1x128xi32, #tpu.memory_space<vmem>>
        %dma_start3A_199 = tpu.memref_squeeze %dma_start3A_198 : memref<1x128xi32, #tpu.memory_space<vmem>> -> memref<128xi32, #tpu.memory_space<vmem>>
        %dma_start3A_200 = arith.constant 0 : i32
        %dma_start3A_201 = arith.constant 0 : i32
        %dma_start3A_202 = tpu.memref_slice %arg12[%dma_start3A_200, %dma_start3A_201] : memref<50048x32xf32, #tpu.memory_space<vmem_shared>> -> memref<50048x32xf32, #tpu.memory_space<vmem_shared>>
        tpu.enqueue_indirect_dma source(%arg10 : memref<128x32xf32, #tpu.memory_space<vmem>>) target(%dma_start3A_202 : memref<50048x32xf32, #tpu.memory_space<vmem_shared>>) offsets(%dma_start3A_199 : memref<128xi32, #tpu.memory_space<vmem>>) semaphore(%run_scoped3A_196 : memref<!tpu.dma_semaphore, #tpu.memory_space<semaphore_mem>>) {add = true}
        %dma_wait3A_203 = arith.constant 0 : i32
        %dma_wait3A_204 = tpu.memref_slice %arg8[%run_scoped3A_195, %dma_wait3A_203] : memref<8x128xi32, #tpu.memory_space<vmem>> -> memref<1x128xi32, #tpu.memory_space<vmem>>
        %dma_wait3A_205 = tpu.memref_squeeze %dma_wait3A_204 : memref<1x128xi32, #tpu.memory_space<vmem>> -> memref<128xi32, #tpu.memory_space<vmem>>
        %dma_wait3A_206 = arith.constant 0 : i32
        %dma_wait3A_207 = arith.constant 0 : i32
        %dma_wait3A_208 = tpu.memref_slice %arg12[%dma_wait3A_206, %dma_wait3A_207] : memref<50048x32xf32, #tpu.memory_space<vmem_shared>> -> memref<50048x32xf32, #tpu.memory_space<vmem_shared>>
        tpu.wait_indirect_dma semaphore(%run_scoped3A_196 : memref<!tpu.dma_semaphore, #tpu.memory_space<semaphore_mem>>) src(%arg10 : memref<128x32xf32, #tpu.memory_space<vmem>>) dst(%dma_wait3A_208 : memref<50048x32xf32, #tpu.memory_space<vmem_shared>>)
        tpu.yield
      }) : () -> ()
    }
    %scan3A_49 = arith.constant 49 : i32
    %barrier3A_50 = arith.constant 0 : index
    tpu.barrier barrier_id(%barrier3A_50)
    %mul3A_51 = arith.constant 3128 : i32
    %mul3A_52 = arith.muli %arg1, %mul3A_51 : i32
    %lt3A = arith.constant 15 : i32
    %lt3A_53 = arith.cmpi slt, %arg1, %lt3A : i32
    %convert_element_type3A = arith.extui %lt3A_53 : i1 to i32
    %cond3A = arith.constant 0 : i32
    %cond3A_54 = arith.cmpi ne, %convert_element_type3A, %cond3A : i32
    scf.if %cond3A_54 {
      %mul3A_59 = arith.constant 50000 : i32
      %mul3A_60 = arith.muli %arg0, %mul3A_59 : i32
      %add3A_61 = arith.addi %mul3A_60, %mul3A_52 : i32
      "tpu.region"() ({
        %run_scoped3A = tpu.sem_alloc : memref<!tpu.dma_semaphore, #tpu.memory_space<semaphore_mem>>
        %dma_start3A = arith.constant 0 : i32
        %dma_start3A_62 = tpu.memref_slice %arg5[%add3A_61, %dma_start3A] : memref<100000x32xf32, #tpu.memory_space<hbm>> -> memref<3128x32xf32, #tpu.memory_space<hbm>>
        %dma_start3A_63 = arith.constant 0 : i32
        %dma_start3A_64 = tpu.memref_slice %arg12[%mul3A_52, %dma_start3A_63] : memref<50048x32xf32, #tpu.memory_space<vmem_shared>> -> memref<3128x32xf32, #tpu.memory_space<vmem_shared>>
        tpu.enqueue_dma source(%dma_start3A_64 : memref<3128x32xf32, #tpu.memory_space<vmem_shared>>) target(%dma_start3A_62 : memref<3128x32xf32, #tpu.memory_space<hbm>>) target_semaphore(%run_scoped3A : memref<!tpu.dma_semaphore, #tpu.memory_space<semaphore_mem>>)
        %dma_wait3A = arith.constant 0 : i32
        %dma_wait3A_65 = tpu.memref_slice %arg5[%add3A_61, %dma_wait3A] : memref<100000x32xf32, #tpu.memory_space<hbm>> -> memref<3128x32xf32, #tpu.memory_space<hbm>>
        %dma_wait3A_66 = arith.constant 0 : i32
        %dma_wait3A_67 = tpu.memref_slice %arg12[%mul3A_52, %dma_wait3A_66] : memref<50048x32xf32, #tpu.memory_space<vmem_shared>> -> memref<3128x32xf32, #tpu.memory_space<vmem_shared>>
        tpu.wait_dma2 semaphore(%run_scoped3A : memref<!tpu.dma_semaphore, #tpu.memory_space<semaphore_mem>>) src(%dma_wait3A_67 : memref<3128x32xf32, #tpu.memory_space<vmem_shared>>) dst(%dma_wait3A_65 : memref<3128x32xf32, #tpu.memory_space<hbm>>)
        tpu.yield
      }) : () -> ()
    } else {
    }
    %eq3A = arith.constant 15 : i32
    %eq3A_55 = arith.cmpi eq, %arg1, %eq3A : i32
    %convert_element_type3A_56 = arith.extui %eq3A_55 : i1 to i32
    %cond3A_57 = arith.constant 0 : i32
    %cond3A_58 = arith.cmpi ne, %convert_element_type3A_56, %cond3A_57 : i32
    scf.if %cond3A_58 {
      %mul3A_59 = arith.constant 50000 : i32
      %mul3A_60 = arith.muli %arg0, %mul3A_59 : i32
      %add3A_61 = arith.addi %mul3A_60, %mul3A_52 : i32
      "tpu.region"() ({
        %run_scoped3A = tpu.sem_alloc : memref<!tpu.dma_semaphore, #tpu.memory_space<semaphore_mem>>
        %dma_start3A = arith.constant 0 : i32
        %dma_start3A_62 = tpu.memref_slice %arg5[%add3A_61, %dma_start3A] : memref<100000x32xf32, #tpu.memory_space<hbm>> -> memref<3080x32xf32, #tpu.memory_space<hbm>>
        %dma_start3A_63 = arith.constant 0 : i32
        %dma_start3A_64 = tpu.memref_slice %arg12[%mul3A_52, %dma_start3A_63] : memref<50048x32xf32, #tpu.memory_space<vmem_shared>> -> memref<3080x32xf32, #tpu.memory_space<vmem_shared>>
        tpu.enqueue_dma source(%dma_start3A_64 : memref<3080x32xf32, #tpu.memory_space<vmem_shared>>) target(%dma_start3A_62 : memref<3080x32xf32, #tpu.memory_space<hbm>>) target_semaphore(%run_scoped3A : memref<!tpu.dma_semaphore, #tpu.memory_space<semaphore_mem>>)
        %dma_wait3A = arith.constant 0 : i32
        %dma_wait3A_65 = tpu.memref_slice %arg5[%add3A_61, %dma_wait3A] : memref<100000x32xf32, #tpu.memory_space<hbm>> -> memref<3080x32xf32, #tpu.memory_space<hbm>>
        %dma_wait3A_66 = arith.constant 0 : i32
        %dma_wait3A_67 = tpu.memref_slice %arg12[%mul3A_52, %dma_wait3A_66] : memref<50048x32xf32, #tpu.memory_space<vmem_shared>> -> memref<3080x32xf32, #tpu.memory_space<vmem_shared>>
        tpu.wait_dma2 semaphore(%run_scoped3A : memref<!tpu.dma_semaphore, #tpu.memory_space<semaphore_mem>>) src(%dma_wait3A_67 : memref<3080x32xf32, #tpu.memory_space<vmem_shared>>) dst(%dma_wait3A_65 : memref<3080x32xf32, #tpu.memory_space<hbm>>)
        tpu.yield
      }) : () -> ()
    } else {
    }
    return
  }
}

#map = affine_map<(d0, d1) -> (0)>
#map1 = affine_map<(d0, d1) -> (0, 0)>
module attributes {stable_mosaic.version = 14 : i64} {
  func.func @_spmm_body(%arg0: i32, %arg1: i32, %arg2: memref<800000xi32, #tpu.memory_space<hbm>>, %arg3: memref<800000xi32, #tpu.memory_space<hbm>>, %arg4: memref<100000x32xf32, #tpu.memory_space<hbm>>, %arg5: memref<100000x32xf32, #tpu.memory_space<hbm>>, %arg6: memref<1024xi32, #tpu.memory_space<vmem>>, %arg7: memref<1024xi32, #tpu.memory_space<vmem>>, %arg8: memref<8x128xi32, #tpu.memory_space<vmem>>, %arg9: memref<8x128xi32, #tpu.memory_space<vmem>>, %arg10: memref<128x32xf32, #tpu.memory_space<vmem>>, %arg11: memref<391x32xf32, #tpu.memory_space<vmem>>, %arg12: memref<50048x32xf32, #tpu.memory_space<vmem_shared>>, %arg13: memref<!tpu.dma_semaphore, #tpu.memory_space<semaphore_mem>>) attributes {dimension_semantics = [#tpu.dimension_semantics<core_parallel>, #tpu.dimension_semantics<subcore_parallel>], iteration_bounds = array<i64: 2, 16>, scalar_prefetch = 0 : i64, scratch_operands = 8 : i64, tpu.core_type = #tpu.core_type<sc_vector_subcore>, window_params = [{transform_indices = #map}, {transform_indices = #map}, {transform_indices = #map1}, {transform_indices = #map1}]} {
    %broadcast_in_dim3A = arith.constant 0.000000e+00 : f32
    %broadcast_in_dim3A_0 = vector.broadcast %broadcast_in_dim3A : f32 to vector<16xf32>
    %scan3A = arith.constant 0 : i32
    %scan3A_1 = arith.constant 0 : i32
    %scan3A_2 = arith.constant 391 : i32
    %scan3A_3 = arith.addi %scan3A_1, %scan3A_2 : i32
    %scan3A_4 = arith.constant 1 : i32
    scf.for %scan3A_59 = %scan3A_1 to %scan3A_3 step %scan3A_4  : i32 {
      %swap3A = arith.index_cast %scan3A_59 : i32 to index
      %swap3A_60 = arith.constant 0 : index
      %swap3A_61 = tpu.vector_load %arg11[%swap3A, %swap3A_60] {strides = array<i32>} : memref<391x32xf32, #tpu.memory_space<vmem>>, vector<16xf32>,
      tpu.vector_store %arg11[%swap3A, %swap3A_60], %broadcast_in_dim3A_0 {strides = array<i32>} : memref<391x32xf32, #tpu.memory_space<vmem>>, vector<16xf32>,
      %swap3A_62 = arith.index_cast %scan3A_59 : i32 to index
      %swap3A_63 = arith.constant 16 : index
      %swap3A_64 = tpu.vector_load %arg11[%swap3A_62, %swap3A_63] {strides = array<i32>} : memref<391x32xf32, #tpu.memory_space<vmem>>, vector<16xf32>,
      tpu.vector_store %arg11[%swap3A_62, %swap3A_63], %broadcast_in_dim3A_0 {strides = array<i32>} : memref<391x32xf32, #tpu.memory_space<vmem>>, vector<16xf32>,
    }
    %scan3A_5 = arith.constant 391 : i32
    %mul3A = arith.constant 3128 : i32
    %mul3A_6 = arith.muli %arg1, %mul3A : i32
    %add3A = arith.constant 0 : i32
    %add3A_7 = arith.addi %mul3A_6, %add3A : i32
    "tpu.region"() ({
      %run_scoped3A = tpu.sem_alloc : memref<!tpu.dma_semaphore, #tpu.memory_space<semaphore_mem>>
      %dma_start3A = arith.constant 0 : i32
      %dma_start3A_59 = tpu.memref_slice %arg12[%add3A_7, %dma_start3A] : memref<50048x32xf32, #tpu.memory_space<vmem_shared>> -> memref<391x32xf32, #tpu.memory_space<vmem_shared>>
      %dma_start3A_60 = arith.constant 0 : i32
      %dma_start3A_61 = tpu.memref_slice %arg12[%add3A_7, %dma_start3A_60] : memref<50048x32xf32, #tpu.memory_space<vmem_shared>> -> memref<391x32xf32, #tpu.memory_space<vmem_shared>>
      tpu.enqueue_dma source(%arg11 : memref<391x32xf32, #tpu.memory_space<vmem>>) target(%dma_start3A_61 : memref<391x32xf32, #tpu.memory_space<vmem_shared>>) target_semaphore(%run_scoped3A : memref<!tpu.dma_semaphore, #tpu.memory_space<semaphore_mem>>)
      %dma_wait3A = arith.constant 0 : i32
      %dma_wait3A_62 = tpu.memref_slice %arg12[%add3A_7, %dma_wait3A] : memref<50048x32xf32, #tpu.memory_space<vmem_shared>> -> memref<391x32xf32, #tpu.memory_space<vmem_shared>>
      %dma_wait3A_63 = arith.constant 0 : i32
      %dma_wait3A_64 = tpu.memref_slice %arg12[%add3A_7, %dma_wait3A_63] : memref<50048x32xf32, #tpu.memory_space<vmem_shared>> -> memref<391x32xf32, #tpu.memory_space<vmem_shared>>
      tpu.wait_dma2 semaphore(%run_scoped3A : memref<!tpu.dma_semaphore, #tpu.memory_space<semaphore_mem>>) src(%arg11 : memref<391x32xf32, #tpu.memory_space<vmem>>) dst(%dma_wait3A_64 : memref<391x32xf32, #tpu.memory_space<vmem_shared>>)
      tpu.yield
    }) : () -> ()
    %mul3A_8 = arith.constant 3128 : i32
    %mul3A_9 = arith.muli %arg1, %mul3A_8 : i32
    %add3A_10 = arith.constant 391 : i32
    %add3A_11 = arith.addi %mul3A_9, %add3A_10 : i32
    "tpu.region"() ({
      %run_scoped3A = tpu.sem_alloc : memref<!tpu.dma_semaphore, #tpu.memory_space<semaphore_mem>>
      %dma_start3A = arith.constant 0 : i32
      %dma_start3A_59 = tpu.memref_slice %arg12[%add3A_11, %dma_start3A] : memref<50048x32xf32, #tpu.memory_space<vmem_shared>> -> memref<391x32xf32, #tpu.memory_space<vmem_shared>>
      %dma_start3A_60 = arith.constant 0 : i32
      %dma_start3A_61 = tpu.memref_slice %arg12[%add3A_11, %dma_start3A_60] : memref<50048x32xf32, #tpu.memory_space<vmem_shared>> -> memref<391x32xf32, #tpu.memory_space<vmem_shared>>
      tpu.enqueue_dma source(%arg11 : memref<391x32xf32, #tpu.memory_space<vmem>>) target(%dma_start3A_61 : memref<391x32xf32, #tpu.memory_space<vmem_shared>>) target_semaphore(%run_scoped3A : memref<!tpu.dma_semaphore, #tpu.memory_space<semaphore_mem>>)
      %dma_wait3A = arith.constant 0 : i32
      %dma_wait3A_62 = tpu.memref_slice %arg12[%add3A_11, %dma_wait3A] : memref<50048x32xf32, #tpu.memory_space<vmem_shared>> -> memref<391x32xf32, #tpu.memory_space<vmem_shared>>
      %dma_wait3A_63 = arith.constant 0 : i32
      %dma_wait3A_64 = tpu.memref_slice %arg12[%add3A_11, %dma_wait3A_63] : memref<50048x32xf32, #tpu.memory_space<vmem_shared>> -> memref<391x32xf32, #tpu.memory_space<vmem_shared>>
      tpu.wait_dma2 semaphore(%run_scoped3A : memref<!tpu.dma_semaphore, #tpu.memory_space<semaphore_mem>>) src(%arg11 : memref<391x32xf32, #tpu.memory_space<vmem>>) dst(%dma_wait3A_64 : memref<391x32xf32, #tpu.memory_space<vmem_shared>>)
      tpu.yield
    }) : () -> ()
    %mul3A_12 = arith.constant 3128 : i32
    %mul3A_13 = arith.muli %arg1, %mul3A_12 : i32
    %add3A_14 = arith.constant 782 : i32
    %add3A_15 = arith.addi %mul3A_13, %add3A_14 : i32
    "tpu.region"() ({
      %run_scoped3A = tpu.sem_alloc : memref<!tpu.dma_semaphore, #tpu.memory_space<semaphore_mem>>
      %dma_start3A = arith.constant 0 : i32
      %dma_start3A_59 = tpu.memref_slice %arg12[%add3A_15, %dma_start3A] : memref<50048x32xf32, #tpu.memory_space<vmem_shared>> -> memref<391x32xf32, #tpu.memory_space<vmem_shared>>
      %dma_start3A_60 = arith.constant 0 : i32
      %dma_start3A_61 = tpu.memref_slice %arg12[%add3A_15, %dma_start3A_60] : memref<50048x32xf32, #tpu.memory_space<vmem_shared>> -> memref<391x32xf32, #tpu.memory_space<vmem_shared>>
      tpu.enqueue_dma source(%arg11 : memref<391x32xf32, #tpu.memory_space<vmem>>) target(%dma_start3A_61 : memref<391x32xf32, #tpu.memory_space<vmem_shared>>) target_semaphore(%run_scoped3A : memref<!tpu.dma_semaphore, #tpu.memory_space<semaphore_mem>>)
      %dma_wait3A = arith.constant 0 : i32
      %dma_wait3A_62 = tpu.memref_slice %arg12[%add3A_15, %dma_wait3A] : memref<50048x32xf32, #tpu.memory_space<vmem_shared>> -> memref<391x32xf32, #tpu.memory_space<vmem_shared>>
      %dma_wait3A_63 = arith.constant 0 : i32
      %dma_wait3A_64 = tpu.memref_slice %arg12[%add3A_15, %dma_wait3A_63] : memref<50048x32xf32, #tpu.memory_space<vmem_shared>> -> memref<391x32xf32, #tpu.memory_space<vmem_shared>>
      tpu.wait_dma2 semaphore(%run_scoped3A : memref<!tpu.dma_semaphore, #tpu.memory_space<semaphore_mem>>) src(%arg11 : memref<391x32xf32, #tpu.memory_space<vmem>>) dst(%dma_wait3A_64 : memref<391x32xf32, #tpu.memory_space<vmem_shared>>)
      tpu.yield
    }) : () -> ()
    %mul3A_16 = arith.constant 3128 : i32
    %mul3A_17 = arith.muli %arg1, %mul3A_16 : i32
    %add3A_18 = arith.constant 1173 : i32
    %add3A_19 = arith.addi %mul3A_17, %add3A_18 : i32
    "tpu.region"() ({
      %run_scoped3A = tpu.sem_alloc : memref<!tpu.dma_semaphore, #tpu.memory_space<semaphore_mem>>
      %dma_start3A = arith.constant 0 : i32
      %dma_start3A_59 = tpu.memref_slice %arg12[%add3A_19, %dma_start3A] : memref<50048x32xf32, #tpu.memory_space<vmem_shared>> -> memref<391x32xf32, #tpu.memory_space<vmem_shared>>
      %dma_start3A_60 = arith.constant 0 : i32
      %dma_start3A_61 = tpu.memref_slice %arg12[%add3A_19, %dma_start3A_60] : memref<50048x32xf32, #tpu.memory_space<vmem_shared>> -> memref<391x32xf32, #tpu.memory_space<vmem_shared>>
      tpu.enqueue_dma source(%arg11 : memref<391x32xf32, #tpu.memory_space<vmem>>) target(%dma_start3A_61 : memref<391x32xf32, #tpu.memory_space<vmem_shared>>) target_semaphore(%run_scoped3A : memref<!tpu.dma_semaphore, #tpu.memory_space<semaphore_mem>>)
      %dma_wait3A = arith.constant 0 : i32
      %dma_wait3A_62 = tpu.memref_slice %arg12[%add3A_19, %dma_wait3A] : memref<50048x32xf32, #tpu.memory_space<vmem_shared>> -> memref<391x32xf32, #tpu.memory_space<vmem_shared>>
      %dma_wait3A_63 = arith.constant 0 : i32
      %dma_wait3A_64 = tpu.memref_slice %arg12[%add3A_19, %dma_wait3A_63] : memref<50048x32xf32, #tpu.memory_space<vmem_shared>> -> memref<391x32xf32, #tpu.memory_space<vmem_shared>>
      tpu.wait_dma2 semaphore(%run_scoped3A : memref<!tpu.dma_semaphore, #tpu.memory_space<semaphore_mem>>) src(%arg11 : memref<391x32xf32, #tpu.memory_space<vmem>>) dst(%dma_wait3A_64 : memref<391x32xf32, #tpu.memory_space<vmem_shared>>)
      tpu.yield
    }) : () -> ()
    %mul3A_20 = arith.constant 3128 : i32
    %mul3A_21 = arith.muli %arg1, %mul3A_20 : i32
    %add3A_22 = arith.constant 1564 : i32
    %add3A_23 = arith.addi %mul3A_21, %add3A_22 : i32
    "tpu.region"() ({
      %run_scoped3A = tpu.sem_alloc : memref<!tpu.dma_semaphore, #tpu.memory_space<semaphore_mem>>
      %dma_start3A = arith.constant 0 : i32
      %dma_start3A_59 = tpu.memref_slice %arg12[%add3A_23, %dma_start3A] : memref<50048x32xf32, #tpu.memory_space<vmem_shared>> -> memref<391x32xf32, #tpu.memory_space<vmem_shared>>
      %dma_start3A_60 = arith.constant 0 : i32
      %dma_start3A_61 = tpu.memref_slice %arg12[%add3A_23, %dma_start3A_60] : memref<50048x32xf32, #tpu.memory_space<vmem_shared>> -> memref<391x32xf32, #tpu.memory_space<vmem_shared>>
      tpu.enqueue_dma source(%arg11 : memref<391x32xf32, #tpu.memory_space<vmem>>) target(%dma_start3A_61 : memref<391x32xf32, #tpu.memory_space<vmem_shared>>) target_semaphore(%run_scoped3A : memref<!tpu.dma_semaphore, #tpu.memory_space<semaphore_mem>>)
      %dma_wait3A = arith.constant 0 : i32
      %dma_wait3A_62 = tpu.memref_slice %arg12[%add3A_23, %dma_wait3A] : memref<50048x32xf32, #tpu.memory_space<vmem_shared>> -> memref<391x32xf32, #tpu.memory_space<vmem_shared>>
      %dma_wait3A_63 = arith.constant 0 : i32
      %dma_wait3A_64 = tpu.memref_slice %arg12[%add3A_23, %dma_wait3A_63] : memref<50048x32xf32, #tpu.memory_space<vmem_shared>> -> memref<391x32xf32, #tpu.memory_space<vmem_shared>>
      tpu.wait_dma2 semaphore(%run_scoped3A : memref<!tpu.dma_semaphore, #tpu.memory_space<semaphore_mem>>) src(%arg11 : memref<391x32xf32, #tpu.memory_space<vmem>>) dst(%dma_wait3A_64 : memref<391x32xf32, #tpu.memory_space<vmem_shared>>)
      tpu.yield
    }) : () -> ()
    %mul3A_24 = arith.constant 3128 : i32
    %mul3A_25 = arith.muli %arg1, %mul3A_24 : i32
    %add3A_26 = arith.constant 1955 : i32
    %add3A_27 = arith.addi %mul3A_25, %add3A_26 : i32
    "tpu.region"() ({
      %run_scoped3A = tpu.sem_alloc : memref<!tpu.dma_semaphore, #tpu.memory_space<semaphore_mem>>
      %dma_start3A = arith.constant 0 : i32
      %dma_start3A_59 = tpu.memref_slice %arg12[%add3A_27, %dma_start3A] : memref<50048x32xf32, #tpu.memory_space<vmem_shared>> -> memref<391x32xf32, #tpu.memory_space<vmem_shared>>
      %dma_start3A_60 = arith.constant 0 : i32
      %dma_start3A_61 = tpu.memref_slice %arg12[%add3A_27, %dma_start3A_60] : memref<50048x32xf32, #tpu.memory_space<vmem_shared>> -> memref<391x32xf32, #tpu.memory_space<vmem_shared>>
      tpu.enqueue_dma source(%arg11 : memref<391x32xf32, #tpu.memory_space<vmem>>) target(%dma_start3A_61 : memref<391x32xf32, #tpu.memory_space<vmem_shared>>) target_semaphore(%run_scoped3A : memref<!tpu.dma_semaphore, #tpu.memory_space<semaphore_mem>>)
      %dma_wait3A = arith.constant 0 : i32
      %dma_wait3A_62 = tpu.memref_slice %arg12[%add3A_27, %dma_wait3A] : memref<50048x32xf32, #tpu.memory_space<vmem_shared>> -> memref<391x32xf32, #tpu.memory_space<vmem_shared>>
      %dma_wait3A_63 = arith.constant 0 : i32
      %dma_wait3A_64 = tpu.memref_slice %arg12[%add3A_27, %dma_wait3A_63] : memref<50048x32xf32, #tpu.memory_space<vmem_shared>> -> memref<391x32xf32, #tpu.memory_space<vmem_shared>>
      tpu.wait_dma2 semaphore(%run_scoped3A : memref<!tpu.dma_semaphore, #tpu.memory_space<semaphore_mem>>) src(%arg11 : memref<391x32xf32, #tpu.memory_space<vmem>>) dst(%dma_wait3A_64 : memref<391x32xf32, #tpu.memory_space<vmem_shared>>)
      tpu.yield
    }) : () -> ()
    %mul3A_28 = arith.constant 3128 : i32
    %mul3A_29 = arith.muli %arg1, %mul3A_28 : i32
    %add3A_30 = arith.constant 2346 : i32
    %add3A_31 = arith.addi %mul3A_29, %add3A_30 : i32
    "tpu.region"() ({
      %run_scoped3A = tpu.sem_alloc : memref<!tpu.dma_semaphore, #tpu.memory_space<semaphore_mem>>
      %dma_start3A = arith.constant 0 : i32
      %dma_start3A_59 = tpu.memref_slice %arg12[%add3A_31, %dma_start3A] : memref<50048x32xf32, #tpu.memory_space<vmem_shared>> -> memref<391x32xf32, #tpu.memory_space<vmem_shared>>
      %dma_start3A_60 = arith.constant 0 : i32
      %dma_start3A_61 = tpu.memref_slice %arg12[%add3A_31, %dma_start3A_60] : memref<50048x32xf32, #tpu.memory_space<vmem_shared>> -> memref<391x32xf32, #tpu.memory_space<vmem_shared>>
      tpu.enqueue_dma source(%arg11 : memref<391x32xf32, #tpu.memory_space<vmem>>) target(%dma_start3A_61 : memref<391x32xf32, #tpu.memory_space<vmem_shared>>) target_semaphore(%run_scoped3A : memref<!tpu.dma_semaphore, #tpu.memory_space<semaphore_mem>>)
      %dma_wait3A = arith.constant 0 : i32
      %dma_wait3A_62 = tpu.memref_slice %arg12[%add3A_31, %dma_wait3A] : memref<50048x32xf32, #tpu.memory_space<vmem_shared>> -> memref<391x32xf32, #tpu.memory_space<vmem_shared>>
      %dma_wait3A_63 = arith.constant 0 : i32
      %dma_wait3A_64 = tpu.memref_slice %arg12[%add3A_31, %dma_wait3A_63] : memref<50048x32xf32, #tpu.memory_space<vmem_shared>> -> memref<391x32xf32, #tpu.memory_space<vmem_shared>>
      tpu.wait_dma2 semaphore(%run_scoped3A : memref<!tpu.dma_semaphore, #tpu.memory_space<semaphore_mem>>) src(%arg11 : memref<391x32xf32, #tpu.memory_space<vmem>>) dst(%dma_wait3A_64 : memref<391x32xf32, #tpu.memory_space<vmem_shared>>)
      tpu.yield
    }) : () -> ()
    %mul3A_32 = arith.constant 3128 : i32
    %mul3A_33 = arith.muli %arg1, %mul3A_32 : i32
    %add3A_34 = arith.constant 2737 : i32
    %add3A_35 = arith.addi %mul3A_33, %add3A_34 : i32
    "tpu.region"() ({
      %run_scoped3A = tpu.sem_alloc : memref<!tpu.dma_semaphore, #tpu.memory_space<semaphore_mem>>
      %dma_start3A = arith.constant 0 : i32
      %dma_start3A_59 = tpu.memref_slice %arg12[%add3A_35, %dma_start3A] : memref<50048x32xf32, #tpu.memory_space<vmem_shared>> -> memref<391x32xf32, #tpu.memory_space<vmem_shared>>
      %dma_start3A_60 = arith.constant 0 : i32
      %dma_start3A_61 = tpu.memref_slice %arg12[%add3A_35, %dma_start3A_60] : memref<50048x32xf32, #tpu.memory_space<vmem_shared>> -> memref<391x32xf32, #tpu.memory_space<vmem_shared>>
      tpu.enqueue_dma source(%arg11 : memref<391x32xf32, #tpu.memory_space<vmem>>) target(%dma_start3A_61 : memref<391x32xf32, #tpu.memory_space<vmem_shared>>) target_semaphore(%run_scoped3A : memref<!tpu.dma_semaphore, #tpu.memory_space<semaphore_mem>>)
      %dma_wait3A = arith.constant 0 : i32
      %dma_wait3A_62 = tpu.memref_slice %arg12[%add3A_35, %dma_wait3A] : memref<50048x32xf32, #tpu.memory_space<vmem_shared>> -> memref<391x32xf32, #tpu.memory_space<vmem_shared>>
      %dma_wait3A_63 = arith.constant 0 : i32
      %dma_wait3A_64 = tpu.memref_slice %arg12[%add3A_35, %dma_wait3A_63] : memref<50048x32xf32, #tpu.memory_space<vmem_shared>> -> memref<391x32xf32, #tpu.memory_space<vmem_shared>>
      tpu.wait_dma2 semaphore(%run_scoped3A : memref<!tpu.dma_semaphore, #tpu.memory_space<semaphore_mem>>) src(%arg11 : memref<391x32xf32, #tpu.memory_space<vmem>>) dst(%dma_wait3A_64 : memref<391x32xf32, #tpu.memory_space<vmem_shared>>)
      tpu.yield
    }) : () -> ()
    %barrier3A = arith.constant 0 : index
    tpu.barrier barrier_id(%barrier3A)
    %mul3A_36 = arith.constant 50000 : i32
    %mul3A_37 = arith.muli %arg0, %mul3A_36 : i32
    %mul3A_38 = arith.constant 50000 : i32
    %mul3A_39 = arith.muli %arg1, %mul3A_38 : i32
    %broadcast_in_dim3A_40 = arith.constant 50000 : i32
    %broadcast_in_dim3A_41 = vector.broadcast %broadcast_in_dim3A_40 : i32 to vector<16xi32>
    %broadcast_in_dim3A_42 = arith.constant 0 : i32
    %broadcast_in_dim3A_43 = vector.broadcast %broadcast_in_dim3A_42 : i32 to vector<16xi32>
    %scan3A_44 = arith.constant 0 : i32
    %scan3A_45 = arith.constant 0 : i32
    %scan3A_46 = arith.constant 49 : i32
    %scan3A_47 = arith.addi %scan3A_45, %scan3A_46 : i32
    %scan3A_48 = arith.constant 1 : i32
    scf.for %scan3A_59 = %scan3A_45 to %scan3A_47 step %scan3A_48  : i32 {
      %mul3A_60 = arith.constant 1024 : i32
      %mul3A_61 = arith.muli %scan3A_59, %mul3A_60 : i32
      %add3A_62 = arith.addi %mul3A_39, %mul3A_61 : i32
      %lt3A_63 = arith.constant 48 : i32
      %lt3A_64 = arith.cmpi slt, %scan3A_59, %lt3A_63 : i32
      %convert_element_type3A_65 = arith.extui %lt3A_64 : i1 to i32
      %cond3A_66 = arith.constant 0 : i32
      %cond3A_67 = arith.cmpi ne, %convert_element_type3A_65, %cond3A_66 : i32
      scf.if %cond3A_67 {
        "tpu.region"() ({
          %run_scoped3A_196 = tpu.sem_alloc : memref<!tpu.dma_semaphore, #tpu.memory_space<semaphore_mem>>
          %dma_start3A_197 = tpu.memref_slice %arg2[%add3A_62] : memref<800000xi32, #tpu.memory_space<hbm>> -> memref<1024xi32, #tpu.memory_space<hbm>>
          %dma_start3A_198 = tpu.memref_slice %arg2[%add3A_62] : memref<800000xi32, #tpu.memory_space<hbm>> -> memref<1024xi32, #tpu.memory_space<hbm>>
          tpu.enqueue_dma source(%dma_start3A_198 : memref<1024xi32, #tpu.memory_space<hbm>>) target(%arg6 : memref<1024xi32, #tpu.memory_space<vmem>>) target_semaphore(%run_scoped3A_196 : memref<!tpu.dma_semaphore, #tpu.memory_space<semaphore_mem>>)
          %dma_wait3A_199 = tpu.memref_slice %arg2[%add3A_62] : memref<800000xi32, #tpu.memory_space<hbm>> -> memref<1024xi32, #tpu.memory_space<hbm>>
          %dma_wait3A_200 = tpu.memref_slice %arg2[%add3A_62] : memref<800000xi32, #tpu.memory_space<hbm>> -> memref<1024xi32, #tpu.memory_space<hbm>>
          tpu.wait_dma2 semaphore(%run_scoped3A_196 : memref<!tpu.dma_semaphore, #tpu.memory_space<semaphore_mem>>) src(%dma_wait3A_200 : memref<1024xi32, #tpu.memory_space<hbm>>) dst(%arg6 : memref<1024xi32, #tpu.memory_space<vmem>>)
          tpu.yield
        }) : () -> ()
        "tpu.region"() ({
          %run_scoped3A_196 = tpu.sem_alloc : memref<!tpu.dma_semaphore, #tpu.memory_space<semaphore_mem>>
          %dma_start3A_197 = tpu.memref_slice %arg3[%add3A_62] : memref<800000xi32, #tpu.memory_space<hbm>> -> memref<1024xi32, #tpu.memory_space<hbm>>
          %dma_start3A_198 = tpu.memref_slice %arg3[%add3A_62] : memref<800000xi32, #tpu.memory_space<hbm>> -> memref<1024xi32, #tpu.memory_space<hbm>>
          tpu.enqueue_dma source(%dma_start3A_198 : memref<1024xi32, #tpu.memory_space<hbm>>) target(%arg7 : memref<1024xi32, #tpu.memory_space<vmem>>) target_semaphore(%run_scoped3A_196 : memref<!tpu.dma_semaphore, #tpu.memory_space<semaphore_mem>>)
          %dma_wait3A_199 = tpu.memref_slice %arg3[%add3A_62] : memref<800000xi32, #tpu.memory_space<hbm>> -> memref<1024xi32, #tpu.memory_space<hbm>>
          %dma_wait3A_200 = tpu.memref_slice %arg3[%add3A_62] : memref<800000xi32, #tpu.memory_space<hbm>> -> memref<1024xi32, #tpu.memory_space<hbm>>
          tpu.wait_dma2 semaphore(%run_scoped3A_196 : memref<!tpu.dma_semaphore, #tpu.memory_space<semaphore_mem>>) src(%dma_wait3A_200 : memref<1024xi32, #tpu.memory_space<hbm>>) dst(%arg7 : memref<1024xi32, #tpu.memory_space<vmem>>)
          tpu.yield
        }) : () -> ()
      } else {
      }
      %eq3A_68 = arith.constant 48 : i32
      %eq3A_69 = arith.cmpi eq, %scan3A_59, %eq3A_68 : i32
      %convert_element_type3A_70 = arith.extui %eq3A_69 : i1 to i32
      %cond3A_71 = arith.constant 0 : i32
      %cond3A_72 = arith.cmpi ne, %convert_element_type3A_70, %cond3A_71 : i32
      scf.if %cond3A_72 {
        %swap3A = arith.constant 848 : index
        %swap3A_196 = tpu.vector_load %arg6[%swap3A] {strides = array<i32>} : memref<1024xi32, #tpu.memory_space<vmem>>, vector<16xi32>,
        tpu.vector_store %arg6[%swap3A], %broadcast_in_dim3A_41 {strides = array<i32>} : memref<1024xi32, #tpu.memory_space<vmem>>, vector<16xi32>,
        %swap3A_197 = arith.constant 848 : index
        %swap3A_198 = tpu.vector_load %arg7[%swap3A_197] {strides = array<i32>} : memref<1024xi32, #tpu.memory_space<vmem>>, vector<16xi32>,
        tpu.vector_store %arg7[%swap3A_197], %broadcast_in_dim3A_43 {strides = array<i32>} : memref<1024xi32, #tpu.memory_space<vmem>>, vector<16xi32>,
        %swap3A_199 = arith.constant 864 : index
        %swap3A_200 = tpu.vector_load %arg6[%swap3A_199] {strides = array<i32>} : memref<1024xi32, #tpu.memory_space<vmem>>, vector<16xi32>,
        tpu.vector_store %arg6[%swap3A_199], %broadcast_in_dim3A_41 {strides = array<i32>} : memref<1024xi32, #tpu.memory_space<vmem>>, vector<16xi32>,
        %swap3A_201 = arith.constant 864 : index
        %swap3A_202 = tpu.vector_load %arg7[%swap3A_201] {strides = array<i32>} : memref<1024xi32, #tpu.memory_space<vmem>>, vector<16xi32>,
        tpu.vector_store %arg7[%swap3A_201], %broadcast_in_dim3A_43 {strides = array<i32>} : memref<1024xi32, #tpu.memory_space<vmem>>, vector<16xi32>,
        %swap3A_203 = arith.constant 880 : index
        %swap3A_204 = tpu.vector_load %arg6[%swap3A_203] {strides = array<i32>} : memref<1024xi32, #tpu.memory_space<vmem>>, vector<16xi32>,
        tpu.vector_store %arg6[%swap3A_203], %broadcast_in_dim3A_41 {strides = array<i32>} : memref<1024xi32, #tpu.memory_space<vmem>>, vector<16xi32>,
        %swap3A_205 = arith.constant 880 : index
        %swap3A_206 = tpu.vector_load %arg7[%swap3A_205] {strides = array<i32>} : memref<1024xi32, #tpu.memory_space<vmem>>, vector<16xi32>,
        tpu.vector_store %arg7[%swap3A_205], %broadcast_in_dim3A_43 {strides = array<i32>} : memref<1024xi32, #tpu.memory_space<vmem>>, vector<16xi32>,
        %swap3A_207 = arith.constant 896 : index
        %swap3A_208 = tpu.vector_load %arg6[%swap3A_207] {strides = array<i32>} : memref<1024xi32, #tpu.memory_space<vmem>>, vector<16xi32>,
        tpu.vector_store %arg6[%swap3A_207], %broadcast_in_dim3A_41 {strides = array<i32>} : memref<1024xi32, #tpu.memory_space<vmem>>, vector<16xi32>,
        %swap3A_209 = arith.constant 896 : index
        %swap3A_210 = tpu.vector_load %arg7[%swap3A_209] {strides = array<i32>} : memref<1024xi32, #tpu.memory_space<vmem>>, vector<16xi32>,
        tpu.vector_store %arg7[%swap3A_209], %broadcast_in_dim3A_43 {strides = array<i32>} : memref<1024xi32, #tpu.memory_space<vmem>>, vector<16xi32>,
        %swap3A_211 = arith.constant 912 : index
        %swap3A_212 = tpu.vector_load %arg6[%swap3A_211] {strides = array<i32>} : memref<1024xi32, #tpu.memory_space<vmem>>, vector<16xi32>,
        tpu.vector_store %arg6[%swap3A_211], %broadcast_in_dim3A_41 {strides = array<i32>} : memref<1024xi32, #tpu.memory_space<vmem>>, vector<16xi32>,
        %swap3A_213 = arith.constant 912 : index
        %swap3A_214 = tpu.vector_load %arg7[%swap3A_213] {strides = array<i32>} : memref<1024xi32, #tpu.memory_space<vmem>>, vector<16xi32>,
        tpu.vector_store %arg7[%swap3A_213], %broadcast_in_dim3A_43 {strides = array<i32>} : memref<1024xi32, #tpu.memory_space<vmem>>, vector<16xi32>,
        %swap3A_215 = arith.constant 928 : index
        %swap3A_216 = tpu.vector_load %arg6[%swap3A_215] {strides = array<i32>} : memref<1024xi32, #tpu.memory_space<vmem>>, vector<16xi32>,
        tpu.vector_store %arg6[%swap3A_215], %broadcast_in_dim3A_41 {strides = array<i32>} : memref<1024xi32, #tpu.memory_space<vmem>>, vector<16xi32>,
        %swap3A_217 = arith.constant 928 : index
        %swap3A_218 = tpu.vector_load %arg7[%swap3A_217] {strides = array<i32>} : memref<1024xi32, #tpu.memory_space<vmem>>, vector<16xi32>,
        tpu.vector_store %arg7[%swap3A_217], %broadcast_in_dim3A_43 {strides = array<i32>} : memref<1024xi32, #tpu.memory_space<vmem>>, vector<16xi32>,
        %swap3A_219 = arith.constant 944 : index
        %swap3A_220 = tpu.vector_load %arg6[%swap3A_219] {strides = array<i32>} : memref<1024xi32, #tpu.memory_space<vmem>>, vector<16xi32>,
        tpu.vector_store %arg6[%swap3A_219], %broadcast_in_dim3A_41 {strides = array<i32>} : memref<1024xi32, #tpu.memory_space<vmem>>, vector<16xi32>,
        %swap3A_221 = arith.constant 944 : index
        %swap3A_222 = tpu.vector_load %arg7[%swap3A_221] {strides = array<i32>} : memref<1024xi32, #tpu.memory_space<vmem>>, vector<16xi32>,
        tpu.vector_store %arg7[%swap3A_221], %broadcast_in_dim3A_43 {strides = array<i32>} : memref<1024xi32, #tpu.memory_space<vmem>>, vector<16xi32>,
        %swap3A_223 = arith.constant 960 : index
        %swap3A_224 = tpu.vector_load %arg6[%swap3A_223] {strides = array<i32>} : memref<1024xi32, #tpu.memory_space<vmem>>, vector<16xi32>,
        tpu.vector_store %arg6[%swap3A_223], %broadcast_in_dim3A_41 {strides = array<i32>} : memref<1024xi32, #tpu.memory_space<vmem>>, vector<16xi32>,
        %swap3A_225 = arith.constant 960 : index
        %swap3A_226 = tpu.vector_load %arg7[%swap3A_225] {strides = array<i32>} : memref<1024xi32, #tpu.memory_space<vmem>>, vector<16xi32>,
        tpu.vector_store %arg7[%swap3A_225], %broadcast_in_dim3A_43 {strides = array<i32>} : memref<1024xi32, #tpu.memory_space<vmem>>, vector<16xi32>,
        %swap3A_227 = arith.constant 976 : index
        %swap3A_228 = tpu.vector_load %arg6[%swap3A_227] {strides = array<i32>} : memref<1024xi32, #tpu.memory_space<vmem>>, vector<16xi32>,
        tpu.vector_store %arg6[%swap3A_227], %broadcast_in_dim3A_41 {strides = array<i32>} : memref<1024xi32, #tpu.memory_space<vmem>>, vector<16xi32>,
        %swap3A_229 = arith.constant 976 : index
        %swap3A_230 = tpu.vector_load %arg7[%swap3A_229] {strides = array<i32>} : memref<1024xi32, #tpu.memory_space<vmem>>, vector<16xi32>,
        tpu.vector_store %arg7[%swap3A_229], %broadcast_in_dim3A_43 {strides = array<i32>} : memref<1024xi32, #tpu.memory_space<vmem>>, vector<16xi32>,
        %swap3A_231 = arith.constant 992 : index
        %swap3A_232 = tpu.vector_load %arg6[%swap3A_231] {strides = array<i32>} : memref<1024xi32, #tpu.memory_space<vmem>>, vector<16xi32>,
        tpu.vector_store %arg6[%swap3A_231], %broadcast_in_dim3A_41 {strides = array<i32>} : memref<1024xi32, #tpu.memory_space<vmem>>, vector<16xi32>,
        %swap3A_233 = arith.constant 992 : index
        %swap3A_234 = tpu.vector_load %arg7[%swap3A_233] {strides = array<i32>} : memref<1024xi32, #tpu.memory_space<vmem>>, vector<16xi32>,
        tpu.vector_store %arg7[%swap3A_233], %broadcast_in_dim3A_43 {strides = array<i32>} : memref<1024xi32, #tpu.memory_space<vmem>>, vector<16xi32>,
        %swap3A_235 = arith.constant 1008 : index
        %swap3A_236 = tpu.vector_load %arg6[%swap3A_235] {strides = array<i32>} : memref<1024xi32, #tpu.memory_space<vmem>>, vector<16xi32>,
        tpu.vector_store %arg6[%swap3A_235], %broadcast_in_dim3A_41 {strides = array<i32>} : memref<1024xi32, #tpu.memory_space<vmem>>, vector<16xi32>,
        %swap3A_237 = arith.constant 1008 : index
        %swap3A_238 = tpu.vector_load %arg7[%swap3A_237] {strides = array<i32>} : memref<1024xi32, #tpu.memory_space<vmem>>, vector<16xi32>,
        tpu.vector_store %arg7[%swap3A_237], %broadcast_in_dim3A_43 {strides = array<i32>} : memref<1024xi32, #tpu.memory_space<vmem>>, vector<16xi32>,
        "tpu.region"() ({
          %run_scoped3A_239 = tpu.sem_alloc : memref<!tpu.dma_semaphore, #tpu.memory_space<semaphore_mem>>
          %dma_start3A_240 = arith.constant 0 : i32
          %dma_start3A_241 = tpu.memref_slice %arg6[%dma_start3A_240] : memref<1024xi32, #tpu.memory_space<vmem>> -> memref<848xi32, #tpu.memory_space<vmem>>
          %dma_start3A_242 = tpu.memref_slice %arg2[%add3A_62] : memref<800000xi32, #tpu.memory_space<hbm>> -> memref<848xi32, #tpu.memory_space<hbm>>
          %dma_start3A_243 = arith.constant 0 : i32
          %dma_start3A_244 = tpu.memref_slice %arg6[%dma_start3A_243] : memref<1024xi32, #tpu.memory_space<vmem>> -> memref<848xi32, #tpu.memory_space<vmem>>
          %dma_start3A_245 = tpu.memref_slice %arg2[%add3A_62] : memref<800000xi32, #tpu.memory_space<hbm>> -> memref<848xi32, #tpu.memory_space<hbm>>
          tpu.enqueue_dma source(%dma_start3A_245 : memref<848xi32, #tpu.memory_space<hbm>>) target(%dma_start3A_244 : memref<848xi32, #tpu.memory_space<vmem>>) target_semaphore(%run_scoped3A_239 : memref<!tpu.dma_semaphore, #tpu.memory_space<semaphore_mem>>)
          %dma_wait3A_246 = arith.constant 0 : i32
          %dma_wait3A_247 = tpu.memref_slice %arg6[%dma_wait3A_246] : memref<1024xi32, #tpu.memory_space<vmem>> -> memref<848xi32, #tpu.memory_space<vmem>>
          %dma_wait3A_248 = tpu.memref_slice %arg2[%add3A_62] : memref<800000xi32, #tpu.memory_space<hbm>> -> memref<848xi32, #tpu.memory_space<hbm>>
          %dma_wait3A_249 = arith.constant 0 : i32
          %dma_wait3A_250 = tpu.memref_slice %arg6[%dma_wait3A_249] : memref<1024xi32, #tpu.memory_space<vmem>> -> memref<848xi32, #tpu.memory_space<vmem>>
          %dma_wait3A_251 = tpu.memref_slice %arg2[%add3A_62] : memref<800000xi32, #tpu.memory_space<hbm>> -> memref<848xi32, #tpu.memory_space<hbm>>
          tpu.wait_dma2 semaphore(%run_scoped3A_239 : memref<!tpu.dma_semaphore, #tpu.memory_space<semaphore_mem>>) src(%dma_wait3A_251 : memref<848xi32, #tpu.memory_space<hbm>>) dst(%dma_wait3A_250 : memref<848xi32, #tpu.memory_space<vmem>>)
          tpu.yield
        }) : () -> ()
        "tpu.region"() ({
          %run_scoped3A_239 = tpu.sem_alloc : memref<!tpu.dma_semaphore, #tpu.memory_space<semaphore_mem>>
          %dma_start3A_240 = arith.constant 0 : i32
          %dma_start3A_241 = tpu.memref_slice %arg7[%dma_start3A_240] : memref<1024xi32, #tpu.memory_space<vmem>> -> memref<848xi32, #tpu.memory_space<vmem>>
          %dma_start3A_242 = tpu.memref_slice %arg3[%add3A_62] : memref<800000xi32, #tpu.memory_space<hbm>> -> memref<848xi32, #tpu.memory_space<hbm>>
          %dma_start3A_243 = arith.constant 0 : i32
          %dma_start3A_244 = tpu.memref_slice %arg7[%dma_start3A_243] : memref<1024xi32, #tpu.memory_space<vmem>> -> memref<848xi32, #tpu.memory_space<vmem>>
          %dma_start3A_245 = tpu.memref_slice %arg3[%add3A_62] : memref<800000xi32, #tpu.memory_space<hbm>> -> memref<848xi32, #tpu.memory_space<hbm>>
          tpu.enqueue_dma source(%dma_start3A_245 : memref<848xi32, #tpu.memory_space<hbm>>) target(%dma_start3A_244 : memref<848xi32, #tpu.memory_space<vmem>>) target_semaphore(%run_scoped3A_239 : memref<!tpu.dma_semaphore, #tpu.memory_space<semaphore_mem>>)
          %dma_wait3A_246 = arith.constant 0 : i32
          %dma_wait3A_247 = tpu.memref_slice %arg7[%dma_wait3A_246] : memref<1024xi32, #tpu.memory_space<vmem>> -> memref<848xi32, #tpu.memory_space<vmem>>
          %dma_wait3A_248 = tpu.memref_slice %arg3[%add3A_62] : memref<800000xi32, #tpu.memory_space<hbm>> -> memref<848xi32, #tpu.memory_space<hbm>>
          %dma_wait3A_249 = arith.constant 0 : i32
          %dma_wait3A_250 = tpu.memref_slice %arg7[%dma_wait3A_249] : memref<1024xi32, #tpu.memory_space<vmem>> -> memref<848xi32, #tpu.memory_space<vmem>>
          %dma_wait3A_251 = tpu.memref_slice %arg3[%add3A_62] : memref<800000xi32, #tpu.memory_space<hbm>> -> memref<848xi32, #tpu.memory_space<hbm>>
          tpu.wait_dma2 semaphore(%run_scoped3A_239 : memref<!tpu.dma_semaphore, #tpu.memory_space<semaphore_mem>>) src(%dma_wait3A_251 : memref<848xi32, #tpu.memory_space<hbm>>) dst(%dma_wait3A_250 : memref<848xi32, #tpu.memory_space<vmem>>)
          tpu.yield
        }) : () -> ()
      } else {
      }
      %scan3A_73 = arith.constant 0 : i32
      %scan3A_74 = arith.constant 0 : i32
      %scan3A_75 = arith.constant 8 : i32
      %scan3A_76 = arith.addi %scan3A_74, %scan3A_75 : i32
      %scan3A_77 = arith.constant 1 : i32
      scf.for %scan3A_196 = %scan3A_74 to %scan3A_76 step %scan3A_77  : i32 {
        %mul3A_197 = arith.constant 128 : i32
        %mul3A_198 = arith.muli %scan3A_196, %mul3A_197 : i32
        %add3A_199 = arith.constant 0 : i32
        %add3A_200 = arith.addi %mul3A_198, %add3A_199 : i32
        %multiple_of3A = tpu.assume_multiple %add3A_200, 16 : i32
        %get3A = arith.index_cast %multiple_of3A : i32 to index
        %get3A_201 = tpu.vector_load %arg6[%get3A] {strides = array<i32>} : memref<1024xi32, #tpu.memory_space<vmem>>, vector<16xi32>,
        %swap3A = arith.index_cast %scan3A_196 : i32 to index
        %swap3A_202 = arith.constant 0 : index
        %swap3A_203 = tpu.vector_load %arg8[%swap3A, %swap3A_202] {strides = array<i32>} : memref<8x128xi32, #tpu.memory_space<vmem>>, vector<16xi32>,
        tpu.vector_store %arg8[%swap3A, %swap3A_202], %get3A_201 {strides = array<i32>} : memref<8x128xi32, #tpu.memory_space<vmem>>, vector<16xi32>,
        %get3A_204 = arith.index_cast %multiple_of3A : i32 to index
        %get3A_205 = tpu.vector_load %arg7[%get3A_204] {strides = array<i32>} : memref<1024xi32, #tpu.memory_space<vmem>>, vector<16xi32>,
        %add3A_206 = vector.broadcast %mul3A_37 : i32 to vector<16xi32>
        %add3A_207 = arith.addi %get3A_205, %add3A_206 : vector<16xi32>
        %swap3A_208 = arith.index_cast %scan3A_196 : i32 to index
        %swap3A_209 = arith.constant 0 : index
        %swap3A_210 = tpu.vector_load %arg9[%swap3A_208, %swap3A_209] {strides = array<i32>} : memref<8x128xi32, #tpu.memory_space<vmem>>, vector<16xi32>,
        tpu.vector_store %arg9[%swap3A_208, %swap3A_209], %add3A_207 {strides = array<i32>} : memref<8x128xi32, #tpu.memory_space<vmem>>, vector<16xi32>,
        %mul3A_211 = arith.constant 128 : i32
        %mul3A_212 = arith.muli %scan3A_196, %mul3A_211 : i32
        %add3A_213 = arith.constant 16 : i32
        %add3A_214 = arith.addi %mul3A_212, %add3A_213 : i32
        %multiple_of3A_215 = tpu.assume_multiple %add3A_214, 16 : i32
        %get3A_216 = arith.index_cast %multiple_of3A_215 : i32 to index
        %get3A_217 = tpu.vector_load %arg6[%get3A_216] {strides = array<i32>} : memref<1024xi32, #tpu.memory_space<vmem>>, vector<16xi32>,
        %swap3A_218 = arith.index_cast %scan3A_196 : i32 to index
        %swap3A_219 = arith.constant 16 : index
        %swap3A_220 = tpu.vector_load %arg8[%swap3A_218, %swap3A_219] {strides = array<i32>} : memref<8x128xi32, #tpu.memory_space<vmem>>, vector<16xi32>,
        tpu.vector_store %arg8[%swap3A_218, %swap3A_219], %get3A_217 {strides = array<i32>} : memref<8x128xi32, #tpu.memory_space<vmem>>, vector<16xi32>,
        %get3A_221 = arith.index_cast %multiple_of3A_215 : i32 to index
        %get3A_222 = tpu.vector_load %arg7[%get3A_221] {strides = array<i32>} : memref<1024xi32, #tpu.memory_space<vmem>>, vector<16xi32>,
        %add3A_223 = vector.broadcast %mul3A_37 : i32 to vector<16xi32>
        %add3A_224 = arith.addi %get3A_222, %add3A_223 : vector<16xi32>
        %swap3A_225 = arith.index_cast %scan3A_196 : i32 to index
        %swap3A_226 = arith.constant 16 : index
        %swap3A_227 = tpu.vector_load %arg9[%swap3A_225, %swap3A_226] {strides = array<i32>} : memref<8x128xi32, #tpu.memory_space<vmem>>, vector<16xi32>,
        tpu.vector_store %arg9[%swap3A_225, %swap3A_226], %add3A_224 {strides = array<i32>} : memref<8x128xi32, #tpu.memory_space<vmem>>, vector<16xi32>,
        %mul3A_228 = arith.constant 128 : i32
        %mul3A_229 = arith.muli %scan3A_196, %mul3A_228 : i32
        %add3A_230 = arith.constant 32 : i32
        %add3A_231 = arith.addi %mul3A_229, %add3A_230 : i32
        %multiple_of3A_232 = tpu.assume_multiple %add3A_231, 16 : i32
        %get3A_233 = arith.index_cast %multiple_of3A_232 : i32 to index
        %get3A_234 = tpu.vector_load %arg6[%get3A_233] {strides = array<i32>} : memref<1024xi32, #tpu.memory_space<vmem>>, vector<16xi32>,
        %swap3A_235 = arith.index_cast %scan3A_196 : i32 to index
        %swap3A_236 = arith.constant 32 : index
        %swap3A_237 = tpu.vector_load %arg8[%swap3A_235, %swap3A_236] {strides = array<i32>} : memref<8x128xi32, #tpu.memory_space<vmem>>, vector<16xi32>,
        tpu.vector_store %arg8[%swap3A_235, %swap3A_236], %get3A_234 {strides = array<i32>} : memref<8x128xi32, #tpu.memory_space<vmem>>, vector<16xi32>,
        %get3A_238 = arith.index_cast %multiple_of3A_232 : i32 to index
        %get3A_239 = tpu.vector_load %arg7[%get3A_238] {strides = array<i32>} : memref<1024xi32, #tpu.memory_space<vmem>>, vector<16xi32>,
        %add3A_240 = vector.broadcast %mul3A_37 : i32 to vector<16xi32>
        %add3A_241 = arith.addi %get3A_239, %add3A_240 : vector<16xi32>
        %swap3A_242 = arith.index_cast %scan3A_196 : i32 to index
        %swap3A_243 = arith.constant 32 : index
        %swap3A_244 = tpu.vector_load %arg9[%swap3A_242, %swap3A_243] {strides = array<i32>} : memref<8x128xi32, #tpu.memory_space<vmem>>, vector<16xi32>,
        tpu.vector_store %arg9[%swap3A_242, %swap3A_243], %add3A_241 {strides = array<i32>} : memref<8x128xi32, #tpu.memory_space<vmem>>, vector<16xi32>,
        %mul3A_245 = arith.constant 128 : i32
        %mul3A_246 = arith.muli %scan3A_196, %mul3A_245 : i32
        %add3A_247 = arith.constant 48 : i32
        %add3A_248 = arith.addi %mul3A_246, %add3A_247 : i32
        %multiple_of3A_249 = tpu.assume_multiple %add3A_248, 16 : i32
        %get3A_250 = arith.index_cast %multiple_of3A_249 : i32 to index
        %get3A_251 = tpu.vector_load %arg6[%get3A_250] {strides = array<i32>} : memref<1024xi32, #tpu.memory_space<vmem>>, vector<16xi32>,
        %swap3A_252 = arith.index_cast %scan3A_196 : i32 to index
        %swap3A_253 = arith.constant 48 : index
        %swap3A_254 = tpu.vector_load %arg8[%swap3A_252, %swap3A_253] {strides = array<i32>} : memref<8x128xi32, #tpu.memory_space<vmem>>, vector<16xi32>,
        tpu.vector_store %arg8[%swap3A_252, %swap3A_253], %get3A_251 {strides = array<i32>} : memref<8x128xi32, #tpu.memory_space<vmem>>, vector<16xi32>,
        %get3A_255 = arith.index_cast %multiple_of3A_249 : i32 to index
        %get3A_256 = tpu.vector_load %arg7[%get3A_255] {strides = array<i32>} : memref<1024xi32, #tpu.memory_space<vmem>>, vector<16xi32>,
        %add3A_257 = vector.broadcast %mul3A_37 : i32 to vector<16xi32>
        %add3A_258 = arith.addi %get3A_256, %add3A_257 : vector<16xi32>
        %swap3A_259 = arith.index_cast %scan3A_196 : i32 to index
        %swap3A_260 = arith.constant 48 : index
        %swap3A_261 = tpu.vector_load %arg9[%swap3A_259, %swap3A_260] {strides = array<i32>} : memref<8x128xi32, #tpu.memory_space<vmem>>, vector<16xi32>,
        tpu.vector_store %arg9[%swap3A_259, %swap3A_260], %add3A_258 {strides = array<i32>} : memref<8x128xi32, #tpu.memory_space<vmem>>, vector<16xi32>,
        %mul3A_262 = arith.constant 128 : i32
        %mul3A_263 = arith.muli %scan3A_196, %mul3A_262 : i32
        %add3A_264 = arith.constant 64 : i32
        %add3A_265 = arith.addi %mul3A_263, %add3A_264 : i32
        %multiple_of3A_266 = tpu.assume_multiple %add3A_265, 16 : i32
        %get3A_267 = arith.index_cast %multiple_of3A_266 : i32 to index
        %get3A_268 = tpu.vector_load %arg6[%get3A_267] {strides = array<i32>} : memref<1024xi32, #tpu.memory_space<vmem>>, vector<16xi32>,
        %swap3A_269 = arith.index_cast %scan3A_196 : i32 to index
        %swap3A_270 = arith.constant 64 : index
        %swap3A_271 = tpu.vector_load %arg8[%swap3A_269, %swap3A_270] {strides = array<i32>} : memref<8x128xi32, #tpu.memory_space<vmem>>, vector<16xi32>,
        tpu.vector_store %arg8[%swap3A_269, %swap3A_270], %get3A_268 {strides = array<i32>} : memref<8x128xi32, #tpu.memory_space<vmem>>, vector<16xi32>,
        %get3A_272 = arith.index_cast %multiple_of3A_266 : i32 to index
        %get3A_273 = tpu.vector_load %arg7[%get3A_272] {strides = array<i32>} : memref<1024xi32, #tpu.memory_space<vmem>>, vector<16xi32>,
        %add3A_274 = vector.broadcast %mul3A_37 : i32 to vector<16xi32>
        %add3A_275 = arith.addi %get3A_273, %add3A_274 : vector<16xi32>
        %swap3A_276 = arith.index_cast %scan3A_196 : i32 to index
        %swap3A_277 = arith.constant 64 : index
        %swap3A_278 = tpu.vector_load %arg9[%swap3A_276, %swap3A_277] {strides = array<i32>} : memref<8x128xi32, #tpu.memory_space<vmem>>, vector<16xi32>,
        tpu.vector_store %arg9[%swap3A_276, %swap3A_277], %add3A_275 {strides = array<i32>} : memref<8x128xi32, #tpu.memory_space<vmem>>, vector<16xi32>,
        %mul3A_279 = arith.constant 128 : i32
        %mul3A_280 = arith.muli %scan3A_196, %mul3A_279 : i32
        %add3A_281 = arith.constant 80 : i32
        %add3A_282 = arith.addi %mul3A_280, %add3A_281 : i32
        %multiple_of3A_283 = tpu.assume_multiple %add3A_282, 16 : i32
        %get3A_284 = arith.index_cast %multiple_of3A_283 : i32 to index
        %get3A_285 = tpu.vector_load %arg6[%get3A_284] {strides = array<i32>} : memref<1024xi32, #tpu.memory_space<vmem>>, vector<16xi32>,
        %swap3A_286 = arith.index_cast %scan3A_196 : i32 to index
        %swap3A_287 = arith.constant 80 : index
        %swap3A_288 = tpu.vector_load %arg8[%swap3A_286, %swap3A_287] {strides = array<i32>} : memref<8x128xi32, #tpu.memory_space<vmem>>, vector<16xi32>,
        tpu.vector_store %arg8[%swap3A_286, %swap3A_287], %get3A_285 {strides = array<i32>} : memref<8x128xi32, #tpu.memory_space<vmem>>, vector<16xi32>,
        %get3A_289 = arith.index_cast %multiple_of3A_283 : i32 to index
        %get3A_290 = tpu.vector_load %arg7[%get3A_289] {strides = array<i32>} : memref<1024xi32, #tpu.memory_space<vmem>>, vector<16xi32>,
        %add3A_291 = vector.broadcast %mul3A_37 : i32 to vector<16xi32>
        %add3A_292 = arith.addi %get3A_290, %add3A_291 : vector<16xi32>
        %swap3A_293 = arith.index_cast %scan3A_196 : i32 to index
        %swap3A_294 = arith.constant 80 : index
        %swap3A_295 = tpu.vector_load %arg9[%swap3A_293, %swap3A_294] {strides = array<i32>} : memref<8x128xi32, #tpu.memory_space<vmem>>, vector<16xi32>,
        tpu.vector_store %arg9[%swap3A_293, %swap3A_294], %add3A_292 {strides = array<i32>} : memref<8x128xi32, #tpu.memory_space<vmem>>, vector<16xi32>,
        %mul3A_296 = arith.constant 128 : i32
        %mul3A_297 = arith.muli %scan3A_196, %mul3A_296 : i32
        %add3A_298 = arith.constant 96 : i32
        %add3A_299 = arith.addi %mul3A_297, %add3A_298 : i32
        %multiple_of3A_300 = tpu.assume_multiple %add3A_299, 16 : i32
        %get3A_301 = arith.index_cast %multiple_of3A_300 : i32 to index
        %get3A_302 = tpu.vector_load %arg6[%get3A_301] {strides = array<i32>} : memref<1024xi32, #tpu.memory_space<vmem>>, vector<16xi32>,
        %swap3A_303 = arith.index_cast %scan3A_196 : i32 to index
        %swap3A_304 = arith.constant 96 : index
        %swap3A_305 = tpu.vector_load %arg8[%swap3A_303, %swap3A_304] {strides = array<i32>} : memref<8x128xi32, #tpu.memory_space<vmem>>, vector<16xi32>,
        tpu.vector_store %arg8[%swap3A_303, %swap3A_304], %get3A_302 {strides = array<i32>} : memref<8x128xi32, #tpu.memory_space<vmem>>, vector<16xi32>,
        %get3A_306 = arith.index_cast %multiple_of3A_300 : i32 to index
        %get3A_307 = tpu.vector_load %arg7[%get3A_306] {strides = array<i32>} : memref<1024xi32, #tpu.memory_space<vmem>>, vector<16xi32>,
        %add3A_308 = vector.broadcast %mul3A_37 : i32 to vector<16xi32>
        %add3A_309 = arith.addi %get3A_307, %add3A_308 : vector<16xi32>
        %swap3A_310 = arith.index_cast %scan3A_196 : i32 to index
        %swap3A_311 = arith.constant 96 : index
        %swap3A_312 = tpu.vector_load %arg9[%swap3A_310, %swap3A_311] {strides = array<i32>} : memref<8x128xi32, #tpu.memory_space<vmem>>, vector<16xi32>,
        tpu.vector_store %arg9[%swap3A_310, %swap3A_311], %add3A_309 {strides = array<i32>} : memref<8x128xi32, #tpu.memory_space<vmem>>, vector<16xi32>,
        %mul3A_313 = arith.constant 128 : i32
        %mul3A_314 = arith.muli %scan3A_196, %mul3A_313 : i32
        %add3A_315 = arith.constant 112 : i32
        %add3A_316 = arith.addi %mul3A_314, %add3A_315 : i32
        %multiple_of3A_317 = tpu.assume_multiple %add3A_316, 16 : i32
        %get3A_318 = arith.index_cast %multiple_of3A_317 : i32 to index
        %get3A_319 = tpu.vector_load %arg6[%get3A_318] {strides = array<i32>} : memref<1024xi32, #tpu.memory_space<vmem>>, vector<16xi32>,
        %swap3A_320 = arith.index_cast %scan3A_196 : i32 to index
        %swap3A_321 = arith.constant 112 : index
        %swap3A_322 = tpu.vector_load %arg8[%swap3A_320, %swap3A_321] {strides = array<i32>} : memref<8x128xi32, #tpu.memory_space<vmem>>, vector<16xi32>,
        tpu.vector_store %arg8[%swap3A_320, %swap3A_321], %get3A_319 {strides = array<i32>} : memref<8x128xi32, #tpu.memory_space<vmem>>, vector<16xi32>,
        %get3A_323 = arith.index_cast %multiple_of3A_317 : i32 to index
        %get3A_324 = tpu.vector_load %arg7[%get3A_323] {strides = array<i32>} : memref<1024xi32, #tpu.memory_space<vmem>>, vector<16xi32>,
        %add3A_325 = vector.broadcast %mul3A_37 : i32 to vector<16xi32>
        %add3A_326 = arith.addi %get3A_324, %add3A_325 : vector<16xi32>
        %swap3A_327 = arith.index_cast %scan3A_196 : i32 to index
        %swap3A_328 = arith.constant 112 : index
        %swap3A_329 = tpu.vector_load %arg9[%swap3A_327, %swap3A_328] {strides = array<i32>} : memref<8x128xi32, #tpu.memory_space<vmem>>, vector<16xi32>,
        tpu.vector_store %arg9[%swap3A_327, %swap3A_328], %add3A_326 {strides = array<i32>} : memref<8x128xi32, #tpu.memory_space<vmem>>, vector<16xi32>,
      }
      %scan3A_78 = arith.constant 8 : i32
      %dma_start3A = arith.constant 0 : i32
      %dma_start3A_79 = arith.constant 0 : i32
      %dma_start3A_80 = tpu.memref_slice %arg9[%dma_start3A, %dma_start3A_79] : memref<8x128xi32, #tpu.memory_space<vmem>> -> memref<1x128xi32, #tpu.memory_space<vmem>>
      %dma_start3A_81 = tpu.memref_squeeze %dma_start3A_80 : memref<1x128xi32, #tpu.memory_space<vmem>> -> memref<128xi32, #tpu.memory_space<vmem>>
      %dma_start3A_82 = arith.constant 0 : i32
      %dma_start3A_83 = arith.constant 0 : i32
      %dma_start3A_84 = tpu.memref_slice %arg4[%dma_start3A_82, %dma_start3A_83] : memref<100000x32xf32, #tpu.memory_space<hbm>> -> memref<100000x32xf32, #tpu.memory_space<hbm>>
      tpu.enqueue_indirect_dma source(%dma_start3A_84 : memref<100000x32xf32, #tpu.memory_space<hbm>>) target(%arg10 : memref<128x32xf32, #tpu.memory_space<vmem>>) offsets(%dma_start3A_81 : memref<128xi32, #tpu.memory_space<vmem>>) semaphore(%arg13 : memref<!tpu.dma_semaphore, #tpu.memory_space<semaphore_mem>>)
      %dma_wait3A = arith.constant 0 : i32
      %dma_wait3A_85 = arith.constant 0 : i32
      %dma_wait3A_86 = tpu.memref_slice %arg9[%dma_wait3A, %dma_wait3A_85] : memref<8x128xi32, #tpu.memory_space<vmem>> -> memref<1x128xi32, #tpu.memory_space<vmem>>
      %dma_wait3A_87 = tpu.memref_squeeze %dma_wait3A_86 : memref<1x128xi32, #tpu.memory_space<vmem>> -> memref<128xi32, #tpu.memory_space<vmem>>
      %dma_wait3A_88 = arith.constant 0 : i32
      %dma_wait3A_89 = arith.constant 0 : i32
      %dma_wait3A_90 = tpu.memref_slice %arg4[%dma_wait3A_88, %dma_wait3A_89] : memref<100000x32xf32, #tpu.memory_space<hbm>> -> memref<100000x32xf32, #tpu.memory_space<hbm>>
      tpu.wait_indirect_dma semaphore(%arg13 : memref<!tpu.dma_semaphore, #tpu.memory_space<semaphore_mem>>) src(%dma_wait3A_90 : memref<100000x32xf32, #tpu.memory_space<hbm>>) dst(%arg10 : memref<128x32xf32, #tpu.memory_space<vmem>>)
      %run_scoped3A = arith.constant 0 : i32
      "tpu.region"() ({
        %run_scoped3A_196 = tpu.sem_alloc : memref<!tpu.dma_semaphore, #tpu.memory_space<semaphore_mem>>
        %dma_start3A_197 = arith.constant 0 : i32
        %dma_start3A_198 = tpu.memref_slice %arg8[%run_scoped3A, %dma_start3A_197] : memref<8x128xi32, #tpu.memory_space<vmem>> -> memref<1x128xi32, #tpu.memory_space<vmem>>
        %dma_start3A_199 = tpu.memref_squeeze %dma_start3A_198 : memref<1x128xi32, #tpu.memory_space<vmem>> -> memref<128xi32, #tpu.memory_space<vmem>>
        %dma_start3A_200 = arith.constant 0 : i32
        %dma_start3A_201 = arith.constant 0 : i32
        %dma_start3A_202 = tpu.memref_slice %arg12[%dma_start3A_200, %dma_start3A_201] : memref<50048x32xf32, #tpu.memory_space<vmem_shared>> -> memref<50048x32xf32, #tpu.memory_space<vmem_shared>>
        tpu.enqueue_indirect_dma source(%arg10 : memref<128x32xf32, #tpu.memory_space<vmem>>) target(%dma_start3A_202 : memref<50048x32xf32, #tpu.memory_space<vmem_shared>>) offsets(%dma_start3A_199 : memref<128xi32, #tpu.memory_space<vmem>>) semaphore(%run_scoped3A_196 : memref<!tpu.dma_semaphore, #tpu.memory_space<semaphore_mem>>) {add = true}
        %dma_wait3A_203 = arith.constant 0 : i32
        %dma_wait3A_204 = tpu.memref_slice %arg8[%run_scoped3A, %dma_wait3A_203] : memref<8x128xi32, #tpu.memory_space<vmem>> -> memref<1x128xi32, #tpu.memory_space<vmem>>
        %dma_wait3A_205 = tpu.memref_squeeze %dma_wait3A_204 : memref<1x128xi32, #tpu.memory_space<vmem>> -> memref<128xi32, #tpu.memory_space<vmem>>
        %dma_wait3A_206 = arith.constant 0 : i32
        %dma_wait3A_207 = arith.constant 0 : i32
        %dma_wait3A_208 = tpu.memref_slice %arg12[%dma_wait3A_206, %dma_wait3A_207] : memref<50048x32xf32, #tpu.memory_space<vmem_shared>> -> memref<50048x32xf32, #tpu.memory_space<vmem_shared>>
        tpu.wait_indirect_dma semaphore(%run_scoped3A_196 : memref<!tpu.dma_semaphore, #tpu.memory_space<semaphore_mem>>) src(%arg10 : memref<128x32xf32, #tpu.memory_space<vmem>>) dst(%dma_wait3A_208 : memref<50048x32xf32, #tpu.memory_space<vmem_shared>>)
        tpu.yield
      }) : () -> ()
      %dma_start3A_91 = arith.constant 1 : i32
      %dma_start3A_92 = arith.constant 0 : i32
      %dma_start3A_93 = tpu.memref_slice %arg9[%dma_start3A_91, %dma_start3A_92] : memref<8x128xi32, #tpu.memory_space<vmem>> -> memref<1x128xi32, #tpu.memory_space<vmem>>
      %dma_start3A_94 = tpu.memref_squeeze %dma_start3A_93 : memref<1x128xi32, #tpu.memory_space<vmem>> -> memref<128xi32, #tpu.memory_space<vmem>>
      %dma_start3A_95 = arith.constant 0 : i32
      %dma_start3A_96 = arith.constant 0 : i32
      %dma_start3A_97 = tpu.memref_slice %arg4[%dma_start3A_95, %dma_start3A_96] : memref<100000x32xf32, #tpu.memory_space<hbm>> -> memref<100000x32xf32, #tpu.memory_space<hbm>>
      tpu.enqueue_indirect_dma source(%dma_start3A_97 : memref<100000x32xf32, #tpu.memory_space<hbm>>) target(%arg10 : memref<128x32xf32, #tpu.memory_space<vmem>>) offsets(%dma_start3A_94 : memref<128xi32, #tpu.memory_space<vmem>>) semaphore(%arg13 : memref<!tpu.dma_semaphore, #tpu.memory_space<semaphore_mem>>)
      %dma_wait3A_98 = arith.constant 1 : i32
      %dma_wait3A_99 = arith.constant 0 : i32
      %dma_wait3A_100 = tpu.memref_slice %arg9[%dma_wait3A_98, %dma_wait3A_99] : memref<8x128xi32, #tpu.memory_space<vmem>> -> memref<1x128xi32, #tpu.memory_space<vmem>>
      %dma_wait3A_101 = tpu.memref_squeeze %dma_wait3A_100 : memref<1x128xi32, #tpu.memory_space<vmem>> -> memref<128xi32, #tpu.memory_space<vmem>>
      %dma_wait3A_102 = arith.constant 0 : i32
      %dma_wait3A_103 = arith.constant 0 : i32
      %dma_wait3A_104 = tpu.memref_slice %arg4[%dma_wait3A_102, %dma_wait3A_103] : memref<100000x32xf32, #tpu.memory_space<hbm>> -> memref<100000x32xf32, #tpu.memory_space<hbm>>
      tpu.wait_indirect_dma semaphore(%arg13 : memref<!tpu.dma_semaphore, #tpu.memory_space<semaphore_mem>>) src(%dma_wait3A_104 : memref<100000x32xf32, #tpu.memory_space<hbm>>) dst(%arg10 : memref<128x32xf32, #tpu.memory_space<vmem>>)
      %run_scoped3A_105 = arith.constant 1 : i32
      "tpu.region"() ({
        %run_scoped3A_196 = tpu.sem_alloc : memref<!tpu.dma_semaphore, #tpu.memory_space<semaphore_mem>>
        %dma_start3A_197 = arith.constant 0 : i32
        %dma_start3A_198 = tpu.memref_slice %arg8[%run_scoped3A_105, %dma_start3A_197] : memref<8x128xi32, #tpu.memory_space<vmem>> -> memref<1x128xi32, #tpu.memory_space<vmem>>
        %dma_start3A_199 = tpu.memref_squeeze %dma_start3A_198 : memref<1x128xi32, #tpu.memory_space<vmem>> -> memref<128xi32, #tpu.memory_space<vmem>>
        %dma_start3A_200 = arith.constant 0 : i32
        %dma_start3A_201 = arith.constant 0 : i32
        %dma_start3A_202 = tpu.memref_slice %arg12[%dma_start3A_200, %dma_start3A_201] : memref<50048x32xf32, #tpu.memory_space<vmem_shared>> -> memref<50048x32xf32, #tpu.memory_space<vmem_shared>>
        tpu.enqueue_indirect_dma source(%arg10 : memref<128x32xf32, #tpu.memory_space<vmem>>) target(%dma_start3A_202 : memref<50048x32xf32, #tpu.memory_space<vmem_shared>>) offsets(%dma_start3A_199 : memref<128xi32, #tpu.memory_space<vmem>>) semaphore(%run_scoped3A_196 : memref<!tpu.dma_semaphore, #tpu.memory_space<semaphore_mem>>) {add = true}
        %dma_wait3A_203 = arith.constant 0 : i32
        %dma_wait3A_204 = tpu.memref_slice %arg8[%run_scoped3A_105, %dma_wait3A_203] : memref<8x128xi32, #tpu.memory_space<vmem>> -> memref<1x128xi32, #tpu.memory_space<vmem>>
        %dma_wait3A_205 = tpu.memref_squeeze %dma_wait3A_204 : memref<1x128xi32, #tpu.memory_space<vmem>> -> memref<128xi32, #tpu.memory_space<vmem>>
        %dma_wait3A_206 = arith.constant 0 : i32
        %dma_wait3A_207 = arith.constant 0 : i32
        %dma_wait3A_208 = tpu.memref_slice %arg12[%dma_wait3A_206, %dma_wait3A_207] : memref<50048x32xf32, #tpu.memory_space<vmem_shared>> -> memref<50048x32xf32, #tpu.memory_space<vmem_shared>>
        tpu.wait_indirect_dma semaphore(%run_scoped3A_196 : memref<!tpu.dma_semaphore, #tpu.memory_space<semaphore_mem>>) src(%arg10 : memref<128x32xf32, #tpu.memory_space<vmem>>) dst(%dma_wait3A_208 : memref<50048x32xf32, #tpu.memory_space<vmem_shared>>)
        tpu.yield
      }) : () -> ()
      %dma_start3A_106 = arith.constant 2 : i32
      %dma_start3A_107 = arith.constant 0 : i32
      %dma_start3A_108 = tpu.memref_slice %arg9[%dma_start3A_106, %dma_start3A_107] : memref<8x128xi32, #tpu.memory_space<vmem>> -> memref<1x128xi32, #tpu.memory_space<vmem>>
      %dma_start3A_109 = tpu.memref_squeeze %dma_start3A_108 : memref<1x128xi32, #tpu.memory_space<vmem>> -> memref<128xi32, #tpu.memory_space<vmem>>
      %dma_start3A_110 = arith.constant 0 : i32
      %dma_start3A_111 = arith.constant 0 : i32
      %dma_start3A_112 = tpu.memref_slice %arg4[%dma_start3A_110, %dma_start3A_111] : memref<100000x32xf32, #tpu.memory_space<hbm>> -> memref<100000x32xf32, #tpu.memory_space<hbm>>
      tpu.enqueue_indirect_dma source(%dma_start3A_112 : memref<100000x32xf32, #tpu.memory_space<hbm>>) target(%arg10 : memref<128x32xf32, #tpu.memory_space<vmem>>) offsets(%dma_start3A_109 : memref<128xi32, #tpu.memory_space<vmem>>) semaphore(%arg13 : memref<!tpu.dma_semaphore, #tpu.memory_space<semaphore_mem>>)
      %dma_wait3A_113 = arith.constant 2 : i32
      %dma_wait3A_114 = arith.constant 0 : i32
      %dma_wait3A_115 = tpu.memref_slice %arg9[%dma_wait3A_113, %dma_wait3A_114] : memref<8x128xi32, #tpu.memory_space<vmem>> -> memref<1x128xi32, #tpu.memory_space<vmem>>
      %dma_wait3A_116 = tpu.memref_squeeze %dma_wait3A_115 : memref<1x128xi32, #tpu.memory_space<vmem>> -> memref<128xi32, #tpu.memory_space<vmem>>
      %dma_wait3A_117 = arith.constant 0 : i32
      %dma_wait3A_118 = arith.constant 0 : i32
      %dma_wait3A_119 = tpu.memref_slice %arg4[%dma_wait3A_117, %dma_wait3A_118] : memref<100000x32xf32, #tpu.memory_space<hbm>> -> memref<100000x32xf32, #tpu.memory_space<hbm>>
      tpu.wait_indirect_dma semaphore(%arg13 : memref<!tpu.dma_semaphore, #tpu.memory_space<semaphore_mem>>) src(%dma_wait3A_119 : memref<100000x32xf32, #tpu.memory_space<hbm>>) dst(%arg10 : memref<128x32xf32, #tpu.memory_space<vmem>>)
      %run_scoped3A_120 = arith.constant 2 : i32
      "tpu.region"() ({
        %run_scoped3A_196 = tpu.sem_alloc : memref<!tpu.dma_semaphore, #tpu.memory_space<semaphore_mem>>
        %dma_start3A_197 = arith.constant 0 : i32
        %dma_start3A_198 = tpu.memref_slice %arg8[%run_scoped3A_120, %dma_start3A_197] : memref<8x128xi32, #tpu.memory_space<vmem>> -> memref<1x128xi32, #tpu.memory_space<vmem>>
        %dma_start3A_199 = tpu.memref_squeeze %dma_start3A_198 : memref<1x128xi32, #tpu.memory_space<vmem>> -> memref<128xi32, #tpu.memory_space<vmem>>
        %dma_start3A_200 = arith.constant 0 : i32
        %dma_start3A_201 = arith.constant 0 : i32
        %dma_start3A_202 = tpu.memref_slice %arg12[%dma_start3A_200, %dma_start3A_201] : memref<50048x32xf32, #tpu.memory_space<vmem_shared>> -> memref<50048x32xf32, #tpu.memory_space<vmem_shared>>
        tpu.enqueue_indirect_dma source(%arg10 : memref<128x32xf32, #tpu.memory_space<vmem>>) target(%dma_start3A_202 : memref<50048x32xf32, #tpu.memory_space<vmem_shared>>) offsets(%dma_start3A_199 : memref<128xi32, #tpu.memory_space<vmem>>) semaphore(%run_scoped3A_196 : memref<!tpu.dma_semaphore, #tpu.memory_space<semaphore_mem>>) {add = true}
        %dma_wait3A_203 = arith.constant 0 : i32
        %dma_wait3A_204 = tpu.memref_slice %arg8[%run_scoped3A_120, %dma_wait3A_203] : memref<8x128xi32, #tpu.memory_space<vmem>> -> memref<1x128xi32, #tpu.memory_space<vmem>>
        %dma_wait3A_205 = tpu.memref_squeeze %dma_wait3A_204 : memref<1x128xi32, #tpu.memory_space<vmem>> -> memref<128xi32, #tpu.memory_space<vmem>>
        %dma_wait3A_206 = arith.constant 0 : i32
        %dma_wait3A_207 = arith.constant 0 : i32
        %dma_wait3A_208 = tpu.memref_slice %arg12[%dma_wait3A_206, %dma_wait3A_207] : memref<50048x32xf32, #tpu.memory_space<vmem_shared>> -> memref<50048x32xf32, #tpu.memory_space<vmem_shared>>
        tpu.wait_indirect_dma semaphore(%run_scoped3A_196 : memref<!tpu.dma_semaphore, #tpu.memory_space<semaphore_mem>>) src(%arg10 : memref<128x32xf32, #tpu.memory_space<vmem>>) dst(%dma_wait3A_208 : memref<50048x32xf32, #tpu.memory_space<vmem_shared>>)
        tpu.yield
      }) : () -> ()
      %dma_start3A_121 = arith.constant 3 : i32
      %dma_start3A_122 = arith.constant 0 : i32
      %dma_start3A_123 = tpu.memref_slice %arg9[%dma_start3A_121, %dma_start3A_122] : memref<8x128xi32, #tpu.memory_space<vmem>> -> memref<1x128xi32, #tpu.memory_space<vmem>>
      %dma_start3A_124 = tpu.memref_squeeze %dma_start3A_123 : memref<1x128xi32, #tpu.memory_space<vmem>> -> memref<128xi32, #tpu.memory_space<vmem>>
      %dma_start3A_125 = arith.constant 0 : i32
      %dma_start3A_126 = arith.constant 0 : i32
      %dma_start3A_127 = tpu.memref_slice %arg4[%dma_start3A_125, %dma_start3A_126] : memref<100000x32xf32, #tpu.memory_space<hbm>> -> memref<100000x32xf32, #tpu.memory_space<hbm>>
      tpu.enqueue_indirect_dma source(%dma_start3A_127 : memref<100000x32xf32, #tpu.memory_space<hbm>>) target(%arg10 : memref<128x32xf32, #tpu.memory_space<vmem>>) offsets(%dma_start3A_124 : memref<128xi32, #tpu.memory_space<vmem>>) semaphore(%arg13 : memref<!tpu.dma_semaphore, #tpu.memory_space<semaphore_mem>>)
      %dma_wait3A_128 = arith.constant 3 : i32
      %dma_wait3A_129 = arith.constant 0 : i32
      %dma_wait3A_130 = tpu.memref_slice %arg9[%dma_wait3A_128, %dma_wait3A_129] : memref<8x128xi32, #tpu.memory_space<vmem>> -> memref<1x128xi32, #tpu.memory_space<vmem>>
      %dma_wait3A_131 = tpu.memref_squeeze %dma_wait3A_130 : memref<1x128xi32, #tpu.memory_space<vmem>> -> memref<128xi32, #tpu.memory_space<vmem>>
      %dma_wait3A_132 = arith.constant 0 : i32
      %dma_wait3A_133 = arith.constant 0 : i32
      %dma_wait3A_134 = tpu.memref_slice %arg4[%dma_wait3A_132, %dma_wait3A_133] : memref<100000x32xf32, #tpu.memory_space<hbm>> -> memref<100000x32xf32, #tpu.memory_space<hbm>>
      tpu.wait_indirect_dma semaphore(%arg13 : memref<!tpu.dma_semaphore, #tpu.memory_space<semaphore_mem>>) src(%dma_wait3A_134 : memref<100000x32xf32, #tpu.memory_space<hbm>>) dst(%arg10 : memref<128x32xf32, #tpu.memory_space<vmem>>)
      %run_scoped3A_135 = arith.constant 3 : i32
      "tpu.region"() ({
        %run_scoped3A_196 = tpu.sem_alloc : memref<!tpu.dma_semaphore, #tpu.memory_space<semaphore_mem>>
        %dma_start3A_197 = arith.constant 0 : i32
        %dma_start3A_198 = tpu.memref_slice %arg8[%run_scoped3A_135, %dma_start3A_197] : memref<8x128xi32, #tpu.memory_space<vmem>> -> memref<1x128xi32, #tpu.memory_space<vmem>>
        %dma_start3A_199 = tpu.memref_squeeze %dma_start3A_198 : memref<1x128xi32, #tpu.memory_space<vmem>> -> memref<128xi32, #tpu.memory_space<vmem>>
        %dma_start3A_200 = arith.constant 0 : i32
        %dma_start3A_201 = arith.constant 0 : i32
        %dma_start3A_202 = tpu.memref_slice %arg12[%dma_start3A_200, %dma_start3A_201] : memref<50048x32xf32, #tpu.memory_space<vmem_shared>> -> memref<50048x32xf32, #tpu.memory_space<vmem_shared>>
        tpu.enqueue_indirect_dma source(%arg10 : memref<128x32xf32, #tpu.memory_space<vmem>>) target(%dma_start3A_202 : memref<50048x32xf32, #tpu.memory_space<vmem_shared>>) offsets(%dma_start3A_199 : memref<128xi32, #tpu.memory_space<vmem>>) semaphore(%run_scoped3A_196 : memref<!tpu.dma_semaphore, #tpu.memory_space<semaphore_mem>>) {add = true}
        %dma_wait3A_203 = arith.constant 0 : i32
        %dma_wait3A_204 = tpu.memref_slice %arg8[%run_scoped3A_135, %dma_wait3A_203] : memref<8x128xi32, #tpu.memory_space<vmem>> -> memref<1x128xi32, #tpu.memory_space<vmem>>
        %dma_wait3A_205 = tpu.memref_squeeze %dma_wait3A_204 : memref<1x128xi32, #tpu.memory_space<vmem>> -> memref<128xi32, #tpu.memory_space<vmem>>
        %dma_wait3A_206 = arith.constant 0 : i32
        %dma_wait3A_207 = arith.constant 0 : i32
        %dma_wait3A_208 = tpu.memref_slice %arg12[%dma_wait3A_206, %dma_wait3A_207] : memref<50048x32xf32, #tpu.memory_space<vmem_shared>> -> memref<50048x32xf32, #tpu.memory_space<vmem_shared>>
        tpu.wait_indirect_dma semaphore(%run_scoped3A_196 : memref<!tpu.dma_semaphore, #tpu.memory_space<semaphore_mem>>) src(%arg10 : memref<128x32xf32, #tpu.memory_space<vmem>>) dst(%dma_wait3A_208 : memref<50048x32xf32, #tpu.memory_space<vmem_shared>>)
        tpu.yield
      }) : () -> ()
      %dma_start3A_136 = arith.constant 4 : i32
      %dma_start3A_137 = arith.constant 0 : i32
      %dma_start3A_138 = tpu.memref_slice %arg9[%dma_start3A_136, %dma_start3A_137] : memref<8x128xi32, #tpu.memory_space<vmem>> -> memref<1x128xi32, #tpu.memory_space<vmem>>
      %dma_start3A_139 = tpu.memref_squeeze %dma_start3A_138 : memref<1x128xi32, #tpu.memory_space<vmem>> -> memref<128xi32, #tpu.memory_space<vmem>>
      %dma_start3A_140 = arith.constant 0 : i32
      %dma_start3A_141 = arith.constant 0 : i32
      %dma_start3A_142 = tpu.memref_slice %arg4[%dma_start3A_140, %dma_start3A_141] : memref<100000x32xf32, #tpu.memory_space<hbm>> -> memref<100000x32xf32, #tpu.memory_space<hbm>>
      tpu.enqueue_indirect_dma source(%dma_start3A_142 : memref<100000x32xf32, #tpu.memory_space<hbm>>) target(%arg10 : memref<128x32xf32, #tpu.memory_space<vmem>>) offsets(%dma_start3A_139 : memref<128xi32, #tpu.memory_space<vmem>>) semaphore(%arg13 : memref<!tpu.dma_semaphore, #tpu.memory_space<semaphore_mem>>)
      %dma_wait3A_143 = arith.constant 4 : i32
      %dma_wait3A_144 = arith.constant 0 : i32
      %dma_wait3A_145 = tpu.memref_slice %arg9[%dma_wait3A_143, %dma_wait3A_144] : memref<8x128xi32, #tpu.memory_space<vmem>> -> memref<1x128xi32, #tpu.memory_space<vmem>>
      %dma_wait3A_146 = tpu.memref_squeeze %dma_wait3A_145 : memref<1x128xi32, #tpu.memory_space<vmem>> -> memref<128xi32, #tpu.memory_space<vmem>>
      %dma_wait3A_147 = arith.constant 0 : i32
      %dma_wait3A_148 = arith.constant 0 : i32
      %dma_wait3A_149 = tpu.memref_slice %arg4[%dma_wait3A_147, %dma_wait3A_148] : memref<100000x32xf32, #tpu.memory_space<hbm>> -> memref<100000x32xf32, #tpu.memory_space<hbm>>
      tpu.wait_indirect_dma semaphore(%arg13 : memref<!tpu.dma_semaphore, #tpu.memory_space<semaphore_mem>>) src(%dma_wait3A_149 : memref<100000x32xf32, #tpu.memory_space<hbm>>) dst(%arg10 : memref<128x32xf32, #tpu.memory_space<vmem>>)
      %run_scoped3A_150 = arith.constant 4 : i32
      "tpu.region"() ({
        %run_scoped3A_196 = tpu.sem_alloc : memref<!tpu.dma_semaphore, #tpu.memory_space<semaphore_mem>>
        %dma_start3A_197 = arith.constant 0 : i32
        %dma_start3A_198 = tpu.memref_slice %arg8[%run_scoped3A_150, %dma_start3A_197] : memref<8x128xi32, #tpu.memory_space<vmem>> -> memref<1x128xi32, #tpu.memory_space<vmem>>
        %dma_start3A_199 = tpu.memref_squeeze %dma_start3A_198 : memref<1x128xi32, #tpu.memory_space<vmem>> -> memref<128xi32, #tpu.memory_space<vmem>>
        %dma_start3A_200 = arith.constant 0 : i32
        %dma_start3A_201 = arith.constant 0 : i32
        %dma_start3A_202 = tpu.memref_slice %arg12[%dma_start3A_200, %dma_start3A_201] : memref<50048x32xf32, #tpu.memory_space<vmem_shared>> -> memref<50048x32xf32, #tpu.memory_space<vmem_shared>>
        tpu.enqueue_indirect_dma source(%arg10 : memref<128x32xf32, #tpu.memory_space<vmem>>) target(%dma_start3A_202 : memref<50048x32xf32, #tpu.memory_space<vmem_shared>>) offsets(%dma_start3A_199 : memref<128xi32, #tpu.memory_space<vmem>>) semaphore(%run_scoped3A_196 : memref<!tpu.dma_semaphore, #tpu.memory_space<semaphore_mem>>) {add = true}
        %dma_wait3A_203 = arith.constant 0 : i32
        %dma_wait3A_204 = tpu.memref_slice %arg8[%run_scoped3A_150, %dma_wait3A_203] : memref<8x128xi32, #tpu.memory_space<vmem>> -> memref<1x128xi32, #tpu.memory_space<vmem>>
        %dma_wait3A_205 = tpu.memref_squeeze %dma_wait3A_204 : memref<1x128xi32, #tpu.memory_space<vmem>> -> memref<128xi32, #tpu.memory_space<vmem>>
        %dma_wait3A_206 = arith.constant 0 : i32
        %dma_wait3A_207 = arith.constant 0 : i32
        %dma_wait3A_208 = tpu.memref_slice %arg12[%dma_wait3A_206, %dma_wait3A_207] : memref<50048x32xf32, #tpu.memory_space<vmem_shared>> -> memref<50048x32xf32, #tpu.memory_space<vmem_shared>>
        tpu.wait_indirect_dma semaphore(%run_scoped3A_196 : memref<!tpu.dma_semaphore, #tpu.memory_space<semaphore_mem>>) src(%arg10 : memref<128x32xf32, #tpu.memory_space<vmem>>) dst(%dma_wait3A_208 : memref<50048x32xf32, #tpu.memory_space<vmem_shared>>)
        tpu.yield
      }) : () -> ()
      %dma_start3A_151 = arith.constant 5 : i32
      %dma_start3A_152 = arith.constant 0 : i32
      %dma_start3A_153 = tpu.memref_slice %arg9[%dma_start3A_151, %dma_start3A_152] : memref<8x128xi32, #tpu.memory_space<vmem>> -> memref<1x128xi32, #tpu.memory_space<vmem>>
      %dma_start3A_154 = tpu.memref_squeeze %dma_start3A_153 : memref<1x128xi32, #tpu.memory_space<vmem>> -> memref<128xi32, #tpu.memory_space<vmem>>
      %dma_start3A_155 = arith.constant 0 : i32
      %dma_start3A_156 = arith.constant 0 : i32
      %dma_start3A_157 = tpu.memref_slice %arg4[%dma_start3A_155, %dma_start3A_156] : memref<100000x32xf32, #tpu.memory_space<hbm>> -> memref<100000x32xf32, #tpu.memory_space<hbm>>
      tpu.enqueue_indirect_dma source(%dma_start3A_157 : memref<100000x32xf32, #tpu.memory_space<hbm>>) target(%arg10 : memref<128x32xf32, #tpu.memory_space<vmem>>) offsets(%dma_start3A_154 : memref<128xi32, #tpu.memory_space<vmem>>) semaphore(%arg13 : memref<!tpu.dma_semaphore, #tpu.memory_space<semaphore_mem>>)
      %dma_wait3A_158 = arith.constant 5 : i32
      %dma_wait3A_159 = arith.constant 0 : i32
      %dma_wait3A_160 = tpu.memref_slice %arg9[%dma_wait3A_158, %dma_wait3A_159] : memref<8x128xi32, #tpu.memory_space<vmem>> -> memref<1x128xi32, #tpu.memory_space<vmem>>
      %dma_wait3A_161 = tpu.memref_squeeze %dma_wait3A_160 : memref<1x128xi32, #tpu.memory_space<vmem>> -> memref<128xi32, #tpu.memory_space<vmem>>
      %dma_wait3A_162 = arith.constant 0 : i32
      %dma_wait3A_163 = arith.constant 0 : i32
      %dma_wait3A_164 = tpu.memref_slice %arg4[%dma_wait3A_162, %dma_wait3A_163] : memref<100000x32xf32, #tpu.memory_space<hbm>> -> memref<100000x32xf32, #tpu.memory_space<hbm>>
      tpu.wait_indirect_dma semaphore(%arg13 : memref<!tpu.dma_semaphore, #tpu.memory_space<semaphore_mem>>) src(%dma_wait3A_164 : memref<100000x32xf32, #tpu.memory_space<hbm>>) dst(%arg10 : memref<128x32xf32, #tpu.memory_space<vmem>>)
      %run_scoped3A_165 = arith.constant 5 : i32
      "tpu.region"() ({
        %run_scoped3A_196 = tpu.sem_alloc : memref<!tpu.dma_semaphore, #tpu.memory_space<semaphore_mem>>
        %dma_start3A_197 = arith.constant 0 : i32
        %dma_start3A_198 = tpu.memref_slice %arg8[%run_scoped3A_165, %dma_start3A_197] : memref<8x128xi32, #tpu.memory_space<vmem>> -> memref<1x128xi32, #tpu.memory_space<vmem>>
        %dma_start3A_199 = tpu.memref_squeeze %dma_start3A_198 : memref<1x128xi32, #tpu.memory_space<vmem>> -> memref<128xi32, #tpu.memory_space<vmem>>
        %dma_start3A_200 = arith.constant 0 : i32
        %dma_start3A_201 = arith.constant 0 : i32
        %dma_start3A_202 = tpu.memref_slice %arg12[%dma_start3A_200, %dma_start3A_201] : memref<50048x32xf32, #tpu.memory_space<vmem_shared>> -> memref<50048x32xf32, #tpu.memory_space<vmem_shared>>
        tpu.enqueue_indirect_dma source(%arg10 : memref<128x32xf32, #tpu.memory_space<vmem>>) target(%dma_start3A_202 : memref<50048x32xf32, #tpu.memory_space<vmem_shared>>) offsets(%dma_start3A_199 : memref<128xi32, #tpu.memory_space<vmem>>) semaphore(%run_scoped3A_196 : memref<!tpu.dma_semaphore, #tpu.memory_space<semaphore_mem>>) {add = true}
        %dma_wait3A_203 = arith.constant 0 : i32
        %dma_wait3A_204 = tpu.memref_slice %arg8[%run_scoped3A_165, %dma_wait3A_203] : memref<8x128xi32, #tpu.memory_space<vmem>> -> memref<1x128xi32, #tpu.memory_space<vmem>>
        %dma_wait3A_205 = tpu.memref_squeeze %dma_wait3A_204 : memref<1x128xi32, #tpu.memory_space<vmem>> -> memref<128xi32, #tpu.memory_space<vmem>>
        %dma_wait3A_206 = arith.constant 0 : i32
        %dma_wait3A_207 = arith.constant 0 : i32
        %dma_wait3A_208 = tpu.memref_slice %arg12[%dma_wait3A_206, %dma_wait3A_207] : memref<50048x32xf32, #tpu.memory_space<vmem_shared>> -> memref<50048x32xf32, #tpu.memory_space<vmem_shared>>
        tpu.wait_indirect_dma semaphore(%run_scoped3A_196 : memref<!tpu.dma_semaphore, #tpu.memory_space<semaphore_mem>>) src(%arg10 : memref<128x32xf32, #tpu.memory_space<vmem>>) dst(%dma_wait3A_208 : memref<50048x32xf32, #tpu.memory_space<vmem_shared>>)
        tpu.yield
      }) : () -> ()
      %dma_start3A_166 = arith.constant 6 : i32
      %dma_start3A_167 = arith.constant 0 : i32
      %dma_start3A_168 = tpu.memref_slice %arg9[%dma_start3A_166, %dma_start3A_167] : memref<8x128xi32, #tpu.memory_space<vmem>> -> memref<1x128xi32, #tpu.memory_space<vmem>>
      %dma_start3A_169 = tpu.memref_squeeze %dma_start3A_168 : memref<1x128xi32, #tpu.memory_space<vmem>> -> memref<128xi32, #tpu.memory_space<vmem>>
      %dma_start3A_170 = arith.constant 0 : i32
      %dma_start3A_171 = arith.constant 0 : i32
      %dma_start3A_172 = tpu.memref_slice %arg4[%dma_start3A_170, %dma_start3A_171] : memref<100000x32xf32, #tpu.memory_space<hbm>> -> memref<100000x32xf32, #tpu.memory_space<hbm>>
      tpu.enqueue_indirect_dma source(%dma_start3A_172 : memref<100000x32xf32, #tpu.memory_space<hbm>>) target(%arg10 : memref<128x32xf32, #tpu.memory_space<vmem>>) offsets(%dma_start3A_169 : memref<128xi32, #tpu.memory_space<vmem>>) semaphore(%arg13 : memref<!tpu.dma_semaphore, #tpu.memory_space<semaphore_mem>>)
      %dma_wait3A_173 = arith.constant 6 : i32
      %dma_wait3A_174 = arith.constant 0 : i32
      %dma_wait3A_175 = tpu.memref_slice %arg9[%dma_wait3A_173, %dma_wait3A_174] : memref<8x128xi32, #tpu.memory_space<vmem>> -> memref<1x128xi32, #tpu.memory_space<vmem>>
      %dma_wait3A_176 = tpu.memref_squeeze %dma_wait3A_175 : memref<1x128xi32, #tpu.memory_space<vmem>> -> memref<128xi32, #tpu.memory_space<vmem>>
      %dma_wait3A_177 = arith.constant 0 : i32
      %dma_wait3A_178 = arith.constant 0 : i32
      %dma_wait3A_179 = tpu.memref_slice %arg4[%dma_wait3A_177, %dma_wait3A_178] : memref<100000x32xf32, #tpu.memory_space<hbm>> -> memref<100000x32xf32, #tpu.memory_space<hbm>>
      tpu.wait_indirect_dma semaphore(%arg13 : memref<!tpu.dma_semaphore, #tpu.memory_space<semaphore_mem>>) src(%dma_wait3A_179 : memref<100000x32xf32, #tpu.memory_space<hbm>>) dst(%arg10 : memref<128x32xf32, #tpu.memory_space<vmem>>)
      %run_scoped3A_180 = arith.constant 6 : i32
      "tpu.region"() ({
        %run_scoped3A_196 = tpu.sem_alloc : memref<!tpu.dma_semaphore, #tpu.memory_space<semaphore_mem>>
        %dma_start3A_197 = arith.constant 0 : i32
        %dma_start3A_198 = tpu.memref_slice %arg8[%run_scoped3A_180, %dma_start3A_197] : memref<8x128xi32, #tpu.memory_space<vmem>> -> memref<1x128xi32, #tpu.memory_space<vmem>>
        %dma_start3A_199 = tpu.memref_squeeze %dma_start3A_198 : memref<1x128xi32, #tpu.memory_space<vmem>> -> memref<128xi32, #tpu.memory_space<vmem>>
        %dma_start3A_200 = arith.constant 0 : i32
        %dma_start3A_201 = arith.constant 0 : i32
        %dma_start3A_202 = tpu.memref_slice %arg12[%dma_start3A_200, %dma_start3A_201] : memref<50048x32xf32, #tpu.memory_space<vmem_shared>> -> memref<50048x32xf32, #tpu.memory_space<vmem_shared>>
        tpu.enqueue_indirect_dma source(%arg10 : memref<128x32xf32, #tpu.memory_space<vmem>>) target(%dma_start3A_202 : memref<50048x32xf32, #tpu.memory_space<vmem_shared>>) offsets(%dma_start3A_199 : memref<128xi32, #tpu.memory_space<vmem>>) semaphore(%run_scoped3A_196 : memref<!tpu.dma_semaphore, #tpu.memory_space<semaphore_mem>>) {add = true}
        %dma_wait3A_203 = arith.constant 0 : i32
        %dma_wait3A_204 = tpu.memref_slice %arg8[%run_scoped3A_180, %dma_wait3A_203] : memref<8x128xi32, #tpu.memory_space<vmem>> -> memref<1x128xi32, #tpu.memory_space<vmem>>
        %dma_wait3A_205 = tpu.memref_squeeze %dma_wait3A_204 : memref<1x128xi32, #tpu.memory_space<vmem>> -> memref<128xi32, #tpu.memory_space<vmem>>
        %dma_wait3A_206 = arith.constant 0 : i32
        %dma_wait3A_207 = arith.constant 0 : i32
        %dma_wait3A_208 = tpu.memref_slice %arg12[%dma_wait3A_206, %dma_wait3A_207] : memref<50048x32xf32, #tpu.memory_space<vmem_shared>> -> memref<50048x32xf32, #tpu.memory_space<vmem_shared>>
        tpu.wait_indirect_dma semaphore(%run_scoped3A_196 : memref<!tpu.dma_semaphore, #tpu.memory_space<semaphore_mem>>) src(%arg10 : memref<128x32xf32, #tpu.memory_space<vmem>>) dst(%dma_wait3A_208 : memref<50048x32xf32, #tpu.memory_space<vmem_shared>>)
        tpu.yield
      }) : () -> ()
      %dma_start3A_181 = arith.constant 7 : i32
      %dma_start3A_182 = arith.constant 0 : i32
      %dma_start3A_183 = tpu.memref_slice %arg9[%dma_start3A_181, %dma_start3A_182] : memref<8x128xi32, #tpu.memory_space<vmem>> -> memref<1x128xi32, #tpu.memory_space<vmem>>
      %dma_start3A_184 = tpu.memref_squeeze %dma_start3A_183 : memref<1x128xi32, #tpu.memory_space<vmem>> -> memref<128xi32, #tpu.memory_space<vmem>>
      %dma_start3A_185 = arith.constant 0 : i32
      %dma_start3A_186 = arith.constant 0 : i32
      %dma_start3A_187 = tpu.memref_slice %arg4[%dma_start3A_185, %dma_start3A_186] : memref<100000x32xf32, #tpu.memory_space<hbm>> -> memref<100000x32xf32, #tpu.memory_space<hbm>>
      tpu.enqueue_indirect_dma source(%dma_start3A_187 : memref<100000x32xf32, #tpu.memory_space<hbm>>) target(%arg10 : memref<128x32xf32, #tpu.memory_space<vmem>>) offsets(%dma_start3A_184 : memref<128xi32, #tpu.memory_space<vmem>>) semaphore(%arg13 : memref<!tpu.dma_semaphore, #tpu.memory_space<semaphore_mem>>)
      %dma_wait3A_188 = arith.constant 7 : i32
      %dma_wait3A_189 = arith.constant 0 : i32
      %dma_wait3A_190 = tpu.memref_slice %arg9[%dma_wait3A_188, %dma_wait3A_189] : memref<8x128xi32, #tpu.memory_space<vmem>> -> memref<1x128xi32, #tpu.memory_space<vmem>>
      %dma_wait3A_191 = tpu.memref_squeeze %dma_wait3A_190 : memref<1x128xi32, #tpu.memory_space<vmem>> -> memref<128xi32, #tpu.memory_space<vmem>>
      %dma_wait3A_192 = arith.constant 0 : i32
      %dma_wait3A_193 = arith.constant 0 : i32
      %dma_wait3A_194 = tpu.memref_slice %arg4[%dma_wait3A_192, %dma_wait3A_193] : memref<100000x32xf32, #tpu.memory_space<hbm>> -> memref<100000x32xf32, #tpu.memory_space<hbm>>
      tpu.wait_indirect_dma semaphore(%arg13 : memref<!tpu.dma_semaphore, #tpu.memory_space<semaphore_mem>>) src(%dma_wait3A_194 : memref<100000x32xf32, #tpu.memory_space<hbm>>) dst(%arg10 : memref<128x32xf32, #tpu.memory_space<vmem>>)
      %run_scoped3A_195 = arith.constant 7 : i32
      "tpu.region"() ({
        %run_scoped3A_196 = tpu.sem_alloc : memref<!tpu.dma_semaphore, #tpu.memory_space<semaphore_mem>>
        %dma_start3A_197 = arith.constant 0 : i32
        %dma_start3A_198 = tpu.memref_slice %arg8[%run_scoped3A_195, %dma_start3A_197] : memref<8x128xi32, #tpu.memory_space<vmem>> -> memref<1x128xi32, #tpu.memory_space<vmem>>
        %dma_start3A_199 = tpu.memref_squeeze %dma_start3A_198 : memref<1x128xi32, #tpu.memory_space<vmem>> -> memref<128xi32, #tpu.memory_space<vmem>>
        %dma_start3A_200 = arith.constant 0 : i32
        %dma_start3A_201 = arith.constant 0 : i32
        %dma_start3A_202 = tpu.memref_slice %arg12[%dma_start3A_200, %dma_start3A_201] : memref<50048x32xf32, #tpu.memory_space<vmem_shared>> -> memref<50048x32xf32, #tpu.memory_space<vmem_shared>>
        tpu.enqueue_indirect_dma source(%arg10 : memref<128x32xf32, #tpu.memory_space<vmem>>) target(%dma_start3A_202 : memref<50048x32xf32, #tpu.memory_space<vmem_shared>>) offsets(%dma_start3A_199 : memref<128xi32, #tpu.memory_space<vmem>>) semaphore(%run_scoped3A_196 : memref<!tpu.dma_semaphore, #tpu.memory_space<semaphore_mem>>) {add = true}
        %dma_wait3A_203 = arith.constant 0 : i32
        %dma_wait3A_204 = tpu.memref_slice %arg8[%run_scoped3A_195, %dma_wait3A_203] : memref<8x128xi32, #tpu.memory_space<vmem>> -> memref<1x128xi32, #tpu.memory_space<vmem>>
        %dma_wait3A_205 = tpu.memref_squeeze %dma_wait3A_204 : memref<1x128xi32, #tpu.memory_space<vmem>> -> memref<128xi32, #tpu.memory_space<vmem>>
        %dma_wait3A_206 = arith.constant 0 : i32
        %dma_wait3A_207 = arith.constant 0 : i32
        %dma_wait3A_208 = tpu.memref_slice %arg12[%dma_wait3A_206, %dma_wait3A_207] : memref<50048x32xf32, #tpu.memory_space<vmem_shared>> -> memref<50048x32xf32, #tpu.memory_space<vmem_shared>>
        tpu.wait_indirect_dma semaphore(%run_scoped3A_196 : memref<!tpu.dma_semaphore, #tpu.memory_space<semaphore_mem>>) src(%arg10 : memref<128x32xf32, #tpu.memory_space<vmem>>) dst(%dma_wait3A_208 : memref<50048x32xf32, #tpu.memory_space<vmem_shared>>)
        tpu.yield
      }) : () -> ()
    }
    %scan3A_49 = arith.constant 49 : i32
    %barrier3A_50 = arith.constant 0 : index
    tpu.barrier barrier_id(%barrier3A_50)
    %mul3A_51 = arith.constant 3128 : i32
    %mul3A_52 = arith.muli %arg1, %mul3A_51 : i32
    %lt3A = arith.constant 15 : i32
    %lt3A_53 = arith.cmpi slt, %arg1, %lt3A : i32
    %convert_element_type3A = arith.extui %lt3A_53 : i1 to i32
    %cond3A = arith.constant 0 : i32
    %cond3A_54 = arith.cmpi ne, %convert_element_type3A, %cond3A : i32
    scf.if %cond3A_54 {
      %mul3A_59 = arith.constant 50000 : i32
      %mul3A_60 = arith.muli %arg0, %mul3A_59 : i32
      %add3A_61 = arith.addi %mul3A_60, %mul3A_52 : i32
      "tpu.region"() ({
        %run_scoped3A = tpu.sem_alloc : memref<!tpu.dma_semaphore, #tpu.memory_space<semaphore_mem>>
        %dma_start3A = arith.constant 0 : i32
        %dma_start3A_62 = tpu.memref_slice %arg5[%add3A_61, %dma_start3A] : memref<100000x32xf32, #tpu.memory_space<hbm>> -> memref<3128x32xf32, #tpu.memory_space<hbm>>
        %dma_start3A_63 = arith.constant 0 : i32
        %dma_start3A_64 = tpu.memref_slice %arg12[%mul3A_52, %dma_start3A_63] : memref<50048x32xf32, #tpu.memory_space<vmem_shared>> -> memref<3128x32xf32, #tpu.memory_space<vmem_shared>>
        tpu.enqueue_dma source(%dma_start3A_64 : memref<3128x32xf32, #tpu.memory_space<vmem_shared>>) target(%dma_start3A_62 : memref<3128x32xf32, #tpu.memory_space<hbm>>) target_semaphore(%run_scoped3A : memref<!tpu.dma_semaphore, #tpu.memory_space<semaphore_mem>>)
        %dma_wait3A = arith.constant 0 : i32
        %dma_wait3A_65 = tpu.memref_slice %arg5[%add3A_61, %dma_wait3A] : memref<100000x32xf32, #tpu.memory_space<hbm>> -> memref<3128x32xf32, #tpu.memory_space<hbm>>
        %dma_wait3A_66 = arith.constant 0 : i32
        %dma_wait3A_67 = tpu.memref_slice %arg12[%mul3A_52, %dma_wait3A_66] : memref<50048x32xf32, #tpu.memory_space<vmem_shared>> -> memref<3128x32xf32, #tpu.memory_space<vmem_shared>>
        tpu.wait_dma2 semaphore(%run_scoped3A : memref<!tpu.dma_semaphore, #tpu.memory_space<semaphore_mem>>) src(%dma_wait3A_67 : memref<3128x32xf32, #tpu.memory_space<vmem_shared>>) dst(%dma_wait3A_65 : memref<3128x32xf32, #tpu.memory_space<hbm>>)
        tpu.yield
      }) : () -> ()
    } else {
    }
    %eq3A = arith.constant 15 : i32
    %eq3A_55 = arith.cmpi eq, %arg1, %eq3A : i32
    %convert_element_type3A_56 = arith.extui %eq3A_55 : i1 to i32
    %cond3A_57 = arith.constant 0 : i32
    %cond3A_58 = arith.cmpi ne, %convert_element_type3A_56, %cond3A_57 : i32
    scf.if %cond3A_58 {
      %mul3A_59 = arith.constant 50000 : i32
      %mul3A_60 = arith.muli %arg0, %mul3A_59 : i32
      %add3A_61 = arith.addi %mul3A_60, %mul3A_52 : i32
      "tpu.region"() ({
        %run_scoped3A = tpu.sem_alloc : memref<!tpu.dma_semaphore, #tpu.memory_space<semaphore_mem>>
        %dma_start3A = arith.constant 0 : i32
        %dma_start3A_62 = tpu.memref_slice %arg5[%add3A_61, %dma_start3A] : memref<100000x32xf32, #tpu.memory_space<hbm>> -> memref<3080x32xf32, #tpu.memory_space<hbm>>
        %dma_start3A_63 = arith.constant 0 : i32
        %dma_start3A_64 = tpu.memref_slice %arg12[%mul3A_52, %dma_start3A_63] : memref<50048x32xf32, #tpu.memory_space<vmem_shared>> -> memref<3080x32xf32, #tpu.memory_space<vmem_shared>>
        tpu.enqueue_dma source(%dma_start3A_64 : memref<3080x32xf32, #tpu.memory_space<vmem_shared>>) target(%dma_start3A_62 : memref<3080x32xf32, #tpu.memory_space<hbm>>) target_semaphore(%run_scoped3A : memref<!tpu.dma_semaphore, #tpu.memory_space<semaphore_mem>>)
        %dma_wait3A = arith.constant 0 : i32
        %dma_wait3A_65 = tpu.memref_slice %arg5[%add3A_61, %dma_wait3A] : memref<100000x32xf32, #tpu.memory_space<hbm>> -> memref<3080x32xf32, #tpu.memory_space<hbm>>
        %dma_wait3A_66 = arith.constant 0 : i32
        %dma_wait3A_67 = tpu.memref_slice %arg12[%mul3A_52, %dma_wait3A_66] : memref<50048x32xf32, #tpu.memory_space<vmem_shared>> -> memref<3080x32xf32, #tpu.memory_space<vmem_shared>>
        tpu.wait_dma2 semaphore(%run_scoped3A : memref<!tpu.dma_semaphore, #tpu.memory_space<semaphore_mem>>) src(%dma_wait3A_67 : memref<3080x32xf32, #tpu.memory_space<vmem_shared>>) dst(%dma_wait3A_65 : memref<3080x32xf32, #tpu.memory_space<hbm>>)
        tpu.yield
      }) : () -> ()
    } else {
    }
    return
  }
}

#map = affine_map<(d0, d1) -> (0)>
#map1 = affine_map<(d0, d1) -> (0, 0)>
module attributes {stable_mosaic.version = 14 : i64} {
  func.func @_pick_body(%arg0: i32, %arg1: i32, %arg2: memref<4096xi32, #tpu.memory_space<hbm>>, %arg3: memref<4096xi32, #tpu.memory_space<hbm>>, %arg4: memref<25000x64xf32, #tpu.memory_space<hbm>>, %arg5: memref<25000x64xf32, #tpu.memory_space<hbm>>, %arg6: memref<100000x32xf32, #tpu.memory_space<hbm>>, %arg7: memref<100000x32xf32, #tpu.memory_space<hbm>>, %arg8: memref<50000xf32, #tpu.memory_space<hbm>>, %arg9: memref<4096x64xf32, #tpu.memory_space<hbm>>, %arg10: memref<4096x64xf32, #tpu.memory_space<hbm>>, %arg11: memref<128xi32, #tpu.memory_space<vmem>>, %arg12: memref<128xi32, #tpu.memory_space<vmem>>, %arg13: memref<128x64xf32, #tpu.memory_space<vmem>>, %arg14: memref<128x32xf32, #tpu.memory_space<vmem>>, %arg15: memref<128x32xf32, #tpu.memory_space<vmem>>, %arg16: memref<128x32xf32, #tpu.memory_space<vmem>>, %arg17: memref<128x32xf32, #tpu.memory_space<vmem>>, %arg18: memref<128xf32, #tpu.memory_space<vmem>>, %arg19: memref<128x64xf32, #tpu.memory_space<vmem>>, %arg20: memref<!tpu.dma_semaphore, #tpu.memory_space<semaphore_mem>>) attributes {dimension_semantics = [#tpu.dimension_semantics<core_parallel>, #tpu.dimension_semantics<subcore_parallel>], iteration_bounds = array<i64: 2, 16>, scalar_prefetch = 0 : i64, scratch_operands = 10 : i64, tpu.core_type = #tpu.core_type<sc_vector_subcore>, window_params = [{transform_indices = #map}, {transform_indices = #map}, {transform_indices = #map1}, {transform_indices = #map1}, {transform_indices = #map1}, {transform_indices = #map1}, {transform_indices = #map}, {transform_indices = #map1}, {transform_indices = #map1}]} {
    %mul3A = arith.constant 16 : i32
    %mul3A_0 = arith.muli %arg0, %mul3A : i32
    %add3A = arith.addi %mul3A_0, %arg1 : i32
    %mul3A_1 = arith.constant 128 : i32
    %mul3A_2 = arith.muli %add3A, %mul3A_1 : i32
    "tpu.region"() ({
      %run_scoped3A = tpu.sem_alloc : memref<!tpu.dma_semaphore, #tpu.memory_space<semaphore_mem>>
      %dma_start3A_113 = tpu.memref_slice %arg2[%mul3A_2] : memref<4096xi32, #tpu.memory_space<hbm>> -> memref<128xi32, #tpu.memory_space<hbm>>
      %dma_start3A_114 = tpu.memref_slice %arg2[%mul3A_2] : memref<4096xi32, #tpu.memory_space<hbm>> -> memref<128xi32, #tpu.memory_space<hbm>>
      tpu.enqueue_dma source(%dma_start3A_114 : memref<128xi32, #tpu.memory_space<hbm>>) target(%arg11 : memref<128xi32, #tpu.memory_space<vmem>>) target_semaphore(%run_scoped3A : memref<!tpu.dma_semaphore, #tpu.memory_space<semaphore_mem>>)
      %dma_wait3A_115 = tpu.memref_slice %arg2[%mul3A_2] : memref<4096xi32, #tpu.memory_space<hbm>> -> memref<128xi32, #tpu.memory_space<hbm>>
      %dma_wait3A_116 = tpu.memref_slice %arg2[%mul3A_2] : memref<4096xi32, #tpu.memory_space<hbm>> -> memref<128xi32, #tpu.memory_space<hbm>>
      tpu.wait_dma2 semaphore(%run_scoped3A : memref<!tpu.dma_semaphore, #tpu.memory_space<semaphore_mem>>) src(%dma_wait3A_116 : memref<128xi32, #tpu.memory_space<hbm>>) dst(%arg11 : memref<128xi32, #tpu.memory_space<vmem>>)
      tpu.yield
    }) : () -> ()
    %dma_start3A = arith.constant 0 : i32
    %dma_start3A_3 = arith.constant 0 : i32
    %dma_start3A_4 = tpu.memref_slice %arg4[%dma_start3A, %dma_start3A_3] : memref<25000x64xf32, #tpu.memory_space<hbm>> -> memref<25000x64xf32, #tpu.memory_space<hbm>>
    tpu.enqueue_indirect_dma source(%dma_start3A_4 : memref<25000x64xf32, #tpu.memory_space<hbm>>) target(%arg13 : memref<128x64xf32, #tpu.memory_space<vmem>>) offsets(%arg11 : memref<128xi32, #tpu.memory_space<vmem>>) semaphore(%arg20 : memref<!tpu.dma_semaphore, #tpu.memory_space<semaphore_mem>>)
    %dma_wait3A = arith.constant 0 : i32
    %dma_wait3A_5 = arith.constant 0 : i32
    %dma_wait3A_6 = tpu.memref_slice %arg4[%dma_wait3A, %dma_wait3A_5] : memref<25000x64xf32, #tpu.memory_space<hbm>> -> memref<25000x64xf32, #tpu.memory_space<hbm>>
    tpu.wait_indirect_dma semaphore(%arg20 : memref<!tpu.dma_semaphore, #tpu.memory_space<semaphore_mem>>) src(%dma_wait3A_6 : memref<25000x64xf32, #tpu.memory_space<hbm>>) dst(%arg13 : memref<128x64xf32, #tpu.memory_space<vmem>>)
    %broadcast_in_dim3A = arith.constant 0 : i32
    %broadcast_in_dim3A_7 = vector.broadcast %broadcast_in_dim3A : i32 to vector<16xi32>
    %scan3A = arith.constant 0 : i32
    %scan3A_8 = arith.constant 0 : i32
    %scan3A_9 = arith.constant 8 : i32
    %scan3A_10 = arith.addi %scan3A_8, %scan3A_9 : i32
    %scan3A_11 = arith.constant 1 : i32
    scf.for %scan3A_113 = %scan3A_8 to %scan3A_10 step %scan3A_11  : i32 {
      %mul3A_114 = arith.constant 16 : i32
      %mul3A_115 = arith.muli %scan3A_113, %mul3A_114 : i32
      %multiple_of3A = tpu.assume_multiple %mul3A_115, 16 : i32
      %get3A = arith.index_cast %multiple_of3A : i32 to index
      %get3A_116 = tpu.vector_load %arg11[%get3A] {strides = array<i32>} : memref<128xi32, #tpu.memory_space<vmem>>, vector<16xi32>,
      %add3A_117 = arith.addi %get3A_116, %broadcast_in_dim3A_7 : vector<16xi32>
      %swap3A = arith.index_cast %multiple_of3A : i32 to index
      %swap3A_118 = tpu.vector_load %arg12[%swap3A] {strides = array<i32>} : memref<128xi32, #tpu.memory_space<vmem>>, vector<16xi32>,
      tpu.vector_store %arg12[%swap3A], %add3A_117 {strides = array<i32>} : memref<128xi32, #tpu.memory_space<vmem>>, vector<16xi32>,
    }
    %scan3A_12 = arith.constant 8 : i32
    %dma_start3A_13 = arith.constant 0 : i32
    %dma_start3A_14 = arith.constant 0 : i32
    %dma_start3A_15 = tpu.memref_slice %arg6[%dma_start3A_13, %dma_start3A_14] : memref<100000x32xf32, #tpu.memory_space<hbm>> -> memref<100000x32xf32, #tpu.memory_space<hbm>>
    tpu.enqueue_indirect_dma source(%dma_start3A_15 : memref<100000x32xf32, #tpu.memory_space<hbm>>) target(%arg14 : memref<128x32xf32, #tpu.memory_space<vmem>>) offsets(%arg12 : memref<128xi32, #tpu.memory_space<vmem>>) semaphore(%arg20 : memref<!tpu.dma_semaphore, #tpu.memory_space<semaphore_mem>>)
    %dma_wait3A_16 = arith.constant 0 : i32
    %dma_wait3A_17 = arith.constant 0 : i32
    %dma_wait3A_18 = tpu.memref_slice %arg6[%dma_wait3A_16, %dma_wait3A_17] : memref<100000x32xf32, #tpu.memory_space<hbm>> -> memref<100000x32xf32, #tpu.memory_space<hbm>>
    tpu.wait_indirect_dma semaphore(%arg20 : memref<!tpu.dma_semaphore, #tpu.memory_space<semaphore_mem>>) src(%dma_wait3A_18 : memref<100000x32xf32, #tpu.memory_space<hbm>>) dst(%arg14 : memref<128x32xf32, #tpu.memory_space<vmem>>)
    %dma_start3A_19 = arith.constant 0 : i32
    %dma_start3A_20 = arith.constant 0 : i32
    %dma_start3A_21 = tpu.memref_slice %arg7[%dma_start3A_19, %dma_start3A_20] : memref<100000x32xf32, #tpu.memory_space<hbm>> -> memref<100000x32xf32, #tpu.memory_space<hbm>>
    tpu.enqueue_indirect_dma source(%dma_start3A_21 : memref<100000x32xf32, #tpu.memory_space<hbm>>) target(%arg16 : memref<128x32xf32, #tpu.memory_space<vmem>>) offsets(%arg12 : memref<128xi32, #tpu.memory_space<vmem>>) semaphore(%arg20 : memref<!tpu.dma_semaphore, #tpu.memory_space<semaphore_mem>>)
    %dma_wait3A_22 = arith.constant 0 : i32
    %dma_wait3A_23 = arith.constant 0 : i32
    %dma_wait3A_24 = tpu.memref_slice %arg7[%dma_wait3A_22, %dma_wait3A_23] : memref<100000x32xf32, #tpu.memory_space<hbm>> -> memref<100000x32xf32, #tpu.memory_space<hbm>>
    tpu.wait_indirect_dma semaphore(%arg20 : memref<!tpu.dma_semaphore, #tpu.memory_space<semaphore_mem>>) src(%dma_wait3A_24 : memref<100000x32xf32, #tpu.memory_space<hbm>>) dst(%arg16 : memref<128x32xf32, #tpu.memory_space<vmem>>)
    %dma_start3A_25 = arith.constant 0 : i32
    %dma_start3A_26 = tpu.memref_slice %arg8[%dma_start3A_25] : memref<50000xf32, #tpu.memory_space<hbm>> -> memref<50000xf32, #tpu.memory_space<hbm>>
    tpu.enqueue_indirect_dma source(%dma_start3A_26 : memref<50000xf32, #tpu.memory_space<hbm>>) target(%arg18 : memref<128xf32, #tpu.memory_space<vmem>>) offsets(%arg12 : memref<128xi32, #tpu.memory_space<vmem>>) semaphore(%arg20 : memref<!tpu.dma_semaphore, #tpu.memory_space<semaphore_mem>>)
    %dma_wait3A_27 = arith.constant 0 : i32
    %dma_wait3A_28 = tpu.memref_slice %arg8[%dma_wait3A_27] : memref<50000xf32, #tpu.memory_space<hbm>> -> memref<50000xf32, #tpu.memory_space<hbm>>
    tpu.wait_indirect_dma semaphore(%arg20 : memref<!tpu.dma_semaphore, #tpu.memory_space<semaphore_mem>>) src(%dma_wait3A_28 : memref<50000xf32, #tpu.memory_space<hbm>>) dst(%arg18 : memref<128xf32, #tpu.memory_space<vmem>>)
    %broadcast_in_dim3A_29 = arith.constant 50000 : i32
    %broadcast_in_dim3A_30 = vector.broadcast %broadcast_in_dim3A_29 : i32 to vector<16xi32>
    %scan3A_31 = arith.constant 0 : i32
    %scan3A_32 = arith.constant 0 : i32
    %scan3A_33 = arith.constant 8 : i32
    %scan3A_34 = arith.addi %scan3A_32, %scan3A_33 : i32
    %scan3A_35 = arith.constant 1 : i32
    scf.for %scan3A_113 = %scan3A_32 to %scan3A_34 step %scan3A_35  : i32 {
      %mul3A_114 = arith.constant 16 : i32
      %mul3A_115 = arith.muli %scan3A_113, %mul3A_114 : i32
      %multiple_of3A = tpu.assume_multiple %mul3A_115, 16 : i32
      %get3A = arith.index_cast %multiple_of3A : i32 to index
      %get3A_116 = tpu.vector_load %arg11[%get3A] {strides = array<i32>} : memref<128xi32, #tpu.memory_space<vmem>>, vector<16xi32>,
      %add3A_117 = arith.addi %get3A_116, %broadcast_in_dim3A_30 : vector<16xi32>
      %swap3A = arith.index_cast %multiple_of3A : i32 to index
      %swap3A_118 = tpu.vector_load %arg12[%swap3A] {strides = array<i32>} : memref<128xi32, #tpu.memory_space<vmem>>, vector<16xi32>,
      tpu.vector_store %arg12[%swap3A], %add3A_117 {strides = array<i32>} : memref<128xi32, #tpu.memory_space<vmem>>, vector<16xi32>,
    }
    %scan3A_36 = arith.constant 8 : i32
    %dma_start3A_37 = arith.constant 0 : i32
    %dma_start3A_38 = arith.constant 0 : i32
    %dma_start3A_39 = tpu.memref_slice %arg6[%dma_start3A_37, %dma_start3A_38] : memref<100000x32xf32, #tpu.memory_space<hbm>> -> memref<100000x32xf32, #tpu.memory_space<hbm>>
    tpu.enqueue_indirect_dma source(%dma_start3A_39 : memref<100000x32xf32, #tpu.memory_space<hbm>>) target(%arg15 : memref<128x32xf32, #tpu.memory_space<vmem>>) offsets(%arg12 : memref<128xi32, #tpu.memory_space<vmem>>) semaphore(%arg20 : memref<!tpu.dma_semaphore, #tpu.memory_space<semaphore_mem>>)
    %dma_wait3A_40 = arith.constant 0 : i32
    %dma_wait3A_41 = arith.constant 0 : i32
    %dma_wait3A_42 = tpu.memref_slice %arg6[%dma_wait3A_40, %dma_wait3A_41] : memref<100000x32xf32, #tpu.memory_space<hbm>> -> memref<100000x32xf32, #tpu.memory_space<hbm>>
    tpu.wait_indirect_dma semaphore(%arg20 : memref<!tpu.dma_semaphore, #tpu.memory_space<semaphore_mem>>) src(%dma_wait3A_42 : memref<100000x32xf32, #tpu.memory_space<hbm>>) dst(%arg15 : memref<128x32xf32, #tpu.memory_space<vmem>>)
    %dma_start3A_43 = arith.constant 0 : i32
    %dma_start3A_44 = arith.constant 0 : i32
    %dma_start3A_45 = tpu.memref_slice %arg7[%dma_start3A_43, %dma_start3A_44] : memref<100000x32xf32, #tpu.memory_space<hbm>> -> memref<100000x32xf32, #tpu.memory_space<hbm>>
    tpu.enqueue_indirect_dma source(%dma_start3A_45 : memref<100000x32xf32, #tpu.memory_space<hbm>>) target(%arg17 : memref<128x32xf32, #tpu.memory_space<vmem>>) offsets(%arg12 : memref<128xi32, #tpu.memory_space<vmem>>) semaphore(%arg20 : memref<!tpu.dma_semaphore, #tpu.memory_space<semaphore_mem>>)
    %dma_wait3A_46 = arith.constant 0 : i32
    %dma_wait3A_47 = arith.constant 0 : i32
    %dma_wait3A_48 = tpu.memref_slice %arg7[%dma_wait3A_46, %dma_wait3A_47] : memref<100000x32xf32, #tpu.memory_space<hbm>> -> memref<100000x32xf32, #tpu.memory_space<hbm>>
    tpu.wait_indirect_dma semaphore(%arg20 : memref<!tpu.dma_semaphore, #tpu.memory_space<semaphore_mem>>) src(%dma_wait3A_48 : memref<100000x32xf32, #tpu.memory_space<hbm>>) dst(%arg17 : memref<128x32xf32, #tpu.memory_space<vmem>>)
    %scan3A_49 = arith.constant 0 : i32
    %scan3A_50 = arith.constant 0.333333343 : f32
    %scan3A_51 = arith.constant 0 : i32
    %scan3A_52 = arith.constant 128 : i32
    %scan3A_53 = arith.addi %scan3A_51, %scan3A_52 : i32
    %scan3A_54 = arith.constant 1 : i32
    scf.for %scan3A_113 = %scan3A_51 to %scan3A_53 step %scan3A_54  : i32 {
      %broadcast_in_dim3A_114 = vector.broadcast %scan3A_113 : i32 to vector<16xi32>
      %gather3A = tpu.vector_load_idx %arg18[%broadcast_in_dim3A_114] : memref<128xf32, #tpu.memory_space<vmem>>[vector<16xi32>], vector<16xf32>,
      %get3A = arith.index_cast %scan3A_113 : i32 to index
      %get3A_115 = arith.constant 0 : index
      %get3A_116 = tpu.vector_load %arg13[%get3A, %get3A_115] {strides = array<i32>} : memref<128x64xf32, #tpu.memory_space<vmem>>, vector<16xf32>,
      %get3A_117 = arith.index_cast %scan3A_113 : i32 to index
      %get3A_118 = arith.constant 0 : index
      %get3A_119 = tpu.vector_load %arg14[%get3A_117, %get3A_118] {strides = array<i32>} : memref<128x32xf32, #tpu.memory_space<vmem>>, vector<16xf32>,
      %get3A_120 = arith.index_cast %scan3A_113 : i32 to index
      %get3A_121 = arith.constant 0 : index
      %get3A_122 = tpu.vector_load %arg16[%get3A_120, %get3A_121] {strides = array<i32>} : memref<128x32xf32, #tpu.memory_space<vmem>>, vector<16xf32>,
      %add3A_123 = arith.addf %get3A_119, %get3A_122 : vector<16xf32>
      %mul3A_124 = arith.mulf %gather3A, %add3A_123 : vector<16xf32>
      %add3A_125 = arith.addf %get3A_116, %mul3A_124 : vector<16xf32>
      %mul3A_126 = vector.broadcast %scan3A_50 : f32 to vector<16xf32>
      %mul3A_127 = arith.mulf %add3A_125, %mul3A_126 : vector<16xf32>
      %swap3A = arith.index_cast %scan3A_113 : i32 to index
      %swap3A_128 = arith.constant 0 : index
      %swap3A_129 = tpu.vector_load %arg19[%swap3A, %swap3A_128] {strides = array<i32>} : memref<128x64xf32, #tpu.memory_space<vmem>>, vector<16xf32>,
      tpu.vector_store %arg19[%swap3A, %swap3A_128], %mul3A_127 {strides = array<i32>} : memref<128x64xf32, #tpu.memory_space<vmem>>, vector<16xf32>,
      %get3A_130 = arith.index_cast %scan3A_113 : i32 to index
      %get3A_131 = arith.constant 16 : index
      %get3A_132 = tpu.vector_load %arg13[%get3A_130, %get3A_131] {strides = array<i32>} : memref<128x64xf32, #tpu.memory_space<vmem>>, vector<16xf32>,
      %get3A_133 = arith.index_cast %scan3A_113 : i32 to index
      %get3A_134 = arith.constant 16 : index
      %get3A_135 = tpu.vector_load %arg14[%get3A_133, %get3A_134] {strides = array<i32>} : memref<128x32xf32, #tpu.memory_space<vmem>>, vector<16xf32>,
      %get3A_136 = arith.index_cast %scan3A_113 : i32 to index
      %get3A_137 = arith.constant 16 : index
      %get3A_138 = tpu.vector_load %arg16[%get3A_136, %get3A_137] {strides = array<i32>} : memref<128x32xf32, #tpu.memory_space<vmem>>, vector<16xf32>,
      %add3A_139 = arith.addf %get3A_135, %get3A_138 : vector<16xf32>
      %mul3A_140 = arith.mulf %gather3A, %add3A_139 : vector<16xf32>
      %add3A_141 = arith.addf %get3A_132, %mul3A_140 : vector<16xf32>
      %mul3A_142 = vector.broadcast %scan3A_50 : f32 to vector<16xf32>
      %mul3A_143 = arith.mulf %add3A_141, %mul3A_142 : vector<16xf32>
      %swap3A_144 = arith.index_cast %scan3A_113 : i32 to index
      %swap3A_145 = arith.constant 16 : index
      %swap3A_146 = tpu.vector_load %arg19[%swap3A_144, %swap3A_145] {strides = array<i32>} : memref<128x64xf32, #tpu.memory_space<vmem>>, vector<16xf32>,
      tpu.vector_store %arg19[%swap3A_144, %swap3A_145], %mul3A_143 {strides = array<i32>} : memref<128x64xf32, #tpu.memory_space<vmem>>, vector<16xf32>,
      %get3A_147 = arith.index_cast %scan3A_113 : i32 to index
      %get3A_148 = arith.constant 32 : index
      %get3A_149 = tpu.vector_load %arg13[%get3A_147, %get3A_148] {strides = array<i32>} : memref<128x64xf32, #tpu.memory_space<vmem>>, vector<16xf32>,
      %get3A_150 = arith.index_cast %scan3A_113 : i32 to index
      %get3A_151 = arith.constant 0 : index
      %get3A_152 = tpu.vector_load %arg15[%get3A_150, %get3A_151] {strides = array<i32>} : memref<128x32xf32, #tpu.memory_space<vmem>>, vector<16xf32>,
      %get3A_153 = arith.index_cast %scan3A_113 : i32 to index
      %get3A_154 = arith.constant 0 : index
      %get3A_155 = tpu.vector_load %arg17[%get3A_153, %get3A_154] {strides = array<i32>} : memref<128x32xf32, #tpu.memory_space<vmem>>, vector<16xf32>,
      %add3A_156 = arith.addf %get3A_152, %get3A_155 : vector<16xf32>
      %mul3A_157 = arith.mulf %gather3A, %add3A_156 : vector<16xf32>
      %add3A_158 = arith.addf %get3A_149, %mul3A_157 : vector<16xf32>
      %mul3A_159 = vector.broadcast %scan3A_50 : f32 to vector<16xf32>
      %mul3A_160 = arith.mulf %add3A_158, %mul3A_159 : vector<16xf32>
      %swap3A_161 = arith.index_cast %scan3A_113 : i32 to index
      %swap3A_162 = arith.constant 32 : index
      %swap3A_163 = tpu.vector_load %arg19[%swap3A_161, %swap3A_162] {strides = array<i32>} : memref<128x64xf32, #tpu.memory_space<vmem>>, vector<16xf32>,
      tpu.vector_store %arg19[%swap3A_161, %swap3A_162], %mul3A_160 {strides = array<i32>} : memref<128x64xf32, #tpu.memory_space<vmem>>, vector<16xf32>,
      %get3A_164 = arith.index_cast %scan3A_113 : i32 to index
      %get3A_165 = arith.constant 48 : index
      %get3A_166 = tpu.vector_load %arg13[%get3A_164, %get3A_165] {strides = array<i32>} : memref<128x64xf32, #tpu.memory_space<vmem>>, vector<16xf32>,
      %get3A_167 = arith.index_cast %scan3A_113 : i32 to index
      %get3A_168 = arith.constant 16 : index
      %get3A_169 = tpu.vector_load %arg15[%get3A_167, %get3A_168] {strides = array<i32>} : memref<128x32xf32, #tpu.memory_space<vmem>>, vector<16xf32>,
      %get3A_170 = arith.index_cast %scan3A_113 : i32 to index
      %get3A_171 = arith.constant 16 : index
      %get3A_172 = tpu.vector_load %arg17[%get3A_170, %get3A_171] {strides = array<i32>} : memref<128x32xf32, #tpu.memory_space<vmem>>, vector<16xf32>,
      %add3A_173 = arith.addf %get3A_169, %get3A_172 : vector<16xf32>
      %mul3A_174 = arith.mulf %gather3A, %add3A_173 : vector<16xf32>
      %add3A_175 = arith.addf %get3A_166, %mul3A_174 : vector<16xf32>
      %mul3A_176 = vector.broadcast %scan3A_50 : f32 to vector<16xf32>
      %mul3A_177 = arith.mulf %add3A_175, %mul3A_176 : vector<16xf32>
      %swap3A_178 = arith.index_cast %scan3A_113 : i32 to index
      %swap3A_179 = arith.constant 48 : index
      %swap3A_180 = tpu.vector_load %arg19[%swap3A_178, %swap3A_179] {strides = array<i32>} : memref<128x64xf32, #tpu.memory_space<vmem>>, vector<16xf32>,
      tpu.vector_store %arg19[%swap3A_178, %swap3A_179], %mul3A_177 {strides = array<i32>} : memref<128x64xf32, #tpu.memory_space<vmem>>, vector<16xf32>,
    }
    %scan3A_55 = arith.constant 128 : i32
    "tpu.region"() ({
      %run_scoped3A = tpu.sem_alloc : memref<!tpu.dma_semaphore, #tpu.memory_space<semaphore_mem>>
      %dma_start3A_113 = arith.constant 0 : i32
      %dma_start3A_114 = tpu.memref_slice %arg9[%mul3A_2, %dma_start3A_113] : memref<4096x64xf32, #tpu.memory_space<hbm>> -> memref<128x64xf32, #tpu.memory_space<hbm>>
      %dma_start3A_115 = arith.constant 0 : i32
      %dma_start3A_116 = tpu.memref_slice %arg9[%mul3A_2, %dma_start3A_115] : memref<4096x64xf32, #tpu.memory_space<hbm>> -> memref<128x64xf32, #tpu.memory_space<hbm>>
      tpu.enqueue_dma source(%arg19 : memref<128x64xf32, #tpu.memory_space<vmem>>) target(%dma_start3A_116 : memref<128x64xf32, #tpu.memory_space<hbm>>) target_semaphore(%run_scoped3A : memref<!tpu.dma_semaphore, #tpu.memory_space<semaphore_mem>>)
      %dma_wait3A_117 = arith.constant 0 : i32
      %dma_wait3A_118 = tpu.memref_slice %arg9[%mul3A_2, %dma_wait3A_117] : memref<4096x64xf32, #tpu.memory_space<hbm>> -> memref<128x64xf32, #tpu.memory_space<hbm>>
      %dma_wait3A_119 = arith.constant 0 : i32
      %dma_wait3A_120 = tpu.memref_slice %arg9[%mul3A_2, %dma_wait3A_119] : memref<4096x64xf32, #tpu.memory_space<hbm>> -> memref<128x64xf32, #tpu.memory_space<hbm>>
      tpu.wait_dma2 semaphore(%run_scoped3A : memref<!tpu.dma_semaphore, #tpu.memory_space<semaphore_mem>>) src(%arg19 : memref<128x64xf32, #tpu.memory_space<vmem>>) dst(%dma_wait3A_120 : memref<128x64xf32, #tpu.memory_space<hbm>>)
      tpu.yield
    }) : () -> ()
    "tpu.region"() ({
      %run_scoped3A = tpu.sem_alloc : memref<!tpu.dma_semaphore, #tpu.memory_space<semaphore_mem>>
      %dma_start3A_113 = tpu.memref_slice %arg3[%mul3A_2] : memref<4096xi32, #tpu.memory_space<hbm>> -> memref<128xi32, #tpu.memory_space<hbm>>
      %dma_start3A_114 = tpu.memref_slice %arg3[%mul3A_2] : memref<4096xi32, #tpu.memory_space<hbm>> -> memref<128xi32, #tpu.memory_space<hbm>>
      tpu.enqueue_dma source(%dma_start3A_114 : memref<128xi32, #tpu.memory_space<hbm>>) target(%arg11 : memref<128xi32, #tpu.memory_space<vmem>>) target_semaphore(%run_scoped3A : memref<!tpu.dma_semaphore, #tpu.memory_space<semaphore_mem>>)
      %dma_wait3A_115 = tpu.memref_slice %arg3[%mul3A_2] : memref<4096xi32, #tpu.memory_space<hbm>> -> memref<128xi32, #tpu.memory_space<hbm>>
      %dma_wait3A_116 = tpu.memref_slice %arg3[%mul3A_2] : memref<4096xi32, #tpu.memory_space<hbm>> -> memref<128xi32, #tpu.memory_space<hbm>>
      tpu.wait_dma2 semaphore(%run_scoped3A : memref<!tpu.dma_semaphore, #tpu.memory_space<semaphore_mem>>) src(%dma_wait3A_116 : memref<128xi32, #tpu.memory_space<hbm>>) dst(%arg11 : memref<128xi32, #tpu.memory_space<vmem>>)
      tpu.yield
    }) : () -> ()
    %dma_start3A_56 = arith.constant 0 : i32
    %dma_start3A_57 = arith.constant 0 : i32
    %dma_start3A_58 = tpu.memref_slice %arg5[%dma_start3A_56, %dma_start3A_57] : memref<25000x64xf32, #tpu.memory_space<hbm>> -> memref<25000x64xf32, #tpu.memory_space<hbm>>
    tpu.enqueue_indirect_dma source(%dma_start3A_58 : memref<25000x64xf32, #tpu.memory_space<hbm>>) target(%arg13 : memref<128x64xf32, #tpu.memory_space<vmem>>) offsets(%arg11 : memref<128xi32, #tpu.memory_space<vmem>>) semaphore(%arg20 : memref<!tpu.dma_semaphore, #tpu.memory_space<semaphore_mem>>)
    %dma_wait3A_59 = arith.constant 0 : i32
    %dma_wait3A_60 = arith.constant 0 : i32
    %dma_wait3A_61 = tpu.memref_slice %arg5[%dma_wait3A_59, %dma_wait3A_60] : memref<25000x64xf32, #tpu.memory_space<hbm>> -> memref<25000x64xf32, #tpu.memory_space<hbm>>
    tpu.wait_indirect_dma semaphore(%arg20 : memref<!tpu.dma_semaphore, #tpu.memory_space<semaphore_mem>>) src(%dma_wait3A_61 : memref<25000x64xf32, #tpu.memory_space<hbm>>) dst(%arg13 : memref<128x64xf32, #tpu.memory_space<vmem>>)
    %broadcast_in_dim3A_62 = arith.constant 25000 : i32
    %broadcast_in_dim3A_63 = vector.broadcast %broadcast_in_dim3A_62 : i32 to vector<16xi32>
    %scan3A_64 = arith.constant 0 : i32
    %scan3A_65 = arith.constant 0 : i32
    %scan3A_66 = arith.constant 8 : i32
    %scan3A_67 = arith.addi %scan3A_65, %scan3A_66 : i32
    %scan3A_68 = arith.constant 1 : i32
    scf.for %scan3A_113 = %scan3A_65 to %scan3A_67 step %scan3A_68  : i32 {
      %mul3A_114 = arith.constant 16 : i32
      %mul3A_115 = arith.muli %scan3A_113, %mul3A_114 : i32
      %multiple_of3A = tpu.assume_multiple %mul3A_115, 16 : i32
      %get3A = arith.index_cast %multiple_of3A : i32 to index
      %get3A_116 = tpu.vector_load %arg11[%get3A] {strides = array<i32>} : memref<128xi32, #tpu.memory_space<vmem>>, vector<16xi32>,
      %add3A_117 = arith.addi %get3A_116, %broadcast_in_dim3A_63 : vector<16xi32>
      %swap3A = arith.index_cast %multiple_of3A : i32 to index
      %swap3A_118 = tpu.vector_load %arg12[%swap3A] {strides = array<i32>} : memref<128xi32, #tpu.memory_space<vmem>>, vector<16xi32>,
      tpu.vector_store %arg12[%swap3A], %add3A_117 {strides = array<i32>} : memref<128xi32, #tpu.memory_space<vmem>>, vector<16xi32>,
    }
    %scan3A_69 = arith.constant 8 : i32
    %dma_start3A_70 = arith.constant 0 : i32
    %dma_start3A_71 = arith.constant 0 : i32
    %dma_start3A_72 = tpu.memref_slice %arg6[%dma_start3A_70, %dma_start3A_71] : memref<100000x32xf32, #tpu.memory_space<hbm>> -> memref<100000x32xf32, #tpu.memory_space<hbm>>
    tpu.enqueue_indirect_dma source(%dma_start3A_72 : memref<100000x32xf32, #tpu.memory_space<hbm>>) target(%arg14 : memref<128x32xf32, #tpu.memory_space<vmem>>) offsets(%arg12 : memref<128xi32, #tpu.memory_space<vmem>>) semaphore(%arg20 : memref<!tpu.dma_semaphore, #tpu.memory_space<semaphore_mem>>)
    %dma_wait3A_73 = arith.constant 0 : i32
    %dma_wait3A_74 = arith.constant 0 : i32
    %dma_wait3A_75 = tpu.memref_slice %arg6[%dma_wait3A_73, %dma_wait3A_74] : memref<100000x32xf32, #tpu.memory_space<hbm>> -> memref<100000x32xf32, #tpu.memory_space<hbm>>
    tpu.wait_indirect_dma semaphore(%arg20 : memref<!tpu.dma_semaphore, #tpu.memory_space<semaphore_mem>>) src(%dma_wait3A_75 : memref<100000x32xf32, #tpu.memory_space<hbm>>) dst(%arg14 : memref<128x32xf32, #tpu.memory_space<vmem>>)
    %dma_start3A_76 = arith.constant 0 : i32
    %dma_start3A_77 = arith.constant 0 : i32
    %dma_start3A_78 = tpu.memref_slice %arg7[%dma_start3A_76, %dma_start3A_77] : memref<100000x32xf32, #tpu.memory_space<hbm>> -> memref<100000x32xf32, #tpu.memory_space<hbm>>
    tpu.enqueue_indirect_dma source(%dma_start3A_78 : memref<100000x32xf32, #tpu.memory_space<hbm>>) target(%arg16 : memref<128x32xf32, #tpu.memory_space<vmem>>) offsets(%arg12 : memref<128xi32, #tpu.memory_space<vmem>>) semaphore(%arg20 : memref<!tpu.dma_semaphore, #tpu.memory_space<semaphore_mem>>)
    %dma_wait3A_79 = arith.constant 0 : i32
    %dma_wait3A_80 = arith.constant 0 : i32
    %dma_wait3A_81 = tpu.memref_slice %arg7[%dma_wait3A_79, %dma_wait3A_80] : memref<100000x32xf32, #tpu.memory_space<hbm>> -> memref<100000x32xf32, #tpu.memory_space<hbm>>
    tpu.wait_indirect_dma semaphore(%arg20 : memref<!tpu.dma_semaphore, #tpu.memory_space<semaphore_mem>>) src(%dma_wait3A_81 : memref<100000x32xf32, #tpu.memory_space<hbm>>) dst(%arg16 : memref<128x32xf32, #tpu.memory_space<vmem>>)
    %dma_start3A_82 = arith.constant 0 : i32
    %dma_start3A_83 = tpu.memref_slice %arg8[%dma_start3A_82] : memref<50000xf32, #tpu.memory_space<hbm>> -> memref<50000xf32, #tpu.memory_space<hbm>>
    tpu.enqueue_indirect_dma source(%dma_start3A_83 : memref<50000xf32, #tpu.memory_space<hbm>>) target(%arg18 : memref<128xf32, #tpu.memory_space<vmem>>) offsets(%arg12 : memref<128xi32, #tpu.memory_space<vmem>>) semaphore(%arg20 : memref<!tpu.dma_semaphore, #tpu.memory_space<semaphore_mem>>)
    %dma_wait3A_84 = arith.constant 0 : i32
    %dma_wait3A_85 = tpu.memref_slice %arg8[%dma_wait3A_84] : memref<50000xf32, #tpu.memory_space<hbm>> -> memref<50000xf32, #tpu.memory_space<hbm>>
    tpu.wait_indirect_dma semaphore(%arg20 : memref<!tpu.dma_semaphore, #tpu.memory_space<semaphore_mem>>) src(%dma_wait3A_85 : memref<50000xf32, #tpu.memory_space<hbm>>) dst(%arg18 : memref<128xf32, #tpu.memory_space<vmem>>)
    %broadcast_in_dim3A_86 = arith.constant 75000 : i32
    %broadcast_in_dim3A_87 = vector.broadcast %broadcast_in_dim3A_86 : i32 to vector<16xi32>
    %scan3A_88 = arith.constant 0 : i32
    %scan3A_89 = arith.constant 0 : i32
    %scan3A_90 = arith.constant 8 : i32
    %scan3A_91 = arith.addi %scan3A_89, %scan3A_90 : i32
    %scan3A_92 = arith.constant 1 : i32
    scf.for %scan3A_113 = %scan3A_89 to %scan3A_91 step %scan3A_92  : i32 {
      %mul3A_114 = arith.constant 16 : i32
      %mul3A_115 = arith.muli %scan3A_113, %mul3A_114 : i32
      %multiple_of3A = tpu.assume_multiple %mul3A_115, 16 : i32
      %get3A = arith.index_cast %multiple_of3A : i32 to index
      %get3A_116 = tpu.vector_load %arg11[%get3A] {strides = array<i32>} : memref<128xi32, #tpu.memory_space<vmem>>, vector<16xi32>,
      %add3A_117 = arith.addi %get3A_116, %broadcast_in_dim3A_87 : vector<16xi32>
      %swap3A = arith.index_cast %multiple_of3A : i32 to index
      %swap3A_118 = tpu.vector_load %arg12[%swap3A] {strides = array<i32>} : memref<128xi32, #tpu.memory_space<vmem>>, vector<16xi32>,
      tpu.vector_store %arg12[%swap3A], %add3A_117 {strides = array<i32>} : memref<128xi32, #tpu.memory_space<vmem>>, vector<16xi32>,
    }
    %scan3A_93 = arith.constant 8 : i32
    %dma_start3A_94 = arith.constant 0 : i32
    %dma_start3A_95 = arith.constant 0 : i32
    %dma_start3A_96 = tpu.memref_slice %arg6[%dma_start3A_94, %dma_start3A_95] : memref<100000x32xf32, #tpu.memory_space<hbm>> -> memref<100000x32xf32, #tpu.memory_space<hbm>>
    tpu.enqueue_indirect_dma source(%dma_start3A_96 : memref<100000x32xf32, #tpu.memory_space<hbm>>) target(%arg15 : memref<128x32xf32, #tpu.memory_space<vmem>>) offsets(%arg12 : memref<128xi32, #tpu.memory_space<vmem>>) semaphore(%arg20 : memref<!tpu.dma_semaphore, #tpu.memory_space<semaphore_mem>>)
    %dma_wait3A_97 = arith.constant 0 : i32
    %dma_wait3A_98 = arith.constant 0 : i32
    %dma_wait3A_99 = tpu.memref_slice %arg6[%dma_wait3A_97, %dma_wait3A_98] : memref<100000x32xf32, #tpu.memory_space<hbm>> -> memref<100000x32xf32, #tpu.memory_space<hbm>>
    tpu.wait_indirect_dma semaphore(%arg20 : memref<!tpu.dma_semaphore, #tpu.memory_space<semaphore_mem>>) src(%dma_wait3A_99 : memref<100000x32xf32, #tpu.memory_space<hbm>>) dst(%arg15 : memref<128x32xf32, #tpu.memory_space<vmem>>)
    %dma_start3A_100 = arith.constant 0 : i32
    %dma_start3A_101 = arith.constant 0 : i32
    %dma_start3A_102 = tpu.memref_slice %arg7[%dma_start3A_100, %dma_start3A_101] : memref<100000x32xf32, #tpu.memory_space<hbm>> -> memref<100000x32xf32, #tpu.memory_space<hbm>>
    tpu.enqueue_indirect_dma source(%dma_start3A_102 : memref<100000x32xf32, #tpu.memory_space<hbm>>) target(%arg17 : memref<128x32xf32, #tpu.memory_space<vmem>>) offsets(%arg12 : memref<128xi32, #tpu.memory_space<vmem>>) semaphore(%arg20 : memref<!tpu.dma_semaphore, #tpu.memory_space<semaphore_mem>>)
    %dma_wait3A_103 = arith.constant 0 : i32
    %dma_wait3A_104 = arith.constant 0 : i32
    %dma_wait3A_105 = tpu.memref_slice %arg7[%dma_wait3A_103, %dma_wait3A_104] : memref<100000x32xf32, #tpu.memory_space<hbm>> -> memref<100000x32xf32, #tpu.memory_space<hbm>>
    tpu.wait_indirect_dma semaphore(%arg20 : memref<!tpu.dma_semaphore, #tpu.memory_space<semaphore_mem>>) src(%dma_wait3A_105 : memref<100000x32xf32, #tpu.memory_space<hbm>>) dst(%arg17 : memref<128x32xf32, #tpu.memory_space<vmem>>)
    %scan3A_106 = arith.constant 0 : i32
    %scan3A_107 = arith.constant 0.333333343 : f32
    %scan3A_108 = arith.constant 0 : i32
    %scan3A_109 = arith.constant 128 : i32
    %scan3A_110 = arith.addi %scan3A_108, %scan3A_109 : i32
    %scan3A_111 = arith.constant 1 : i32
    scf.for %scan3A_113 = %scan3A_108 to %scan3A_110 step %scan3A_111  : i32 {
      %broadcast_in_dim3A_114 = vector.broadcast %scan3A_113 : i32 to vector<16xi32>
      %gather3A = tpu.vector_load_idx %arg18[%broadcast_in_dim3A_114] : memref<128xf32, #tpu.memory_space<vmem>>[vector<16xi32>], vector<16xf32>,
      %get3A = arith.index_cast %scan3A_113 : i32 to index
      %get3A_115 = arith.constant 0 : index
      %get3A_116 = tpu.vector_load %arg13[%get3A, %get3A_115] {strides = array<i32>} : memref<128x64xf32, #tpu.memory_space<vmem>>, vector<16xf32>,
      %get3A_117 = arith.index_cast %scan3A_113 : i32 to index
      %get3A_118 = arith.constant 0 : index
      %get3A_119 = tpu.vector_load %arg14[%get3A_117, %get3A_118] {strides = array<i32>} : memref<128x32xf32, #tpu.memory_space<vmem>>, vector<16xf32>,
      %get3A_120 = arith.index_cast %scan3A_113 : i32 to index
      %get3A_121 = arith.constant 0 : index
      %get3A_122 = tpu.vector_load %arg16[%get3A_120, %get3A_121] {strides = array<i32>} : memref<128x32xf32, #tpu.memory_space<vmem>>, vector<16xf32>,
      %add3A_123 = arith.addf %get3A_119, %get3A_122 : vector<16xf32>
      %mul3A_124 = arith.mulf %gather3A, %add3A_123 : vector<16xf32>
      %add3A_125 = arith.addf %get3A_116, %mul3A_124 : vector<16xf32>
      %mul3A_126 = vector.broadcast %scan3A_107 : f32 to vector<16xf32>
      %mul3A_127 = arith.mulf %add3A_125, %mul3A_126 : vector<16xf32>
      %swap3A = arith.index_cast %scan3A_113 : i32 to index
      %swap3A_128 = arith.constant 0 : index
      %swap3A_129 = tpu.vector_load %arg19[%swap3A, %swap3A_128] {strides = array<i32>} : memref<128x64xf32, #tpu.memory_space<vmem>>, vector<16xf32>,
      tpu.vector_store %arg19[%swap3A, %swap3A_128], %mul3A_127 {strides = array<i32>} : memref<128x64xf32, #tpu.memory_space<vmem>>, vector<16xf32>,
      %get3A_130 = arith.index_cast %scan3A_113 : i32 to index
      %get3A_131 = arith.constant 16 : index
      %get3A_132 = tpu.vector_load %arg13[%get3A_130, %get3A_131] {strides = array<i32>} : memref<128x64xf32, #tpu.memory_space<vmem>>, vector<16xf32>,
      %get3A_133 = arith.index_cast %scan3A_113 : i32 to index
      %get3A_134 = arith.constant 16 : index
      %get3A_135 = tpu.vector_load %arg14[%get3A_133, %get3A_134] {strides = array<i32>} : memref<128x32xf32, #tpu.memory_space<vmem>>, vector<16xf32>,
      %get3A_136 = arith.index_cast %scan3A_113 : i32 to index
      %get3A_137 = arith.constant 16 : index
      %get3A_138 = tpu.vector_load %arg16[%get3A_136, %get3A_137] {strides = array<i32>} : memref<128x32xf32, #tpu.memory_space<vmem>>, vector<16xf32>,
      %add3A_139 = arith.addf %get3A_135, %get3A_138 : vector<16xf32>
      %mul3A_140 = arith.mulf %gather3A, %add3A_139 : vector<16xf32>
      %add3A_141 = arith.addf %get3A_132, %mul3A_140 : vector<16xf32>
      %mul3A_142 = vector.broadcast %scan3A_107 : f32 to vector<16xf32>
      %mul3A_143 = arith.mulf %add3A_141, %mul3A_142 : vector<16xf32>
      %swap3A_144 = arith.index_cast %scan3A_113 : i32 to index
      %swap3A_145 = arith.constant 16 : index
      %swap3A_146 = tpu.vector_load %arg19[%swap3A_144, %swap3A_145] {strides = array<i32>} : memref<128x64xf32, #tpu.memory_space<vmem>>, vector<16xf32>,
      tpu.vector_store %arg19[%swap3A_144, %swap3A_145], %mul3A_143 {strides = array<i32>} : memref<128x64xf32, #tpu.memory_space<vmem>>, vector<16xf32>,
      %get3A_147 = arith.index_cast %scan3A_113 : i32 to index
      %get3A_148 = arith.constant 32 : index
      %get3A_149 = tpu.vector_load %arg13[%get3A_147, %get3A_148] {strides = array<i32>} : memref<128x64xf32, #tpu.memory_space<vmem>>, vector<16xf32>,
      %get3A_150 = arith.index_cast %scan3A_113 : i32 to index
      %get3A_151 = arith.constant 0 : index
      %get3A_152 = tpu.vector_load %arg15[%get3A_150, %get3A_151] {strides = array<i32>} : memref<128x32xf32, #tpu.memory_space<vmem>>, vector<16xf32>,
      %get3A_153 = arith.index_cast %scan3A_113 : i32 to index
      %get3A_154 = arith.constant 0 : index
      %get3A_155 = tpu.vector_load %arg17[%get3A_153, %get3A_154] {strides = array<i32>} : memref<128x32xf32, #tpu.memory_space<vmem>>, vector<16xf32>,
      %add3A_156 = arith.addf %get3A_152, %get3A_155 : vector<16xf32>
      %mul3A_157 = arith.mulf %gather3A, %add3A_156 : vector<16xf32>
      %add3A_158 = arith.addf %get3A_149, %mul3A_157 : vector<16xf32>
      %mul3A_159 = vector.broadcast %scan3A_107 : f32 to vector<16xf32>
      %mul3A_160 = arith.mulf %add3A_158, %mul3A_159 : vector<16xf32>
      %swap3A_161 = arith.index_cast %scan3A_113 : i32 to index
      %swap3A_162 = arith.constant 32 : index
      %swap3A_163 = tpu.vector_load %arg19[%swap3A_161, %swap3A_162] {strides = array<i32>} : memref<128x64xf32, #tpu.memory_space<vmem>>, vector<16xf32>,
      tpu.vector_store %arg19[%swap3A_161, %swap3A_162], %mul3A_160 {strides = array<i32>} : memref<128x64xf32, #tpu.memory_space<vmem>>, vector<16xf32>,
      %get3A_164 = arith.index_cast %scan3A_113 : i32 to index
      %get3A_165 = arith.constant 48 : index
      %get3A_166 = tpu.vector_load %arg13[%get3A_164, %get3A_165] {strides = array<i32>} : memref<128x64xf32, #tpu.memory_space<vmem>>, vector<16xf32>,
      %get3A_167 = arith.index_cast %scan3A_113 : i32 to index
      %get3A_168 = arith.constant 16 : index
      %get3A_169 = tpu.vector_load %arg15[%get3A_167, %get3A_168] {strides = array<i32>} : memref<128x32xf32, #tpu.memory_space<vmem>>, vector<16xf32>,
      %get3A_170 = arith.index_cast %scan3A_113 : i32 to index
      %get3A_171 = arith.constant 16 : index
      %get3A_172 = tpu.vector_load %arg17[%get3A_170, %get3A_171] {strides = array<i32>} : memref<128x32xf32, #tpu.memory_space<vmem>>, vector<16xf32>,
      %add3A_173 = arith.addf %get3A_169, %get3A_172 : vector<16xf32>
      %mul3A_174 = arith.mulf %gather3A, %add3A_173 : vector<16xf32>
      %add3A_175 = arith.addf %get3A_166, %mul3A_174 : vector<16xf32>
      %mul3A_176 = vector.broadcast %scan3A_107 : f32 to vector<16xf32>
      %mul3A_177 = arith.mulf %add3A_175, %mul3A_176 : vector<16xf32>
      %swap3A_178 = arith.index_cast %scan3A_113 : i32 to index
      %swap3A_179 = arith.constant 48 : index
      %swap3A_180 = tpu.vector_load %arg19[%swap3A_178, %swap3A_179] {strides = array<i32>} : memref<128x64xf32, #tpu.memory_space<vmem>>, vector<16xf32>,
      tpu.vector_store %arg19[%swap3A_178, %swap3A_179], %mul3A_177 {strides = array<i32>} : memref<128x64xf32, #tpu.memory_space<vmem>>, vector<16xf32>,
    }
    %scan3A_112 = arith.constant 128 : i32
    "tpu.region"() ({
      %run_scoped3A = tpu.sem_alloc : memref<!tpu.dma_semaphore, #tpu.memory_space<semaphore_mem>>
      %dma_start3A_113 = arith.constant 0 : i32
      %dma_start3A_114 = tpu.memref_slice %arg10[%mul3A_2, %dma_start3A_113] : memref<4096x64xf32, #tpu.memory_space<hbm>> -> memref<128x64xf32, #tpu.memory_space<hbm>>
      %dma_start3A_115 = arith.constant 0 : i32
      %dma_start3A_116 = tpu.memref_slice %arg10[%mul3A_2, %dma_start3A_115] : memref<4096x64xf32, #tpu.memory_space<hbm>> -> memref<128x64xf32, #tpu.memory_space<hbm>>
      tpu.enqueue_dma source(%arg19 : memref<128x64xf32, #tpu.memory_space<vmem>>) target(%dma_start3A_116 : memref<128x64xf32, #tpu.memory_space<hbm>>) target_semaphore(%run_scoped3A : memref<!tpu.dma_semaphore, #tpu.memory_space<semaphore_mem>>)
      %dma_wait3A_117 = arith.constant 0 : i32
      %dma_wait3A_118 = tpu.memref_slice %arg10[%mul3A_2, %dma_wait3A_117] : memref<4096x64xf32, #tpu.memory_space<hbm>> -> memref<128x64xf32, #tpu.memory_space<hbm>>
      %dma_wait3A_119 = arith.constant 0 : i32
      %dma_wait3A_120 = tpu.memref_slice %arg10[%mul3A_2, %dma_wait3A_119] : memref<4096x64xf32, #tpu.memory_space<hbm>> -> memref<128x64xf32, #tpu.memory_space<hbm>>
      tpu.wait_dma2 semaphore(%run_scoped3A : memref<!tpu.dma_semaphore, #tpu.memory_space<semaphore_mem>>) src(%arg19 : memref<128x64xf32, #tpu.memory_space<vmem>>) dst(%dma_wait3A_120 : memref<128x64xf32, #tpu.memory_space<hbm>>)
      tpu.yield
    }) : () -> ()
    return
  }
}

module attributes {stable_mosaic.version = 14 : i64} {
  func.func @_scale_body(%arg0: i32, %arg1: memref<1000x1xf32, #tpu.memory_space<vmem>>, %arg2: memref<1000x64xf32, #tpu.memory_space<vmem>>, %arg3: memref<2x1000x32xf32, #tpu.memory_space<vmem>>, %arg4: memref<1000x1xf32, #tpu.memory_space<vmem>>) attributes {dimension_semantics = [#tpu.dimension_semantics<arbitrary>], iteration_bounds = array<i64: 50>, scalar_prefetch = 0 : i64, scratch_operands = 0 : i64, tpu.core_type = #tpu.core_type<tc>, window_params = [{transform_indices = @transform_0, window_bounds = array<i64: 1000, 1>}, {transform_indices = @transform_1, window_bounds = array<i64: 1000, 64>}, {transform_indices = @transform_2, window_bounds = array<i64: 2, 1000, 32>}, {transform_indices = @transform_3, window_bounds = array<i64: 1000, 1>}]} {
    %get3A = arith.constant 0 : index
    %get3A_0 = arith.constant 0 : index
    %get3A_1 = vector.load %arg1[%get3A, %get3A_0] : memref<1000x1xf32, #tpu.memory_space<vmem>>, vector<1000x1xf32>
    %gt3A = arith.constant 0.000000e+00 : f32
    %gt3A_2 = vector.broadcast %gt3A : f32 to vector<1000x1xf32>
    %gt3A_3 = arith.cmpf ogt, %get3A_1, %gt3A_2 : vector<1000x1xf32>
    %rsqrt3A = math.rsqrt %get3A_1 : vector<1000x1xf32>
    %jit3A = arith.constant 0.000000e+00 : f32
    %broadcast_in_dim3A = vector.broadcast %jit3A : f32 to vector<1000x1xf32>
    %select_n3A = arith.select %gt3A_3, %rsqrt3A, %broadcast_in_dim3A : vector<1000x1xi1>, vector<1000x1xf32>
    %get3A_4 = arith.constant 0 : index
    %get3A_5 = arith.constant 0 : index
    %get3A_6 = vector.load %arg2[%get3A_4, %get3A_5] : memref<1000x64xf32, #tpu.memory_space<vmem>>, vector<1000x64xf32>
    %slice3A = vector.extract_strided_slice %get3A_6 {offsets = [0, 0], sizes = [1000, 32], strides = [1, 1]} : vector<1000x64xf32> to vector<1000x32xf32>
    %mul3A = vector.broadcast %select_n3A : vector<1000x1xf32> to vector<1000x32xf32>
    %mul3A_7 = arith.mulf %mul3A, %slice3A : vector<1000x32xf32>
    %swap3A = arith.constant 0 : index
    %swap3A_8 = arith.constant 0 : index
    %swap3A_9 = arith.constant 0 : index
    %swap3A_10 = vector.load %arg3[%swap3A, %swap3A_8, %swap3A_9] : memref<2x1000x32xf32, #tpu.memory_space<vmem>>, vector<1x1000x32xf32>
    %swap3A_11 = vector.shape_cast %swap3A_10 : vector<1x1000x32xf32> to vector<1000x32xf32>
    %swap3A_12 = vector.shape_cast %mul3A_7 : vector<1000x32xf32> to vector<1x1000x32xf32>
    tpu.vector_store %arg3[%swap3A, %swap3A_8, %swap3A_9], %swap3A_12 {strides = array<i32>} : memref<2x1000x32xf32, #tpu.memory_space<vmem>>, vector<1x1000x32xf32>,
    %slice3A_13 = vector.extract_strided_slice %get3A_6 {offsets = [0, 32], sizes = [1000, 32], strides = [1, 1]} : vector<1000x64xf32> to vector<1000x32xf32>
    %mul3A_14 = vector.broadcast %select_n3A : vector<1000x1xf32> to vector<1000x32xf32>
    %mul3A_15 = arith.mulf %mul3A_14, %slice3A_13 : vector<1000x32xf32>
    %swap3A_16 = arith.constant 1 : index
    %swap3A_17 = arith.constant 0 : index
    %swap3A_18 = arith.constant 0 : index
    %swap3A_19 = vector.load %arg3[%swap3A_16, %swap3A_17, %swap3A_18] : memref<2x1000x32xf32, #tpu.memory_space<vmem>>, vector<1x1000x32xf32>
    %swap3A_20 = vector.shape_cast %swap3A_19 : vector<1x1000x32xf32> to vector<1000x32xf32>
    %swap3A_21 = vector.shape_cast %mul3A_15 : vector<1000x32xf32> to vector<1x1000x32xf32>
    tpu.vector_store %arg3[%swap3A_16, %swap3A_17, %swap3A_18], %swap3A_21 {strides = array<i32>} : memref<2x1000x32xf32, #tpu.memory_space<vmem>>, vector<1x1000x32xf32>,
    %swap3A_22 = arith.constant 0 : index
    %swap3A_23 = arith.constant 0 : index
    %swap3A_24 = vector.load %arg4[%swap3A_22, %swap3A_23] : memref<1000x1xf32, #tpu.memory_space<vmem>>, vector<1000x1xf32>
    tpu.vector_store %arg4[%swap3A_22, %swap3A_23], %select_n3A {strides = array<i32>} : memref<1000x1xf32, #tpu.memory_space<vmem>>, vector<1000x1xf32>,
    return
  }
  func.func @transform_0(%arg0: i32) -> (i32, i32) {
    %c0_i32 = arith.constant 0 : i32
    %c0_i32_0 = arith.constant 0 : i32
    return %arg0, %c0_i32 : i32, i32
  }
  func.func @transform_1(%arg0: i32) -> (i32, i32) {
    %c0_i32 = arith.constant 0 : i32
    %c0_i32_0 = arith.constant 0 : i32
    return %arg0, %c0_i32 : i32, i32
  }
  func.func @transform_2(%arg0: i32) -> (i32, i32, i32) {
    %c0_i32 = arith.constant 0 : i32
    %c0_i32_0 = arith.constant 0 : i32
    %c0_i32_1 = arith.constant 0 : i32
    return %c0_i32, %arg0, %c0_i32_0 : i32, i32, i32
  }
  func.func @transform_3(%arg0: i32) -> (i32, i32) {
    %c0_i32 = arith.constant 0 : i32
    %c0_i32_0 = arith.constant 0 : i32
    return %arg0, %c0_i32 : i32, i32
  }
}

module attributes {stable_mosaic.version = 14 : i64} {
  func.func @_gscale_body(%arg0: i32, %arg1: memref<1000x32xf32, #tpu.memory_space<vmem>>, %arg2: memref<1000x1xf32, #tpu.memory_space<vmem>>, %arg3: memref<1000x32xf32, #tpu.memory_space<vmem>>) attributes {dimension_semantics = [#tpu.dimension_semantics<arbitrary>], iteration_bounds = array<i64: 100>, scalar_prefetch = 0 : i64, scratch_operands = 0 : i64, tpu.core_type = #tpu.core_type<tc>, window_params = [{transform_indices = @transform_0, window_bounds = array<i64: 1000, 32>}, {transform_indices = @transform_1, window_bounds = array<i64: 1000, 1>}, {transform_indices = @transform_2, window_bounds = array<i64: 1000, 32>}]} {
    %get3A = arith.constant 0 : index
    %get3A_0 = arith.constant 0 : index
    %get3A_1 = vector.load %arg2[%get3A, %get3A_0] : memref<1000x1xf32, #tpu.memory_space<vmem>>, vector<1000x1xf32>
    %get3A_2 = arith.constant 0 : index
    %get3A_3 = arith.constant 0 : index
    %get3A_4 = vector.load %arg1[%get3A_2, %get3A_3] : memref<1000x32xf32, #tpu.memory_space<vmem>>, vector<1000x32xf32>
    %mul3A = arith.mulf %get3A_1, %get3A_1 : vector<1000x1xf32>
    %mul3A_5 = vector.broadcast %mul3A : vector<1000x1xf32> to vector<1000x32xf32>
    %mul3A_6 = arith.mulf %get3A_4, %mul3A_5 : vector<1000x32xf32>
    %swap3A = arith.constant 0 : index
    %swap3A_7 = arith.constant 0 : index
    %swap3A_8 = vector.load %arg3[%swap3A, %swap3A_7] : memref<1000x32xf32, #tpu.memory_space<vmem>>, vector<1000x32xf32>
    tpu.vector_store %arg3[%swap3A, %swap3A_7], %mul3A_6 {strides = array<i32>} : memref<1000x32xf32, #tpu.memory_space<vmem>>, vector<1000x32xf32>,
    return
  }
  func.func @transform_0(%arg0: i32) -> (i32, i32) {
    %c0_i32 = arith.constant 0 : i32
    %c0_i32_0 = arith.constant 0 : i32
    return %arg0, %c0_i32 : i32, i32
  }
  func.func @transform_1(%arg0: i32) -> (i32, i32) {
    %c0_i32 = arith.constant 0 : i32
    %c0_i32_0 = arith.constant 0 : i32
    return %arg0, %c0_i32 : i32, i32
  }
  func.func @transform_2(%arg0: i32) -> (i32, i32) {
    %c0_i32 = arith.constant 0 : i32
    %c0_i32_0 = arith.constant 0 : i32
    return %arg0, %c0_i32 : i32, i32
  }
}

module attributes {stable_mosaic.version = 14 : i64} {
  func.func @_norm_body(%arg0: i32, %arg1: memref<512x64xf32, #tpu.memory_space<vmem>>, %arg2: memref<512x64xf32, #tpu.memory_space<vmem>>, %arg3: memref<512x64xf32, #tpu.memory_space<vmem>>, %arg4: memref<512x64xf32, #tpu.memory_space<vmem>>) attributes {dimension_semantics = [#tpu.dimension_semantics<arbitrary>], iteration_bounds = array<i64: 8>, scalar_prefetch = 0 : i64, scratch_operands = 0 : i64, tpu.core_type = #tpu.core_type<tc>, window_params = [{transform_indices = @transform_0, window_bounds = array<i64: 512, 64>}, {transform_indices = @transform_1, window_bounds = array<i64: 512, 64>}, {transform_indices = @transform_2, window_bounds = array<i64: 512, 64>}, {transform_indices = @transform_3, window_bounds = array<i64: 512, 64>}]} {
    %get3A = arith.constant 0 : index
    %get3A_0 = arith.constant 0 : index
    %get3A_1 = vector.load %arg1[%get3A, %get3A_0] : memref<512x64xf32, #tpu.memory_space<vmem>>, vector<512x64xf32>
    %mul3A = arith.mulf %get3A_1, %get3A_1 : vector<512x64xf32>
    %reduce_sum3A = arith.constant dense<0.000000e+00> : vector<512xf32>
    %reduce_sum3A_2 = vector.multi_reduction <add>, %mul3A, %reduce_sum3A [1] : vector<512x64xf32> to vector<512xf32>
    %broadcast_in_dim3A = vector.shape_cast %reduce_sum3A_2 : vector<512xf32> to vector<512x1xf32>
    %sqrt3A = math.sqrt %broadcast_in_dim3A : vector<512x1xf32>
    %max3A = arith.constant 9.99999996E-13 : f32
    %max3A_3 = vector.broadcast %max3A : f32 to vector<512x1xf32>
    %max3A_4 = arith.maximumf %sqrt3A, %max3A_3 : vector<512x1xf32>
    %div3A = vector.broadcast %max3A_4 : vector<512x1xf32> to vector<512x64xf32>
    %div3A_5 = arith.divf %get3A_1, %div3A : vector<512x64xf32>
    %swap3A = arith.constant 0 : index
    %swap3A_6 = arith.constant 0 : index
    %swap3A_7 = vector.load %arg3[%swap3A, %swap3A_6] : memref<512x64xf32, #tpu.memory_space<vmem>>, vector<512x64xf32>
    tpu.vector_store %arg3[%swap3A, %swap3A_6], %div3A_5 {strides = array<i32>} : memref<512x64xf32, #tpu.memory_space<vmem>>, vector<512x64xf32>,
    %get3A_8 = arith.constant 0 : index
    %get3A_9 = arith.constant 0 : index
    %get3A_10 = vector.load %arg2[%get3A_8, %get3A_9] : memref<512x64xf32, #tpu.memory_space<vmem>>, vector<512x64xf32>
    %mul3A_11 = arith.mulf %get3A_10, %get3A_10 : vector<512x64xf32>
    %reduce_sum3A_12 = arith.constant dense<0.000000e+00> : vector<512xf32>
    %reduce_sum3A_13 = vector.multi_reduction <add>, %mul3A_11, %reduce_sum3A_12 [1] : vector<512x64xf32> to vector<512xf32>
    %broadcast_in_dim3A_14 = vector.shape_cast %reduce_sum3A_13 : vector<512xf32> to vector<512x1xf32>
    %sqrt3A_15 = math.sqrt %broadcast_in_dim3A_14 : vector<512x1xf32>
    %max3A_16 = arith.constant 9.99999996E-13 : f32
    %max3A_17 = vector.broadcast %max3A_16 : f32 to vector<512x1xf32>
    %max3A_18 = arith.maximumf %sqrt3A_15, %max3A_17 : vector<512x1xf32>
    %div3A_19 = vector.broadcast %max3A_18 : vector<512x1xf32> to vector<512x64xf32>
    %div3A_20 = arith.divf %get3A_10, %div3A_19 : vector<512x64xf32>
    %swap3A_21 = arith.constant 0 : index
    %swap3A_22 = arith.constant 0 : index
    %swap3A_23 = vector.load %arg4[%swap3A_21, %swap3A_22] : memref<512x64xf32, #tpu.memory_space<vmem>>, vector<512x64xf32>
    tpu.vector_store %arg4[%swap3A_21, %swap3A_22], %div3A_20 {strides = array<i32>} : memref<512x64xf32, #tpu.memory_space<vmem>>, vector<512x64xf32>,
    return
  }
  func.func @transform_0(%arg0: i32) -> (i32, i32) {
    %c0_i32 = arith.constant 0 : i32
    %c0_i32_0 = arith.constant 0 : i32
    return %arg0, %c0_i32 : i32, i32
  }
  func.func @transform_1(%arg0: i32) -> (i32, i32) {
    %c0_i32 = arith.constant 0 : i32
    %c0_i32_0 = arith.constant 0 : i32
    return %arg0, %c0_i32 : i32, i32
  }
  func.func @transform_2(%arg0: i32) -> (i32, i32) {
    %c0_i32 = arith.constant 0 : i32
    %c0_i32_0 = arith.constant 0 : i32
    return %arg0, %c0_i32 : i32, i32
  }
  func.func @transform_3(%arg0: i32) -> (i32, i32) {
    %c0_i32 = arith.constant 0 : i32
    %c0_i32_0 = arith.constant 0 : i32
    return %arg0, %c0_i32 : i32, i32
  }
}

</mosaic_0001>

<sc_bundles>
// kernel: kernel.12.cloned.1.call-start
scs
__scs_entry_jumppad:
0x0: {  	(pc) =	sbr.rel $0x88, $3  }
0x1: {  	(tag) =	ssettag $0x0;
	lr =	simm.s32 $0x1  }
0x2: {  	[smem:$0x3F9C] =	sst lr;
	_ =	strace $0xD0000000  }
0x3: {  	_ = 	snop  }
0x4: {  	_ = 	snop  }
0x5: {  	_ = 	snop  }
0x6: {  	_ = 	snop  }
0x7: {  	_ = 	snop  }
__scs_overlays_trampoline_lowered:
0x8: {  	[smem:$0x3FAB] =	sst s0  }
0x9: {  	[smem:$0x3FAC] =	sst s1  }
0xa: {  	[smem:$0x3FAD] =	sst s2  }
0xb: {  	[smem:$0x3FAE] =	sst s3  }
0xc: {  	[smem:$0x3FAF] =	sst s4  }
0xd: {  	[smem:$0x3FB0] =	sst s5  }
0xe: {  	[smem:$0x3FB1] =	sst s6  }
0xf: {  	[smem:$0x3FB2] =	sst s7  }
0x10: {  	[smem:$0x3FB3] =	sst s8  }
0x11: {  	[smem:$0x3FB4] =	sst s9;
	s0 =	simm.s32 @!p0 $0x0  }
0x12: {  	s1 =	sld [smem:$0x3F9A];
	s0 =	simm.s32 @p0 $0x1  }
0x13: {  	[smem:$0x3FB5] =	sst s0;
	s0 =	simm.s32 @!p1 $0x0  }
0x14: {  	s2 =	sld [smem:$0x3F99];
	s0 =	simm.s32 @p1 $0x1  }
0x15: {  	[smem:$0x3FB6] =	sst s0;
	s0 =	simm.s32 @!p2 $0x0  }
0x16: {  	s3 =	sld [smem:$0x3FDB];
	s0 =	simm.s32 @p2 $0x1  }
0x17: {  	s4 =	simm.s32 $0x1BF5;
	[smem:$0x3FB8] =	sst s0  }
0x18: {  	s0 =	sld [smem:$0x3F9B];
	_ =	swait.ge [sflag:s4], $0x0  }
0x19: {  	s7 =	sld [smem:$0x3F9C]  }
0x1a: {  	s8 =	sadd.s32 $0xFFFFE003, lr  }
0x1b: {  	s9 =	sadd.s32 $0xFFFFFEF7, lr;
	s5 =	simm.s32 $0xFFFFFFFF;
	p2 =	slt.u32 s8, $0xFFFFF086  }
0x1c: {  	p1 =	slt.u32 s9, $0xF7A;
	s5 =	simm.s32 @!p2 $0x0  }
0x1d: {  	s5 =	simm.s32 @p1 $0x1;
	p0 =	seq.s32 s7, s2  }
0x1e: {  	s7 =	smul.u32 @!p0 $0xF7A, s2;
	p2 =	seq.s32 @!p0 s5, $0x0  }
0x1f: {  	s9 =	smul.u32 $0xF7A, s1;
	s8 =	simm.s32 @!p0 $0x1BF5;
	p2 =	por !p2, p0  }
0x20: {  	[sflag:s8] =	ssyncset.s32 @!p0 $0xFFFFF086;
	s6 =	sadd.s32 @!p0 s3, s7;
	s7 =	simm.s32 @!p0 $0x108  }
0x21: {  	s3 =	sadd.s32 s3, s9;
	s6 =	sadd.s32 @!p0 $0x88, s6;
	s7 =	simm.s32 @p2 $0x1082  }
0x22: {  	[simem:s7], [sflag:s8] =	dma.local @!p0 [hbm:s6], $0xF7A  }
0x23: {  	s9 =	sor.u32 $0xD0000000, s2;
	s6 =	simm.s32 $0x108;
	_ =	swait.ge @!p0 [sflag:s8], $0x0  }
0x24: {  	s3 =	sadd.s32 $0x88, s3;
	s6 =	simm.s32 @!p1 $0x1082;
	[sflag:s4] =	ssyncset.s32 $0xFFFFF086  }
0x25: {  	[simem:s6], [sflag:s4] =	dma.local [hbm:s3], $0xF7A  }
0x26: {  	[smem:$0x3F9C] =	sst s1;
	(tag) =	ssettag s2;
	_ =	strace s9  }
0x27: {  	s1 =	sld [smem:$0x3FAC]  }
0x28: {  	s2 =	sld [smem:$0x3FAD]  }
0x29: {  	s4 =	sld [smem:$0x3FAF]  }
0x2a: {  	p0 =	seq.s32 s5, $0x0;
	s5 =	sld [smem:$0x3FB0]  }
0x2b: {  	s6 =	sld [smem:$0x3FB1]  }
0x2c: {  	s7 =	sld [smem:$0x3FB2]  }
0x2d: {  	s3 =	simm.s32 $0x108;
	s8 =	sld [smem:$0x3FB3]  }
0x2e: {  	s3 =	simm.s32 @!p0 $0x1082;
	s9 =	sld [smem:$0x3FB4]  }
0x2f: {  	lr =	sadd.s32 s0, s3;
	s0 =	sld [smem:$0x3FAB]  }
0x30: {  	s3 =	sld [smem:$0x3FAE]  }
0x31: {  	[smem:$0x3FB7] =	sst s10  }
0x32: {  	s10 =	sld [smem:$0x3FB5];
	_ =	sdelay $0x3  }
0x33: {  	p0 =	seq.s32 s10, $0x1;
	s10 =	sld [smem:$0x3FB7];
	_ =	sdelay $0x3  }
0x34: {  	[smem:$0x3FB7] =	sst s10  }
0x35: {  	s10 =	sld [smem:$0x3FB6];
	_ =	sdelay $0x3  }
0x36: {  	p1 =	seq.s32 s10, $0x1;
	s10 =	sld [smem:$0x3FB7];
	_ =	sdelay $0x3  }
0x37: {  	[smem:$0x3FB7] =	sst s10  }
0x38: {  	s10 =	sld [smem:$0x3FB8]  }
0x39: {  	_ = 	snop;
	(pc) =	sbr.ind lr, $3  }
0x3a: {  	_ = 	snop  }
0x3b: {  	_ = 	snop  }
0x3c: {  	p2 =	seq.s32 s10, $0x1;
	s10 =	sld [smem:$0x3FB7]  }
0x3d: {  	_ =	shalt  }
0x3e: {  	_ =	shalt  }
0x3f: {  	_ =	shalt  }
0x40: {  	_ =	shalt  }
0x41: {  	_ =	shalt  }
0x42: {  	_ =	shalt  }
0x43: {  	_ =	shalt  }
0x44: {  	_ =	shalt  }
0x45: {  	_ =	shalt  }
0x46: {  	_ =	shalt  }
0x47: {  	_ =	shalt  }
0x48: {  	_ =	shalt  }
0x49: {  	_ =	shalt  }
0x4a: {  	_ =	shalt  }
0x4b: {  	_ =	shalt  }
0x4c: {  	_ =	shalt  }
0x4d: {  	_ =	shalt  }
0x4e: {  	_ =	shalt  }
0x4f: {  	_ =	shalt  }
0x50: {  	_ =	shalt  }
0x51: {  	_ =	shalt  }
0x52: {  	_ =	shalt  }
0x53: {  	_ =	shalt  }
0x54: {  	_ =	shalt  }
0x55: {  	_ =	shalt  }
0x56: {  	_ =	shalt  }
0x57: {  	_ =	shalt  }
0x58: {  	_ =	shalt  }
0x59: {  	_ =	shalt  }
0x5a: {  	_ =	shalt  }
0x5b: {  	_ =	shalt  }
0x5c: {  	_ =	shalt  }
0x5d: {  	_ =	shalt  }
0x5e: {  	_ =	shalt  }
0x5f: {  	_ =	shalt  }
0x60: {  	_ =	shalt  }
0x61: {  	_ =	shalt  }
0x62: {  	_ =	shalt  }
0x63: {  	_ =	shalt  }
0x64: {  	_ =	shalt  }
0x65: {  	_ =	shalt  }
0x66: {  	_ =	shalt  }
0x67: {  	_ =	shalt  }
0x68: {  	_ =	shalt  }
0x69: {  	_ =	shalt  }
0x6a: {  	_ =	shalt  }
0x6b: {  	_ =	shalt  }
0x6c: {  	_ =	shalt  }
0x6d: {  	_ =	shalt  }
0x6e: {  	_ =	shalt  }
0x6f: {  	_ =	shalt  }
0x70: {  	_ =	shalt  }
0x71: {  	_ =	shalt  }
0x72: {  	_ =	shalt  }
0x73: {  	_ =	shalt  }
0x74: {  	_ =	shalt  }
0x75: {  	_ =	shalt  }
0x76: {  	_ =	shalt  }
0x77: {  	_ =	shalt  }
0x78: {  	_ =	shalt  }
0x79: {  	_ =	shalt  }
0x7a: {  	_ =	shalt  }
0x7b: {  	_ =	shalt  }
0x7c: {  	_ =	shalt  }
0x7d: {  	_ =	shalt  }
0x7e: {  	_ =	shalt  }
0x7f: {  	_ =	shalt  }
0x80: {  	_ =	shalt  }
0x81: {  	_ =	shalt  }
0x82: {  	_ =	shalt  }
0x83: {  	_ =	shalt  }
0x84: {  	_ =	shalt  }
0x85: {  	_ =	shalt  }
0x86: {  	_ =	shalt  }
0x87: {  	_ =	shalt  }
.Lfunc_end0:
.L_simem_size_0:
called_computation.1_lowered:
.L_overlay_start_0:
0x88: {  	s2 =	sld [smem:$0x3FD9]  }
0x89: {  	s3 =	sld [smem:$0x3FFE];
	_ =	sdelay $0x1  }
0x8a: {  	s1 =	srdreg.scid  }
0x8b: {  	s0 =	sand.u32 $0x1, s1  }
0x8c: {  	s16 =	sshll.u32 s0, $0xA;
	s2 =	sadd.s32 s3, s2  }
0x8d: {  	s2 =	sadd.s32 s2, s16  }
0x8e: {  	[smem:$0x3FC3] =	sst s2  }
0x8f: {  	_ = 	snop  }
0x90: {  	(tm) =	ssettm $0x1  }
0x91: {  	s17 =	sld [smem:$0x3FFB];
	_ =	sdelay $0x3  }
0x92: {  	_ =	strace s17  }
0x93: {  	s2 =	sld [smem:$0x3FFC];
	_ =	sdelay $0x3  }
0x94: {  	_ =	strace s2  }
0x95: {  	s2 =	sld [smem:$0x3FFD];
	_ =	sdelay $0x3  }
0x96: {  	_ =	strace s2  }
0x97: {  	_ =	strace $0x8FFFFFFF  }
0x98: {  	s18 =	sld [smem:$0x3FDB];
	_ =	sdelay $0x1  }
0x99: {  	s19 =	simm.s32 $_scs_section_size  }
0x9a: {  	s4 =	simm.s32 $_size__tile_overlayer_lowered;
	s5 =	simm.s32 $_tile_overlayer_lowered  }
0x9b: {  	s22 =	simm.s32 $0x1BFF;
	s21 =	sshll.u32 s5, $0x1;
	s2 =	sadd.s32 s19, s18  }
0x9c: {  	s6 =	simm.s32 $0x0;
	s20 =	sshll.u32 s4, $0x1;
	s4 =	sadd.s32 s21, s2  }
0x9d: {  	[timem:s6], [sflag:s22] =	dma.local [hbm:s4], s20  }
0x9e: {  	_ =	swait.ge [sflag:s22], s20  }
0x9f: {  	s3 =	ssub.s32 $0x0, s20;
	[sflag:s22] =	ssyncset.done $0x0  }
0xa0: {  	[sflag:s22] =	ssyncadd.s32 s3;
	_ =	sdelay $0x1  }
0xa1: {  	s23 =	simm.s32 $0x1B8B  }
0xa2: {  	_ =	swait.ge [sflag:s23], $0x1  }
0xa3: {  	[sflag:s23] =	ssyncset.done $0x0  }
0xa4: {  	s25 =	simm.s32 $0x1B8E;
	s24 =	sld [smem:$0x3FFE];
	[sflag:s23] =	ssyncadd.s32 $0xFFFFFFFF  }
0xa5: {  	s26 =	simm.s32 $execute0_lowered;
	[smem:$0x3FD2] =	sst s25  }
0xa6: {  	s4 =	sshll.u32 s26, $0x1;
	_ =	strace $0x80000049;
	[dreg:$0x1] =	wrdreg $0xFFFFFFFF  }
0xa7: {  	s28 =	simm.s32 $_size_execute0_lowered;
	s2 =	sadd.s32 s2, s4;
	[dreg:$0x0] =	wrdreg $0x0  }
0xa8: {  	s4 =	sshll.u32 s28, $0x1;
	[dreg:$0x2] =	wrdreg s2  }
0xa9: {  	[dreg:$0x3] =	wrdreg s4  }
0xaa: {  	[dreg:$0x4] =	wrdreg $0xC0  }
0xab: {  	_ =	task [dreg:s6], $0x5FFFF  }
0xac: {  	[dreg:$0x1] =	wrdreg $0xFFFFFFFF  }
0xad: {  	[dreg:$0x0] =	wrdreg $0x60  }
0xae: {  	[dreg:$0x2] =	wrdreg s24  }
0xaf: {  	[dreg:$0x3] =	wrdreg $0x50E00  }
0xb0: {  	[dreg:$0x4] =	wrdreg $0x9  }
0xb1: {  	_ =	task.clear_ibuf [dreg:s6], $0x5FFFF;
	_ =	strace $0x90000049  }
0xb2: {  	s29 =	simm.s32 $0x9;
	_ =	strace $0x8000004B  }
0xb3: {  	_ =	swait.ge [sflag:s29], $0x1  }
0xb4: {  	[sflag:s29] =	ssyncadd.s32 $0xFFFFFFFF  }
0xb5: {  	_ =	strace $0x9000004B  }
0xb6: {  	_ =	sfence  }
0xb7: {  	s30 =	sld [smem:$0x0];
	_ =	sdelay $0x2  }
0xb8: {  	s31 =	sshll.u32 s1, $0xD;
	s1 =	sshrl.u32 s1, $0x2  }
0xb9: {  	s3 =	sand.u32 $0x4000, s31;
	s1 =	sadd.s32 s1, s30  }
0xba: {  	s0 =	sor.u32 s3, s0;
	s1 =	sshll.u32 s1, $0x11  }
0xbb: {  	s0 =	sor.u32 s1, s0  }
0xbc: {  	s0 =	sadd.s32 $0x8F2B, s0  }
0xbd: {  	[sflag:s0] =	ssyncadd.remote.s32 $0x1  }
0xbe: {  	_ =	sfence.sel $0xFFFF  }
0xbf: {  	[dreg:$0x0] =	wrdreg $0xFFFFFFFF;
	(pc) =	sbr.abs _section_cstart, $3  }
0xc0: {  	[dreg:$0x1] =	wrdreg $0xFFFFFFFF  }
0xc1: {  	_ =	task.clear_ibuf [dreg:s6], $0x2FFFF;
	_ =	strace $0x9FFFFFFF  }
0xc2: {  	(tm) =	ssettm $0x7FFFFFFF  }
0xc3: {  	_ =	shalt  }
tec
execute0_lowered:
.L_overlay_start_1:
0x0: {  	(tag) =	ssettag $0x1  }
0x1: {  	s0 =	rddreg [dreg:$0x0]  }
0x2: {  	s1 =	rddreg [dreg:$0x1]  }
0x3: {  	s16 =	simm.s32 $0x0;
	s2 =	srdreg.scid;
	s3 =	stileid.u32  }
0x4: {  	s20 =	simm.s32 $0x2;
	s21 =	simm.s32 $0x80;
	s28 =	simm.s32 $0x880  }
0x5: {  	s29 =	simm.s32 $0xD00;
	s30 =	simm.s32 $0x900;
	s31 =	simm.s32 $0xD80  }
0x6: {  	s11 =	simm.s32 $0xF00;
	s12 =	simm.s32 $0xB00;
	s13 =	simm.s32 $0xF80  }
0x7: {  	s14 =	simm.s32 $0xB80;
	[smem:$0x7FF] =	sst s16;
	s4 =	sadd.s32 $0x1E200, s0  }
0x8: {  	s2 =	sand.u32 $0x1, s2;
	s7 =	smul.u32 $0x61C00, s3;
	s5 =	sadd.s32 $0x5A00, s0  }
0x9: {  	s6 =	sadd.s32 $0xFA200, s0;
	s0 =	sadd.s32 $0x15BE00, s0;
	s15 =	smul.u32 $0xC38, s3  }
0xa: {  	p0 =	seq.s32 s3, $0xF;
	_ =	strace $0x8000004A;
	s7 =	sshrl.u32 s7, $0x2  }
0xb: {  	s8 =	ssub.s32 $0x2, s2;
	s19 =	smul.u32 $0xC350, s2;
	s18 =	sadd.s32 s7, s1  }
0xc: {  	s2 =	smul.u32 $0x186A00, s2;
	s7 =	sadd.s32 $0x30E0, s18;
	[dreg:$0x4] =	wrdreg s18  }
0xd: {  	s9 =	sshrl.u32 s8, $0x1;
	s17 =	sadd.s32 $0x61C0, s18;
	[dreg:$0x5] =	wrdreg s7  }
0xe: {  	s8 =	ssub.s32 s8, s9;
	s10 =	sadd.s32 $0x92A0, s18;
	[dreg:$0x6] =	wrdreg s17  }
0xf: {  	s9 =	sadd.s32 s15, s19;
	s22 =	sadd.s32 $0xC380, s18;
	[dreg:$0x7] =	wrdreg s10  }
0x10: {  	s2 =	sshrl.u32 s2, $0x3;
	s23 =	sadd.s32 $0xF460, s18;
	[dreg:$0x8] =	wrdreg s22  }
0x11: {  	s15 =	smul.u32 $0xC350, s3;
	s24 =	sadd.s32 $0x12540, s18;
	[dreg:$0x9] =	wrdreg s23  }
0x12: {  	s25 =	sadd.s32 $0x15620, s18;
	s9 =	sshll.u32 s9, $0x2;
	[dreg:$0xa] =	wrdreg s24  }
0x13: {  	s26 =	smax.u32 s8, $0x1;
	s8 =	simm.s32 $0xA00;
	[dreg:$0xb] =	wrdreg s25  }
0x14: {  	s9 =	sadd.s32 s0, s9;
	s0 =	sadd.s32 s0, s2;
	[dreg:$0xe] =	wrdreg s26  }
0x15: {  	s22 =	simm.s32 $0xC00;
	s23 =	simm.s32 $0x1000;
	s24 =	simm.s32 $0x1  }
0x16: {  	s25 =	simm.s32 $0x800;
	s26 =	simm.s32 $0xC80;
	s2 =	simm.s32 $0xE00  }
0x17: {  	s10 =	simm.s32 $0xA80;
	[dreg:$0xc] =	wrdreg s9;
	s0 =	sadd.s32 $0x2DD20, s0  }
0x18: {  	v1 =	vimm.f32 $0.0e+00;
	v0 =	vmov s19;
	s9 =	simm.s32 $0xE80;
	[dreg:$0xd] =	wrdreg s0;
	s0 =	simm.s32 $0x980  }
.LBB2_1:
0x19: {  	[dreg:$0x3] =	wrdreg s16;
	s7 =	simm.s32 $0x80;
	s16 =	simm.s32 $0x0  }
.LBB2_2:
0x1a: {  	p1 =	sne.s32 s7, $0xC300;
	[tilespmem:s16+$0x2000] =	vst v1;
	s17 =	smov.u32 s7;
	s7 =	sadd.s32 $0x80, s7  }
.Ltmp0:
0x1b: {  	[tilespmem:s16+$0x2010] =	vst v1;
	(pc) =	sbr.rel @p1 .LBB2_2-.Ltmp0, $2  }
0x1c: {  	_ =	sdelay $0x2  }
0x1d: {  	s16 =	sshra.s32 s17, $0x2  }
0x1e: {  	[tilespmem:s16+$0x2000] =	vst v1  }
0x1f: {  	[tilespmem:s16+$0x2010] =	vst v1;
	s7 =	simm.s32 $0x2000  }
0x20: {  	[spmem:s18] =	stream.linear.scatter [tilespmem:s7], [sflag:$0x2], $0x30E0, $0x38;
	[tilespmem:$0x1D7E0] =	vst v63  }
0x21: {  	_ =	swait.ge [sflag:s20], $0x30E0  }
0x22: {  	[sflag:s20] =	ssyncset.done $0x0  }
0x23: {  	s3 =	rddreg [dreg:$0x5];
	[sflag:s20] =	ssyncadd.s32 $0xFFFFCF20  }
0x24: {  	[spmem:s3] =	stream.linear.scatter [tilespmem:s7], [sflag:$0x2], $0x30E0, $0x38;
	[tilespmem:$0x1D7E0] =	vst v63  }
0x25: {  	_ =	swait.ge [sflag:s20], $0x30E0  }
0x26: {  	[sflag:s20] =	ssyncset.done $0x0  }
0x27: {  	s18 =	rddreg [dreg:$0x6];
	[sflag:s20] =	ssyncadd.s32 $0xFFFFCF20  }
0x28: {  	[spmem:s18] =	stream.linear.scatter [tilespmem:s7], [sflag:$0x2], $0x30E0, $0x38;
	[tilespmem:$0x1D7E0] =	vst v63  }
0x29: {  	_ =	swait.ge [sflag:s20], $0x30E0  }
0x2a: {  	[sflag:s20] =	ssyncset.done $0x0  }
0x2b: {  	s19 =	rddreg [dreg:$0x7];
	[sflag:s20] =	ssyncadd.s32 $0xFFFFCF20  }
0x2c: {  	[spmem:s19] =	stream.linear.scatter [tilespmem:s7], [sflag:$0x2], $0x30E0, $0x38;
	[tilespmem:$0x1D7E0] =	vst v63  }
0x2d: {  	_ =	swait.ge [sflag:s20], $0x30E0  }
0x2e: {  	[sflag:s20] =	ssyncset.done $0x0  }
0x2f: {  	s16 =	rddreg [dreg:$0x8];
	[sflag:s20] =	ssyncadd.s32 $0xFFFFCF20  }
0x30: {  	[spmem:s16] =	stream.linear.scatter [tilespmem:s7], [sflag:$0x2], $0x30E0, $0x38;
	[tilespmem:$0x1D7E0] =	vst v63  }
0x31: {  	_ =	swait.ge [sflag:s20], $0x30E0  }
0x32: {  	[sflag:s20] =	ssyncset.done $0x0  }
0x33: {  	s17 =	rddreg [dreg:$0x9];
	[sflag:s20] =	ssyncadd.s32 $0xFFFFCF20  }
0x34: {  	[spmem:s17] =	stream.linear.scatter [tilespmem:s7], [sflag:$0x2], $0x30E0, $0x38;
	[tilespmem:$0x1D7E0] =	vst v63  }
0x35: {  	_ =	swait.ge [sflag:s20], $0x30E0  }
0x36: {  	[sflag:s20] =	ssyncset.done $0x0  }
0x37: {  	s18 =	rddreg [dreg:$0xa];
	[sflag:s20] =	ssyncadd.s32 $0xFFFFCF20  }
0x38: {  	[spmem:s18] =	stream.linear.scatter [tilespmem:s7], [sflag:$0x2], $0x30E0, $0x38;
	[tilespmem:$0x1D7E0] =	vst v63  }
0x39: {  	_ =	swait.ge [sflag:s20], $0x30E0  }
0x3a: {  	[sflag:s20] =	ssyncset.done $0x0  }
0x3b: {  	s19 =	rddreg [dreg:$0xb];
	[sflag:s20] =	ssyncadd.s32 $0xFFFFCF20  }
0x3c: {  	[spmem:s19] =	stream.linear.scatter [tilespmem:s7], [sflag:$0x2], $0x30E0, $0x38;
	[tilespmem:$0x1D7E0] =	vst v63  }
0x3d: {  	_ =	swait.ge [sflag:s20], $0x30E0  }
0x3e: {  	[sflag:s20] =	ssyncset.done $0x0  }
0x3f: {  	[sflag:s20] =	ssyncadd.s32 $0xFFFFCF20  }
0x40: {  	s16 =	simm.s32 $0x0;
	[bflag:$0x0] =	sbarrier.arrive $0xFFFF  }
.LBB2_4:
0x41: {  	p1 =	seq.s32 s16, $0x30  }
0x42: {  	v2 =	vimm.s32 @p1 $0xC350  }
0x43: {  	v3 =	vimm.s32 @p1 $0x0;
	[tilespmem:$0x350] =	vst @p1 v2  }
0x44: {  	[tilespmem:$0x750] =	vst @p1 v3  }
0x45: {  	[tilespmem:$0x360] =	vst @p1 v2  }
0x46: {  	[tilespmem:$0x760] =	vst @p1 v3  }
0x47: {  	[tilespmem:$0x370] =	vst @p1 v2  }
0x48: {  	[tilespmem:$0x770] =	vst @p1 v3  }
0x49: {  	[tilespmem:$0x380] =	vst @p1 v2  }
0x4a: {  	[tilespmem:$0x780] =	vst @p1 v3  }
0x4b: {  	[tilespmem:$0x390] =	vst @p1 v2  }
0x4c: {  	[tilespmem:$0x790] =	vst @p1 v3  }
0x4d: {  	[tilespmem:$0x3A0] =	vst @p1 v2  }
0x4e: {  	[tilespmem:$0x7A0] =	vst @p1 v3  }
0x4f: {  	[tilespmem:$0x3B0] =	vst @p1 v2  }
0x50: {  	[tilespmem:$0x7B0] =	vst @p1 v3  }
0x51: {  	[tilespmem:$0x3C0] =	vst @p1 v2  }
0x52: {  	[tilespmem:$0x7C0] =	vst @p1 v3  }
0x53: {  	[tilespmem:$0x3D0] =	vst @p1 v2  }
0x54: {  	[tilespmem:$0x7D0] =	vst @p1 v3  }
0x55: {  	s7 =	sshll.u32 s16, $0xA;
	[tilespmem:$0x3E0] =	vst @p1 v2  }
0x56: {  	s7 =	sadd.s32 s15, s7;
	[tilespmem:$0x7E0] =	vst @p1 v3  }
0x57: {  	[tilespmem:$0x3F0] =	vst @p1 v2;
	s17 =	sshrl.u32 @p1 s7, $0x3  }
0x58: {  	s19 =	simm.s32 @p1 $0x0;
	[tilespmem:$0x7F0] =	vst @p1 v3;
	s18 =	sadd.s32 @p1 s4, s17  }
0x59: {  	[tilespmem:s19], [sflag:$0x2] =	stream.linear.gather @p1 [hbm4b:s18+s19], $0x350, $0x38;
	[tilespmem:$0x1D7E0] =	vst v63  }
0x5a: {  	s18 =	simm.s32 @p1 $0x2  }
0x5b: {  	_ =	swait.ge @p1 [sflag:s18], $0x350  }
0x5c: {  	[sflag:s18] =	ssyncset.done @p1 $0x0  }
0x5d: {  	s3 =	simm.s32 @p1 $0x400;
	s17 =	sadd.s32 @p1 s5, s17;
	[sflag:s18] =	ssyncadd.s32 @p1 $0xFFFFFCB0  }
0x5e: {  	[tilespmem:s3], [sflag:$0x2] =	stream.linear.gather @p1 [hbm4b:s17+s19], $0x350, $0x38;
	[tilespmem:$0x1D7E0] =	vst v63  }
0x5f: {  	_ =	swait.ge @p1 [sflag:s18], $0x350  }
0x60: {  	s3 =	sshrl.u32 @!p1 s7, $0x3;
	[sflag:s18] =	ssyncset.done @p1 $0x0  }
0x61: {  	s17 =	simm.s32 @!p1 $0x0;
	s7 =	sadd.s32 @!p1 s4, s3;
	[sflag:s18] =	ssyncadd.s32 @p1 $0xFFFFFCB0  }
0x62: {  	[tilespmem:s17], [sflag:$0x2] =	stream.linear.gather @!p1 [hbm4b:s7+s17], $0x400, $0x38;
	[tilespmem:$0x1D7E0] =	vst v63  }
0x63: {  	s7 =	simm.s32 @!p1 $0x2  }
0x64: {  	_ =	swait.ge @!p1 [sflag:s7], $0x400  }
0x65: {  	[sflag:s7] =	ssyncset.done @!p1 $0x0  }
0x66: {  	s3 =	sadd.s32 @!p1 s5, s3;
	s18 =	simm.s32 @!p1 $0x400;
	[sflag:s7] =	ssyncadd.s32 @!p1 $0xFFFFFC00  }
0x67: {  	[tilespmem:s18], [sflag:$0x2] =	stream.linear.gather @!p1 [hbm4b:s3+s17], $0x400, $0x38;
	[tilespmem:$0x1D7E0] =	vst v63  }
0x68: {  	_ =	swait.ge @!p1 [sflag:s7], $0x400  }
0x69: {  	[sflag:s7] =	ssyncset.done @!p1 $0x0  }
0x6a: {  	s17 =	simm.s32 $0x0;
	[sflag:s7] =	ssyncadd.s32 @!p1 $0xFFFFFC00  }
0x6b: {  	v2 =	vld [tilespmem:s17+$0x470]  }
0x6c: {  	v3 =	vld [tilespmem:s17+$0x400]  }
0x6d: {  	v10 =	vld [tilespmem:s17+$0x0]  }
0x6e: {  	v11 =	vld [tilespmem:s17+$0x10]  }
0x6f: {  	v4 =	vld [tilespmem:s17+$0x410]  }
0x70: {  	v5 =	vld [tilespmem:s17+$0x420]  }
0x71: {  	v7 =	vld [tilespmem:s17+$0x440]  }
0x72: {  	v6 =	vld [tilespmem:s17+$0x430];
	[tilespmem:s17+$0x800] =	vst v10  }
0x73: {  	v2 =	vadd.s32 v0, v2;
	[tilespmem:s17+$0x810] =	vst v11  }
0x74: {  	v8 =	vld [tilespmem:s17+$0x450];
	v3 =	vadd.s32 v0, v3;
	[tilespmem:s17+$0xC70] =	vst v2  }
0x75: {  	v9 =	vld [tilespmem:s17+$0x460];
	[tilespmem:s17+$0xC00] =	vst v3;
	v2 =	vadd.s32 v0, v4  }
0x76: {  	v4 =	vadd.s32 v0, v7;
	v7 =	vld [tilespmem:s17+$0x70];
	[tilespmem:s17+$0xC10] =	vst v2;
	v2 =	vadd.s32 v0, v5  }
0x77: {  	v3 =	vadd.s32 v0, v6;
	[tilespmem:s17+$0xC20] =	vst v2;
	v2 =	vld [tilespmem:s17+$0x20]  }
0x78: {  	[tilespmem:s17+$0xC30] =	vst v3;
	v3 =	vld [tilespmem:s17+$0x30]  }
0x79: {  	[tilespmem:s17+$0xC40] =	vst v4;
	v5 =	vadd.s32 v0, v8;
	v4 =	vld [tilespmem:s17+$0x40]  }
0x7a: {  	v6 =	vadd.s32 v0, v9;
	[tilespmem:s17+$0xC50] =	vst v5;
	v5 =	vld [tilespmem:s17+$0x50]  }
0x7b: {  	s18 =	simm.s32 $0x80;
	s7 =	simm.s32 $0x400;
	[tilespmem:s17+$0xC60] =	vst v6;
	v6 =	vld [tilespmem:s17+$0x60]  }
.LBB2_5:
0x7c: {  	p1 =	sne.s32 s7, $0xE00;
	v8 =	vld [tilespmem:s18+$0x470];
	[tilespmem:s17+$0x820] =	vst v2  }
0x7d: {  	v2 =	vld [tilespmem:s18+$0x400];
	[tilespmem:s17+$0x830] =	vst v3  }
0x7e: {  	v3 =	vld [tilespmem:s18+$0x410];
	[tilespmem:s17+$0x840] =	vst v4  }
0x7f: {  	v4 =	vld [tilespmem:s18+$0x420];
	[tilespmem:s17+$0x850] =	vst v5  }
0x80: {  	v5 =	vld [tilespmem:s18+$0x430];
	[tilespmem:s17+$0x860] =	vst v6  }
0x81: {  	v6 =	vld [tilespmem:s18+$0x440];
	v8 =	vadd.s32 v0, v8;
	[tilespmem:s17+$0x870] =	vst v7;
	s17 =	smov.u32 s18  }
0x82: {  	v2 =	vadd.s32 v0, v2;
	v7 =	vld [tilespmem:s17+$0x450];
	[tilespmem:s17+$0xC70] =	vst v8  }
0x83: {  	[tilespmem:s17+$0xC00] =	vst v2;
	v2 =	vadd.s32 v0, v3;
	v8 =	vld [tilespmem:s17+$0x460]  }
0x84: {  	v9 =	vld [tilespmem:s17+$0x0];
	[tilespmem:s17+$0xC10] =	vst v2;
	v2 =	vadd.s32 v0, v4  }
0x85: {  	v10 =	vld [tilespmem:s17+$0x10];
	[tilespmem:s17+$0xC20] =	vst v2;
	v3 =	vadd.s32 v0, v5  }
0x86: {  	v2 =	vld [tilespmem:s17+$0x20];
	[tilespmem:s17+$0xC30] =	vst v3;
	v4 =	vadd.s32 v0, v6  }
.Ltmp1:
0x87: {  	v3 =	vld [tilespmem:s17+$0x30];
	[tilespmem:s17+$0xC40] =	vst v4;
	v5 =	vadd.s32 v0, v7;
	(pc) =	sbr.rel @p1 .LBB2_5-.Ltmp1, $4  }
0x88: {  	v4 =	vld [tilespmem:s17+$0x40];
	[tilespmem:s17+$0xC50] =	vst v5;
	v6 =	vadd.s32 v0, v8  }
0x89: {  	v5 =	vld [tilespmem:s17+$0x50];
	[tilespmem:s17+$0xC60] =	vst v6  }
0x8a: {  	[tilespmem:s17+$0x800] =	vst v9;
	v6 =	vld [tilespmem:s17+$0x60]  }
0x8b: {  	s18 =	sshra.s32 s7, $0x2;
	s7 =	sadd.s32 $0x200, s7;
	[tilespmem:s17+$0x810] =	vst v10;
	v7 =	vld [tilespmem:s17+$0x70]  }
0x8c: {  	v8 =	vld [tilespmem:s18+$0x470];
	[tilespmem:s17+$0x820] =	vst v2  }
0x8d: {  	v2 =	vld [tilespmem:s18+$0x400];
	[tilespmem:s17+$0x830] =	vst v3  }
0x8e: {  	v3 =	vld [tilespmem:s18+$0x410];
	[tilespmem:s17+$0x840] =	vst v4  }
0x8f: {  	v4 =	vld [tilespmem:s18+$0x420];
	[tilespmem:s17+$0x850] =	vst v5  }
0x90: {  	v5 =	vld [tilespmem:s18+$0x430];
	[tilespmem:s17+$0x860] =	vst v6  }
0x91: {  	v6 =	vld [tilespmem:s18+$0x440];
	[tilespmem:s17+$0x870] =	vst v7;
	v56 =	vadd.s32 v0, v8  }
0x92: {  	v57 =	vld [tilespmem:s18+$0x450];
	v2 =	vadd.s32 v0, v2;
	[tilespmem:s18+$0xC70] =	vst v56  }
0x93: {  	v58 =	vld [tilespmem:s18+$0x0];
	[tilespmem:s18+$0xC00] =	vst v2;
	v3 =	vadd.s32 v0, v3  }
0x94: {  	v59 =	vld [tilespmem:s18+$0x10];
	[tilespmem:s18+$0xC10] =	vst v3;
	v3 =	vadd.s32 v0, v4  }
0x95: {  	v60 =	vld [tilespmem:s18+$0x20];
	[tilespmem:s18+$0xC20] =	vst v3;
	v3 =	vadd.s32 v0, v5  }
0x96: {  	v2 =	vld [tilespmem:s18+$0x460];
	[tilespmem:s18+$0xC30] =	vst v3;
	v3 =	vadd.s32 v0, v6  }
0x97: {  	[tilespmem:s18+$0xC40] =	vst v3  }
0x98: {  	v61 =	vld [tilespmem:s18+$0x30];
	[tilespmem:s18+$0x800] =	vst v58  }
0x99: {  	v62 =	vld [tilespmem:s18+$0x40];
	[tilespmem:s18+$0x810] =	vst v59  }
0x9a: {  	v63 =	vld [tilespmem:s18+$0x70];
	v3 =	vadd.s32 v0, v57;
	[tilespmem:s18+$0x820] =	vst v60  }
0x9b: {  	[tilespmem:s18+$0xC50] =	vst v3;
	v2 =	vadd.s32 v0, v2;
	v3 =	vld [tilespmem:s18+$0x50]  }
0x9c: {  	[tilespmem:s18+$0xC60] =	vst v2;
	v2 =	vld [tilespmem:s18+$0x60]  }
0x9d: {  	[tilespmem:s18+$0x830] =	vst v61  }
0x9e: {  	[tilespmem:s18+$0x840] =	vst v62  }
0x9f: {  	[tilespmem:s18+$0x870] =	vst v63  }
0xa0: {  	[tilespmem:s18+$0x850] =	vst v3  }
0xa1: {  	[tilespmem:s18+$0x860] =	vst v2  }
0xa2: {  	[tilespmem:s23], [sflag:$0x1] =	stream.indirect.gather [hbm4b:s6+s21], $0x20, s22, s21, $0xb8;
	[tilespmem:$0x1D7E0] =	vst v63  }
0xa3: {  	_ =	swait.ge [sflag:s24], $0x1000  }
0xa4: {  	[sflag:s24] =	ssyncset.done $0x0  }
0xa5: {  	[sflag:s24] =	ssyncadd.s32 $0xFFFFF000  }
0xa6: {  	[spmem:s1] =	stream.indirect.scatter.add.f32 [tilespmem:s23], [sflag:$0x2], $0x20, s25, s21, $0xb8;
	[tilespmem:$0x1D7E0] =	vst v63  }
0xa7: {  	_ =	swait.ge [sflag:s20], $0x1000  }
0xa8: {  	[sflag:s20] =	ssyncset.done $0x0  }
0xa9: {  	[sflag:s20] =	ssyncadd.s32 $0xFFFFF000  }
0xaa: {  	[tilespmem:s23], [sflag:$0x1] =	stream.indirect.gather [hbm4b:s6+s21], $0x20, s26, s21, $0xb8;
	[tilespmem:$0x1D7E0] =	vst v63  }
0xab: {  	_ =	swait.ge [sflag:s24], $0x1000  }
0xac: {  	[sflag:s24] =	ssyncset.done $0x0  }
0xad: {  	[sflag:s24] =	ssyncadd.s32 $0xFFFFF000  }
0xae: {  	[spmem:s1] =	stream.indirect.scatter.add.f32 [tilespmem:s23], [sflag:$0x2], $0x20, s28, s21, $0xb8;
	[tilespmem:$0x1D7E0] =	vst v63  }
0xaf: {  	_ =	swait.ge [sflag:s20], $0x1000  }
0xb0: {  	[sflag:s20] =	ssyncset.done $0x0  }
0xb1: {  	[sflag:s20] =	ssyncadd.s32 $0xFFFFF000  }
0xb2: {  	[tilespmem:s23], [sflag:$0x1] =	stream.indirect.gather [hbm4b:s6+s21], $0x20, s29, s21, $0xb8;
	[tilespmem:$0x1D7E0] =	vst v63  }
0xb3: {  	_ =	swait.ge [sflag:s24], $0x1000  }
0xb4: {  	[sflag:s24] =	ssyncset.done $0x0  }
0xb5: {  	[sflag:s24] =	ssyncadd.s32 $0xFFFFF000  }
0xb6: {  	[spmem:s1] =	stream.indirect.scatter.add.f32 [tilespmem:s23], [sflag:$0x2], $0x20, s30, s21, $0xb8;
	[tilespmem:$0x1D7E0] =	vst v63  }
0xb7: {  	_ =	swait.ge [sflag:s20], $0x1000  }
0xb8: {  	[sflag:s20] =	ssyncset.done $0x0  }
0xb9: {  	[sflag:s20] =	ssyncadd.s32 $0xFFFFF000  }
0xba: {  	[tilespmem:s23], [sflag:$0x1] =	stream.indirect.gather [hbm4b:s6+s21], $0x20, s31, s21, $0xb8;
	[tilespmem:$0x1D7E0] =	vst v63  }
0xbb: {  	_ =	swait.ge [sflag:s24], $0x1000  }
0xbc: {  	[sflag:s24] =	ssyncset.done $0x0  }
0xbd: {  	[sflag:s24] =	ssyncadd.s32 $0xFFFFF000  }
0xbe: {  	[spmem:s1] =	stream.indirect.scatter.add.f32 [tilespmem:s23], [sflag:$0x2], $0x20, s0, s21, $0xb8;
	[tilespmem:$0x1D7E0] =	vst v63  }
0xbf: {  	_ =	swait.ge [sflag:s20], $0x1000  }
0xc0: {  	[sflag:s20] =	ssyncset.done $0x0  }
0xc1: {  	[sflag:s20] =	ssyncadd.s32 $0xFFFFF000  }
0xc2: {  	[tilespmem:s23], [sflag:$0x1] =	stream.indirect.gather [hbm4b:s6+s21], $0x20, s2, s21, $0xb8;
	[tilespmem:$0x1D7E0] =	vst v63  }
0xc3: {  	_ =	swait.ge [sflag:s24], $0x1000  }
0xc4: {  	[sflag:s24] =	ssyncset.done $0x0  }
0xc5: {  	[sflag:s24] =	ssyncadd.s32 $0xFFFFF000  }
0xc6: {  	[spmem:s1] =	stream.indirect.scatter.add.f32 [tilespmem:s23], [sflag:$0x2], $0x20, s8, s21, $0xb8;
	[tilespmem:$0x1D7E0] =	vst v63  }
0xc7: {  	_ =	swait.ge [sflag:s20], $0x1000  }
0xc8: {  	[sflag:s20] =	ssyncset.done $0x0  }
0xc9: {  	[sflag:s20] =	ssyncadd.s32 $0xFFFFF000  }
0xca: {  	[tilespmem:s23], [sflag:$0x1] =	stream.indirect.gather [hbm4b:s6+s21], $0x20, s9, s21, $0xb8;
	[tilespmem:$0x1D7E0] =	vst v63  }
0xcb: {  	_ =	swait.ge [sflag:s24], $0x1000  }
0xcc: {  	[sflag:s24] =	ssyncset.done $0x0  }
0xcd: {  	[sflag:s24] =	ssyncadd.s32 $0xFFFFF000  }
0xce: {  	[spmem:s1] =	stream.indirect.scatter.add.f32 [tilespmem:s23], [sflag:$0x2], $0x20, s10, s21, $0xb8;
	[tilespmem:$0x1D7E0] =	vst v63  }
0xcf: {  	_ =	swait.ge [sflag:s20], $0x1000  }
0xd0: {  	[sflag:s20] =	ssyncset.done $0x0  }
0xd1: {  	[sflag:s20] =	ssyncadd.s32 $0xFFFFF000  }
0xd2: {  	[tilespmem:s23], [sflag:$0x1] =	stream.indirect.gather [hbm4b:s6+s21], $0x20, s11, s21, $0xb8;
	[tilespmem:$0x1D7E0] =	vst v63  }
0xd3: {  	_ =	swait.ge [sflag:s24], $0x1000  }
0xd4: {  	[sflag:s24] =	ssyncset.done $0x0  }
0xd5: {  	[sflag:s24] =	ssyncadd.s32 $0xFFFFF000  }
0xd6: {  	[spmem:s1] =	stream.indirect.scatter.add.f32 [tilespmem:s23], [sflag:$0x2], $0x20, s12, s21, $0xb8;
	[tilespmem:$0x1D7E0] =	vst v63  }
0xd7: {  	_ =	swait.ge [sflag:s20], $0x1000  }
0xd8: {  	[sflag:s20] =	ssyncset.done $0x0  }
0xd9: {  	[sflag:s20] =	ssyncadd.s32 $0xFFFFF000  }
0xda: {  	[tilespmem:s23], [sflag:$0x1] =	stream.indirect.gather [hbm4b:s6+s21], $0x20, s13, s21, $0xb8;
	[tilespmem:$0x1D7E0] =	vst v63  }
0xdb: {  	s16 =	sadd.s32 $0x1, s16;
	_ =	swait.ge [sflag:s24], $0x1000  }
0xdc: {  	p1 =	sne.s32 s16, $0x31;
	[sflag:s24] =	ssyncset.done $0x0  }
.Ltmp2:
0xdd: {  	[sflag:s24] =	ssyncadd.s32 $0xFFFFF000;
	(pc) =	sbr.rel @p1 .LBB2_4-.Ltmp2, $4  }
0xde: {  	[spmem:s1] =	stream.indirect.scatter.add.f32 [tilespmem:s23], [sflag:$0x2], $0x20, s14, s21, $0xb8;
	[tilespmem:$0x1D7E0] =	vst v63  }
0xdf: {  	_ =	swait.ge [sflag:s20], $0x1000  }
0xe0: {  	[sflag:s20] =	ssyncset.done $0x0  }
0xe1: {  	[sflag:s20] =	ssyncadd.s32 $0xFFFFF000  }
0xe2: {  	[bflag:$0x0] =	sbarrier.arrive $0xFFFF  }
0xe3: {  	s18 =	rddreg [dreg:$0x4]  }
0xe4: {  	s7 =	simm.s32 @p0 $0x1FC2;
	s16 =	rddreg [dreg:$0xd];
	s3 =	sshrl.u32 @p0 s18, $0x3  }
0xe5: {  	[hbm:s16], [sflag:s7] =	dma.local @p0 [spmem:s3], $0x3020  }
0xe6: {  	s3 =	simm.s32 @p0 $0x2  }
0xe7: {  	s7 =	stileid.u32;
	_ =	swait.ge @p0 [sflag:s3], $0x3020  }
0xe8: {  	s7 =	sshll.u32 @!p0 s7, $0x6;
	[sflag:s3] =	ssyncset.done @p0 $0x0;
	s16 =	rddreg [dreg:$0xc]  }
0xe9: {  	[sflag:s3] =	ssyncadd.s32 @p0 $0xFFFFCFE0;
	s3 =	sor.u32 @!p0 $0x1C02, s7;
	s7 =	sshrl.u32 @!p0 s18, $0x3  }
0xea: {  	[hbm:s16], [sflag:s3] =	dma.local @!p0 [spmem:s7], $0x30E0  }
0xeb: {  	s3 =	simm.s32 @!p0 $0x2  }
0xec: {  	_ =	swait.ge @!p0 [sflag:s3], $0x30E0  }
0xed: {  	s17 =	rddreg [dreg:$0x3]  }
0xee: {  	s19 =	rddreg [dreg:$0xe];
	s16 =	sadd.s32 $0x1, s17  }
0xef: {  	p1 =	sne.s32 s16, s19  }
.Ltmp3:
0xf0: {  	_ = 	snop;
	(pc) =	sbr.rel @p1 .LBB2_1-.Ltmp3, $3  }
0xf1: {  	_ =	sdelay $0x1  }
0xf2: {  	[sflag:s3] =	ssyncset.done @!p0 $0x0  }
0xf3: {  	[sflag:s3] =	ssyncadd.s32 @!p0 $0xFFFFCF20  }
0xf4: {  	_ =	sfence.sel $0x180000  }
0xf5: {  	[bflag:$0x0] =	sbarrier.arrive $0xFFFF  }
0xf6: {  	_ =	strace $0x9000004A  }
0xf7: {  	s0 =	stileid.u32;
	[bflag:$0x2] =	sbarrier.arrive $0xFFFF  }
0xf8: {  	p0 =	sne.s32 s0, $0x0;
	s0 =	rddreg [dreg:$0x2]  }
0xf9: {  	s0 =	sadd.s32 @!p0 $0x100000, s0  }
0xfa: {  	[sflag:s0] =	ssyncadd.tile.s32 @!p0 $0x1;
	_ =	shalt  }
.Lfunc_end2:
_tile_overlayer_lowered:
.L_overlay_start_2:
0xfb: {  	(tag) =	ssettag $0x2  }
0xfc: {  	s0 =	rddreg [dreg:$0x0];
	s2 =	stileid.u32  }
0xfd: {  	s1 =	rddreg [dreg:$0x1];
	p0 =	sne.s32 s2, $0x0  }
0xfe: {  	s3 =	rddreg [dreg:$0x2];
	[bflag:$0x3] =	sbarrier.arrive $0xFFFF;
	s2 =	simm.s32 @!p0 $0x1C02  }
0xff: {  	[timem:s3], [sflag:s2] =	dma.local @!p0 [hbm:s0], s1  }
0x100: {  	s0 =	simm.s32 @!p0 $0x2  }
0x101: {  	_ =	swait.ge @!p0 [sflag:s0], s1  }
0x102: {  	s1 =	ssub.s32 @!p0 $0x0, s1;
	[sflag:s0] =	ssyncset.done @!p0 $0x0  }
0x103: {  	[sflag:s0] =	ssyncadd.s32 @!p0 s1  }
0x104: {  	[bflag:$0x3] =	sbarrier.arrive $0xFFFF  }
0x105: {  	_ =	shalt  }

// kernel: kernel.15.cloned.1.call-start
scs
__scs_entry_jumppad:
0x0: {  	(pc) =	sbr.rel $0x88, $3  }
0x1: {  	(tag) =	ssettag $0x0;
	lr =	simm.s32 $0x1  }
0x2: {  	[smem:$0x3F9C] =	sst lr;
	_ =	strace $0xD0000000  }
0x3: {  	_ = 	snop  }
0x4: {  	_ = 	snop  }
0x5: {  	_ = 	snop  }
0x6: {  	_ = 	snop  }
0x7: {  	_ = 	snop  }
__scs_overlays_trampoline_lowered:
0x8: {  	[smem:$0x3FAB] =	sst s0  }
0x9: {  	[smem:$0x3FAC] =	sst s1  }
0xa: {  	[smem:$0x3FAD] =	sst s2  }
0xb: {  	[smem:$0x3FAE] =	sst s3  }
0xc: {  	[smem:$0x3FAF] =	sst s4  }
0xd: {  	[smem:$0x3FB0] =	sst s5  }
0xe: {  	[smem:$0x3FB1] =	sst s6  }
0xf: {  	[smem:$0x3FB2] =	sst s7  }
0x10: {  	[smem:$0x3FB3] =	sst s8  }
0x11: {  	[smem:$0x3FB4] =	sst s9;
	s0 =	simm.s32 @!p0 $0x0  }
0x12: {  	s1 =	sld [smem:$0x3F9A];
	s0 =	simm.s32 @p0 $0x1  }
0x13: {  	[smem:$0x3FB5] =	sst s0;
	s0 =	simm.s32 @!p1 $0x0  }
0x14: {  	s2 =	sld [smem:$0x3F99];
	s0 =	simm.s32 @p1 $0x1  }
0x15: {  	[smem:$0x3FB6] =	sst s0;
	s0 =	simm.s32 @!p2 $0x0  }
0x16: {  	s3 =	sld [smem:$0x3FDB];
	s0 =	simm.s32 @p2 $0x1  }
0x17: {  	s4 =	simm.s32 $0x1BF5;
	[smem:$0x3FB8] =	sst s0  }
0x18: {  	s0 =	sld [smem:$0x3F9B];
	_ =	swait.ge [sflag:s4], $0x0  }
0x19: {  	s7 =	sld [smem:$0x3F9C]  }
0x1a: {  	s8 =	sadd.s32 $0xFFFFE003, lr  }
0x1b: {  	s9 =	sadd.s32 $0xFFFFFEF7, lr;
	s5 =	simm.s32 $0xFFFFFFFF;
	p2 =	slt.u32 s8, $0xFFFFF086  }
0x1c: {  	p1 =	slt.u32 s9, $0xF7A;
	s5 =	simm.s32 @!p2 $0x0  }
0x1d: {  	s5 =	simm.s32 @p1 $0x1;
	p0 =	seq.s32 s7, s2  }
0x1e: {  	s7 =	smul.u32 @!p0 $0xF7A, s2;
	p2 =	seq.s32 @!p0 s5, $0x0  }
0x1f: {  	s9 =	smul.u32 $0xF7A, s1;
	s8 =	simm.s32 @!p0 $0x1BF5;
	p2 =	por !p2, p0  }
0x20: {  	[sflag:s8] =	ssyncset.s32 @!p0 $0xFFFFF086;
	s6 =	sadd.s32 @!p0 s3, s7;
	s7 =	simm.s32 @!p0 $0x108  }
0x21: {  	s3 =	sadd.s32 s3, s9;
	s6 =	sadd.s32 @!p0 $0x88, s6;
	s7 =	simm.s32 @p2 $0x1082  }
0x22: {  	[simem:s7], [sflag:s8] =	dma.local @!p0 [hbm:s6], $0xF7A  }
0x23: {  	s9 =	sor.u32 $0xD0000000, s2;
	s6 =	simm.s32 $0x108;
	_ =	swait.ge @!p0 [sflag:s8], $0x0  }
0x24: {  	s3 =	sadd.s32 $0x88, s3;
	s6 =	simm.s32 @!p1 $0x1082;
	[sflag:s4] =	ssyncset.s32 $0xFFFFF086  }
0x25: {  	[simem:s6], [sflag:s4] =	dma.local [hbm:s3], $0xF7A  }
0x26: {  	[smem:$0x3F9C] =	sst s1;
	(tag) =	ssettag s2;
	_ =	strace s9  }
0x27: {  	s1 =	sld [smem:$0x3FAC]  }
0x28: {  	s2 =	sld [smem:$0x3FAD]  }
0x29: {  	s4 =	sld [smem:$0x3FAF]  }
0x2a: {  	p0 =	seq.s32 s5, $0x0;
	s5 =	sld [smem:$0x3FB0]  }
0x2b: {  	s6 =	sld [smem:$0x3FB1]  }
0x2c: {  	s7 =	sld [smem:$0x3FB2]  }
0x2d: {  	s3 =	simm.s32 $0x108;
	s8 =	sld [smem:$0x3FB3]  }
0x2e: {  	s3 =	simm.s32 @!p0 $0x1082;
	s9 =	sld [smem:$0x3FB4]  }
0x2f: {  	lr =	sadd.s32 s0, s3;
	s0 =	sld [smem:$0x3FAB]  }
0x30: {  	s3 =	sld [smem:$0x3FAE]  }
0x31: {  	[smem:$0x3FB7] =	sst s10  }
0x32: {  	s10 =	sld [smem:$0x3FB5];
	_ =	sdelay $0x3  }
0x33: {  	p0 =	seq.s32 s10, $0x1;
	s10 =	sld [smem:$0x3FB7];
	_ =	sdelay $0x3  }
0x34: {  	[smem:$0x3FB7] =	sst s10  }
0x35: {  	s10 =	sld [smem:$0x3FB6];
	_ =	sdelay $0x3  }
0x36: {  	p1 =	seq.s32 s10, $0x1;
	s10 =	sld [smem:$0x3FB7];
	_ =	sdelay $0x3  }
0x37: {  	[smem:$0x3FB7] =	sst s10  }
0x38: {  	s10 =	sld [smem:$0x3FB8]  }
0x39: {  	_ = 	snop;
	(pc) =	sbr.ind lr, $3  }
0x3a: {  	_ = 	snop  }
0x3b: {  	_ = 	snop  }
0x3c: {  	p2 =	seq.s32 s10, $0x1;
	s10 =	sld [smem:$0x3FB7]  }
0x3d: {  	_ =	shalt  }
0x3e: {  	_ =	shalt  }
0x3f: {  	_ =	shalt  }
0x40: {  	_ =	shalt  }
0x41: {  	_ =	shalt  }
0x42: {  	_ =	shalt  }
0x43: {  	_ =	shalt  }
0x44: {  	_ =	shalt  }
0x45: {  	_ =	shalt  }
0x46: {  	_ =	shalt  }
0x47: {  	_ =	shalt  }
0x48: {  	_ =	shalt  }
0x49: {  	_ =	shalt  }
0x4a: {  	_ =	shalt  }
0x4b: {  	_ =	shalt  }
0x4c: {  	_ =	shalt  }
0x4d: {  	_ =	shalt  }
0x4e: {  	_ =	shalt  }
0x4f: {  	_ =	shalt  }
0x50: {  	_ =	shalt  }
0x51: {  	_ =	shalt  }
0x52: {  	_ =	shalt  }
0x53: {  	_ =	shalt  }
0x54: {  	_ =	shalt  }
0x55: {  	_ =	shalt  }
0x56: {  	_ =	shalt  }
0x57: {  	_ =	shalt  }
0x58: {  	_ =	shalt  }
0x59: {  	_ =	shalt  }
0x5a: {  	_ =	shalt  }
0x5b: {  	_ =	shalt  }
0x5c: {  	_ =	shalt  }
0x5d: {  	_ =	shalt  }
0x5e: {  	_ =	shalt  }
0x5f: {  	_ =	shalt  }
0x60: {  	_ =	shalt  }
0x61: {  	_ =	shalt  }
0x62: {  	_ =	shalt  }
0x63: {  	_ =	shalt  }
0x64: {  	_ =	shalt  }
0x65: {  	_ =	shalt  }
0x66: {  	_ =	shalt  }
0x67: {  	_ =	shalt  }
0x68: {  	_ =	shalt  }
0x69: {  	_ =	shalt  }
0x6a: {  	_ =	shalt  }
0x6b: {  	_ =	shalt  }
0x6c: {  	_ =	shalt  }
0x6d: {  	_ =	shalt  }
0x6e: {  	_ =	shalt  }
0x6f: {  	_ =	shalt  }
0x70: {  	_ =	shalt  }
0x71: {  	_ =	shalt  }
0x72: {  	_ =	shalt  }
0x73: {  	_ =	shalt  }
0x74: {  	_ =	shalt  }
0x75: {  	_ =	shalt  }
0x76: {  	_ =	shalt  }
0x77: {  	_ =	shalt  }
0x78: {  	_ =	shalt  }
0x79: {  	_ =	shalt  }
0x7a: {  	_ =	shalt  }
0x7b: {  	_ =	shalt  }
0x7c: {  	_ =	shalt  }
0x7d: {  	_ =	shalt  }
0x7e: {  	_ =	shalt  }
0x7f: {  	_ =	shalt  }
0x80: {  	_ =	shalt  }
0x81: {  	_ =	shalt  }
0x82: {  	_ =	shalt  }
0x83: {  	_ =	shalt  }
0x84: {  	_ =	shalt  }
0x85: {  	_ =	shalt  }
0x86: {  	_ =	shalt  }
0x87: {  	_ =	shalt  }
.Lfunc_end0:
.L_simem_size_0:
called_computation.2_lowered:
.L_overlay_start_0:
0x88: {  	s2 =	sld [smem:$0x3FD9]  }
0x89: {  	s3 =	sld [smem:$0x3FFE];
	_ =	sdelay $0x1  }
0x8a: {  	s1 =	srdreg.scid  }
0x8b: {  	s0 =	sand.u32 $0x1, s1  }
0x8c: {  	s16 =	sshll.u32 s0, $0xA;
	s2 =	sadd.s32 s3, s2  }
0x8d: {  	s2 =	sadd.s32 s2, s16  }
0x8e: {  	[smem:$0x3FC3] =	sst s2  }
0x8f: {  	_ = 	snop  }
0x90: {  	(tm) =	ssettm $0x1  }
0x91: {  	s17 =	sld [smem:$0x3FFB];
	_ =	sdelay $0x3  }
0x92: {  	_ =	strace s17  }
0x93: {  	s2 =	sld [smem:$0x3FFC];
	_ =	sdelay $0x3  }
0x94: {  	_ =	strace s2  }
0x95: {  	s2 =	sld [smem:$0x3FFD];
	_ =	sdelay $0x3  }
0x96: {  	_ =	strace s2  }
0x97: {  	_ =	strace $0x8FFFFFFF  }
0x98: {  	s18 =	sld [smem:$0x3FDB];
	_ =	sdelay $0x1  }
0x99: {  	s19 =	simm.s32 $_scs_section_size  }
0x9a: {  	s4 =	simm.s32 $_size__tile_overlayer_lowered;
	s5 =	simm.s32 $_tile_overlayer_lowered  }
0x9b: {  	s22 =	simm.s32 $0x1BFF;
	s21 =	sshll.u32 s5, $0x1;
	s2 =	sadd.s32 s19, s18  }
0x9c: {  	s6 =	simm.s32 $0x0;
	s20 =	sshll.u32 s4, $0x1;
	s4 =	sadd.s32 s21, s2  }
0x9d: {  	[timem:s6], [sflag:s22] =	dma.local [hbm:s4], s20  }
0x9e: {  	_ =	swait.ge [sflag:s22], s20  }
0x9f: {  	s3 =	ssub.s32 $0x0, s20;
	[sflag:s22] =	ssyncset.done $0x0  }
0xa0: {  	[sflag:s22] =	ssyncadd.s32 s3;
	_ =	sdelay $0x1  }
0xa1: {  	s23 =	simm.s32 $0x1B8B  }
0xa2: {  	_ =	swait.ge [sflag:s23], $0x1  }
0xa3: {  	[sflag:s23] =	ssyncset.done $0x0  }
0xa4: {  	s25 =	simm.s32 $0x1B8E;
	s24 =	sld [smem:$0x3FFE];
	[sflag:s23] =	ssyncadd.s32 $0xFFFFFFFF  }
0xa5: {  	s26 =	simm.s32 $execute0_lowered;
	[smem:$0x3FD2] =	sst s25  }
0xa6: {  	s4 =	sshll.u32 s26, $0x1;
	_ =	strace $0x8000004C;
	[dreg:$0x1] =	wrdreg $0xFFFFFFFF  }
0xa7: {  	s28 =	simm.s32 $_size_execute0_lowered;
	s2 =	sadd.s32 s2, s4;
	[dreg:$0x0] =	wrdreg $0x0  }
0xa8: {  	s4 =	sshll.u32 s28, $0x1;
	[dreg:$0x2] =	wrdreg s2  }
0xa9: {  	[dreg:$0x3] =	wrdreg s4  }
0xaa: {  	[dreg:$0x4] =	wrdreg $0xC0  }
0xab: {  	_ =	task [dreg:s6], $0x5FFFF  }
0xac: {  	[dreg:$0x1] =	wrdreg $0xFFFFFFFF  }
0xad: {  	[dreg:$0x0] =	wrdreg $0x60  }
0xae: {  	[dreg:$0x2] =	wrdreg s24  }
0xaf: {  	[dreg:$0x3] =	wrdreg $0x50E00  }
0xb0: {  	[dreg:$0x4] =	wrdreg $0x9  }
0xb1: {  	_ =	task.clear_ibuf [dreg:s6], $0x5FFFF;
	_ =	strace $0x9000004C  }
0xb2: {  	s29 =	simm.s32 $0x9;
	_ =	strace $0x8000004E  }
0xb3: {  	_ =	swait.ge [sflag:s29], $0x1  }
0xb4: {  	[sflag:s29] =	ssyncadd.s32 $0xFFFFFFFF  }
0xb5: {  	_ =	strace $0x9000004E  }
0xb6: {  	_ =	sfence  }
0xb7: {  	s30 =	sld [smem:$0x0];
	_ =	sdelay $0x2  }
0xb8: {  	s31 =	sshll.u32 s1, $0xD;
	s1 =	sshrl.u32 s1, $0x2  }
0xb9: {  	s3 =	sand.u32 $0x4000, s31;
	s1 =	sadd.s32 s1, s30  }
0xba: {  	s0 =	sor.u32 s3, s0;
	s1 =	sshll.u32 s1, $0x11  }
0xbb: {  	s0 =	sor.u32 s1, s0  }
0xbc: {  	s0 =	sadd.s32 $0x8F2B, s0  }
0xbd: {  	[sflag:s0] =	ssyncadd.remote.s32 $0x1  }
0xbe: {  	_ =	sfence.sel $0xFFFF  }
0xbf: {  	[dreg:$0x0] =	wrdreg $0xFFFFFFFF;
	(pc) =	sbr.abs _section_cstart, $3  }
0xc0: {  	[dreg:$0x1] =	wrdreg $0xFFFFFFFF  }
0xc1: {  	_ =	task.clear_ibuf [dreg:s6], $0x2FFFF;
	_ =	strace $0x9FFFFFFF  }
0xc2: {  	(tm) =	ssettm $0x7FFFFFFF  }
0xc3: {  	_ =	shalt  }
tec
execute0_lowered:
.L_overlay_start_1:
0x0: {  	(tag) =	ssettag $0x1  }
0x1: {  	s0 =	rddreg [dreg:$0x0]  }
0x2: {  	s1 =	rddreg [dreg:$0x1]  }
0x3: {  	s16 =	simm.s32 $0x0;
	s2 =	srdreg.scid;
	s3 =	stileid.u32  }
0x4: {  	s20 =	simm.s32 $0x2;
	s21 =	simm.s32 $0x80;
	s28 =	simm.s32 $0x880  }
0x5: {  	s29 =	simm.s32 $0xD00;
	s30 =	simm.s32 $0x900;
	s31 =	simm.s32 $0xD80  }
0x6: {  	s11 =	simm.s32 $0xF00;
	s12 =	simm.s32 $0xB00;
	s13 =	simm.s32 $0xF80  }
0x7: {  	s14 =	simm.s32 $0xB80;
	[smem:$0x7FF] =	sst s16;
	s4 =	sadd.s32 $0x1E200, s0  }
0x8: {  	s2 =	sand.u32 $0x1, s2;
	s7 =	smul.u32 $0x61C00, s3;
	s5 =	sadd.s32 $0x5A00, s0  }
0x9: {  	s6 =	sadd.s32 $0xFA200, s0;
	s0 =	sadd.s32 $0x1BDA00, s0;
	s15 =	smul.u32 $0xC38, s3  }
0xa: {  	p0 =	seq.s32 s3, $0xF;
	_ =	strace $0x8000004D;
	s7 =	sshrl.u32 s7, $0x2  }
0xb: {  	s8 =	ssub.s32 $0x2, s2;
	s19 =	smul.u32 $0xC350, s2;
	s18 =	sadd.s32 s7, s1  }
0xc: {  	s2 =	smul.u32 $0x186A00, s2;
	s7 =	sadd.s32 $0x30E0, s18;
	[dreg:$0x4] =	wrdreg s18  }
0xd: {  	s9 =	sshrl.u32 s8, $0x1;
	s17 =	sadd.s32 $0x61C0, s18;
	[dreg:$0x5] =	wrdreg s7  }
0xe: {  	s8 =	ssub.s32 s8, s9;
	s10 =	sadd.s32 $0x92A0, s18;
	[dreg:$0x6] =	wrdreg s17  }
0xf: {  	s9 =	sadd.s32 s15, s19;
	s22 =	sadd.s32 $0xC380, s18;
	[dreg:$0x7] =	wrdreg s10  }
0x10: {  	s2 =	sshrl.u32 s2, $0x3;
	s23 =	sadd.s32 $0xF460, s18;
	[dreg:$0x8] =	wrdreg s22  }
0x11: {  	s15 =	smul.u32 $0xC350, s3;
	s24 =	sadd.s32 $0x12540, s18;
	[dreg:$0x9] =	wrdreg s23  }
0x12: {  	s25 =	sadd.s32 $0x15620, s18;
	s9 =	sshll.u32 s9, $0x2;
	[dreg:$0xa] =	wrdreg s24  }
0x13: {  	s26 =	smax.u32 s8, $0x1;
	s8 =	simm.s32 $0xA00;
	[dreg:$0xb] =	wrdreg s25  }
0x14: {  	s9 =	sadd.s32 s0, s9;
	s0 =	sadd.s32 s0, s2;
	[dreg:$0xe] =	wrdreg s26  }
0x15: {  	s22 =	simm.s32 $0xC00;
	s23 =	simm.s32 $0x1000;
	s24 =	simm.s32 $0x1  }
0x16: {  	s25 =	simm.s32 $0x800;
	s26 =	simm.s32 $0xC80;
	s2 =	simm.s32 $0xE00  }
0x17: {  	s10 =	simm.s32 $0xA80;
	[dreg:$0xc] =	wrdreg s9;
	s0 =	sadd.s32 $0x2DD20, s0  }
0x18: {  	v1 =	vimm.f32 $0.0e+00;
	v0 =	vmov s19;
	s9 =	simm.s32 $0xE80;
	[dreg:$0xd] =	wrdreg s0;
	s0 =	simm.s32 $0x980  }
.LBB2_1:
0x19: {  	[dreg:$0x3] =	wrdreg s16;
	s7 =	simm.s32 $0x80;
	s16 =	simm.s32 $0x0  }
.LBB2_2:
0x1a: {  	p1 =	sne.s32 s7, $0xC300;
	[tilespmem:s16+$0x2000] =	vst v1;
	s17 =	smov.u32 s7;
	s7 =	sadd.s32 $0x80, s7  }
.Ltmp0:
0x1b: {  	[tilespmem:s16+$0x2010] =	vst v1;
	(pc) =	sbr.rel @p1 .LBB2_2-.Ltmp0, $2  }
0x1c: {  	_ =	sdelay $0x2  }
0x1d: {  	s16 =	sshra.s32 s17, $0x2  }
0x1e: {  	[tilespmem:s16+$0x2000] =	vst v1  }
0x1f: {  	[tilespmem:s16+$0x2010] =	vst v1;
	s7 =	simm.s32 $0x2000  }
0x20: {  	[spmem:s18] =	stream.linear.scatter [tilespmem:s7], [sflag:$0x2], $0x30E0, $0x38;
	[tilespmem:$0x1D7E0] =	vst v63  }
0x21: {  	_ =	swait.ge [sflag:s20], $0x30E0  }
0x22: {  	[sflag:s20] =	ssyncset.done $0x0  }
0x23: {  	s3 =	rddreg [dreg:$0x5];
	[sflag:s20] =	ssyncadd.s32 $0xFFFFCF20  }
0x24: {  	[spmem:s3] =	stream.linear.scatter [tilespmem:s7], [sflag:$0x2], $0x30E0, $0x38;
	[tilespmem:$0x1D7E0] =	vst v63  }
0x25: {  	_ =	swait.ge [sflag:s20], $0x30E0  }
0x26: {  	[sflag:s20] =	ssyncset.done $0x0  }
0x27: {  	s18 =	rddreg [dreg:$0x6];
	[sflag:s20] =	ssyncadd.s32 $0xFFFFCF20  }
0x28: {  	[spmem:s18] =	stream.linear.scatter [tilespmem:s7], [sflag:$0x2], $0x30E0, $0x38;
	[tilespmem:$0x1D7E0] =	vst v63  }
0x29: {  	_ =	swait.ge [sflag:s20], $0x30E0  }
0x2a: {  	[sflag:s20] =	ssyncset.done $0x0  }
0x2b: {  	s19 =	rddreg [dreg:$0x7];
	[sflag:s20] =	ssyncadd.s32 $0xFFFFCF20  }
0x2c: {  	[spmem:s19] =	stream.linear.scatter [tilespmem:s7], [sflag:$0x2], $0x30E0, $0x38;
	[tilespmem:$0x1D7E0] =	vst v63  }
0x2d: {  	_ =	swait.ge [sflag:s20], $0x30E0  }
0x2e: {  	[sflag:s20] =	ssyncset.done $0x0  }
0x2f: {  	s16 =	rddreg [dreg:$0x8];
	[sflag:s20] =	ssyncadd.s32 $0xFFFFCF20  }
0x30: {  	[spmem:s16] =	stream.linear.scatter [tilespmem:s7], [sflag:$0x2], $0x30E0, $0x38;
	[tilespmem:$0x1D7E0] =	vst v63  }
0x31: {  	_ =	swait.ge [sflag:s20], $0x30E0  }
0x32: {  	[sflag:s20] =	ssyncset.done $0x0  }
0x33: {  	s17 =	rddreg [dreg:$0x9];
	[sflag:s20] =	ssyncadd.s32 $0xFFFFCF20  }
0x34: {  	[spmem:s17] =	stream.linear.scatter [tilespmem:s7], [sflag:$0x2], $0x30E0, $0x38;
	[tilespmem:$0x1D7E0] =	vst v63  }
0x35: {  	_ =	swait.ge [sflag:s20], $0x30E0  }
0x36: {  	[sflag:s20] =	ssyncset.done $0x0  }
0x37: {  	s18 =	rddreg [dreg:$0xa];
	[sflag:s20] =	ssyncadd.s32 $0xFFFFCF20  }
0x38: {  	[spmem:s18] =	stream.linear.scatter [tilespmem:s7], [sflag:$0x2], $0x30E0, $0x38;
	[tilespmem:$0x1D7E0] =	vst v63  }
0x39: {  	_ =	swait.ge [sflag:s20], $0x30E0  }
0x3a: {  	[sflag:s20] =	ssyncset.done $0x0  }
0x3b: {  	s19 =	rddreg [dreg:$0xb];
	[sflag:s20] =	ssyncadd.s32 $0xFFFFCF20  }
0x3c: {  	[spmem:s19] =	stream.linear.scatter [tilespmem:s7], [sflag:$0x2], $0x30E0, $0x38;
	[tilespmem:$0x1D7E0] =	vst v63  }
0x3d: {  	_ =	swait.ge [sflag:s20], $0x30E0  }
0x3e: {  	[sflag:s20] =	ssyncset.done $0x0  }
0x3f: {  	[sflag:s20] =	ssyncadd.s32 $0xFFFFCF20  }
0x40: {  	s16 =	simm.s32 $0x0;
	[bflag:$0x0] =	sbarrier.arrive $0xFFFF  }
.LBB2_4:
0x41: {  	p1 =	seq.s32 s16, $0x30  }
0x42: {  	v2 =	vimm.s32 @p1 $0xC350  }
0x43: {  	v3 =	vimm.s32 @p1 $0x0;
	[tilespmem:$0x350] =	vst @p1 v2  }
0x44: {  	[tilespmem:$0x750] =	vst @p1 v3  }
0x45: {  	[tilespmem:$0x360] =	vst @p1 v2  }
0x46: {  	[tilespmem:$0x760] =	vst @p1 v3  }
0x47: {  	[tilespmem:$0x370] =	vst @p1 v2  }
0x48: {  	[tilespmem:$0x770] =	vst @p1 v3  }
0x49: {  	[tilespmem:$0x380] =	vst @p1 v2  }
0x4a: {  	[tilespmem:$0x780] =	vst @p1 v3  }
0x4b: {  	[tilespmem:$0x390] =	vst @p1 v2  }
0x4c: {  	[tilespmem:$0x790] =	vst @p1 v3  }
0x4d: {  	[tilespmem:$0x3A0] =	vst @p1 v2  }
0x4e: {  	[tilespmem:$0x7A0] =	vst @p1 v3  }
0x4f: {  	[tilespmem:$0x3B0] =	vst @p1 v2  }
0x50: {  	[tilespmem:$0x7B0] =	vst @p1 v3  }
0x51: {  	[tilespmem:$0x3C0] =	vst @p1 v2  }
0x52: {  	[tilespmem:$0x7C0] =	vst @p1 v3  }
0x53: {  	[tilespmem:$0x3D0] =	vst @p1 v2  }
0x54: {  	[tilespmem:$0x7D0] =	vst @p1 v3  }
0x55: {  	s7 =	sshll.u32 s16, $0xA;
	[tilespmem:$0x3E0] =	vst @p1 v2  }
0x56: {  	s7 =	sadd.s32 s15, s7;
	[tilespmem:$0x7E0] =	vst @p1 v3  }
0x57: {  	[tilespmem:$0x3F0] =	vst @p1 v2;
	s17 =	sshrl.u32 @p1 s7, $0x3  }
0x58: {  	s19 =	simm.s32 @p1 $0x0;
	[tilespmem:$0x7F0] =	vst @p1 v3;
	s18 =	sadd.s32 @p1 s4, s17  }
0x59: {  	[tilespmem:s19], [sflag:$0x2] =	stream.linear.gather @p1 [hbm4b:s18+s19], $0x350, $0x38;
	[tilespmem:$0x1D7E0] =	vst v63  }
0x5a: {  	s18 =	simm.s32 @p1 $0x2  }
0x5b: {  	_ =	swait.ge @p1 [sflag:s18], $0x350  }
0x5c: {  	[sflag:s18] =	ssyncset.done @p1 $0x0  }
0x5d: {  	s3 =	simm.s32 @p1 $0x400;
	s17 =	sadd.s32 @p1 s5, s17;
	[sflag:s18] =	ssyncadd.s32 @p1 $0xFFFFFCB0  }
0x5e: {  	[tilespmem:s3], [sflag:$0x2] =	stream.linear.gather @p1 [hbm4b:s17+s19], $0x350, $0x38;
	[tilespmem:$0x1D7E0] =	vst v63  }
0x5f: {  	_ =	swait.ge @p1 [sflag:s18], $0x350  }
0x60: {  	s3 =	sshrl.u32 @!p1 s7, $0x3;
	[sflag:s18] =	ssyncset.done @p1 $0x0  }
0x61: {  	s17 =	simm.s32 @!p1 $0x0;
	s7 =	sadd.s32 @!p1 s4, s3;
	[sflag:s18] =	ssyncadd.s32 @p1 $0xFFFFFCB0  }
0x62: {  	[tilespmem:s17], [sflag:$0x2] =	stream.linear.gather @!p1 [hbm4b:s7+s17], $0x400, $0x38;
	[tilespmem:$0x1D7E0] =	vst v63  }
0x63: {  	s7 =	simm.s32 @!p1 $0x2  }
0x64: {  	_ =	swait.ge @!p1 [sflag:s7], $0x400  }
0x65: {  	[sflag:s7] =	ssyncset.done @!p1 $0x0  }
0x66: {  	s3 =	sadd.s32 @!p1 s5, s3;
	s18 =	simm.s32 @!p1 $0x400;
	[sflag:s7] =	ssyncadd.s32 @!p1 $0xFFFFFC00  }
0x67: {  	[tilespmem:s18], [sflag:$0x2] =	stream.linear.gather @!p1 [hbm4b:s3+s17], $0x400, $0x38;
	[tilespmem:$0x1D7E0] =	vst v63  }
0x68: {  	_ =	swait.ge @!p1 [sflag:s7], $0x400  }
0x69: {  	[sflag:s7] =	ssyncset.done @!p1 $0x0  }
0x6a: {  	s17 =	simm.s32 $0x0;
	[sflag:s7] =	ssyncadd.s32 @!p1 $0xFFFFFC00  }
0x6b: {  	v2 =	vld [tilespmem:s17+$0x470]  }
0x6c: {  	v3 =	vld [tilespmem:s17+$0x400]  }
0x6d: {  	v10 =	vld [tilespmem:s17+$0x0]  }
0x6e: {  	v11 =	vld [tilespmem:s17+$0x10]  }
0x6f: {  	v4 =	vld [tilespmem:s17+$0x410]  }
0x70: {  	v5 =	vld [tilespmem:s17+$0x420]  }
0x71: {  	v7 =	vld [tilespmem:s17+$0x440]  }
0x72: {  	v6 =	vld [tilespmem:s17+$0x430];
	[tilespmem:s17+$0x800] =	vst v10  }
0x73: {  	v2 =	vadd.s32 v0, v2;
	[tilespmem:s17+$0x810] =	vst v11  }
0x74: {  	v8 =	vld [tilespmem:s17+$0x450];
	v3 =	vadd.s32 v0, v3;
	[tilespmem:s17+$0xC70] =	vst v2  }
0x75: {  	v9 =	vld [tilespmem:s17+$0x460];
	[tilespmem:s17+$0xC00] =	vst v3;
	v2 =	vadd.s32 v0, v4  }
0x76: {  	v4 =	vadd.s32 v0, v7;
	v7 =	vld [tilespmem:s17+$0x70];
	[tilespmem:s17+$0xC10] =	vst v2;
	v2 =	vadd.s32 v0, v5  }
0x77: {  	v3 =	vadd.s32 v0, v6;
	[tilespmem:s17+$0xC20] =	vst v2;
	v2 =	vld [tilespmem:s17+$0x20]  }
0x78: {  	[tilespmem:s17+$0xC30] =	vst v3;
	v3 =	vld [tilespmem:s17+$0x30]  }
0x79: {  	[tilespmem:s17+$0xC40] =	vst v4;
	v5 =	vadd.s32 v0, v8;
	v4 =	vld [tilespmem:s17+$0x40]  }
0x7a: {  	v6 =	vadd.s32 v0, v9;
	[tilespmem:s17+$0xC50] =	vst v5;
	v5 =	vld [tilespmem:s17+$0x50]  }
0x7b: {  	s18 =	simm.s32 $0x80;
	s7 =	simm.s32 $0x400;
	[tilespmem:s17+$0xC60] =	vst v6;
	v6 =	vld [tilespmem:s17+$0x60]  }
.LBB2_5:
0x7c: {  	p1 =	sne.s32 s7, $0xE00;
	v8 =	vld [tilespmem:s18+$0x470];
	[tilespmem:s17+$0x820] =	vst v2  }
0x7d: {  	v2 =	vld [tilespmem:s18+$0x400];
	[tilespmem:s17+$0x830] =	vst v3  }
0x7e: {  	v3 =	vld [tilespmem:s18+$0x410];
	[tilespmem:s17+$0x840] =	vst v4  }
0x7f: {  	v4 =	vld [tilespmem:s18+$0x420];
	[tilespmem:s17+$0x850] =	vst v5  }
0x80: {  	v5 =	vld [tilespmem:s18+$0x430];
	[tilespmem:s17+$0x860] =	vst v6  }
0x81: {  	v6 =	vld [tilespmem:s18+$0x440];
	v8 =	vadd.s32 v0, v8;
	[tilespmem:s17+$0x870] =	vst v7;
	s17 =	smov.u32 s18  }
0x82: {  	v2 =	vadd.s32 v0, v2;
	v7 =	vld [tilespmem:s17+$0x450];
	[tilespmem:s17+$0xC70] =	vst v8  }
0x83: {  	[tilespmem:s17+$0xC00] =	vst v2;
	v2 =	vadd.s32 v0, v3;
	v8 =	vld [tilespmem:s17+$0x460]  }
0x84: {  	v9 =	vld [tilespmem:s17+$0x0];
	[tilespmem:s17+$0xC10] =	vst v2;
	v2 =	vadd.s32 v0, v4  }
0x85: {  	v10 =	vld [tilespmem:s17+$0x10];
	[tilespmem:s17+$0xC20] =	vst v2;
	v3 =	vadd.s32 v0, v5  }
0x86: {  	v2 =	vld [tilespmem:s17+$0x20];
	[tilespmem:s17+$0xC30] =	vst v3;
	v4 =	vadd.s32 v0, v6  }
.Ltmp1:
0x87: {  	v3 =	vld [tilespmem:s17+$0x30];
	[tilespmem:s17+$0xC40] =	vst v4;
	v5 =	vadd.s32 v0, v7;
	(pc) =	sbr.rel @p1 .LBB2_5-.Ltmp1, $4  }
0x88: {  	v4 =	vld [tilespmem:s17+$0x40];
	[tilespmem:s17+$0xC50] =	vst v5;
	v6 =	vadd.s32 v0, v8  }
0x89: {  	v5 =	vld [tilespmem:s17+$0x50];
	[tilespmem:s17+$0xC60] =	vst v6  }
0x8a: {  	[tilespmem:s17+$0x800] =	vst v9;
	v6 =	vld [tilespmem:s17+$0x60]  }
0x8b: {  	s18 =	sshra.s32 s7, $0x2;
	s7 =	sadd.s32 $0x200, s7;
	[tilespmem:s17+$0x810] =	vst v10;
	v7 =	vld [tilespmem:s17+$0x70]  }
0x8c: {  	v8 =	vld [tilespmem:s18+$0x470];
	[tilespmem:s17+$0x820] =	vst v2  }
0x8d: {  	v2 =	vld [tilespmem:s18+$0x400];
	[tilespmem:s17+$0x830] =	vst v3  }
0x8e: {  	v3 =	vld [tilespmem:s18+$0x410];
	[tilespmem:s17+$0x840] =	vst v4  }
0x8f: {  	v4 =	vld [tilespmem:s18+$0x420];
	[tilespmem:s17+$0x850] =	vst v5  }
0x90: {  	v5 =	vld [tilespmem:s18+$0x430];
	[tilespmem:s17+$0x860] =	vst v6  }
0x91: {  	v6 =	vld [tilespmem:s18+$0x440];
	[tilespmem:s17+$0x870] =	vst v7;
	v56 =	vadd.s32 v0, v8  }
0x92: {  	v57 =	vld [tilespmem:s18+$0x450];
	v2 =	vadd.s32 v0, v2;
	[tilespmem:s18+$0xC70] =	vst v56  }
0x93: {  	v58 =	vld [tilespmem:s18+$0x0];
	[tilespmem:s18+$0xC00] =	vst v2;
	v3 =	vadd.s32 v0, v3  }
0x94: {  	v59 =	vld [tilespmem:s18+$0x10];
	[tilespmem:s18+$0xC10] =	vst v3;
	v3 =	vadd.s32 v0, v4  }
0x95: {  	v60 =	vld [tilespmem:s18+$0x20];
	[tilespmem:s18+$0xC20] =	vst v3;
	v3 =	vadd.s32 v0, v5  }
0x96: {  	v2 =	vld [tilespmem:s18+$0x460];
	[tilespmem:s18+$0xC30] =	vst v3;
	v3 =	vadd.s32 v0, v6  }
0x97: {  	[tilespmem:s18+$0xC40] =	vst v3  }
0x98: {  	v61 =	vld [tilespmem:s18+$0x30];
	[tilespmem:s18+$0x800] =	vst v58  }
0x99: {  	v62 =	vld [tilespmem:s18+$0x40];
	[tilespmem:s18+$0x810] =	vst v59  }
0x9a: {  	v63 =	vld [tilespmem:s18+$0x70];
	v3 =	vadd.s32 v0, v57;
	[tilespmem:s18+$0x820] =	vst v60  }
0x9b: {  	[tilespmem:s18+$0xC50] =	vst v3;
	v2 =	vadd.s32 v0, v2;
	v3 =	vld [tilespmem:s18+$0x50]  }
0x9c: {  	[tilespmem:s18+$0xC60] =	vst v2;
	v2 =	vld [tilespmem:s18+$0x60]  }
0x9d: {  	[tilespmem:s18+$0x830] =	vst v61  }
0x9e: {  	[tilespmem:s18+$0x840] =	vst v62  }
0x9f: {  	[tilespmem:s18+$0x870] =	vst v63  }
0xa0: {  	[tilespmem:s18+$0x850] =	vst v3  }
0xa1: {  	[tilespmem:s18+$0x860] =	vst v2  }
0xa2: {  	[tilespmem:s23], [sflag:$0x1] =	stream.indirect.gather [hbm4b:s6+s21], $0x20, s22, s21, $0xb8;
	[tilespmem:$0x1D7E0] =	vst v63  }
0xa3: {  	_ =	swait.ge [sflag:s24], $0x1000  }
0xa4: {  	[sflag:s24] =	ssyncset.done $0x0  }
0xa5: {  	[sflag:s24] =	ssyncadd.s32 $0xFFFFF000  }
0xa6: {  	[spmem:s1] =	stream.indirect.scatter.add.f32 [tilespmem:s23], [sflag:$0x2], $0x20, s25, s21, $0xb8;
	[tilespmem:$0x1D7E0] =	vst v63  }
0xa7: {  	_ =	swait.ge [sflag:s20], $0x1000  }
0xa8: {  	[sflag:s20] =	ssyncset.done $0x0  }
0xa9: {  	[sflag:s20] =	ssyncadd.s32 $0xFFFFF000  }
0xaa: {  	[tilespmem:s23], [sflag:$0x1] =	stream.indirect.gather [hbm4b:s6+s21], $0x20, s26, s21, $0xb8;
	[tilespmem:$0x1D7E0] =	vst v63  }
0xab: {  	_ =	swait.ge [sflag:s24], $0x1000  }
0xac: {  	[sflag:s24] =	ssyncset.done $0x0  }
0xad: {  	[sflag:s24] =	ssyncadd.s32 $0xFFFFF000  }
0xae: {  	[spmem:s1] =	stream.indirect.scatter.add.f32 [tilespmem:s23], [sflag:$0x2], $0x20, s28, s21, $0xb8;
	[tilespmem:$0x1D7E0] =	vst v63  }
0xaf: {  	_ =	swait.ge [sflag:s20], $0x1000  }
0xb0: {  	[sflag:s20] =	ssyncset.done $0x0  }
0xb1: {  	[sflag:s20] =	ssyncadd.s32 $0xFFFFF000  }
0xb2: {  	[tilespmem:s23], [sflag:$0x1] =	stream.indirect.gather [hbm4b:s6+s21], $0x20, s29, s21, $0xb8;
	[tilespmem:$0x1D7E0] =	vst v63  }
0xb3: {  	_ =	swait.ge [sflag:s24], $0x1000  }
0xb4: {  	[sflag:s24] =	ssyncset.done $0x0  }
0xb5: {  	[sflag:s24] =	ssyncadd.s32 $0xFFFFF000  }
0xb6: {  	[spmem:s1] =	stream.indirect.scatter.add.f32 [tilespmem:s23], [sflag:$0x2], $0x20, s30, s21, $0xb8;
	[tilespmem:$0x1D7E0] =	vst v63  }
0xb7: {  	_ =	swait.ge [sflag:s20], $0x1000  }
0xb8: {  	[sflag:s20] =	ssyncset.done $0x0  }
0xb9: {  	[sflag:s20] =	ssyncadd.s32 $0xFFFFF000  }
0xba: {  	[tilespmem:s23], [sflag:$0x1] =	stream.indirect.gather [hbm4b:s6+s21], $0x20, s31, s21, $0xb8;
	[tilespmem:$0x1D7E0] =	vst v63  }
0xbb: {  	_ =	swait.ge [sflag:s24], $0x1000  }
0xbc: {  	[sflag:s24] =	ssyncset.done $0x0  }
0xbd: {  	[sflag:s24] =	ssyncadd.s32 $0xFFFFF000  }
0xbe: {  	[spmem:s1] =	stream.indirect.scatter.add.f32 [tilespmem:s23], [sflag:$0x2], $0x20, s0, s21, $0xb8;
	[tilespmem:$0x1D7E0] =	vst v63  }
0xbf: {  	_ =	swait.ge [sflag:s20], $0x1000  }
0xc0: {  	[sflag:s20] =	ssyncset.done $0x0  }
0xc1: {  	[sflag:s20] =	ssyncadd.s32 $0xFFFFF000  }
0xc2: {  	[tilespmem:s23], [sflag:$0x1] =	stream.indirect.gather [hbm4b:s6+s21], $0x20, s2, s21, $0xb8;
	[tilespmem:$0x1D7E0] =	vst v63  }
0xc3: {  	_ =	swait.ge [sflag:s24], $0x1000  }
0xc4: {  	[sflag:s24] =	ssyncset.done $0x0  }
0xc5: {  	[sflag:s24] =	ssyncadd.s32 $0xFFFFF000  }
0xc6: {  	[spmem:s1] =	stream.indirect.scatter.add.f32 [tilespmem:s23], [sflag:$0x2], $0x20, s8, s21, $0xb8;
	[tilespmem:$0x1D7E0] =	vst v63  }
0xc7: {  	_ =	swait.ge [sflag:s20], $0x1000  }
0xc8: {  	[sflag:s20] =	ssyncset.done $0x0  }
0xc9: {  	[sflag:s20] =	ssyncadd.s32 $0xFFFFF000  }
0xca: {  	[tilespmem:s23], [sflag:$0x1] =	stream.indirect.gather [hbm4b:s6+s21], $0x20, s9, s21, $0xb8;
	[tilespmem:$0x1D7E0] =	vst v63  }
0xcb: {  	_ =	swait.ge [sflag:s24], $0x1000  }
0xcc: {  	[sflag:s24] =	ssyncset.done $0x0  }
0xcd: {  	[sflag:s24] =	ssyncadd.s32 $0xFFFFF000  }
0xce: {  	[spmem:s1] =	stream.indirect.scatter.add.f32 [tilespmem:s23], [sflag:$0x2], $0x20, s10, s21, $0xb8;
	[tilespmem:$0x1D7E0] =	vst v63  }
0xcf: {  	_ =	swait.ge [sflag:s20], $0x1000  }
0xd0: {  	[sflag:s20] =	ssyncset.done $0x0  }
0xd1: {  	[sflag:s20] =	ssyncadd.s32 $0xFFFFF000  }
0xd2: {  	[tilespmem:s23], [sflag:$0x1] =	stream.indirect.gather [hbm4b:s6+s21], $0x20, s11, s21, $0xb8;
	[tilespmem:$0x1D7E0] =	vst v63  }
0xd3: {  	_ =	swait.ge [sflag:s24], $0x1000  }
0xd4: {  	[sflag:s24] =	ssyncset.done $0x0  }
0xd5: {  	[sflag:s24] =	ssyncadd.s32 $0xFFFFF000  }
0xd6: {  	[spmem:s1] =	stream.indirect.scatter.add.f32 [tilespmem:s23], [sflag:$0x2], $0x20, s12, s21, $0xb8;
	[tilespmem:$0x1D7E0] =	vst v63  }
0xd7: {  	_ =	swait.ge [sflag:s20], $0x1000  }
0xd8: {  	[sflag:s20] =	ssyncset.done $0x0  }
0xd9: {  	[sflag:s20] =	ssyncadd.s32 $0xFFFFF000  }
0xda: {  	[tilespmem:s23], [sflag:$0x1] =	stream.indirect.gather [hbm4b:s6+s21], $0x20, s13, s21, $0xb8;
	[tilespmem:$0x1D7E0] =	vst v63  }
0xdb: {  	s16 =	sadd.s32 $0x1, s16;
	_ =	swait.ge [sflag:s24], $0x1000  }
0xdc: {  	p1 =	sne.s32 s16, $0x31;
	[sflag:s24] =	ssyncset.done $0x0  }
.Ltmp2:
0xdd: {  	[sflag:s24] =	ssyncadd.s32 $0xFFFFF000;
	(pc) =	sbr.rel @p1 .LBB2_4-.Ltmp2, $4  }
0xde: {  	[spmem:s1] =	stream.indirect.scatter.add.f32 [tilespmem:s23], [sflag:$0x2], $0x20, s14, s21, $0xb8;
	[tilespmem:$0x1D7E0] =	vst v63  }
0xdf: {  	_ =	swait.ge [sflag:s20], $0x1000  }
0xe0: {  	[sflag:s20] =	ssyncset.done $0x0  }
0xe1: {  	[sflag:s20] =	ssyncadd.s32 $0xFFFFF000  }
0xe2: {  	[bflag:$0x0] =	sbarrier.arrive $0xFFFF  }
0xe3: {  	s18 =	rddreg [dreg:$0x4]  }
0xe4: {  	s7 =	simm.s32 @p0 $0x1FC2;
	s16 =	rddreg [dreg:$0xd];
	s3 =	sshrl.u32 @p0 s18, $0x3  }
0xe5: {  	[hbm:s16], [sflag:s7] =	dma.local @p0 [spmem:s3], $0x3020  }
0xe6: {  	s3 =	simm.s32 @p0 $0x2  }
0xe7: {  	s7 =	stileid.u32;
	_ =	swait.ge @p0 [sflag:s3], $0x3020  }
0xe8: {  	s7 =	sshll.u32 @!p0 s7, $0x6;
	[sflag:s3] =	ssyncset.done @p0 $0x0;
	s16 =	rddreg [dreg:$0xc]  }
0xe9: {  	[sflag:s3] =	ssyncadd.s32 @p0 $0xFFFFCFE0;
	s3 =	sor.u32 @!p0 $0x1C02, s7;
	s7 =	sshrl.u32 @!p0 s18, $0x3  }
0xea: {  	[hbm:s16], [sflag:s3] =	dma.local @!p0 [spmem:s7], $0x30E0  }
0xeb: {  	s3 =	simm.s32 @!p0 $0x2  }
0xec: {  	_ =	swait.ge @!p0 [sflag:s3], $0x30E0  }
0xed: {  	s17 =	rddreg [dreg:$0x3]  }
0xee: {  	s19 =	rddreg [dreg:$0xe];
	s16 =	sadd.s32 $0x1, s17  }
0xef: {  	p1 =	sne.s32 s16, s19  }
.Ltmp3:
0xf0: {  	_ = 	snop;
	(pc) =	sbr.rel @p1 .LBB2_1-.Ltmp3, $3  }
0xf1: {  	_ =	sdelay $0x1  }
0xf2: {  	[sflag:s3] =	ssyncset.done @!p0 $0x0  }
0xf3: {  	[sflag:s3] =	ssyncadd.s32 @!p0 $0xFFFFCF20  }
0xf4: {  	_ =	sfence.sel $0x180000  }
0xf5: {  	[bflag:$0x0] =	sbarrier.arrive $0xFFFF  }
0xf6: {  	_ =	strace $0x9000004D  }
0xf7: {  	s0 =	stileid.u32;
	[bflag:$0x2] =	sbarrier.arrive $0xFFFF  }
0xf8: {  	p0 =	sne.s32 s0, $0x0;
	s0 =	rddreg [dreg:$0x2]  }
0xf9: {  	s0 =	sadd.s32 @!p0 $0x100000, s0  }
0xfa: {  	[sflag:s0] =	ssyncadd.tile.s32 @!p0 $0x1;
	_ =	shalt  }
.Lfunc_end2:
_tile_overlayer_lowered:
.L_overlay_start_2:
0xfb: {  	(tag) =	ssettag $0x2  }
0xfc: {  	s0 =	rddreg [dreg:$0x0];
	s2 =	stileid.u32  }
0xfd: {  	s1 =	rddreg [dreg:$0x1];
	p0 =	sne.s32 s2, $0x0  }
0xfe: {  	s3 =	rddreg [dreg:$0x2];
	[bflag:$0x3] =	sbarrier.arrive $0xFFFF;
	s2 =	simm.s32 @!p0 $0x1C02  }
0xff: {  	[timem:s3], [sflag:s2] =	dma.local @!p0 [hbm:s0], s1  }
0x100: {  	s0 =	simm.s32 @!p0 $0x2  }
0x101: {  	_ =	swait.ge @!p0 [sflag:s0], s1  }
0x102: {  	s1 =	ssub.s32 @!p0 $0x0, s1;
	[sflag:s0] =	ssyncset.done @!p0 $0x0  }
0x103: {  	[sflag:s0] =	ssyncadd.s32 @!p0 s1  }
0x104: {  	[bflag:$0x3] =	sbarrier.arrive $0xFFFF  }
0x105: {  	_ =	shalt  }

// kernel: kernel.18.cloned.1.call-start
scs
__scs_entry_jumppad:
0x0: {  	(pc) =	sbr.rel $0x88, $3  }
0x1: {  	(tag) =	ssettag $0x0;
	lr =	simm.s32 $0x1  }
0x2: {  	[smem:$0x3F9C] =	sst lr;
	_ =	strace $0xD0000000  }
0x3: {  	_ = 	snop  }
0x4: {  	_ = 	snop  }
0x5: {  	_ = 	snop  }
0x6: {  	_ = 	snop  }
0x7: {  	_ = 	snop  }
__scs_overlays_trampoline_lowered:
0x8: {  	[smem:$0x3FAB] =	sst s0  }
0x9: {  	[smem:$0x3FAC] =	sst s1  }
0xa: {  	[smem:$0x3FAD] =	sst s2  }
0xb: {  	[smem:$0x3FAE] =	sst s3  }
0xc: {  	[smem:$0x3FAF] =	sst s4  }
0xd: {  	[smem:$0x3FB0] =	sst s5  }
0xe: {  	[smem:$0x3FB1] =	sst s6  }
0xf: {  	[smem:$0x3FB2] =	sst s7  }
0x10: {  	[smem:$0x3FB3] =	sst s8  }
0x11: {  	[smem:$0x3FB4] =	sst s9;
	s0 =	simm.s32 @!p0 $0x0  }
0x12: {  	s1 =	sld [smem:$0x3F9A];
	s0 =	simm.s32 @p0 $0x1  }
0x13: {  	[smem:$0x3FB5] =	sst s0;
	s0 =	simm.s32 @!p1 $0x0  }
0x14: {  	s2 =	sld [smem:$0x3F99];
	s0 =	simm.s32 @p1 $0x1  }
0x15: {  	[smem:$0x3FB6] =	sst s0;
	s0 =	simm.s32 @!p2 $0x0  }
0x16: {  	s3 =	sld [smem:$0x3FDB];
	s0 =	simm.s32 @p2 $0x1  }
0x17: {  	s4 =	simm.s32 $0x1BF5;
	[smem:$0x3FB8] =	sst s0  }
0x18: {  	s0 =	sld [smem:$0x3F9B];
	_ =	swait.ge [sflag:s4], $0x0  }
0x19: {  	s7 =	sld [smem:$0x3F9C]  }
0x1a: {  	s8 =	sadd.s32 $0xFFFFE003, lr  }
0x1b: {  	s9 =	sadd.s32 $0xFFFFFEF7, lr;
	s5 =	simm.s32 $0xFFFFFFFF;
	p2 =	slt.u32 s8, $0xFFFFF086  }
0x1c: {  	p1 =	slt.u32 s9, $0xF7A;
	s5 =	simm.s32 @!p2 $0x0  }
0x1d: {  	s5 =	simm.s32 @p1 $0x1;
	p0 =	seq.s32 s7, s2  }
0x1e: {  	s7 =	smul.u32 @!p0 $0xF7A, s2;
	p2 =	seq.s32 @!p0 s5, $0x0  }
0x1f: {  	s9 =	smul.u32 $0xF7A, s1;
	s8 =	simm.s32 @!p0 $0x1BF5;
	p2 =	por !p2, p0  }
0x20: {  	[sflag:s8] =	ssyncset.s32 @!p0 $0xFFFFF086;
	s6 =	sadd.s32 @!p0 s3, s7;
	s7 =	simm.s32 @!p0 $0x108  }
0x21: {  	s3 =	sadd.s32 s3, s9;
	s6 =	sadd.s32 @!p0 $0x88, s6;
	s7 =	simm.s32 @p2 $0x1082  }
0x22: {  	[simem:s7], [sflag:s8] =	dma.local @!p0 [hbm:s6], $0xF7A  }
0x23: {  	s9 =	sor.u32 $0xD0000000, s2;
	s6 =	simm.s32 $0x108;
	_ =	swait.ge @!p0 [sflag:s8], $0x0  }
0x24: {  	s3 =	sadd.s32 $0x88, s3;
	s6 =	simm.s32 @!p1 $0x1082;
	[sflag:s4] =	ssyncset.s32 $0xFFFFF086  }
0x25: {  	[simem:s6], [sflag:s4] =	dma.local [hbm:s3], $0xF7A  }
0x26: {  	[smem:$0x3F9C] =	sst s1;
	(tag) =	ssettag s2;
	_ =	strace s9  }
0x27: {  	s1 =	sld [smem:$0x3FAC]  }
0x28: {  	s2 =	sld [smem:$0x3FAD]  }
0x29: {  	s4 =	sld [smem:$0x3FAF]  }
0x2a: {  	p0 =	seq.s32 s5, $0x0;
	s5 =	sld [smem:$0x3FB0]  }
0x2b: {  	s6 =	sld [smem:$0x3FB1]  }
0x2c: {  	s7 =	sld [smem:$0x3FB2]  }
0x2d: {  	s3 =	simm.s32 $0x108;
	s8 =	sld [smem:$0x3FB3]  }
0x2e: {  	s3 =	simm.s32 @!p0 $0x1082;
	s9 =	sld [smem:$0x3FB4]  }
0x2f: {  	lr =	sadd.s32 s0, s3;
	s0 =	sld [smem:$0x3FAB]  }
0x30: {  	s3 =	sld [smem:$0x3FAE]  }
0x31: {  	[smem:$0x3FB7] =	sst s10  }
0x32: {  	s10 =	sld [smem:$0x3FB5];
	_ =	sdelay $0x3  }
0x33: {  	p0 =	seq.s32 s10, $0x1;
	s10 =	sld [smem:$0x3FB7];
	_ =	sdelay $0x3  }
0x34: {  	[smem:$0x3FB7] =	sst s10  }
0x35: {  	s10 =	sld [smem:$0x3FB6];
	_ =	sdelay $0x3  }
0x36: {  	p1 =	seq.s32 s10, $0x1;
	s10 =	sld [smem:$0x3FB7];
	_ =	sdelay $0x3  }
0x37: {  	[smem:$0x3FB7] =	sst s10  }
0x38: {  	s10 =	sld [smem:$0x3FB8]  }
0x39: {  	_ = 	snop;
	(pc) =	sbr.ind lr, $3  }
0x3a: {  	_ = 	snop  }
0x3b: {  	_ = 	snop  }
0x3c: {  	p2 =	seq.s32 s10, $0x1;
	s10 =	sld [smem:$0x3FB7]  }
0x3d: {  	_ =	shalt  }
0x3e: {  	_ =	shalt  }
0x3f: {  	_ =	shalt  }
0x40: {  	_ =	shalt  }
0x41: {  	_ =	shalt  }
0x42: {  	_ =	shalt  }
0x43: {  	_ =	shalt  }
0x44: {  	_ =	shalt  }
0x45: {  	_ =	shalt  }
0x46: {  	_ =	shalt  }
0x47: {  	_ =	shalt  }
0x48: {  	_ =	shalt  }
0x49: {  	_ =	shalt  }
0x4a: {  	_ =	shalt  }
0x4b: {  	_ =	shalt  }
0x4c: {  	_ =	shalt  }
0x4d: {  	_ =	shalt  }
0x4e: {  	_ =	shalt  }
0x4f: {  	_ =	shalt  }
0x50: {  	_ =	shalt  }
0x51: {  	_ =	shalt  }
0x52: {  	_ =	shalt  }
0x53: {  	_ =	shalt  }
0x54: {  	_ =	shalt  }
0x55: {  	_ =	shalt  }
0x56: {  	_ =	shalt  }
0x57: {  	_ =	shalt  }
0x58: {  	_ =	shalt  }
0x59: {  	_ =	shalt  }
0x5a: {  	_ =	shalt  }
0x5b: {  	_ =	shalt  }
0x5c: {  	_ =	shalt  }
0x5d: {  	_ =	shalt  }
0x5e: {  	_ =	shalt  }
0x5f: {  	_ =	shalt  }
0x60: {  	_ =	shalt  }
0x61: {  	_ =	shalt  }
0x62: {  	_ =	shalt  }
0x63: {  	_ =	shalt  }
0x64: {  	_ =	shalt  }
0x65: {  	_ =	shalt  }
0x66: {  	_ =	shalt  }
0x67: {  	_ =	shalt  }
0x68: {  	_ =	shalt  }
0x69: {  	_ =	shalt  }
0x6a: {  	_ =	shalt  }
0x6b: {  	_ =	shalt  }
0x6c: {  	_ =	shalt  }
0x6d: {  	_ =	shalt  }
0x6e: {  	_ =	shalt  }
0x6f: {  	_ =	shalt  }
0x70: {  	_ =	shalt  }
0x71: {  	_ =	shalt  }
0x72: {  	_ =	shalt  }
0x73: {  	_ =	shalt  }
0x74: {  	_ =	shalt  }
0x75: {  	_ =	shalt  }
0x76: {  	_ =	shalt  }
0x77: {  	_ =	shalt  }
0x78: {  	_ =	shalt  }
0x79: {  	_ =	shalt  }
0x7a: {  	_ =	shalt  }
0x7b: {  	_ =	shalt  }
0x7c: {  	_ =	shalt  }
0x7d: {  	_ =	shalt  }
0x7e: {  	_ =	shalt  }
0x7f: {  	_ =	shalt  }
0x80: {  	_ =	shalt  }
0x81: {  	_ =	shalt  }
0x82: {  	_ =	shalt  }
0x83: {  	_ =	shalt  }
0x84: {  	_ =	shalt  }
0x85: {  	_ =	shalt  }
0x86: {  	_ =	shalt  }
0x87: {  	_ =	shalt  }
.Lfunc_end0:
.L_simem_size_0:
called_computation.3_lowered:
.L_overlay_start_0:
0x88: {  	s2 =	sld [smem:$0x3FD9]  }
0x89: {  	s3 =	sld [smem:$0x3FFE];
	_ =	sdelay $0x1  }
0x8a: {  	s1 =	srdreg.scid  }
0x8b: {  	s0 =	sand.u32 $0x1, s1  }
0x8c: {  	s14 =	sshll.u32 s0, $0xA;
	s2 =	sadd.s32 s3, s2  }
0x8d: {  	s2 =	sadd.s32 s2, s14  }
0x8e: {  	[smem:$0x3FC3] =	sst s2  }
0x8f: {  	_ = 	snop  }
0x90: {  	s2 =	sld [smem:$0x3FD0];
	_ =	sdelay $0x1  }
0x91: {  	s15 =	sld [smem:$0x3FC9]  }
0x92: {  	s5 =	simm.s32 $0xA;
	s6 =	simm.s32 $0x10;
	s4 =	sld [smem:$0x3FC8]  }
0x93: {  	[smem:s6], [sflag:s5] =	dma.local [hbm:s2], $0x1  }
0x94: {  	_ =	swait.eq [sflag:s5], $0x1  }
0x95: {  	[sflag:s5] =	ssyncset.done $0x0  }
0x96: {  	s16 =	sld [smem:$0x10];
	[sflag:s5] =	ssyncadd.s32 $0xFFFFFFFF  }
0x97: {  	s17 =	sld [smem:$0x11];
	(tm) =	ssettm $0x1  }
0x98: {  	s18 =	sld [smem:$0x3FFB];
	_ =	sdelay $0x3  }
0x99: {  	_ =	strace s18  }
0x9a: {  	s6 =	sld [smem:$0x3FFC];
	_ =	sdelay $0x3  }
0x9b: {  	_ =	strace s6  }
0x9c: {  	s6 =	sld [smem:$0x3FFD];
	_ =	sdelay $0x3  }
0x9d: {  	_ =	strace s6  }
0x9e: {  	_ =	strace $0x8FFFFFFF  }
0x9f: {  	s19 =	sld [smem:$0x3FDB];
	_ =	sdelay $0x1  }
0xa0: {  	s7 =	simm.s32 $_scs_section_size  }
0xa1: {  	s8 =	simm.s32 $_size__tile_overlayer_lowered;
	s9 =	simm.s32 $_tile_overlayer_lowered  }
0xa2: {  	s22 =	simm.s32 $0x1BFF;
	s21 =	sshll.u32 s9, $0x1;
	s6 =	sadd.s32 s7, s19  }
0xa3: {  	s10 =	simm.s32 $0x0;
	s20 =	sshll.u32 s8, $0x1;
	s8 =	sadd.s32 s21, s6  }
0xa4: {  	[timem:s10], [sflag:s22] =	dma.local [hbm:s8], s20  }
0xa5: {  	_ =	swait.ge [sflag:s22], s20  }
0xa6: {  	s7 =	ssub.s32 $0x0, s20;
	[sflag:s22] =	ssyncset.done $0x0  }
0xa7: {  	[sflag:s22] =	ssyncadd.s32 s7;
	_ =	sdelay $0x1  }
0xa8: {  	s23 =	simm.s32 $0x1B8B  }
0xa9: {  	_ =	swait.ge [sflag:s23], $0x1  }
0xaa: {  	[sflag:s23] =	ssyncset.done $0x0  }
0xab: {  	s25 =	simm.s32 $0x1B8E;
	s24 =	sld [smem:$0x3FFE];
	[sflag:s23] =	ssyncadd.s32 $0xFFFFFFFF  }
0xac: {  	s26 =	simm.s32 $execute0_lowered;
	[smem:$0x3FD2] =	sst s25  }
0xad: {  	s8 =	sshll.u32 s26, $0x1;
	_ =	strace $0x8000004F;
	[dreg:$0x1] =	wrdreg $0xFFFFFFFF  }
0xae: {  	s28 =	simm.s32 $_size_execute0_lowered;
	s6 =	sadd.s32 s6, s8;
	[dreg:$0x0] =	wrdreg $0x0  }
0xaf: {  	s8 =	sshll.u32 s28, $0x1;
	[dreg:$0x2] =	wrdreg s6  }
0xb0: {  	[dreg:$0x3] =	wrdreg s8  }
0xb1: {  	[dreg:$0x4] =	wrdreg $0xC0  }
0xb2: {  	_ =	task [dreg:s10], $0x5FFFF  }
0xb3: {  	[dreg:$0x1] =	wrdreg $0xFFFFFFFF  }
0xb4: {  	[dreg:$0x0] =	wrdreg $0x60  }
0xb5: {  	[dreg:$0x2] =	wrdreg s15  }
0xb6: {  	[dreg:$0x3] =	wrdreg s4  }
0xb7: {  	[dreg:$0x4] =	wrdreg s24  }
0xb8: {  	[dreg:$0x5] =	wrdreg s17  }
0xb9: {  	[dreg:$0x6] =	wrdreg s16  }
0xba: {  	[dreg:$0x7] =	wrdreg $0x9  }
0xbb: {  	_ =	task.clear_ibuf [dreg:s10], $0x8FFFF;
	_ =	strace $0x9000004F  }
0xbc: {  	s29 =	simm.s32 $0x9;
	_ =	strace $0x80000051  }
0xbd: {  	_ =	swait.ge [sflag:s29], $0x1  }
0xbe: {  	[sflag:s29] =	ssyncadd.s32 $0xFFFFFFFF  }
0xbf: {  	_ =	strace $0x90000051  }
0xc0: {  	_ =	sfence  }
0xc1: {  	s30 =	sld [smem:$0x0];
	_ =	sdelay $0x2  }
0xc2: {  	s31 =	sshll.u32 s1, $0xD;
	s1 =	sshrl.u32 s1, $0x2  }
0xc3: {  	s3 =	sand.u32 $0x4000, s31;
	s1 =	sadd.s32 s1, s30  }
0xc4: {  	s0 =	sor.u32 s3, s0;
	s1 =	sshll.u32 s1, $0x11  }
0xc5: {  	s0 =	sor.u32 s1, s0  }
0xc6: {  	s0 =	sadd.s32 $0x8F2B, s0  }
0xc7: {  	[sflag:s0] =	ssyncadd.remote.s32 $0x1  }
0xc8: {  	_ =	sfence.sel $0xFFFF  }
0xc9: {  	[dreg:$0x0] =	wrdreg $0xFFFFFFFF;
	(pc) =	sbr.abs _section_cstart, $3  }
0xca: {  	[dreg:$0x1] =	wrdreg $0xFFFFFFFF  }
0xcb: {  	_ =	task.clear_ibuf [dreg:s10], $0x2FFFF;
	_ =	strace $0x9FFFFFFF  }
0xcc: {  	(tm) =	ssettm $0x7FFFFFFF  }
0xcd: {  	_ =	shalt  }
tec
execute0_lowered:
.L_overlay_start_1:
0x0: {  	(tag) =	ssettag $0x1  }
0x1: {  	s0 =	rddreg [dreg:$0x0]  }
0x2: {  	s10 =	rddreg [dreg:$0x1]  }
0x3: {  	s7 =	rddreg [dreg:$0x2]  }
0x4: {  	s9 =	rddreg [dreg:$0x3]  }
0x5: {  	s11 =	rddreg [dreg:$0x4];
	s1 =	simm.s32 $0x0;
	s5 =	srdreg.scid  }
0x6: {  	s2 =	stileid.u32;
	s15 =	simm.s32 $0x100;
	s16 =	simm.s32 $0x1  }
0x7: {  	s17 =	simm.s32 $0x2100;
	s18 =	simm.s32 $0x4100;
	s19 =	simm.s32 $0x6100  }
0x8: {  	s20 =	simm.s32 $0x3100;
	s21 =	simm.s32 $0x5100;
	s22 =	simm.s32 $0x6180  }
0x9: {  	s23 =	simm.s32 $0x0;
	[smem:$0x7FF] =	sst s1;
	s3 =	sadd.s32 $0x36A00, s7  }
0xa: {  	s4 =	sadd.s32 $0x67800, s7;
	s8 =	sand.u32 $0x1, s5;
	s5 =	sadd.s32 $0x15BE00, s7  }
0xb: {  	s13 =	sshll.u32 s2, $0x7;
	s6 =	sadd.s32 $0x1BDA00, s7;
	s12 =	sshll.u32 s8, $0xB  }
0xc: {  	s7 =	sadd.s32 $0x98600, s7;
	s8 =	ssub.s32 $0x2, s8;
	s12 =	sor.u32 s13, s12  }
0xd: {  	_ =	strace $0x80000050;
	s30 =	sshrl.u32 s8, $0x1;
	s14 =	sshrl.u32 s12, $0x3  }
0xe: {  	s13 =	ssub.s32 s8, s30;
	s31 =	sshll.u32 s12, $0x3;
	s8 =	sadd.s32 s0, s14  }
0xf: {  	s9 =	sadd.s32 s9, s31;
	s10 =	sadd.s32 s10, s14;
	s11 =	sadd.s32 s11, s31  }
0x10: {  	s12 =	smax.u32 s13, $0x1;
	s13 =	simm.s32 $0x2;
	s14 =	simm.s32 $0x80  }
.LBB2_1:
0x11: {  	[tilespmem:s1], [sflag:$0x2] =	stream.linear.gather [hbm4b:s8+s1], $0x80, $0x38;
	[tilespmem:$0x8180] =	vst v63  }
0x12: {  	_ =	swait.ge [sflag:s13], $0x80  }
0x13: {  	[sflag:s13] =	ssyncset.done $0x0  }
0x14: {  	[sflag:s13] =	ssyncadd.s32 $0xFFFFFF80  }
0x15: {  	[tilespmem:s15], [sflag:$0x1] =	stream.indirect.gather [hbm4b:s3+s14], $0x40, s1, s14, $0xb8;
	[tilespmem:$0x8180] =	vst v63  }
0x16: {  	_ =	swait.ge [sflag:s16], $0x2000  }
0x17: {  	[sflag:s16] =	ssyncset.done $0x0  }
0x18: {  	[sflag:s16] =	ssyncadd.s32 $0xFFFFE000  }
0x19: {  	v0 =	vld [tilespmem:$0x0]  }
0x1a: {  	v1 =	vld [tilespmem:$0x10]  }
0x1b: {  	v2 =	vld [tilespmem:$0x20]  }
0x1c: {  	v3 =	vld [tilespmem:$0x30]  }
0x1d: {  	v4 =	vld [tilespmem:$0x40]  }
0x1e: {  	[tilespmem:$0x80] =	vst v0;
	v0 =	vld [tilespmem:$0x50]  }
0x1f: {  	[tilespmem:$0x90] =	vst v1;
	v1 =	vld [tilespmem:$0x60]  }
0x20: {  	[tilespmem:$0xA0] =	vst v2;
	v2 =	vld [tilespmem:$0x70]  }
0x21: {  	[tilespmem:$0xB0] =	vst v3  }
0x22: {  	[tilespmem:$0xC0] =	vst v4  }
0x23: {  	[tilespmem:$0xD0] =	vst v0  }
0x24: {  	[tilespmem:$0xE0] =	vst v1  }
0x25: {  	[tilespmem:$0xF0] =	vst v2  }
0x26: {  	[tilespmem:s17], [sflag:$0x1] =	stream.indirect.gather [hbm4b:s5+s14], $0x20, s14, s14, $0xb8;
	[tilespmem:$0x8180] =	vst v63  }
0x27: {  	_ =	swait.ge [sflag:s16], $0x1000  }
0x28: {  	[sflag:s16] =	ssyncset.done $0x0  }
0x29: {  	[sflag:s16] =	ssyncadd.s32 $0xFFFFF000  }
0x2a: {  	[tilespmem:s18], [sflag:$0x1] =	stream.indirect.gather [hbm4b:s6+s14], $0x20, s14, s14, $0xb8;
	[tilespmem:$0x8180] =	vst v63  }
0x2b: {  	_ =	swait.ge [sflag:s16], $0x1000  }
0x2c: {  	[sflag:s16] =	ssyncset.done $0x0  }
0x2d: {  	[sflag:s16] =	ssyncadd.s32 $0xFFFFF000  }
0x2e: {  	[tilespmem:s19], [sflag:$0x1] =	stream.indirect.gather [hbm4b:s7+s14], $0x1, s14, s14, $0xb8;
	[tilespmem:$0x8180] =	vst v63  }
0x2f: {  	_ =	swait.ge [sflag:s16], $0x80  }
0x30: {  	[sflag:s16] =	ssyncset.done $0x0  }
0x31: {  	[sflag:s16] =	ssyncadd.s32 $0xFFFFFF80  }
0x32: {  	v0 =	vld [tilespmem:$0x0]  }
0x33: {  	v1 =	vld [tilespmem:$0x10]  }
0x34: {  	v2 =	vld [tilespmem:$0x20]  }
0x35: {  	v3 =	vld [tilespmem:$0x30]  }
0x36: {  	v63 =	vld [tilespmem:$0x40]  }
0x37: {  	v5 =	vld [tilespmem:$0x50];
	v0 =	vadd.s32 $0xC350, v0  }
0x38: {  	[tilespmem:$0x80] =	vst v0;
	v0 =	vadd.s32 $0xC350, v1;
	v1 =	vld [tilespmem:$0x60]  }
0x39: {  	[tilespmem:$0x90] =	vst v0;
	v0 =	vadd.s32 $0xC350, v2;
	v2 =	vld [tilespmem:$0x70]  }
0x3a: {  	[tilespmem:$0xA0] =	vst v0;
	v0 =	vadd.s32 $0xC350, v3  }
0x3b: {  	[tilespmem:$0xB0] =	vst v0;
	v0 =	vadd.s32 $0xC350, v63  }
0x3c: {  	[tilespmem:$0xC0] =	vst v0;
	v0 =	vadd.s32 $0xC350, v5  }
0x3d: {  	[tilespmem:$0xD0] =	vst v0;
	v0 =	vadd.s32 $0xC350, v1  }
0x3e: {  	[tilespmem:$0xE0] =	vst v0;
	v0 =	vadd.s32 $0xC350, v2  }
0x3f: {  	[tilespmem:$0xF0] =	vst v0  }
0x40: {  	[tilespmem:s20], [sflag:$0x1] =	stream.indirect.gather [hbm4b:s5+s14], $0x20, s14, s14, $0xb8;
	[tilespmem:$0x8180] =	vst v63  }
0x41: {  	_ =	swait.ge [sflag:s16], $0x1000  }
0x42: {  	[sflag:s16] =	ssyncset.done $0x0  }
0x43: {  	[sflag:s16] =	ssyncadd.s32 $0xFFFFF000  }
0x44: {  	[tilespmem:s21], [sflag:$0x1] =	stream.indirect.gather [hbm4b:s6+s14], $0x20, s14, s14, $0xb8;
	[tilespmem:$0x8180] =	vst v63  }
0x45: {  	_ =	swait.ge [sflag:s16], $0x1000  }
0x46: {  	v0 =	vmov s1;
	[sflag:s16] =	ssyncset.done $0x0  }
0x47: {  	s0 =	simm.s32 $0x4110;
	[sflag:s16] =	ssyncadd.s32 $0xFFFFF000  }
0x48: {  	s26 =	simm.s32 $0x2110;
	v1 =	vld [tilespmem:s0+$0xFFFFFFF0]  }
0x49: {  	v2 =	vld [tilespmem:s26+$0xFFFFFFF0];
	_ =	sdelay $0x1  }
0x4a: {  	v0 =	vld.idx.msk [tilespmem:v0+s19+$0x0], $0xffff  }
0x4b: {  	s24 =	simm.s32 $0x120  }
0x4c: {  	v3 =	vld [tilespmem:s24+$0xFFFFFFE0]  }
0x4d: {  	v1 =	vadd.f32 v1, v2;
	_ =	sdelay $0x1  }
0x4e: {  	v1 =	vmul.f32 v1, v0;
	_ =	sdelay $0x1  }
0x4f: {  	v1 =	vadd.f32 v1, v3;
	_ =	sdelay $0x1  }
0x50: {  	v1 =	vmul.f32 $3.333333430e-01, v1  }
0x51: {  	s25 =	simm.s32 $0x61A0  }
0x52: {  	[tilespmem:s25+$0xFFFFFFE0] =	vst v1  }
0x53: {  	v1 =	vld [tilespmem:s26+$0x0]  }
0x54: {  	v2 =	vld [tilespmem:s0+$0x0];
	_ =	sdelay $0x3  }
0x55: {  	v3 =	vld [tilespmem:s24+$0xFFFFFFF0]  }
0x56: {  	v1 =	vadd.f32 v2, v1;
	_ =	sdelay $0x1  }
0x57: {  	v1 =	vmul.f32 v1, v0;
	_ =	sdelay $0x1  }
0x58: {  	v1 =	vadd.f32 v1, v3;
	_ =	sdelay $0x1  }
0x59: {  	v1 =	vmul.f32 $3.333333430e-01, v1;
	_ =	sdelay $0x1  }
0x5a: {  	s0 =	simm.s32 $0x3110;
	[tilespmem:s25+$0xFFFFFFF0] =	vst v1  }
0x5b: {  	s26 =	simm.s32 $0x5110;
	v1 =	vld [tilespmem:s0+$0xFFFFFFF0]  }
0x5c: {  	v2 =	vld [tilespmem:s26+$0xFFFFFFF0];
	_ =	sdelay $0x3  }
0x5d: {  	v3 =	vld [tilespmem:s24+$0x0]  }
0x5e: {  	v1 =	vadd.f32 v2, v1;
	_ =	sdelay $0x1  }
0x5f: {  	v1 =	vmul.f32 v1, v0;
	_ =	sdelay $0x1  }
0x60: {  	v1 =	vadd.f32 v1, v3;
	_ =	sdelay $0x1  }
0x61: {  	v1 =	vmul.f32 $3.333333430e-01, v1;
	_ =	sdelay $0x1  }
0x62: {  	[tilespmem:s25+$0x0] =	vst v1  }
0x63: {  	v1 =	vld [tilespmem:s0+$0x0]  }
0x64: {  	v2 =	vld [tilespmem:s26+$0x0];
	_ =	sdelay $0x3  }
0x65: {  	v3 =	vld [tilespmem:s24+$0x10]  }
0x66: {  	v1 =	vadd.f32 v2, v1;
	_ =	sdelay $0x1  }
0x67: {  	v0 =	vmul.f32 v1, v0  }
0x68: {  	s28 =	simm.s32 $0x1;
	s29 =	simm.s32 $0x2130  }
0x69: {  	s30 =	simm.s32 $0x4130;
	s31 =	simm.s32 $0x61A0;
	s0 =	simm.s32 $0x3130;
	v0 =	vadd.f32 v0, v3  }
.LBB2_2:
0x6a: {  	s25 =	sadd.s32 $0x40, s25;
	s24 =	sadd.s32 $0x40, s24;
	s26 =	sadd.s32 $0x20, s26  }
0x6b: {  	v1 =	vmov s28;
	p0 =	sne.s32 s28, $0x7F;
	s28 =	sadd.s32 $0x1, s28;
	v0 =	vmul.f32 $3.333333430e-01, v0;
	_ =	sdelay $0x1  }
0x6c: {  	[tilespmem:s31+$0x10] =	vst v0;
	s31 =	smov.u32 s25  }
0x6d: {  	v0 =	vld [tilespmem:s30+$0xFFFFFFF0]  }
0x6e: {  	v2 =	vld [tilespmem:s29+$0xFFFFFFF0]  }
0x6f: {  	v1 =	vld.idx.msk [tilespmem:v1+s19+$0x0], $0xffff;
	_ =	sdelay $0x2  }
0x70: {  	v3 =	vld [tilespmem:s24+$0xFFFFFFE0]  }
0x71: {  	v0 =	vadd.f32 v0, v2;
	_ =	sdelay $0x1  }
0x72: {  	v0 =	vmul.f32 v0, v1;
	_ =	sdelay $0x1  }
0x73: {  	v0 =	vadd.f32 v0, v3;
	_ =	sdelay $0x1  }
0x74: {  	v0 =	vmul.f32 $3.333333430e-01, v0;
	_ =	sdelay $0x1  }
0x75: {  	[tilespmem:s25+$0xFFFFFFE0] =	vst v0  }
0x76: {  	v0 =	vld [tilespmem:s29+$0x0]  }
0x77: {  	v2 =	vld [tilespmem:s30+$0x0];
	_ =	sdelay $0x2  }
0x78: {  	v3 =	vld [tilespmem:s24+$0xFFFFFFF0];
	_ =	sdelay $0x1  }
0x79: {  	v0 =	vadd.f32 v2, v0;
	_ =	sdelay $0x1  }
0x7a: {  	v0 =	vmul.f32 v0, v1;
	_ =	sdelay $0x1  }
0x7b: {  	v0 =	vadd.f32 v0, v3;
	_ =	sdelay $0x1  }
0x7c: {  	v0 =	vmul.f32 $3.333333430e-01, v0;
	_ =	sdelay $0x1  }
0x7d: {  	[tilespmem:s25+$0xFFFFFFF0] =	vst v0  }
0x7e: {  	v0 =	vld [tilespmem:s0+$0xFFFFFFF0]  }
0x7f: {  	v2 =	vld [tilespmem:s26+$0xFFFFFFF0];
	_ =	sdelay $0x1  }
0x80: {  	v3 =	vld [tilespmem:s24+$0x0];
	_ =	sdelay $0x2  }
0x81: {  	v0 =	vadd.f32 v2, v0;
	_ =	sdelay $0x1  }
0x82: {  	v0 =	vmul.f32 v0, v1;
	_ =	sdelay $0x1  }
0x83: {  	v0 =	vadd.f32 v0, v3;
	_ =	sdelay $0x1  }
0x84: {  	v0 =	vmul.f32 $3.333333430e-01, v0;
	_ =	sdelay $0x1  }
0x85: {  	[tilespmem:s25+$0x0] =	vst v0  }
0x86: {  	v0 =	vld [tilespmem:s0+$0x0]  }
0x87: {  	v2 =	vld [tilespmem:s26+$0x0]  }
0x88: {  	v3 =	vld [tilespmem:s24+$0x10];
	_ =	sdelay $0x3  }
.Ltmp0:
0x89: {  	v0 =	vadd.f32 v2, v0;
	(pc) =	sbr.rel @p0 .LBB2_2-.Ltmp0, $3  }
0x8a: {  	_ = 	snop  }
0x8b: {  	v0 =	vmul.f32 v0, v1;
	_ =	sdelay $0x1  }
0x8c: {  	s29 =	sadd.s32 $0x20, s29;
	s30 =	sadd.s32 $0x20, s30;
	s0 =	sadd.s32 $0x20, s0;
	v0 =	vadd.f32 v0, v3  }
0x8d: {  	_ = 	snop  }
0x8e: {  	v0 =	vmul.f32 $3.333333430e-01, v0;
	_ =	sdelay $0x1  }
0x8f: {  	s0 =	simm.s32 $0x0;
	[tilespmem:s31+$0x10] =	vst v0  }
0x90: {  	[hbm4b:s9+s0] =	stream.linear.scatter [tilespmem:s22], [sflag:$0x2], $0x2000, $0x38;
	[tilespmem:$0x8180] =	vst v63  }
0x91: {  	_ =	swait.ge [sflag:s13], $0x2000  }
0x92: {  	[sflag:s13] =	ssyncset.done $0x0  }
0x93: {  	[sflag:s13] =	ssyncadd.s32 $0xFFFFE000  }
0x94: {  	[tilespmem:s0], [sflag:$0x2] =	stream.linear.gather [hbm4b:s10+s0], $0x80, $0x38;
	[tilespmem:$0x8180] =	vst v63  }
0x95: {  	_ =	swait.ge [sflag:s13], $0x80  }
0x96: {  	[sflag:s13] =	ssyncset.done $0x0  }
0x97: {  	[sflag:s13] =	ssyncadd.s32 $0xFFFFFF80  }
0x98: {  	[tilespmem:s15], [sflag:$0x1] =	stream.indirect.gather [hbm4b:s4+s14], $0x40, s0, s14, $0xb8;
	[tilespmem:$0x8180] =	vst v63  }
0x99: {  	_ =	swait.ge [sflag:s16], $0x2000  }
0x9a: {  	[sflag:s16] =	ssyncset.done $0x0  }
0x9b: {  	[sflag:s16] =	ssyncadd.s32 $0xFFFFE000  }
0x9c: {  	v0 =	vld [tilespmem:$0x0]  }
0x9d: {  	v1 =	vld [tilespmem:$0x10]  }
0x9e: {  	v2 =	vld [tilespmem:$0x20]  }
0x9f: {  	v3 =	vld [tilespmem:$0x30]  }
0xa0: {  	v4 =	vld [tilespmem:$0x40]  }
0xa1: {  	v5 =	vld [tilespmem:$0x50];
	v0 =	vadd.s32 $0x61A8, v0  }
0xa2: {  	[tilespmem:$0x80] =	vst v0;
	v0 =	vadd.s32 $0x61A8, v1;
	v1 =	vld [tilespmem:$0x60]  }
0xa3: {  	[tilespmem:$0x90] =	vst v0;
	v0 =	vadd.s32 $0x61A8, v2;
	v2 =	vld [tilespmem:$0x70]  }
0xa4: {  	[tilespmem:$0xA0] =	vst v0;
	v0 =	vadd.s32 $0x61A8, v3  }
0xa5: {  	[tilespmem:$0xB0] =	vst v0;
	v0 =	vadd.s32 $0x61A8, v4  }
0xa6: {  	[tilespmem:$0xC0] =	vst v0;
	v0 =	vadd.s32 $0x61A8, v5  }
0xa7: {  	[tilespmem:$0xD0] =	vst v0;
	v0 =	vadd.s32 $0x61A8, v1  }
0xa8: {  	[tilespmem:$0xE0] =	vst v0;
	v0 =	vadd.s32 $0x61A8, v2  }
0xa9: {  	[tilespmem:$0xF0] =	vst v0  }
0xaa: {  	[tilespmem:s17], [sflag:$0x1] =	stream.indirect.gather [hbm4b:s5+s14], $0x20, s14, s14, $0xb8;
	[tilespmem:$0x8180] =	vst v63  }
0xab: {  	_ =	swait.ge [sflag:s16], $0x1000  }
0xac: {  	[sflag:s16] =	ssyncset.done $0x0  }
0xad: {  	[sflag:s16] =	ssyncadd.s32 $0xFFFFF000  }
0xae: {  	[tilespmem:s18], [sflag:$0x1] =	stream.indirect.gather [hbm4b:s6+s14], $0x20, s14, s14, $0xb8;
	[tilespmem:$0x8180] =	vst v63  }
0xaf: {  	_ =	swait.ge [sflag:s16], $0x1000  }
0xb0: {  	[sflag:s16] =	ssyncset.done $0x0  }
0xb1: {  	[sflag:s16] =	ssyncadd.s32 $0xFFFFF000  }
0xb2: {  	[tilespmem:s19], [sflag:$0x1] =	stream.indirect.gather [hbm4b:s7+s14], $0x1, s14, s14, $0xb8;
	[tilespmem:$0x8180] =	vst v63  }
0xb3: {  	_ =	swait.ge [sflag:s16], $0x80  }
0xb4: {  	[sflag:s16] =	ssyncset.done $0x0  }
0xb5: {  	[sflag:s16] =	ssyncadd.s32 $0xFFFFFF80  }
0xb6: {  	v0 =	vld [tilespmem:$0x0]  }
0xb7: {  	v1 =	vld [tilespmem:$0x10]  }
0xb8: {  	v2 =	vld [tilespmem:$0x20]  }
0xb9: {  	v3 =	vld [tilespmem:$0x30]  }
0xba: {  	v62 =	vld [tilespmem:$0x40]  }
0xbb: {  	v63 =	vld [tilespmem:$0x50];
	v0 =	vadd.s32 $0x124F8, v0  }
0xbc: {  	[tilespmem:$0x80] =	vst v0;
	v0 =	vadd.s32 $0x124F8, v1;
	v1 =	vld [tilespmem:$0x60]  }
0xbd: {  	[tilespmem:$0x90] =	vst v0;
	v0 =	vadd.s32 $0x124F8, v2;
	v2 =	vld [tilespmem:$0x70]  }
0xbe: {  	[tilespmem:$0xA0] =	vst v0;
	v0 =	vadd.s32 $0x124F8, v3  }
0xbf: {  	[tilespmem:$0xB0] =	vst v0;
	v0 =	vadd.s32 $0x124F8, v62  }
0xc0: {  	[tilespmem:$0xC0] =	vst v0;
	v0 =	vadd.s32 $0x124F8, v63  }
0xc1: {  	[tilespmem:$0xD0] =	vst v0;
	v0 =	vadd.s32 $0x124F8, v1  }
0xc2: {  	[tilespmem:$0xE0] =	vst v0;
	v0 =	vadd.s32 $0x124F8, v2  }
0xc3: {  	[tilespmem:$0xF0] =	vst v0  }
0xc4: {  	[tilespmem:s20], [sflag:$0x1] =	stream.indirect.gather [hbm4b:s5+s14], $0x20, s14, s14, $0xb8;
	[tilespmem:$0x8180] =	vst v63  }
0xc5: {  	_ =	swait.ge [sflag:s16], $0x1000  }
0xc6: {  	[sflag:s16] =	ssyncset.done $0x0  }
0xc7: {  	[sflag:s16] =	ssyncadd.s32 $0xFFFFF000  }
0xc8: {  	[tilespmem:s21], [sflag:$0x1] =	stream.indirect.gather [hbm4b:s6+s14], $0x20, s14, s14, $0xb8;
	[tilespmem:$0x8180] =	vst v63  }
0xc9: {  	_ =	swait.ge [sflag:s16], $0x1000  }
0xca: {  	v0 =	vmov s0;
	[sflag:s16] =	ssyncset.done $0x0  }
0xcb: {  	s0 =	simm.s32 $0x4110;
	[sflag:s16] =	ssyncadd.s32 $0xFFFFF000  }
0xcc: {  	s26 =	simm.s32 $0x2110;
	v1 =	vld [tilespmem:s0+$0xFFFFFFF0]  }
0xcd: {  	v2 =	vld [tilespmem:s26+$0xFFFFFFF0];
	_ =	sdelay $0x1  }
0xce: {  	v0 =	vld.idx.msk [tilespmem:v0+s19+$0x0], $0xffff  }
0xcf: {  	s24 =	simm.s32 $0x120  }
0xd0: {  	v3 =	vld [tilespmem:s24+$0xFFFFFFE0]  }
0xd1: {  	v1 =	vadd.f32 v1, v2;
	_ =	sdelay $0x1  }
0xd2: {  	v1 =	vmul.f32 v1, v0;
	_ =	sdelay $0x1  }
0xd3: {  	v1 =	vadd.f32 v1, v3;
	_ =	sdelay $0x1  }
0xd4: {  	v1 =	vmul.f32 $3.333333430e-01, v1  }
0xd5: {  	s25 =	simm.s32 $0x61A0  }
0xd6: {  	[tilespmem:s25+$0xFFFFFFE0] =	vst v1  }
0xd7: {  	v1 =	vld [tilespmem:s26+$0x0]  }
0xd8: {  	v2 =	vld [tilespmem:s0+$0x0];
	_ =	sdelay $0x3  }
0xd9: {  	v3 =	vld [tilespmem:s24+$0xFFFFFFF0]  }
0xda: {  	v1 =	vadd.f32 v2, v1;
	_ =	sdelay $0x1  }
0xdb: {  	v1 =	vmul.f32 v1, v0;
	_ =	sdelay $0x1  }
0xdc: {  	v1 =	vadd.f32 v1, v3;
	_ =	sdelay $0x1  }
0xdd: {  	v1 =	vmul.f32 $3.333333430e-01, v1;
	_ =	sdelay $0x1  }
0xde: {  	s0 =	simm.s32 $0x3110;
	[tilespmem:s25+$0xFFFFFFF0] =	vst v1  }
0xdf: {  	s26 =	simm.s32 $0x5110;
	v1 =	vld [tilespmem:s0+$0xFFFFFFF0]  }
0xe0: {  	v2 =	vld [tilespmem:s26+$0xFFFFFFF0];
	_ =	sdelay $0x3  }
0xe1: {  	v3 =	vld [tilespmem:s24+$0x0]  }
0xe2: {  	v1 =	vadd.f32 v2, v1;
	_ =	sdelay $0x1  }
0xe3: {  	v1 =	vmul.f32 v1, v0;
	_ =	sdelay $0x1  }
0xe4: {  	v1 =	vadd.f32 v1, v3;
	_ =	sdelay $0x1  }
0xe5: {  	v1 =	vmul.f32 $3.333333430e-01, v1;
	_ =	sdelay $0x1  }
0xe6: {  	[tilespmem:s25+$0x0] =	vst v1  }
0xe7: {  	v1 =	vld [tilespmem:s0+$0x0]  }
0xe8: {  	v2 =	vld [tilespmem:s26+$0x0];
	_ =	sdelay $0x3  }
0xe9: {  	v3 =	vld [tilespmem:s24+$0x10]  }
0xea: {  	v1 =	vadd.f32 v2, v1;
	_ =	sdelay $0x1  }
0xeb: {  	v0 =	vmul.f32 v1, v0  }
0xec: {  	s28 =	simm.s32 $0x1;
	s29 =	simm.s32 $0x2130  }
0xed: {  	s30 =	simm.s32 $0x4130;
	s31 =	simm.s32 $0x61A0;
	s0 =	simm.s32 $0x3130;
	v0 =	vadd.f32 v0, v3  }
.LBB2_4:
0xee: {  	s25 =	sadd.s32 $0x40, s25;
	s24 =	sadd.s32 $0x40, s24;
	s26 =	sadd.s32 $0x20, s26  }
0xef: {  	v1 =	vmov s28;
	p0 =	sne.s32 s28, $0x7F;
	s28 =	sadd.s32 $0x1, s28;
	v0 =	vmul.f32 $3.333333430e-01, v0;
	_ =	sdelay $0x1  }
0xf0: {  	[tilespmem:s31+$0x10] =	vst v0;
	s31 =	smov.u32 s25  }
0xf1: {  	v0 =	vld [tilespmem:s30+$0xFFFFFFF0]  }
0xf2: {  	v2 =	vld [tilespmem:s29+$0xFFFFFFF0]  }
0xf3: {  	v1 =	vld.idx.msk [tilespmem:v1+s19+$0x0], $0xffff;
	_ =	sdelay $0x2  }
0xf4: {  	v3 =	vld [tilespmem:s24+$0xFFFFFFE0]  }
0xf5: {  	v0 =	vadd.f32 v0, v2;
	_ =	sdelay $0x1  }
0xf6: {  	v0 =	vmul.f32 v0, v1;
	_ =	sdelay $0x1  }
0xf7: {  	v0 =	vadd.f32 v0, v3;
	_ =	sdelay $0x1  }
0xf8: {  	v0 =	vmul.f32 $3.333333430e-01, v0;
	_ =	sdelay $0x1  }
0xf9: {  	[tilespmem:s25+$0xFFFFFFE0] =	vst v0  }
0xfa: {  	v0 =	vld [tilespmem:s29+$0x0]  }
0xfb: {  	v2 =	vld [tilespmem:s30+$0x0];
	_ =	sdelay $0x2  }
0xfc: {  	v3 =	vld [tilespmem:s24+$0xFFFFFFF0];
	_ =	sdelay $0x1  }
0xfd: {  	v0 =	vadd.f32 v2, v0;
	_ =	sdelay $0x1  }
0xfe: {  	v0 =	vmul.f32 v0, v1;
	_ =	sdelay $0x1  }
0xff: {  	v0 =	vadd.f32 v0, v3;
	_ =	sdelay $0x1  }
0x100: {  	v0 =	vmul.f32 $3.333333430e-01, v0;
	_ =	sdelay $0x1  }
0x101: {  	[tilespmem:s25+$0xFFFFFFF0] =	vst v0  }
0x102: {  	v0 =	vld [tilespmem:s0+$0xFFFFFFF0]  }
0x103: {  	v2 =	vld [tilespmem:s26+$0xFFFFFFF0];
	_ =	sdelay $0x1  }
0x104: {  	v3 =	vld [tilespmem:s24+$0x0];
	_ =	sdelay $0x2  }
0x105: {  	v0 =	vadd.f32 v2, v0;
	_ =	sdelay $0x1  }
0x106: {  	v0 =	vmul.f32 v0, v1;
	_ =	sdelay $0x1  }
0x107: {  	v0 =	vadd.f32 v0, v3;
	_ =	sdelay $0x1  }
0x108: {  	v0 =	vmul.f32 $3.333333430e-01, v0;
	_ =	sdelay $0x1  }
0x109: {  	[tilespmem:s25+$0x0] =	vst v0  }
0x10a: {  	v0 =	vld [tilespmem:s0+$0x0]  }
0x10b: {  	v2 =	vld [tilespmem:s26+$0x0]  }
0x10c: {  	v3 =	vld [tilespmem:s24+$0x10];
	_ =	sdelay $0x3  }
.Ltmp1:
0x10d: {  	v0 =	vadd.f32 v2, v0;
	(pc) =	sbr.rel @p0 .LBB2_4-.Ltmp1, $3  }
0x10e: {  	_ = 	snop  }
0x10f: {  	v0 =	vmul.f32 v0, v1;
	_ =	sdelay $0x1  }
0x110: {  	s29 =	sadd.s32 $0x20, s29;
	s30 =	sadd.s32 $0x20, s30;
	s0 =	sadd.s32 $0x20, s0;
	v0 =	vadd.f32 v0, v3  }
0x111: {  	_ = 	snop  }
0x112: {  	s23 =	sadd.s32 $0x1, s23;
	v0 =	vmul.f32 $3.333333430e-01, v0  }
0x113: {  	p0 =	sne.s32 s23, s12  }
.Ltmp2:
0x114: {  	[tilespmem:s31+$0x10] =	vst v0;
	(pc) =	sbr.rel @p0 .LBB2_1-.Ltmp2, $4  }
0x115: {  	[hbm4b:s11+s1] =	stream.linear.scatter [tilespmem:s22], [sflag:$0x2], $0x2000, $0x38;
	[tilespmem:$0x8180] =	vst v63  }
0x116: {  	_ =	swait.ge [sflag:s13], $0x2000  }
0x117: {  	[sflag:s13] =	ssyncset.done $0x0  }
0x118: {  	[sflag:s13] =	ssyncadd.s32 $0xFFFFE000  }
0x119: {  	_ =	sfence.sel $0x180000  }
0x11a: {  	[bflag:$0x0] =	sbarrier.arrive $0xFFFF  }
0x11b: {  	_ =	strace $0x90000050  }
0x11c: {  	[bflag:$0x2] =	sbarrier.arrive $0xFFFF  }
0x11d: {  	p0 =	sne.s32 s2, $0x0;
	s0 =	rddreg [dreg:$0x5]  }
0x11e: {  	s0 =	sadd.s32 @!p0 $0x100000, s0  }
0x11f: {  	[sflag:s0] =	ssyncadd.tile.s32 @!p0 $0x1;
	_ =	shalt  }
.Lfunc_end2:
_tile_overlayer_lowered:
.L_overlay_start_2:
0x120: {  	(tag) =	ssettag $0x2  }
0x121: {  	s0 =	rddreg [dreg:$0x0];
	s2 =	stileid.u32  }
0x122: {  	s1 =	rddreg [dreg:$0x1];
	p0 =	sne.s32 s2, $0x0  }
0x123: {  	s3 =	rddreg [dreg:$0x2];
	[bflag:$0x3] =	sbarrier.arrive $0xFFFF;
	s2 =	simm.s32 @!p0 $0x1C02  }
0x124: {  	[timem:s3], [sflag:s2] =	dma.local @!p0 [hbm:s0], s1  }
0x125: {  	s0 =	simm.s32 @!p0 $0x2  }
0x126: {  	_ =	swait.ge @!p0 [sflag:s0], s1  }
0x127: {  	s1 =	ssub.s32 @!p0 $0x0, s1;
	[sflag:s0] =	ssyncset.done @!p0 $0x0  }
0x128: {  	[sflag:s0] =	ssyncadd.s32 @!p0 s1  }
0x129: {  	[bflag:$0x3] =	sbarrier.arrive $0xFFFF  }
0x12a: {  	_ =	shalt  }

// kernel: kernel.9.cloned.1.call-start
scs
__scs_entry_jumppad:
0x0: {  	(pc) =	sbr.rel $0x88, $3  }
0x1: {  	(tag) =	ssettag $0x0;
	lr =	simm.s32 $0x1  }
0x2: {  	[smem:$0x3F9C] =	sst lr;
	_ =	strace $0xD0000000  }
0x3: {  	_ = 	snop  }
0x4: {  	_ = 	snop  }
0x5: {  	_ = 	snop  }
0x6: {  	_ = 	snop  }
0x7: {  	_ = 	snop  }
__scs_overlays_trampoline_lowered:
0x8: {  	[smem:$0x3FAB] =	sst s0  }
0x9: {  	[smem:$0x3FAC] =	sst s1  }
0xa: {  	[smem:$0x3FAD] =	sst s2  }
0xb: {  	[smem:$0x3FAE] =	sst s3  }
0xc: {  	[smem:$0x3FAF] =	sst s4  }
0xd: {  	[smem:$0x3FB0] =	sst s5  }
0xe: {  	[smem:$0x3FB1] =	sst s6  }
0xf: {  	[smem:$0x3FB2] =	sst s7  }
0x10: {  	[smem:$0x3FB3] =	sst s8  }
0x11: {  	[smem:$0x3FB4] =	sst s9;
	s0 =	simm.s32 @!p0 $0x0  }
0x12: {  	s1 =	sld [smem:$0x3F9A];
	s0 =	simm.s32 @p0 $0x1  }
0x13: {  	[smem:$0x3FB5] =	sst s0;
	s0 =	simm.s32 @!p1 $0x0  }
0x14: {  	s2 =	sld [smem:$0x3F99];
	s0 =	simm.s32 @p1 $0x1  }
0x15: {  	[smem:$0x3FB6] =	sst s0;
	s0 =	simm.s32 @!p2 $0x0  }
0x16: {  	s3 =	sld [smem:$0x3FDB];
	s0 =	simm.s32 @p2 $0x1  }
0x17: {  	s4 =	simm.s32 $0x1BF5;
	[smem:$0x3FB8] =	sst s0  }
0x18: {  	s0 =	sld [smem:$0x3F9B];
	_ =	swait.ge [sflag:s4], $0x0  }
0x19: {  	s7 =	sld [smem:$0x3F9C]  }
0x1a: {  	s8 =	sadd.s32 $0xFFFFE003, lr  }
0x1b: {  	s9 =	sadd.s32 $0xFFFFFEF7, lr;
	s5 =	simm.s32 $0xFFFFFFFF;
	p2 =	slt.u32 s8, $0xFFFFF086  }
0x1c: {  	p1 =	slt.u32 s9, $0xF7A;
	s5 =	simm.s32 @!p2 $0x0  }
0x1d: {  	s5 =	simm.s32 @p1 $0x1;
	p0 =	seq.s32 s7, s2  }
0x1e: {  	s7 =	smul.u32 @!p0 $0xF7A, s2;
	p2 =	seq.s32 @!p0 s5, $0x0  }
0x1f: {  	s9 =	smul.u32 $0xF7A, s1;
	s8 =	simm.s32 @!p0 $0x1BF5;
	p2 =	por !p2, p0  }
0x20: {  	[sflag:s8] =	ssyncset.s32 @!p0 $0xFFFFF086;
	s6 =	sadd.s32 @!p0 s3, s7;
	s7 =	simm.s32 @!p0 $0x108  }
0x21: {  	s3 =	sadd.s32 s3, s9;
	s6 =	sadd.s32 @!p0 $0x88, s6;
	s7 =	simm.s32 @p2 $0x1082  }
0x22: {  	[simem:s7], [sflag:s8] =	dma.local @!p0 [hbm:s6], $0xF7A  }
0x23: {  	s9 =	sor.u32 $0xD0000000, s2;
	s6 =	simm.s32 $0x108;
	_ =	swait.ge @!p0 [sflag:s8], $0x0  }
0x24: {  	s3 =	sadd.s32 $0x88, s3;
	s6 =	simm.s32 @!p1 $0x1082;
	[sflag:s4] =	ssyncset.s32 $0xFFFFF086  }
0x25: {  	[simem:s6], [sflag:s4] =	dma.local [hbm:s3], $0xF7A  }
0x26: {  	[smem:$0x3F9C] =	sst s1;
	(tag) =	ssettag s2;
	_ =	strace s9  }
0x27: {  	s1 =	sld [smem:$0x3FAC]  }
0x28: {  	s2 =	sld [smem:$0x3FAD]  }
0x29: {  	s4 =	sld [smem:$0x3FAF]  }
0x2a: {  	p0 =	seq.s32 s5, $0x0;
	s5 =	sld [smem:$0x3FB0]  }
0x2b: {  	s6 =	sld [smem:$0x3FB1]  }
0x2c: {  	s7 =	sld [smem:$0x3FB2]  }
0x2d: {  	s3 =	simm.s32 $0x108;
	s8 =	sld [smem:$0x3FB3]  }
0x2e: {  	s3 =	simm.s32 @!p0 $0x1082;
	s9 =	sld [smem:$0x3FB4]  }
0x2f: {  	lr =	sadd.s32 s0, s3;
	s0 =	sld [smem:$0x3FAB]  }
0x30: {  	s3 =	sld [smem:$0x3FAE]  }
0x31: {  	[smem:$0x3FB7] =	sst s10  }
0x32: {  	s10 =	sld [smem:$0x3FB5];
	_ =	sdelay $0x3  }
0x33: {  	p0 =	seq.s32 s10, $0x1;
	s10 =	sld [smem:$0x3FB7];
	_ =	sdelay $0x3  }
0x34: {  	[smem:$0x3FB7] =	sst s10  }
0x35: {  	s10 =	sld [smem:$0x3FB6];
	_ =	sdelay $0x3  }
0x36: {  	p1 =	seq.s32 s10, $0x1;
	s10 =	sld [smem:$0x3FB7];
	_ =	sdelay $0x3  }
0x37: {  	[smem:$0x3FB7] =	sst s10  }
0x38: {  	s10 =	sld [smem:$0x3FB8]  }
0x39: {  	_ = 	snop;
	(pc) =	sbr.ind lr, $3  }
0x3a: {  	_ = 	snop  }
0x3b: {  	_ = 	snop  }
0x3c: {  	p2 =	seq.s32 s10, $0x1;
	s10 =	sld [smem:$0x3FB7]  }
0x3d: {  	_ =	shalt  }
0x3e: {  	_ =	shalt  }
0x3f: {  	_ =	shalt  }
0x40: {  	_ =	shalt  }
0x41: {  	_ =	shalt  }
0x42: {  	_ =	shalt  }
0x43: {  	_ =	shalt  }
0x44: {  	_ =	shalt  }
0x45: {  	_ =	shalt  }
0x46: {  	_ =	shalt  }
0x47: {  	_ =	shalt  }
0x48: {  	_ =	shalt  }
0x49: {  	_ =	shalt  }
0x4a: {  	_ =	shalt  }
0x4b: {  	_ =	shalt  }
0x4c: {  	_ =	shalt  }
0x4d: {  	_ =	shalt  }
0x4e: {  	_ =	shalt  }
0x4f: {  	_ =	shalt  }
0x50: {  	_ =	shalt  }
0x51: {  	_ =	shalt  }
0x52: {  	_ =	shalt  }
0x53: {  	_ =	shalt  }
0x54: {  	_ =	shalt  }
0x55: {  	_ =	shalt  }
0x56: {  	_ =	shalt  }
0x57: {  	_ =	shalt  }
0x58: {  	_ =	shalt  }
0x59: {  	_ =	shalt  }
0x5a: {  	_ =	shalt  }
0x5b: {  	_ =	shalt  }
0x5c: {  	_ =	shalt  }
0x5d: {  	_ =	shalt  }
0x5e: {  	_ =	shalt  }
0x5f: {  	_ =	shalt  }
0x60: {  	_ =	shalt  }
0x61: {  	_ =	shalt  }
0x62: {  	_ =	shalt  }
0x63: {  	_ =	shalt  }
0x64: {  	_ =	shalt  }
0x65: {  	_ =	shalt  }
0x66: {  	_ =	shalt  }
0x67: {  	_ =	shalt  }
0x68: {  	_ =	shalt  }
0x69: {  	_ =	shalt  }
0x6a: {  	_ =	shalt  }
0x6b: {  	_ =	shalt  }
0x6c: {  	_ =	shalt  }
0x6d: {  	_ =	shalt  }
0x6e: {  	_ =	shalt  }
0x6f: {  	_ =	shalt  }
0x70: {  	_ =	shalt  }
0x71: {  	_ =	shalt  }
0x72: {  	_ =	shalt  }
0x73: {  	_ =	shalt  }
0x74: {  	_ =	shalt  }
0x75: {  	_ =	shalt  }
0x76: {  	_ =	shalt  }
0x77: {  	_ =	shalt  }
0x78: {  	_ =	shalt  }
0x79: {  	_ =	shalt  }
0x7a: {  	_ =	shalt  }
0x7b: {  	_ =	shalt  }
0x7c: {  	_ =	shalt  }
0x7d: {  	_ =	shalt  }
0x7e: {  	_ =	shalt  }
0x7f: {  	_ =	shalt  }
0x80: {  	_ =	shalt  }
0x81: {  	_ =	shalt  }
0x82: {  	_ =	shalt  }
0x83: {  	_ =	shalt  }
0x84: {  	_ =	shalt  }
0x85: {  	_ =	shalt  }
0x86: {  	_ =	shalt  }
0x87: {  	_ =	shalt  }
.Lfunc_end0:
.L_simem_size_0:
called_computation_lowered:
.L_overlay_start_0:
0x88: {  	s2 =	sld [smem:$0x3FD9]  }
0x89: {  	s3 =	sld [smem:$0x3FFE];
	_ =	sdelay $0x1  }
0x8a: {  	s1 =	srdreg.scid  }
0x8b: {  	s0 =	sand.u32 $0x1, s1  }
0x8c: {  	s14 =	sshll.u32 s0, $0xA;
	s2 =	sadd.s32 s3, s2  }
0x8d: {  	s2 =	sadd.s32 s2, s14  }
0x8e: {  	[smem:$0x3FC3] =	sst s2  }
0x8f: {  	_ = 	snop  }
0x90: {  	s2 =	sld [smem:$0x3FD0];
	_ =	sdelay $0x2  }
0x91: {  	s15 =	simm.s32 $0xA;
	s4 =	simm.s32 $0x10  }
0x92: {  	[smem:s4], [sflag:s15] =	dma.local [hbm:s2], $0x1  }
0x93: {  	_ =	swait.eq [sflag:s15], $0x1  }
0x94: {  	[sflag:s15] =	ssyncset.done $0x0  }
0x95: {  	[sflag:s15] =	ssyncadd.s32 $0xFFFFFFFF  }
0x96: {  	s16 =	sld [smem:$0x11];
	(tm) =	ssettm $0x1  }
0x97: {  	s17 =	sld [smem:$0x3FFB];
	_ =	sdelay $0x3  }
0x98: {  	_ =	strace s17  }
0x99: {  	s3 =	sld [smem:$0x3FFC];
	_ =	sdelay $0x3  }
0x9a: {  	_ =	strace s3  }
0x9b: {  	s3 =	sld [smem:$0x3FFD];
	_ =	sdelay $0x3  }
0x9c: {  	_ =	strace s3  }
0x9d: {  	_ =	strace $0x8FFFFFFF  }
0x9e: {  	s18 =	sld [smem:$0x3FDB];
	_ =	sdelay $0x1  }
0x9f: {  	s19 =	simm.s32 $_scs_section_size  }
0xa0: {  	s5 =	simm.s32 $_size__tile_overlayer_lowered;
	s6 =	simm.s32 $_tile_overlayer_lowered  }
0xa1: {  	s22 =	simm.s32 $0x1BFF;
	s21 =	sshll.u32 s6, $0x1;
	s3 =	sadd.s32 s19, s18  }
0xa2: {  	s7 =	simm.s32 $0x0;
	s20 =	sshll.u32 s5, $0x1;
	s5 =	sadd.s32 s21, s3  }
0xa3: {  	[timem:s7], [sflag:s22] =	dma.local [hbm:s5], s20  }
0xa4: {  	_ =	swait.ge [sflag:s22], s20  }
0xa5: {  	s4 =	ssub.s32 $0x0, s20;
	[sflag:s22] =	ssyncset.done $0x0  }
0xa6: {  	[sflag:s22] =	ssyncadd.s32 s4;
	_ =	sdelay $0x1  }
0xa7: {  	s23 =	simm.s32 $0x1B8B  }
0xa8: {  	_ =	swait.ge [sflag:s23], $0x1  }
0xa9: {  	[sflag:s23] =	ssyncset.done $0x0  }
0xaa: {  	s25 =	simm.s32 $0x1B8E;
	s24 =	sld [smem:$0x3FFE];
	[sflag:s23] =	ssyncadd.s32 $0xFFFFFFFF  }
0xab: {  	s26 =	simm.s32 $execute0_lowered;
	[smem:$0x3FD2] =	sst s25  }
0xac: {  	s5 =	sshll.u32 s26, $0x1;
	_ =	strace $0x80000046;
	[dreg:$0x1] =	wrdreg $0xFFFFFFFF  }
0xad: {  	s28 =	simm.s32 $_size_execute0_lowered;
	s3 =	sadd.s32 s3, s5;
	[dreg:$0x0] =	wrdreg $0x0  }
0xae: {  	s5 =	sshll.u32 s28, $0x1;
	[dreg:$0x2] =	wrdreg s3  }
0xaf: {  	[dreg:$0x3] =	wrdreg s5  }
0xb0: {  	[dreg:$0x4] =	wrdreg $0xC0  }
0xb1: {  	_ =	task [dreg:s7], $0x5FFFF  }
0xb2: {  	[dreg:$0x1] =	wrdreg $0xFFFFFFFF  }
0xb3: {  	[dreg:$0x0] =	wrdreg $0x60  }
0xb4: {  	[dreg:$0x2] =	wrdreg s24  }
0xb5: {  	[dreg:$0x3] =	wrdreg s16  }
0xb6: {  	[dreg:$0x4] =	wrdreg $0x72400  }
0xb7: {  	[dreg:$0x5] =	wrdreg $0x9  }
0xb8: {  	_ =	task.clear_ibuf [dreg:s7], $0x6FFFF;
	_ =	strace $0x90000046  }
0xb9: {  	s29 =	simm.s32 $0x9;
	_ =	strace $0x80000048  }
0xba: {  	_ =	swait.ge [sflag:s29], $0x1  }
0xbb: {  	[sflag:s29] =	ssyncadd.s32 $0xFFFFFFFF  }
0xbc: {  	_ =	strace $0x90000048  }
0xbd: {  	_ =	sfence  }
0xbe: {  	s30 =	sld [smem:$0x0];
	_ =	sdelay $0x2  }
0xbf: {  	s31 =	sshll.u32 s1, $0xD;
	s1 =	sshrl.u32 s1, $0x2  }
0xc0: {  	s3 =	sand.u32 $0x4000, s31;
	s1 =	sadd.s32 s1, s30  }
0xc1: {  	s0 =	sor.u32 s3, s0;
	s1 =	sshll.u32 s1, $0x11  }
0xc2: {  	s0 =	sor.u32 s1, s0  }
0xc3: {  	s0 =	sadd.s32 $0x8F2B, s0  }
0xc4: {  	[sflag:s0] =	ssyncadd.remote.s32 $0x1  }
0xc5: {  	_ =	sfence.sel $0xFFFF  }
0xc6: {  	[dreg:$0x0] =	wrdreg $0xFFFFFFFF;
	(pc) =	sbr.abs _section_cstart, $3  }
0xc7: {  	[dreg:$0x1] =	wrdreg $0xFFFFFFFF  }
0xc8: {  	_ =	task.clear_ibuf [dreg:s7], $0x2FFFF;
	_ =	strace $0x9FFFFFFF  }
0xc9: {  	(tm) =	ssettm $0x7FFFFFFF  }
tec
execute0_lowered:
.L_overlay_start_1:
0x0: {  	(tag) =	ssettag $0x1  }
0x1: {  	s3 =	rddreg [dreg:$0x0]  }
0x2: {  	s7 =	rddreg [dreg:$0x1]  }
0x3: {  	s6 =	rddreg [dreg:$0x2];
	s1 =	srdreg.scid  }
0x4: {  	s0 =	rddreg [dreg:$0x3];
	s4 =	sand.u32 $0x1, s1  }
0x5: {  	s2 =	simm.s32 $0x0;
	s1 =	stileid.u32;
	s8 =	smul.u32 $0x61A8, s4  }
0x6: {  	[smem:$0x7FF] =	sst s2;
	s5 =	smul.u32 $0x18800, s1  }
0x7: {  	s3 =	sadd.s32 $0x1E200, s3;
	s4 =	ssub.s32 $0x2, s4;
	s10 =	smul.u32 $0x620, s1  }
0x8: {  	_ =	strace $0x80000047;
	p0 =	seq.s32 s1, $0xF;
	s9 =	sshrl.u32 s4, $0x1  }
0x9: {  	s9 =	ssub.s32 s4, s9;
	s4 =	smul.u32 $0xC350, s1;
	s5 =	sshrl.u32 s5, $0x2  }
0xa: {  	s11 =	sadd.s32 s10, s8;
	s5 =	sadd.s32 s5, s6;
	s6 =	sadd.s32 s10, s6  }
0xb: {  	v0 =	vmov s8;
	s31 =	sshrl.u32 s11, $0x3;
	s8 =	smax.u32 s9, $0x1;
	s9 =	simm.s32 $0x400  }
0xc: {  	v1 =	vimm.f32 $0.0e+00;
	vm0 =	vmxor vm0, vm0;
	v2 =	vimm.f32 $1.000000000e+00;
	s10 =	simm.s32 $0x1;
	s11 =	simm.s32 $0x6C20;
	s7 =	sadd.s32 s7, s31  }
.LBB2_1:
0xd: {  	s12 =	simm.s32 $0x40;
	s13 =	simm.s32 $0x0  }
.LBB2_2:
0xe: {  	p1 =	sne.s32 s12, $0x187C0;
	[tilespmem:s13+$0x400] =	vst v1;
	s13 =	smov.u32 s12;
	s12 =	sadd.s32 $0x40, s12  }
.Ltmp0:
0xf: {  	(pc) =	sbr.rel @p1 .LBB2_2-.Ltmp0, $2  }
0x10: {  	_ =	sdelay $0x2  }
0x11: {  	s13 =	sshra.s32 s13, $0x2  }
0x12: {  	[tilespmem:s13+$0x400] =	vst v1;
	s12 =	simm.s32 $0x0;
	s13 =	simm.s32 $0x0  }
.LBB2_4:
0x13: {  	s14 =	sshll.u32 s13, $0xA  }
0x14: {  	s14 =	sadd.s32 s4, s14  }
0x15: {  	p1 =	seq.s32 s13, $0x30;
	s14 =	sshrl.u32 s14, $0x3  }
0x16: {  	s15 =	simm.s32 @p1 $0x0;
	s14 =	sadd.s32 s3, s14  }
0x17: {  	[tilespmem:s15], [sflag:$0x1] =	stream.linear.gather @p1 [hbm4b:s14+s15], $0x350, $0x38;
	[tilespmem:$0xD440] =	vst v63  }
0x18: {  	s15 =	simm.s32 @p1 $0x1  }
0x19: {  	_ =	swait.ge @p1 [sflag:s15], $0x350  }
0x1a: {  	[sflag:s15] =	ssyncset.done @p1 $0x0  }
0x1b: {  	[sflag:s15] =	ssyncadd.s32 @p1 $0xFFFFFCB0;
	s15 =	simm.s32 @!p1 $0x0  }
0x1c: {  	[tilespmem:s15], [sflag:$0x1] =	stream.linear.gather @!p1 [hbm4b:s14+s15], $0x400, $0x38;
	[tilespmem:$0xD440] =	vst v63  }
0x1d: {  	s14 =	simm.s32 @!p1 $0x1  }
0x1e: {  	_ =	swait.ge @!p1 [sflag:s14], $0x400  }
0x1f: {  	[sflag:s14] =	ssyncset.done @!p1 $0x0  }
0x20: {  	s31 =	simm.s32 $0x0;
	[sflag:s14] =	ssyncadd.s32 @!p1 $0xFFFFFC00  }
0x21: {  	v3 =	vld [tilespmem:s31+$0x0];
	_ =	sdelay $0x4  }
0x22: {  	vm1 =	vmmov vm0;
	p1 =	slt.u32 s12, $0xC350;
	v3 =	vsub.s32 v3, v0  }
0x23: {  	vm1 =	vmneg @p1 vm1;
	vm2 =	vlt.u32 v3, $0x61A8;
	vm3 =	vgt.s32 v3, $0x0  }
0x24: {  	vm1 =	vmand vm1, vm2;
	v3 =	vnsel vm3, $0x0, v3  }
0x25: {  	v3 =	vmin.u32 v3, $0x61A8;
	_ =	sdelay $0x4  }
0x26: {  	s16 =	simm.s32 $0x10;
	s15 =	simm.s32 $0x80;
	s14 =	smov.u32 s12;
	[tilespmem:v3+s9+$0x0] =	vst.idx.add.f32.msk vm1, v2  }
.LBB2_5:
0x27: {  	p1 =	sne.s32 s15, $0xFC0;
	v3 =	vld [tilespmem:s16+$0x0];
	_ =	sdelay $0x3  }
0x28: {  	s14 =	sadd.s32 $0x10, s14  }
0x29: {  	vm2 =	vmmov vm0;
	p2 =	slt.u32 s14, $0xC350;
	v3 =	vsub.s32 v3, v0  }
0x2a: {  	vm2 =	vmneg @p2 vm2;
	vm1 =	vlt.u32 v3, $0x61A8;
	vm3 =	vgt.s32 v3, $0x0  }
0x2b: {  	vm1 =	vmand vm2, vm1;
	v3 =	vnsel vm3, $0x0, v3  }
0x2c: {  	v3 =	vmin.u32 v3, $0x61A8  }
.Ltmp1:
0x2d: {  	(pc) =	sbr.rel @p1 .LBB2_5-.Ltmp1, $2  }
0x2e: {  	_ =	sdelay $0x2  }
0x2f: {  	s16 =	sshra.s32 s15, $0x2;
	s15 =	sadd.s32 $0x40, s15;
	[tilespmem:v3+s9+$0x0] =	vst.idx.add.f32.msk vm1, v2  }
0x30: {  	v3 =	vld [tilespmem:s16+$0x0];
	_ =	sdelay $0x3  }
0x31: {  	s14 =	sadd.s32 $0x10, s14  }
0x32: {  	vm1 =	vmmov vm0;
	p1 =	slt.u32 s14, $0xC350;
	v3 =	vsub.s32 v3, v0  }
0x33: {  	vm1 =	vmneg @p1 vm1;
	vm2 =	vlt.u32 v3, $0x61A8;
	vm3 =	vgt.s32 v3, $0x0  }
0x34: {  	s13 =	sadd.s32 $0x1, s13;
	vm1 =	vmand vm1, vm2;
	v3 =	vnsel vm3, $0x0, v3  }
0x35: {  	p1 =	sne.s32 s13, $0x31;
	v3 =	vmin.u32 v3, $0x61A8  }
.Ltmp2:
0x36: {  	_ = 	snop;
	(pc) =	sbr.rel @p1 .LBB2_4-.Ltmp2, $2  }
0x37: {  	_ =	sdelay $0x2  }
0x38: {  	s12 =	sadd.s32 $0x400, s12;
	[tilespmem:v3+s9+$0x0] =	vst.idx.add.f32.msk vm1, v2  }
0x39: {  	[spmem:s5] =	stream.linear.scatter [tilespmem:s9], [sflag:$0x1], $0x6200, $0x38;
	[tilespmem:$0xD440] =	vst v63  }
0x3a: {  	_ =	swait.ge [sflag:s10], $0x6200  }
0x3b: {  	[sflag:s10] =	ssyncset.done $0x0  }
0x3c: {  	s12 =	simm.s32 $0x0;
	[sflag:s10] =	ssyncadd.s32 $0xFFFF9E00  }
0x3d: {  	s13 =	simm.s32 $0x40;
	s14 =	simm.s32 $0x0;
	[bflag:$0x0] =	sbarrier.arrive $0xFFFF  }
.LBB2_8:
0x3e: {  	p1 =	sne.s32 s13, $0x1840;
	[tilespmem:s14+$0x6600] =	vst v1;
	s14 =	smov.u32 s13;
	s13 =	sadd.s32 $0x40, s13  }
.Ltmp3:
0x3f: {  	(pc) =	sbr.rel @p1 .LBB2_8-.Ltmp3, $2  }
0x40: {  	_ =	sdelay $0x2  }
0x41: {  	s14 =	sshra.s32 s14, $0x2  }
0x42: {  	[tilespmem:s14+$0x6600] =	vst v1  }
.LBB2_10:
0x43: {  	s13 =	smul.u32 $0x18800, s12;
	_ =	sdelay $0x1  }
0x44: {  	s13 =	sshra.s32 s13, $0x2  }
0x45: {  	s13 =	sadd.s32 s13, s6  }
0x46: {  	[tilespmem:s11], [sflag:$0x1] =	stream.linear.gather [spmem:s13], $0x620, $0x38;
	[tilespmem:$0xD440] =	vst v63  }
0x47: {  	_ =	swait.ge [sflag:s10], $0x620  }
0x48: {  	[sflag:s10] =	ssyncset.done $0x0  }
0x49: {  	s13 =	simm.s32 $0x0;
	[sflag:s10] =	ssyncadd.s32 $0xFFFFF9E0  }
0x4a: {  	s14 =	simm.s32 $0x40;
	v3 =	vld [tilespmem:s13+$0x6C20]  }
.LBB2_11:
0x4b: {  	p1 =	sne.s32 s14, $0x1840;
	v4 =	vld [tilespmem:s13+$0x6600];
	_ =	sdelay $0x2  }
.Ltmp4:
0x4c: {  	(pc) =	sbr.rel @p1 .LBB2_11-.Ltmp4, $4  }
0x4d: {  	_ = 	snop  }
0x4e: {  	v4 =	vadd.f32 v3, v4  }
0x4f: {  	s15 =	sshra.s32 s14, $0x2  }
0x50: {  	s14 =	sadd.s32 $0x40, s14;
	v3 =	vld [tilespmem:s15+$0x6C20];
	[tilespmem:s13+$0x6600] =	vst v4;
	s13 =	smov.u32 s15  }
0x51: {  	v4 =	vld [tilespmem:s13+$0x6600]  }
0x52: {  	s12 =	sadd.s32 $0x1, s12  }
0x53: {  	p1 =	sne.s32 s12, $0x10  }
.Ltmp5:
0x54: {  	_ = 	snop;
	(pc) =	sbr.rel @p1 .LBB2_10-.Ltmp5, $3  }
0x55: {  	_ = 	snop  }
0x56: {  	v3 =	vadd.f32 v3, v4;
	_ =	sdelay $0x1  }
0x57: {  	[tilespmem:s13+$0x6600] =	vst v3  }
0x58: {  	s12 =	simm.s32 @p0 $0x0;
	s13 =	simm.s32 @p0 $0x6600  }
0x59: {  	[hbm4b:s7+s12] =	stream.linear.scatter @p0 [tilespmem:s13], [sflag:$0x1], $0x5C8, $0x38;
	[tilespmem:$0xD440] =	vst v63  }
0x5a: {  	s12 =	simm.s32 @p0 $0x1  }
0x5b: {  	_ =	swait.ge @p0 [sflag:s12], $0x5C8  }
0x5c: {  	s2 =	sadd.s32 $0x1, s2;
	s13 =	simm.s32 @!p0 $0x6600;
	[sflag:s12] =	ssyncset.done @p0 $0x0  }
0x5d: {  	p1 =	sne.s32 s2, s8;
	[sflag:s12] =	ssyncadd.s32 @p0 $0xFFFFFA38;
	s12 =	simm.s32 @!p0 $0x0  }
0x5e: {  	[hbm4b:s7+s12] =	stream.linear.scatter @!p0 [tilespmem:s13], [sflag:$0x1], $0x620, $0x38;
	[tilespmem:$0xD440] =	vst v63  }
.Ltmp6:
0x5f: {  	_ = 	snop;
	(pc) =	sbr.rel @p1 .LBB2_1-.Ltmp6, $4  }
0x60: {  	s12 =	simm.s32 @!p0 $0x1  }
0x61: {  	_ =	swait.ge @!p0 [sflag:s12], $0x620  }
0x62: {  	[sflag:s12] =	ssyncset.done @!p0 $0x0  }
0x63: {  	[sflag:s12] =	ssyncadd.s32 @!p0 $0xFFFFF9E0  }
0x64: {  	_ =	sfence.sel $0x180000  }
0x65: {  	[bflag:$0x0] =	sbarrier.arrive $0xFFFF  }
0x66: {  	p0 =	sne.s32 s1, $0x0;
	_ =	strace $0x90000047  }
0x67: {  	s0 =	sadd.s32 @!p0 $0x100000, s0;
	[bflag:$0x2] =	sbarrier.arrive $0xFFFF  }
0x68: {  	[sflag:s0] =	ssyncadd.tile.s32 @!p0 $0x1;
	_ =	shalt  }
.Lfunc_end2:
_tile_overlayer_lowered:
.L_overlay_start_2:
0x69: {  	(tag) =	ssettag $0x2  }
0x6a: {  	s0 =	rddreg [dreg:$0x0];
	s2 =	stileid.u32  }
0x6b: {  	s1 =	rddreg [dreg:$0x1];
	p0 =	sne.s32 s2, $0x0  }
0x6c: {  	s3 =	rddreg [dreg:$0x2];
	[bflag:$0x3] =	sbarrier.arrive $0xFFFF;
	s2 =	simm.s32 @!p0 $0x1C01  }
0x6d: {  	[timem:s3], [sflag:s2] =	dma.local @!p0 [hbm:s0], s1  }
0x6e: {  	s0 =	simm.s32 @!p0 $0x1  }
0x6f: {  	_ =	swait.ge @!p0 [sflag:s0], s1  }
0x70: {  	s1 =	ssub.s32 @!p0 $0x0, s1;
	[sflag:s0] =	ssyncset.done @!p0 $0x0  }
0x71: {  	[sflag:s0] =	ssyncadd.s32 @!p0 s1  }
0x72: {  	[bflag:$0x3] =	sbarrier.arrive $0xFFFF  }
0x73: {  	_ =	shalt  }

</sc_bundles>
